<compile_context>
chip_gen: v7x
topology: tpu7x:2x2x1
jax: 0.10.2.dev20260603
libtpu: 0.0.44.dev20260713+nightly
codegen_flags: <defaults>
</compile_context>

<pallas_src>
import jax
import jax.numpy as jnp
from jax import lax
from jax.experimental import pallas as pl
from jax.experimental.pallas import tpu as pltpu
from jax.experimental.pallas import tpu_sc as plsc

NC = 2
NS = 16
NW = NC * NS
LANES = 16

CH = 4096
GROUP = 4


def _sc_gather(features, idx2):
    B, C, N = features.shape
    _, nsample, npoint = idx2.shape
    J = nsample * npoint
    n_chunk = J // CH
    assert npoint == CH
    tiles_per_b = NW // B
    cpt = C // tiles_per_b
    n_group = cpt // GROUP

    def body(feat_hbm, idx_hbm, out_hbm, idx_v, rows_v, obuf_v,
             sem_row, sem_idx, sem_out):
        cid = lax.axis_index("c")
        sid = lax.axis_index("s")
        wid = sid * NC + cid
        b = wid // tiles_per_b
        cq = wid % tiles_per_b

        def wait_out(p):
            for r in range(GROUP):
                pltpu.make_async_copy(
                    obuf_v[p][r], out_hbm.at[b, 0, 0, pl.ds(0, CH)],
                    sem_out[p]).wait()

        for g in range(n_group):
            c_base = cq * cpt + g * GROUP
            for r in range(GROUP):
                pltpu.async_copy(feat_hbm.at[b, c_base + r], rows_v[r],
                                 sem_row)
            if g > 0:
                wait_out(0)
                wait_out(1)
            for r in range(GROUP):
                pltpu.make_async_copy(feat_hbm.at[b, c_base + r], rows_v[r],
                                      sem_row).wait()
            pltpu.async_copy(idx_hbm.at[b, 0, :], idx_v[0], sem_idx)

            def half_body(half, _):
                for p in (0, 1):
                    ch = half * 2 + p

                    @pl.when(ch + 1 < n_chunk)
                    def _start_next_idx():
                        pltpu.async_copy(
                            idx_hbm.at[b, ch + 1, :],
                            idx_v[1 - p], sem_idx)

                    pltpu.make_async_copy(idx_hbm.at[b, 0, :],
                                          idx_v[p], sem_idx).wait()

                    @pl.when(half > 0)
                    def _drain_prev():
                        wait_out(p)

                    @plsc.parallel_loop(0, CH // LANES, 1, unroll=16)
                    def _gather(v):
                        iv = idx_v[p][pl.ds(v * LANES, LANES)]
                        for r in range(GROUP):
                            obuf_v[p][r][pl.ds(v * LANES, LANES)] = (
                                plsc.load_gather(rows_v[r], [iv]))

                    for r in range(GROUP):
                        pltpu.async_copy(
                            obuf_v[p][r],
                            out_hbm.at[b, c_base + r, ch, :],
                            sem_out[p])
                return _

            lax.fori_loop(0, n_chunk // 2, half_body, 0)

        wait_out(0)
        wait_out(1)

    mesh = plsc.VectorSubcoreMesh(core_axis_name="c", subcore_axis_name="s",
                                  num_cores=NC, num_subcores=NS)
    call = pl.kernel(
        body,
        out_type=jax.ShapeDtypeStruct((B, C, nsample, npoint), jnp.float32),
        mesh=mesh,
        compiler_params=pltpu.CompilerParams(needs_layout_passes=False),
        scratch_types=[
            [pltpu.VMEM((CH,), jnp.int32) for _ in range(2)],
            [pltpu.VMEM((N,), jnp.float32) for _ in range(GROUP)],
            [[pltpu.VMEM((CH,), jnp.float32) for _ in range(GROUP)]
             for _ in range(2)],
            pltpu.SemaphoreType.DMA,
            pltpu.SemaphoreType.DMA,
            [pltpu.SemaphoreType.DMA for _ in range(2)],
        ],
    )
    return call(features, idx2)


def kernel(features, idx):
    B, C, N = features.shape
    _, npoint, nsample = idx.shape
    J = npoint * nsample
    idx2 = idx.transpose(0, 2, 1).astype(jnp.int32)
    out = _sc_gather(features, idx2)
    return out.transpose(0, 1, 3, 2)

# --- scband reference (transcript-rebuilt; emitter-appended) ---
"""Pipeline reference for scband-grouping-operation-3315714753181 (READ-ONLY COPY).

The authoritative reference and input builder live on the scoring server;
editing this copy changes nothing except your own understanding.
"""

import jax, jax.numpy as jnp
import numpy as np

def setup_inputs(seed: int = 0) -> dict:
    key = jax.random.key(seed)
    k1, k2 = jax.random.split(key)
    B, C, N = 8, 64, 16384
    npoint, nsample = 4096, 32
    features = jax.random.normal(k1, (B, C, N), dtype=jnp.float32)
    idx = jax.random.randint(k2, (B, npoint, nsample), 0, N, dtype=jnp.int64)
    return {"features": features, "idx": idx}

def reference(features, idx):
    # features: (B, C, N), idx: (B, npoint, nsample) -> out: (B, C, npoint, nsample)
    B, C, N = features.shape
    _, npoint, nsample = idx.shape
    idx_flat = idx.reshape(B, 1, npoint * nsample)
    idx_bc = jnp.broadcast_to(idx_flat, (B, C, npoint * nsample))
    out = jnp.take_along_axis(features, idx_bc, axis=2)
    return out.reshape(B, C, npoint, nsample)

if __name__ == "__main__":
    import jax
    _d = setup_inputs()
    print(jax.jit(kernel)(*tuple(_d.values())))

</pallas_src>

<mosaic_0001>
#map = affine_map<(d0, d1) -> (0, 0, 0)>
#map1 = affine_map<(d0, d1) -> (0, 0, 0, 0)>
module attributes {stable_mosaic.version = 14 : i64} {
  func.func @body(%arg0: i32, %arg1: i32, %arg2: memref<8x64x16384xf32, #tpu.memory_space<hbm>>, %arg3: memref<8x32x4096xi32, #tpu.memory_space<hbm>>, %arg4: memref<8x64x32x4096xf32, #tpu.memory_space<hbm>>, %arg5: memref<4096xi32, #tpu.memory_space<vmem>>, %arg6: memref<4096xi32, #tpu.memory_space<vmem>>, %arg7: memref<16384xf32, #tpu.memory_space<vmem>>, %arg8: memref<16384xf32, #tpu.memory_space<vmem>>, %arg9: memref<16384xf32, #tpu.memory_space<vmem>>, %arg10: memref<16384xf32, #tpu.memory_space<vmem>>, %arg11: memref<4096xf32, #tpu.memory_space<vmem>>, %arg12: memref<4096xf32, #tpu.memory_space<vmem>>, %arg13: memref<4096xf32, #tpu.memory_space<vmem>>, %arg14: memref<4096xf32, #tpu.memory_space<vmem>>, %arg15: memref<4096xf32, #tpu.memory_space<vmem>>, %arg16: memref<4096xf32, #tpu.memory_space<vmem>>, %arg17: memref<4096xf32, #tpu.memory_space<vmem>>, %arg18: memref<4096xf32, #tpu.memory_space<vmem>>, %arg19: memref<!tpu.dma_semaphore, #tpu.memory_space<semaphore_mem>>, %arg20: memref<!tpu.dma_semaphore, #tpu.memory_space<semaphore_mem>>, %arg21: memref<!tpu.dma_semaphore, #tpu.memory_space<semaphore_mem>>, %arg22: memref<!tpu.dma_semaphore, #tpu.memory_space<semaphore_mem>>) attributes {dimension_semantics = [#tpu.dimension_semantics<core_parallel>, #tpu.dimension_semantics<subcore_parallel>], iteration_bounds = array<i64: 2, 16>, scalar_prefetch = 0 : i64, scratch_operands = 18 : i64, tpu.core_type = #tpu.core_type<sc_vector_subcore>, window_params = [{transform_indices = #map}, {transform_indices = #map}, {transform_indices = #map1}]} {
    %mul3A = arith.constant 2 : i32
    %mul3A_0 = arith.muli %arg1, %mul3A : i32
    %add3A = arith.addi %mul3A_0, %arg0 : i32
    %jit3A = arith.constant 4 : i32
    %div3A = arith.divsi %add3A, %jit3A : i32
    %sign3A = arith.constant 0 : i32
    %sign3A_1 = arith.cmpi sgt, %add3A, %sign3A : i32
    %sign3A_2 = arith.extui %sign3A_1 : i1 to i32
    %sign3A_3 = arith.constant 0 : i32
    %sign3A_4 = arith.cmpi slt, %add3A, %sign3A_3 : i32
    %sign3A_5 = arith.extui %sign3A_4 : i1 to i32
    %sign3A_6 = arith.subi %sign3A_2, %sign3A_5 : i32
    %sign3A_7 = arith.constant 0 : i32
    %sign3A_8 = arith.cmpi sgt, %jit3A, %sign3A_7 : i32
    %sign3A_9 = arith.extui %sign3A_8 : i1 to i32
    %sign3A_10 = arith.constant 0 : i32
    %sign3A_11 = arith.cmpi slt, %jit3A, %sign3A_10 : i32
    %sign3A_12 = arith.extui %sign3A_11 : i1 to i32
    %sign3A_13 = arith.subi %sign3A_9, %sign3A_12 : i32
    %ne3A = arith.cmpi ne, %sign3A_6, %sign3A_13 : i32
    %rem3A = arith.remsi %add3A, %jit3A : i32
    %ne3A_14 = arith.constant 0 : i32
    %ne3A_15 = arith.cmpi ne, %rem3A, %ne3A_14 : i32
    %and3A = arith.andi %ne3A, %ne3A_15 : i1
    %sub3A = arith.constant 1 : i32
    %sub3A_16 = arith.subi %div3A, %sub3A : i32
    %select_n3A = arith.select %and3A, %sub3A_16, %div3A : i32
    %jit3A_17 = arith.constant 4 : i32
    %eq3A = arith.constant 0 : i32
    %eq3A_18 = arith.cmpi eq, %jit3A_17, %eq3A : i32
    %jit3A_19 = arith.constant 1 : i32
    %select_n3A_20 = arith.select %eq3A_18, %jit3A_19, %jit3A_17 : i32
    %rem3A_21 = arith.remsi %add3A, %select_n3A_20 : i32
    %ne3A_22 = arith.constant 0 : i32
    %ne3A_23 = arith.cmpi ne, %rem3A_21, %ne3A_22 : i32
    %lt3A = arith.constant 0 : i32
    %lt3A_24 = arith.cmpi slt, %rem3A_21, %lt3A : i32
    %lt3A_25 = arith.constant 0 : i32
    %lt3A_26 = arith.cmpi slt, %select_n3A_20, %lt3A_25 : i32
    %ne3A_27 = arith.xori %lt3A_24, %lt3A_26 : i1
    %and3A_28 = arith.andi %ne3A_27, %ne3A_23 : i1
    %add3A_29 = arith.addi %rem3A_21, %select_n3A_20 : i32
    %select_n3A_30 = arith.select %and3A_28, %add3A_29, %rem3A_21 : i32
    %mul3A_31 = arith.constant 16 : i32
    %mul3A_32 = arith.muli %select_n3A_30, %mul3A_31 : i32
    %add3A_33 = arith.constant 0 : i32
    %add3A_34 = arith.addi %mul3A_32, %add3A_33 : i32
    %add3A_35 = arith.constant 0 : i32
    %add3A_36 = arith.addi %add3A_34, %add3A_35 : i32
    %dma_start3A = arith.constant 0 : i32
    %dma_start3A_37 = tpu.memref_slice %arg2[%select_n3A, %add3A_36, %dma_start3A] : memref<8x64x16384xf32, #tpu.memory_space<hbm>> -> memref<1x1x16384xf32, #tpu.memory_space<hbm>>
    %dma_start3A_38 = tpu.memref_squeeze %dma_start3A_37 : memref<1x1x16384xf32, #tpu.memory_space<hbm>> -> memref<16384xf32, #tpu.memory_space<hbm>>
    %dma_start3A_39 = arith.constant 0 : i32
    %dma_start3A_40 = tpu.memref_slice %arg2[%select_n3A, %add3A_36, %dma_start3A_39] : memref<8x64x16384xf32, #tpu.memory_space<hbm>> -> memref<1x1x16384xf32, #tpu.memory_space<hbm>>
    %dma_start3A_41 = tpu.memref_squeeze %dma_start3A_40 : memref<1x1x16384xf32, #tpu.memory_space<hbm>> -> memref<16384xf32, #tpu.memory_space<hbm>>
    tpu.enqueue_dma source(%dma_start3A_41 : memref<16384xf32, #tpu.memory_space<hbm>>) target(%arg7 : memref<16384xf32, #tpu.memory_space<vmem>>) target_semaphore(%arg19 : memref<!tpu.dma_semaphore, #tpu.memory_space<semaphore_mem>>)
    %add3A_42 = arith.constant 1 : i32
    %add3A_43 = arith.addi %add3A_34, %add3A_42 : i32
    %dma_start3A_44 = arith.constant 0 : i32
    %dma_start3A_45 = tpu.memref_slice %arg2[%select_n3A, %add3A_43, %dma_start3A_44] : memref<8x64x16384xf32, #tpu.memory_space<hbm>> -> memref<1x1x16384xf32, #tpu.memory_space<hbm>>
    %dma_start3A_46 = tpu.memref_squeeze %dma_start3A_45 : memref<1x1x16384xf32, #tpu.memory_space<hbm>> -> memref<16384xf32, #tpu.memory_space<hbm>>
    %dma_start3A_47 = arith.constant 0 : i32
    %dma_start3A_48 = tpu.memref_slice %arg2[%select_n3A, %add3A_43, %dma_start3A_47] : memref<8x64x16384xf32, #tpu.memory_space<hbm>> -> memref<1x1x16384xf32, #tpu.memory_space<hbm>>
    %dma_start3A_49 = tpu.memref_squeeze %dma_start3A_48 : memref<1x1x16384xf32, #tpu.memory_space<hbm>> -> memref<16384xf32, #tpu.memory_space<hbm>>
    tpu.enqueue_dma source(%dma_start3A_49 : memref<16384xf32, #tpu.memory_space<hbm>>) target(%arg8 : memref<16384xf32, #tpu.memory_space<vmem>>) target_semaphore(%arg19 : memref<!tpu.dma_semaphore, #tpu.memory_space<semaphore_mem>>)
    %add3A_50 = arith.constant 2 : i32
    %add3A_51 = arith.addi %add3A_34, %add3A_50 : i32
    %dma_start3A_52 = arith.constant 0 : i32
    %dma_start3A_53 = tpu.memref_slice %arg2[%select_n3A, %add3A_51, %dma_start3A_52] : memref<8x64x16384xf32, #tpu.memory_space<hbm>> -> memref<1x1x16384xf32, #tpu.memory_space<hbm>>
    %dma_start3A_54 = tpu.memref_squeeze %dma_start3A_53 : memref<1x1x16384xf32, #tpu.memory_space<hbm>> -> memref<16384xf32, #tpu.memory_space<hbm>>
    %dma_start3A_55 = arith.constant 0 : i32
    %dma_start3A_56 = tpu.memref_slice %arg2[%select_n3A, %add3A_51, %dma_start3A_55] : memref<8x64x16384xf32, #tpu.memory_space<hbm>> -> memref<1x1x16384xf32, #tpu.memory_space<hbm>>
    %dma_start3A_57 = tpu.memref_squeeze %dma_start3A_56 : memref<1x1x16384xf32, #tpu.memory_space<hbm>> -> memref<16384xf32, #tpu.memory_space<hbm>>
    tpu.enqueue_dma source(%dma_start3A_57 : memref<16384xf32, #tpu.memory_space<hbm>>) target(%arg9 : memref<16384xf32, #tpu.memory_space<vmem>>) target_semaphore(%arg19 : memref<!tpu.dma_semaphore, #tpu.memory_space<semaphore_mem>>)
    %add3A_58 = arith.constant 3 : i32
    %add3A_59 = arith.addi %add3A_34, %add3A_58 : i32
    %dma_start3A_60 = arith.constant 0 : i32
    %dma_start3A_61 = tpu.memref_slice %arg2[%select_n3A, %add3A_59, %dma_start3A_60] : memref<8x64x16384xf32, #tpu.memory_space<hbm>> -> memref<1x1x16384xf32, #tpu.memory_space<hbm>>
    %dma_start3A_62 = tpu.memref_squeeze %dma_start3A_61 : memref<1x1x16384xf32, #tpu.memory_space<hbm>> -> memref<16384xf32, #tpu.memory_space<hbm>>
    %dma_start3A_63 = arith.constant 0 : i32
    %dma_start3A_64 = tpu.memref_slice %arg2[%select_n3A, %add3A_59, %dma_start3A_63] : memref<8x64x16384xf32, #tpu.memory_space<hbm>> -> memref<1x1x16384xf32, #tpu.memory_space<hbm>>
    %dma_start3A_65 = tpu.memref_squeeze %dma_start3A_64 : memref<1x1x16384xf32, #tpu.memory_space<hbm>> -> memref<16384xf32, #tpu.memory_space<hbm>>
    tpu.enqueue_dma source(%dma_start3A_65 : memref<16384xf32, #tpu.memory_space<hbm>>) target(%arg10 : memref<16384xf32, #tpu.memory_space<vmem>>) target_semaphore(%arg19 : memref<!tpu.dma_semaphore, #tpu.memory_space<semaphore_mem>>)
    %add3A_66 = arith.constant 0 : i32
    %add3A_67 = arith.addi %add3A_34, %add3A_66 : i32
    %dma_wait3A = arith.constant 0 : i32
    %dma_wait3A_68 = tpu.memref_slice %arg2[%select_n3A, %add3A_67, %dma_wait3A] : memref<8x64x16384xf32, #tpu.memory_space<hbm>> -> memref<1x1x16384xf32, #tpu.memory_space<hbm>>
    %dma_wait3A_69 = tpu.memref_squeeze %dma_wait3A_68 : memref<1x1x16384xf32, #tpu.memory_space<hbm>> -> memref<16384xf32, #tpu.memory_space<hbm>>
    %dma_wait3A_70 = arith.constant 0 : i32
    %dma_wait3A_71 = tpu.memref_slice %arg2[%select_n3A, %add3A_67, %dma_wait3A_70] : memref<8x64x16384xf32, #tpu.memory_space<hbm>> -> memref<1x1x16384xf32, #tpu.memory_space<hbm>>
    %dma_wait3A_72 = tpu.memref_squeeze %dma_wait3A_71 : memref<1x1x16384xf32, #tpu.memory_space<hbm>> -> memref<16384xf32, #tpu.memory_space<hbm>>
    tpu.wait_dma2 semaphore(%arg19 : memref<!tpu.dma_semaphore, #tpu.memory_space<semaphore_mem>>) src(%dma_wait3A_72 : memref<16384xf32, #tpu.memory_space<hbm>>) dst(%arg7 : memref<16384xf32, #tpu.memory_space<vmem>>)
    %add3A_73 = arith.constant 1 : i32
    %add3A_74 = arith.addi %add3A_34, %add3A_73 : i32
    %dma_wait3A_75 = arith.constant 0 : i32
    %dma_wait3A_76 = tpu.memref_slice %arg2[%select_n3A, %add3A_74, %dma_wait3A_75] : memref<8x64x16384xf32, #tpu.memory_space<hbm>> -> memref<1x1x16384xf32, #tpu.memory_space<hbm>>
    %dma_wait3A_77 = tpu.memref_squeeze %dma_wait3A_76 : memref<1x1x16384xf32, #tpu.memory_space<hbm>> -> memref<16384xf32, #tpu.memory_space<hbm>>
    %dma_wait3A_78 = arith.constant 0 : i32
    %dma_wait3A_79 = tpu.memref_slice %arg2[%select_n3A, %add3A_74, %dma_wait3A_78] : memref<8x64x16384xf32, #tpu.memory_space<hbm>> -> memref<1x1x16384xf32, #tpu.memory_space<hbm>>
    %dma_wait3A_80 = tpu.memref_squeeze %dma_wait3A_79 : memref<1x1x16384xf32, #tpu.memory_space<hbm>> -> memref<16384xf32, #tpu.memory_space<hbm>>
    tpu.wait_dma2 semaphore(%arg19 : memref<!tpu.dma_semaphore, #tpu.memory_space<semaphore_mem>>) src(%dma_wait3A_80 : memref<16384xf32, #tpu.memory_space<hbm>>) dst(%arg8 : memref<16384xf32, #tpu.memory_space<vmem>>)
    %add3A_81 = arith.constant 2 : i32
    %add3A_82 = arith.addi %add3A_34, %add3A_81 : i32
    %dma_wait3A_83 = arith.constant 0 : i32
    %dma_wait3A_84 = tpu.memref_slice %arg2[%select_n3A, %add3A_82, %dma_wait3A_83] : memref<8x64x16384xf32, #tpu.memory_space<hbm>> -> memref<1x1x16384xf32, #tpu.memory_space<hbm>>
    %dma_wait3A_85 = tpu.memref_squeeze %dma_wait3A_84 : memref<1x1x16384xf32, #tpu.memory_space<hbm>> -> memref<16384xf32, #tpu.memory_space<hbm>>
    %dma_wait3A_86 = arith.constant 0 : i32
    %dma_wait3A_87 = tpu.memref_slice %arg2[%select_n3A, %add3A_82, %dma_wait3A_86] : memref<8x64x16384xf32, #tpu.memory_space<hbm>> -> memref<1x1x16384xf32, #tpu.memory_space<hbm>>
    %dma_wait3A_88 = tpu.memref_squeeze %dma_wait3A_87 : memref<1x1x16384xf32, #tpu.memory_space<hbm>> -> memref<16384xf32, #tpu.memory_space<hbm>>
    tpu.wait_dma2 semaphore(%arg19 : memref<!tpu.dma_semaphore, #tpu.memory_space<semaphore_mem>>) src(%dma_wait3A_88 : memref<16384xf32, #tpu.memory_space<hbm>>) dst(%arg9 : memref<16384xf32, #tpu.memory_space<vmem>>)
    %add3A_89 = arith.constant 3 : i32
    %add3A_90 = arith.addi %add3A_34, %add3A_89 : i32
    %dma_wait3A_91 = arith.constant 0 : i32
    %dma_wait3A_92 = tpu.memref_slice %arg2[%select_n3A, %add3A_90, %dma_wait3A_91] : memref<8x64x16384xf32, #tpu.memory_space<hbm>> -> memref<1x1x16384xf32, #tpu.memory_space<hbm>>
    %dma_wait3A_93 = tpu.memref_squeeze %dma_wait3A_92 : memref<1x1x16384xf32, #tpu.memory_space<hbm>> -> memref<16384xf32, #tpu.memory_space<hbm>>
    %dma_wait3A_94 = arith.constant 0 : i32
    %dma_wait3A_95 = tpu.memref_slice %arg2[%select_n3A, %add3A_90, %dma_wait3A_94] : memref<8x64x16384xf32, #tpu.memory_space<hbm>> -> memref<1x1x16384xf32, #tpu.memory_space<hbm>>
    %dma_wait3A_96 = tpu.memref_squeeze %dma_wait3A_95 : memref<1x1x16384xf32, #tpu.memory_space<hbm>> -> memref<16384xf32, #tpu.memory_space<hbm>>
    tpu.wait_dma2 semaphore(%arg19 : memref<!tpu.dma_semaphore, #tpu.memory_space<semaphore_mem>>) src(%dma_wait3A_96 : memref<16384xf32, #tpu.memory_space<hbm>>) dst(%arg10 : memref<16384xf32, #tpu.memory_space<vmem>>)
    %dma_start3A_97 = arith.constant 0 : i32
    %dma_start3A_98 = arith.constant 0 : i32
    %dma_start3A_99 = tpu.memref_slice %arg3[%select_n3A, %dma_start3A_97, %dma_start3A_98] : memref<8x32x4096xi32, #tpu.memory_space<hbm>> -> memref<1x1x4096xi32, #tpu.memory_space<hbm>>
    %dma_start3A_100 = tpu.memref_squeeze %dma_start3A_99 : memref<1x1x4096xi32, #tpu.memory_space<hbm>> -> memref<4096xi32, #tpu.memory_space<hbm>>
    %dma_start3A_101 = arith.constant 0 : i32
    %dma_start3A_102 = tpu.memref_slice %arg3[%select_n3A, %dma_start3A_97, %dma_start3A_101] : memref<8x32x4096xi32, #tpu.memory_space<hbm>> -> memref<1x1x4096xi32, #tpu.memory_space<hbm>>
    %dma_start3A_103 = tpu.memref_squeeze %dma_start3A_102 : memref<1x1x4096xi32, #tpu.memory_space<hbm>> -> memref<4096xi32, #tpu.memory_space<hbm>>
    tpu.enqueue_dma source(%dma_start3A_103 : memref<4096xi32, #tpu.memory_space<hbm>>) target(%arg5 : memref<4096xi32, #tpu.memory_space<vmem>>) target_semaphore(%arg20 : memref<!tpu.dma_semaphore, #tpu.memory_space<semaphore_mem>>)
    %scan3A = arith.constant 0 : i32
    %scan3A_104 = arith.constant 0 : i32
    %scan3A_105 = arith.constant 16 : i32
    %scan3A_106 = arith.addi %scan3A_104, %scan3A_105 : i32
    %scan3A_107 = arith.constant 1 : i32
    scf.for %scan3A_608 = %scan3A_104 to %scan3A_106 step %scan3A_107  : i32 {
      %mul3A_609 = arith.constant 2 : i32
      %mul3A_610 = arith.muli %scan3A_608, %mul3A_609 : i32
      %add3A_611 = arith.constant 0 : i32
      %add3A_612 = arith.addi %mul3A_610, %add3A_611 : i32
      %add3A_613 = arith.constant 1 : i32
      %add3A_614 = arith.addi %add3A_612, %add3A_613 : i32
      %lt3A_615 = arith.constant 32 : i32
      %lt3A_616 = arith.cmpi slt, %add3A_614, %lt3A_615 : i32
      %convert_element_type3A = arith.extui %lt3A_616 : i1 to i32
      %cond3A = arith.constant 0 : i32
      %cond3A_617 = arith.cmpi ne, %convert_element_type3A, %cond3A : i32
      scf.if %cond3A_617 {
        %add3A_721 = arith.constant 1 : i32
        %add3A_722 = arith.addi %add3A_612, %add3A_721 : i32
        %dma_start3A_723 = arith.constant 0 : i32
        %dma_start3A_724 = tpu.memref_slice %arg3[%select_n3A, %add3A_722, %dma_start3A_723] : memref<8x32x4096xi32, #tpu.memory_space<hbm>> -> memref<1x1x4096xi32, #tpu.memory_space<hbm>>
        %dma_start3A_725 = tpu.memref_squeeze %dma_start3A_724 : memref<1x1x4096xi32, #tpu.memory_space<hbm>> -> memref<4096xi32, #tpu.memory_space<hbm>>
        %dma_start3A_726 = arith.constant 0 : i32
        %dma_start3A_727 = tpu.memref_slice %arg3[%select_n3A, %add3A_722, %dma_start3A_726] : memref<8x32x4096xi32, #tpu.memory_space<hbm>> -> memref<1x1x4096xi32, #tpu.memory_space<hbm>>
        %dma_start3A_728 = tpu.memref_squeeze %dma_start3A_727 : memref<1x1x4096xi32, #tpu.memory_space<hbm>> -> memref<4096xi32, #tpu.memory_space<hbm>>
        tpu.enqueue_dma source(%dma_start3A_728 : memref<4096xi32, #tpu.memory_space<hbm>>) target(%arg6 : memref<4096xi32, #tpu.memory_space<vmem>>) target_semaphore(%arg20 : memref<!tpu.dma_semaphore, #tpu.memory_space<semaphore_mem>>)
      } else {
      }
      %dma_wait3A_618 = arith.constant 0 : i32
      %dma_wait3A_619 = arith.constant 0 : i32
      %dma_wait3A_620 = tpu.memref_slice %arg3[%select_n3A, %dma_wait3A_618, %dma_wait3A_619] : memref<8x32x4096xi32, #tpu.memory_space<hbm>> -> memref<1x1x4096xi32, #tpu.memory_space<hbm>>
      %dma_wait3A_621 = tpu.memref_squeeze %dma_wait3A_620 : memref<1x1x4096xi32, #tpu.memory_space<hbm>> -> memref<4096xi32, #tpu.memory_space<hbm>>
      %dma_wait3A_622 = arith.constant 0 : i32
      %dma_wait3A_623 = tpu.memref_slice %arg3[%select_n3A, %dma_wait3A_618, %dma_wait3A_622] : memref<8x32x4096xi32, #tpu.memory_space<hbm>> -> memref<1x1x4096xi32, #tpu.memory_space<hbm>>
      %dma_wait3A_624 = tpu.memref_squeeze %dma_wait3A_623 : memref<1x1x4096xi32, #tpu.memory_space<hbm>> -> memref<4096xi32, #tpu.memory_space<hbm>>
      tpu.wait_dma2 semaphore(%arg20 : memref<!tpu.dma_semaphore, #tpu.memory_space<semaphore_mem>>) src(%dma_wait3A_624 : memref<4096xi32, #tpu.memory_space<hbm>>) dst(%arg5 : memref<4096xi32, #tpu.memory_space<vmem>>)
      %gt3A = arith.constant 0 : i32
      %gt3A_625 = arith.cmpi sgt, %scan3A_608, %gt3A : i32
      %convert_element_type3A_626 = arith.extui %gt3A_625 : i1 to i32
      %cond3A_627 = arith.constant 0 : i32
      %cond3A_628 = arith.cmpi ne, %convert_element_type3A_626, %cond3A_627 : i32
      scf.if %cond3A_628 {
        %dma_wait3A_721 = arith.constant 0 : i32
        %dma_wait3A_722 = arith.constant 0 : i32
        %dma_wait3A_723 = arith.constant 0 : i32
        %dma_wait3A_724 = tpu.memref_slice %arg4[%select_n3A, %dma_wait3A_721, %dma_wait3A_722, %dma_wait3A_723] : memref<8x64x32x4096xf32, #tpu.memory_space<hbm>> -> memref<1x1x1x4096xf32, #tpu.memory_space<hbm>>
        %dma_wait3A_725 = tpu.memref_squeeze %dma_wait3A_724 : memref<1x1x1x4096xf32, #tpu.memory_space<hbm>> -> memref<4096xf32, #tpu.memory_space<hbm>>
        %dma_wait3A_726 = arith.constant 0 : i32
        %dma_wait3A_727 = tpu.memref_slice %arg4[%select_n3A, %dma_wait3A_721, %dma_wait3A_722, %dma_wait3A_726] : memref<8x64x32x4096xf32, #tpu.memory_space<hbm>> -> memref<1x1x1x4096xf32, #tpu.memory_space<hbm>>
        %dma_wait3A_728 = tpu.memref_squeeze %dma_wait3A_727 : memref<1x1x1x4096xf32, #tpu.memory_space<hbm>> -> memref<4096xf32, #tpu.memory_space<hbm>>
        tpu.wait_dma2 semaphore(%arg21 : memref<!tpu.dma_semaphore, #tpu.memory_space<semaphore_mem>>) src(%arg11 : memref<4096xf32, #tpu.memory_space<vmem>>) dst(%dma_wait3A_728 : memref<4096xf32, #tpu.memory_space<hbm>>)
        %dma_wait3A_729 = arith.constant 0 : i32
        %dma_wait3A_730 = arith.constant 0 : i32
        %dma_wait3A_731 = arith.constant 0 : i32
        %dma_wait3A_732 = tpu.memref_slice %arg4[%select_n3A, %dma_wait3A_729, %dma_wait3A_730, %dma_wait3A_731] : memref<8x64x32x4096xf32, #tpu.memory_space<hbm>> -> memref<1x1x1x4096xf32, #tpu.memory_space<hbm>>
        %dma_wait3A_733 = tpu.memref_squeeze %dma_wait3A_732 : memref<1x1x1x4096xf32, #tpu.memory_space<hbm>> -> memref<4096xf32, #tpu.memory_space<hbm>>
        %dma_wait3A_734 = arith.constant 0 : i32
        %dma_wait3A_735 = tpu.memref_slice %arg4[%select_n3A, %dma_wait3A_729, %dma_wait3A_730, %dma_wait3A_734] : memref<8x64x32x4096xf32, #tpu.memory_space<hbm>> -> memref<1x1x1x4096xf32, #tpu.memory_space<hbm>>
        %dma_wait3A_736 = tpu.memref_squeeze %dma_wait3A_735 : memref<1x1x1x4096xf32, #tpu.memory_space<hbm>> -> memref<4096xf32, #tpu.memory_space<hbm>>
        tpu.wait_dma2 semaphore(%arg21 : memref<!tpu.dma_semaphore, #tpu.memory_space<semaphore_mem>>) src(%arg12 : memref<4096xf32, #tpu.memory_space<vmem>>) dst(%dma_wait3A_736 : memref<4096xf32, #tpu.memory_space<hbm>>)
        %dma_wait3A_737 = arith.constant 0 : i32
        %dma_wait3A_738 = arith.constant 0 : i32
        %dma_wait3A_739 = arith.constant 0 : i32
        %dma_wait3A_740 = tpu.memref_slice %arg4[%select_n3A, %dma_wait3A_737, %dma_wait3A_738, %dma_wait3A_739] : memref<8x64x32x4096xf32, #tpu.memory_space<hbm>> -> memref<1x1x1x4096xf32, #tpu.memory_space<hbm>>
        %dma_wait3A_741 = tpu.memref_squeeze %dma_wait3A_740 : memref<1x1x1x4096xf32, #tpu.memory_space<hbm>> -> memref<4096xf32, #tpu.memory_space<hbm>>
        %dma_wait3A_742 = arith.constant 0 : i32
        %dma_wait3A_743 = tpu.memref_slice %arg4[%select_n3A, %dma_wait3A_737, %dma_wait3A_738, %dma_wait3A_742] : memref<8x64x32x4096xf32, #tpu.memory_space<hbm>> -> memref<1x1x1x4096xf32, #tpu.memory_space<hbm>>
        %dma_wait3A_744 = tpu.memref_squeeze %dma_wait3A_743 : memref<1x1x1x4096xf32, #tpu.memory_space<hbm>> -> memref<4096xf32, #tpu.memory_space<hbm>>
        tpu.wait_dma2 semaphore(%arg21 : memref<!tpu.dma_semaphore, #tpu.memory_space<semaphore_mem>>) src(%arg13 : memref<4096xf32, #tpu.memory_space<vmem>>) dst(%dma_wait3A_744 : memref<4096xf32, #tpu.memory_space<hbm>>)
        %dma_wait3A_745 = arith.constant 0 : i32
        %dma_wait3A_746 = arith.constant 0 : i32
        %dma_wait3A_747 = arith.constant 0 : i32
        %dma_wait3A_748 = tpu.memref_slice %arg4[%select_n3A, %dma_wait3A_745, %dma_wait3A_746, %dma_wait3A_747] : memref<8x64x32x4096xf32, #tpu.memory_space<hbm>> -> memref<1x1x1x4096xf32, #tpu.memory_space<hbm>>
        %dma_wait3A_749 = tpu.memref_squeeze %dma_wait3A_748 : memref<1x1x1x4096xf32, #tpu.memory_space<hbm>> -> memref<4096xf32, #tpu.memory_space<hbm>>
        %dma_wait3A_750 = arith.constant 0 : i32
        %dma_wait3A_751 = tpu.memref_slice %arg4[%select_n3A, %dma_wait3A_745, %dma_wait3A_746, %dma_wait3A_750] : memref<8x64x32x4096xf32, #tpu.memory_space<hbm>> -> memref<1x1x1x4096xf32, #tpu.memory_space<hbm>>
        %dma_wait3A_752 = tpu.memref_squeeze %dma_wait3A_751 : memref<1x1x1x4096xf32, #tpu.memory_space<hbm>> -> memref<4096xf32, #tpu.memory_space<hbm>>
        tpu.wait_dma2 semaphore(%arg21 : memref<!tpu.dma_semaphore, #tpu.memory_space<semaphore_mem>>) src(%arg14 : memref<4096xf32, #tpu.memory_space<vmem>>) dst(%dma_wait3A_752 : memref<4096xf32, #tpu.memory_space<hbm>>)
      } else {
      }
      %parallel_loop3A = arith.constant 0 : i32
      %parallel_loop3A_629 = arith.constant 256 : i32
      %parallel_loop3A_630 = arith.constant 1 : i32
      scf.for %parallel_loop3A_721 = %parallel_loop3A to %parallel_loop3A_629 step %parallel_loop3A_630  : i32 {
        %parallel_loop3A_722 = arith.constant 16 : i32
        %parallel_loop3A_723 = arith.muli %parallel_loop3A_721, %parallel_loop3A_722 : i32
        %parallel_loop3A_724 = arith.index_cast %parallel_loop3A_723 : i32 to index
        %parallel_loop3A_725 = tpu.vector_load %arg5[%parallel_loop3A_724] {strides = array<i32>} : memref<4096xi32, #tpu.memory_space<vmem>>, vector<16xi32>,
        %parallel_loop3A_726 = tpu.vector_load_idx %arg7[%parallel_loop3A_725] : memref<16384xf32, #tpu.memory_space<vmem>>[vector<16xi32>], vector<16xf32>,
        %parallel_loop3A_727 = arith.constant 16 : i32
        %parallel_loop3A_728 = arith.muli %parallel_loop3A_721, %parallel_loop3A_727 : i32
        %parallel_loop3A_729 = arith.index_cast %parallel_loop3A_728 : i32 to index
        %parallel_loop3A_730 = tpu.vector_load %arg11[%parallel_loop3A_729] {strides = array<i32>} : memref<4096xf32, #tpu.memory_space<vmem>>, vector<16xf32>,
        tpu.vector_store %arg11[%parallel_loop3A_729], %parallel_loop3A_726 {strides = array<i32>} : memref<4096xf32, #tpu.memory_space<vmem>>, vector<16xf32>,
        %parallel_loop3A_731 = tpu.vector_load_idx %arg8[%parallel_loop3A_725] : memref<16384xf32, #tpu.memory_space<vmem>>[vector<16xi32>], vector<16xf32>,
        %parallel_loop3A_732 = arith.constant 16 : i32
        %parallel_loop3A_733 = arith.muli %parallel_loop3A_721, %parallel_loop3A_732 : i32
        %parallel_loop3A_734 = arith.index_cast %parallel_loop3A_733 : i32 to index
        %parallel_loop3A_735 = tpu.vector_load %arg12[%parallel_loop3A_734] {strides = array<i32>} : memref<4096xf32, #tpu.memory_space<vmem>>, vector<16xf32>,
        tpu.vector_store %arg12[%parallel_loop3A_734], %parallel_loop3A_731 {strides = array<i32>} : memref<4096xf32, #tpu.memory_space<vmem>>, vector<16xf32>,
        %parallel_loop3A_736 = tpu.vector_load_idx %arg9[%parallel_loop3A_725] : memref<16384xf32, #tpu.memory_space<vmem>>[vector<16xi32>], vector<16xf32>,
        %parallel_loop3A_737 = arith.constant 16 : i32
        %parallel_loop3A_738 = arith.muli %parallel_loop3A_721, %parallel_loop3A_737 : i32
        %parallel_loop3A_739 = arith.index_cast %parallel_loop3A_738 : i32 to index
        %parallel_loop3A_740 = tpu.vector_load %arg13[%parallel_loop3A_739] {strides = array<i32>} : memref<4096xf32, #tpu.memory_space<vmem>>, vector<16xf32>,
        tpu.vector_store %arg13[%parallel_loop3A_739], %parallel_loop3A_736 {strides = array<i32>} : memref<4096xf32, #tpu.memory_space<vmem>>, vector<16xf32>,
        %parallel_loop3A_741 = tpu.vector_load_idx %arg10[%parallel_loop3A_725] : memref<16384xf32, #tpu.memory_space<vmem>>[vector<16xi32>], vector<16xf32>,
        %parallel_loop3A_742 = arith.constant 16 : i32
        %parallel_loop3A_743 = arith.muli %parallel_loop3A_721, %parallel_loop3A_742 : i32
        %parallel_loop3A_744 = arith.index_cast %parallel_loop3A_743 : i32 to index
        %parallel_loop3A_745 = tpu.vector_load %arg14[%parallel_loop3A_744] {strides = array<i32>} : memref<4096xf32, #tpu.memory_space<vmem>>, vector<16xf32>,
        tpu.vector_store %arg14[%parallel_loop3A_744], %parallel_loop3A_741 {strides = array<i32>} : memref<4096xf32, #tpu.memory_space<vmem>>, vector<16xf32>,
      } {sc.loop_unroll_factor = 16 : i64, sc.parallel_access}
      %add3A_631 = arith.constant 0 : i32
      %add3A_632 = arith.addi %add3A_34, %add3A_631 : i32
      %dma_start3A_633 = arith.constant 0 : i32
      %dma_start3A_634 = tpu.memref_slice %arg4[%select_n3A, %add3A_632, %add3A_612, %dma_start3A_633] : memref<8x64x32x4096xf32, #tpu.memory_space<hbm>> -> memref<1x1x1x4096xf32, #tpu.memory_space<hbm>>
      %dma_start3A_635 = tpu.memref_squeeze %dma_start3A_634 : memref<1x1x1x4096xf32, #tpu.memory_space<hbm>> -> memref<4096xf32, #tpu.memory_space<hbm>>
      %dma_start3A_636 = arith.constant 0 : i32
      %dma_start3A_637 = tpu.memref_slice %arg4[%select_n3A, %add3A_632, %add3A_612, %dma_start3A_636] : memref<8x64x32x4096xf32, #tpu.memory_space<hbm>> -> memref<1x1x1x4096xf32, #tpu.memory_space<hbm>>
      %dma_start3A_638 = tpu.memref_squeeze %dma_start3A_637 : memref<1x1x1x4096xf32, #tpu.memory_space<hbm>> -> memref<4096xf32, #tpu.memory_space<hbm>>
      tpu.enqueue_dma source(%arg11 : memref<4096xf32, #tpu.memory_space<vmem>>) target(%dma_start3A_638 : memref<4096xf32, #tpu.memory_space<hbm>>) target_semaphore(%arg21 : memref<!tpu.dma_semaphore, #tpu.memory_space<semaphore_mem>>)
      %add3A_639 = arith.constant 1 : i32
      %add3A_640 = arith.addi %add3A_34, %add3A_639 : i32
      %dma_start3A_641 = arith.constant 0 : i32
      %dma_start3A_642 = tpu.memref_slice %arg4[%select_n3A, %add3A_640, %add3A_612, %dma_start3A_641] : memref<8x64x32x4096xf32, #tpu.memory_space<hbm>> -> memref<1x1x1x4096xf32, #tpu.memory_space<hbm>>
      %dma_start3A_643 = tpu.memref_squeeze %dma_start3A_642 : memref<1x1x1x4096xf32, #tpu.memory_space<hbm>> -> memref<4096xf32, #tpu.memory_space<hbm>>
      %dma_start3A_644 = arith.constant 0 : i32
      %dma_start3A_645 = tpu.memref_slice %arg4[%select_n3A, %add3A_640, %add3A_612, %dma_start3A_644] : memref<8x64x32x4096xf32, #tpu.memory_space<hbm>> -> memref<1x1x1x4096xf32, #tpu.memory_space<hbm>>
      %dma_start3A_646 = tpu.memref_squeeze %dma_start3A_645 : memref<1x1x1x4096xf32, #tpu.memory_space<hbm>> -> memref<4096xf32, #tpu.memory_space<hbm>>
      tpu.enqueue_dma source(%arg12 : memref<4096xf32, #tpu.memory_space<vmem>>) target(%dma_start3A_646 : memref<4096xf32, #tpu.memory_space<hbm>>) target_semaphore(%arg21 : memref<!tpu.dma_semaphore, #tpu.memory_space<semaphore_mem>>)
      %add3A_647 = arith.constant 2 : i32
      %add3A_648 = arith.addi %add3A_34, %add3A_647 : i32
      %dma_start3A_649 = arith.constant 0 : i32
      %dma_start3A_650 = tpu.memref_slice %arg4[%select_n3A, %add3A_648, %add3A_612, %dma_start3A_649] : memref<8x64x32x4096xf32, #tpu.memory_space<hbm>> -> memref<1x1x1x4096xf32, #tpu.memory_space<hbm>>
      %dma_start3A_651 = tpu.memref_squeeze %dma_start3A_650 : memref<1x1x1x4096xf32, #tpu.memory_space<hbm>> -> memref<4096xf32, #tpu.memory_space<hbm>>
      %dma_start3A_652 = arith.constant 0 : i32
      %dma_start3A_653 = tpu.memref_slice %arg4[%select_n3A, %add3A_648, %add3A_612, %dma_start3A_652] : memref<8x64x32x4096xf32, #tpu.memory_space<hbm>> -> memref<1x1x1x4096xf32, #tpu.memory_space<hbm>>
      %dma_start3A_654 = tpu.memref_squeeze %dma_start3A_653 : memref<1x1x1x4096xf32, #tpu.memory_space<hbm>> -> memref<4096xf32, #tpu.memory_space<hbm>>
      tpu.enqueue_dma source(%arg13 : memref<4096xf32, #tpu.memory_space<vmem>>) target(%dma_start3A_654 : memref<4096xf32, #tpu.memory_space<hbm>>) target_semaphore(%arg21 : memref<!tpu.dma_semaphore, #tpu.memory_space<semaphore_mem>>)
      %add3A_655 = arith.constant 3 : i32
      %add3A_656 = arith.addi %add3A_34, %add3A_655 : i32
      %dma_start3A_657 = arith.constant 0 : i32
      %dma_start3A_658 = tpu.memref_slice %arg4[%select_n3A, %add3A_656, %add3A_612, %dma_start3A_657] : memref<8x64x32x4096xf32, #tpu.memory_space<hbm>> -> memref<1x1x1x4096xf32, #tpu.memory_space<hbm>>
      %dma_start3A_659 = tpu.memref_squeeze %dma_start3A_658 : memref<1x1x1x4096xf32, #tpu.memory_space<hbm>> -> memref<4096xf32, #tpu.memory_space<hbm>>
      %dma_start3A_660 = arith.constant 0 : i32
      %dma_start3A_661 = tpu.memref_slice %arg4[%select_n3A, %add3A_656, %add3A_612, %dma_start3A_660] : memref<8x64x32x4096xf32, #tpu.memory_space<hbm>> -> memref<1x1x1x4096xf32, #tpu.memory_space<hbm>>
      %dma_start3A_662 = tpu.memref_squeeze %dma_start3A_661 : memref<1x1x1x4096xf32, #tpu.memory_space<hbm>> -> memref<4096xf32, #tpu.memory_space<hbm>>
      tpu.enqueue_dma source(%arg14 : memref<4096xf32, #tpu.memory_space<vmem>>) target(%dma_start3A_662 : memref<4096xf32, #tpu.memory_space<hbm>>) target_semaphore(%arg21 : memref<!tpu.dma_semaphore, #tpu.memory_space<semaphore_mem>>)
      %mul3A_663 = arith.constant 2 : i32
      %mul3A_664 = arith.muli %scan3A_608, %mul3A_663 : i32
      %add3A_665 = arith.constant 1 : i32
      %add3A_666 = arith.addi %mul3A_664, %add3A_665 : i32
      %add3A_667 = arith.constant 1 : i32
      %add3A_668 = arith.addi %add3A_666, %add3A_667 : i32
      %lt3A_669 = arith.constant 32 : i32
      %lt3A_670 = arith.cmpi slt, %add3A_668, %lt3A_669 : i32
      %convert_element_type3A_671 = arith.extui %lt3A_670 : i1 to i32
      %cond3A_672 = arith.constant 0 : i32
      %cond3A_673 = arith.cmpi ne, %convert_element_type3A_671, %cond3A_672 : i32
      scf.if %cond3A_673 {
        %add3A_721 = arith.constant 1 : i32
        %add3A_722 = arith.addi %add3A_666, %add3A_721 : i32
        %dma_start3A_723 = arith.constant 0 : i32
        %dma_start3A_724 = tpu.memref_slice %arg3[%select_n3A, %add3A_722, %dma_start3A_723] : memref<8x32x4096xi32, #tpu.memory_space<hbm>> -> memref<1x1x4096xi32, #tpu.memory_space<hbm>>
        %dma_start3A_725 = tpu.memref_squeeze %dma_start3A_724 : memref<1x1x4096xi32, #tpu.memory_space<hbm>> -> memref<4096xi32, #tpu.memory_space<hbm>>
        %dma_start3A_726 = arith.constant 0 : i32
        %dma_start3A_727 = tpu.memref_slice %arg3[%select_n3A, %add3A_722, %dma_start3A_726] : memref<8x32x4096xi32, #tpu.memory_space<hbm>> -> memref<1x1x4096xi32, #tpu.memory_space<hbm>>
        %dma_start3A_728 = tpu.memref_squeeze %dma_start3A_727 : memref<1x1x4096xi32, #tpu.memory_space<hbm>> -> memref<4096xi32, #tpu.memory_space<hbm>>
        tpu.enqueue_dma source(%dma_start3A_728 : memref<4096xi32, #tpu.memory_space<hbm>>) target(%arg5 : memref<4096xi32, #tpu.memory_space<vmem>>) target_semaphore(%arg20 : memref<!tpu.dma_semaphore, #tpu.memory_space<semaphore_mem>>)
      } else {
      }
      %dma_wait3A_674 = arith.constant 0 : i32
      %dma_wait3A_675 = arith.constant 0 : i32
      %dma_wait3A_676 = tpu.memref_slice %arg3[%select_n3A, %dma_wait3A_674, %dma_wait3A_675] : memref<8x32x4096xi32, #tpu.memory_space<hbm>> -> memref<1x1x4096xi32, #tpu.memory_space<hbm>>
      %dma_wait3A_677 = tpu.memref_squeeze %dma_wait3A_676 : memref<1x1x4096xi32, #tpu.memory_space<hbm>> -> memref<4096xi32, #tpu.memory_space<hbm>>
      %dma_wait3A_678 = arith.constant 0 : i32
      %dma_wait3A_679 = tpu.memref_slice %arg3[%select_n3A, %dma_wait3A_674, %dma_wait3A_678] : memref<8x32x4096xi32, #tpu.memory_space<hbm>> -> memref<1x1x4096xi32, #tpu.memory_space<hbm>>
      %dma_wait3A_680 = tpu.memref_squeeze %dma_wait3A_679 : memref<1x1x4096xi32, #tpu.memory_space<hbm>> -> memref<4096xi32, #tpu.memory_space<hbm>>
      tpu.wait_dma2 semaphore(%arg20 : memref<!tpu.dma_semaphore, #tpu.memory_space<semaphore_mem>>) src(%dma_wait3A_680 : memref<4096xi32, #tpu.memory_space<hbm>>) dst(%arg6 : memref<4096xi32, #tpu.memory_space<vmem>>)
      %gt3A_681 = arith.constant 0 : i32
      %gt3A_682 = arith.cmpi sgt, %scan3A_608, %gt3A_681 : i32
      %convert_element_type3A_683 = arith.extui %gt3A_682 : i1 to i32
      %cond3A_684 = arith.constant 0 : i32
      %cond3A_685 = arith.cmpi ne, %convert_element_type3A_683, %cond3A_684 : i32
      scf.if %cond3A_685 {
        %dma_wait3A_721 = arith.constant 0 : i32
        %dma_wait3A_722 = arith.constant 0 : i32
        %dma_wait3A_723 = arith.constant 0 : i32
        %dma_wait3A_724 = tpu.memref_slice %arg4[%select_n3A, %dma_wait3A_721, %dma_wait3A_722, %dma_wait3A_723] : memref<8x64x32x4096xf32, #tpu.memory_space<hbm>> -> memref<1x1x1x4096xf32, #tpu.memory_space<hbm>>
        %dma_wait3A_725 = tpu.memref_squeeze %dma_wait3A_724 : memref<1x1x1x4096xf32, #tpu.memory_space<hbm>> -> memref<4096xf32, #tpu.memory_space<hbm>>
        %dma_wait3A_726 = arith.constant 0 : i32
        %dma_wait3A_727 = tpu.memref_slice %arg4[%select_n3A, %dma_wait3A_721, %dma_wait3A_722, %dma_wait3A_726] : memref<8x64x32x4096xf32, #tpu.memory_space<hbm>> -> memref<1x1x1x4096xf32, #tpu.memory_space<hbm>>
        %dma_wait3A_728 = tpu.memref_squeeze %dma_wait3A_727 : memref<1x1x1x4096xf32, #tpu.memory_space<hbm>> -> memref<4096xf32, #tpu.memory_space<hbm>>
        tpu.wait_dma2 semaphore(%arg22 : memref<!tpu.dma_semaphore, #tpu.memory_space<semaphore_mem>>) src(%arg15 : memref<4096xf32, #tpu.memory_space<vmem>>) dst(%dma_wait3A_728 : memref<4096xf32, #tpu.memory_space<hbm>>)
        %dma_wait3A_729 = arith.constant 0 : i32
        %dma_wait3A_730 = arith.constant 0 : i32
        %dma_wait3A_731 = arith.constant 0 : i32
        %dma_wait3A_732 = tpu.memref_slice %arg4[%select_n3A, %dma_wait3A_729, %dma_wait3A_730, %dma_wait3A_731] : memref<8x64x32x4096xf32, #tpu.memory_space<hbm>> -> memref<1x1x1x4096xf32, #tpu.memory_space<hbm>>
        %dma_wait3A_733 = tpu.memref_squeeze %dma_wait3A_732 : memref<1x1x1x4096xf32, #tpu.memory_space<hbm>> -> memref<4096xf32, #tpu.memory_space<hbm>>
        %dma_wait3A_734 = arith.constant 0 : i32
        %dma_wait3A_735 = tpu.memref_slice %arg4[%select_n3A, %dma_wait3A_729, %dma_wait3A_730, %dma_wait3A_734] : memref<8x64x32x4096xf32, #tpu.memory_space<hbm>> -> memref<1x1x1x4096xf32, #tpu.memory_space<hbm>>
        %dma_wait3A_736 = tpu.memref_squeeze %dma_wait3A_735 : memref<1x1x1x4096xf32, #tpu.memory_space<hbm>> -> memref<4096xf32, #tpu.memory_space<hbm>>
        tpu.wait_dma2 semaphore(%arg22 : memref<!tpu.dma_semaphore, #tpu.memory_space<semaphore_mem>>) src(%arg16 : memref<4096xf32, #tpu.memory_space<vmem>>) dst(%dma_wait3A_736 : memref<4096xf32, #tpu.memory_space<hbm>>)
        %dma_wait3A_737 = arith.constant 0 : i32
        %dma_wait3A_738 = arith.constant 0 : i32
        %dma_wait3A_739 = arith.constant 0 : i32
        %dma_wait3A_740 = tpu.memref_slice %arg4[%select_n3A, %dma_wait3A_737, %dma_wait3A_738, %dma_wait3A_739] : memref<8x64x32x4096xf32, #tpu.memory_space<hbm>> -> memref<1x1x1x4096xf32, #tpu.memory_space<hbm>>
        %dma_wait3A_741 = tpu.memref_squeeze %dma_wait3A_740 : memref<1x1x1x4096xf32, #tpu.memory_space<hbm>> -> memref<4096xf32, #tpu.memory_space<hbm>>
        %dma_wait3A_742 = arith.constant 0 : i32
        %dma_wait3A_743 = tpu.memref_slice %arg4[%select_n3A, %dma_wait3A_737, %dma_wait3A_738, %dma_wait3A_742] : memref<8x64x32x4096xf32, #tpu.memory_space<hbm>> -> memref<1x1x1x4096xf32, #tpu.memory_space<hbm>>
        %dma_wait3A_744 = tpu.memref_squeeze %dma_wait3A_743 : memref<1x1x1x4096xf32, #tpu.memory_space<hbm>> -> memref<4096xf32, #tpu.memory_space<hbm>>
        tpu.wait_dma2 semaphore(%arg22 : memref<!tpu.dma_semaphore, #tpu.memory_space<semaphore_mem>>) src(%arg17 : memref<4096xf32, #tpu.memory_space<vmem>>) dst(%dma_wait3A_744 : memref<4096xf32, #tpu.memory_space<hbm>>)
        %dma_wait3A_745 = arith.constant 0 : i32
        %dma_wait3A_746 = arith.constant 0 : i32
        %dma_wait3A_747 = arith.constant 0 : i32
        %dma_wait3A_748 = tpu.memref_slice %arg4[%select_n3A, %dma_wait3A_745, %dma_wait3A_746, %dma_wait3A_747] : memref<8x64x32x4096xf32, #tpu.memory_space<hbm>> -> memref<1x1x1x4096xf32, #tpu.memory_space<hbm>>
        %dma_wait3A_749 = tpu.memref_squeeze %dma_wait3A_748 : memref<1x1x1x4096xf32, #tpu.memory_space<hbm>> -> memref<4096xf32, #tpu.memory_space<hbm>>
        %dma_wait3A_750 = arith.constant 0 : i32
        %dma_wait3A_751 = tpu.memref_slice %arg4[%select_n3A, %dma_wait3A_745, %dma_wait3A_746, %dma_wait3A_750] : memref<8x64x32x4096xf32, #tpu.memory_space<hbm>> -> memref<1x1x1x4096xf32, #tpu.memory_space<hbm>>
        %dma_wait3A_752 = tpu.memref_squeeze %dma_wait3A_751 : memref<1x1x1x4096xf32, #tpu.memory_space<hbm>> -> memref<4096xf32, #tpu.memory_space<hbm>>
        tpu.wait_dma2 semaphore(%arg22 : memref<!tpu.dma_semaphore, #tpu.memory_space<semaphore_mem>>) src(%arg18 : memref<4096xf32, #tpu.memory_space<vmem>>) dst(%dma_wait3A_752 : memref<4096xf32, #tpu.memory_space<hbm>>)
      } else {
      }
      %parallel_loop3A_686 = arith.constant 0 : i32
      %parallel_loop3A_687 = arith.constant 256 : i32
      %parallel_loop3A_688 = arith.constant 1 : i32
      scf.for %parallel_loop3A_721 = %parallel_loop3A_686 to %parallel_loop3A_687 step %parallel_loop3A_688  : i32 {
        %parallel_loop3A_722 = arith.constant 16 : i32
        %parallel_loop3A_723 = arith.muli %parallel_loop3A_721, %parallel_loop3A_722 : i32
        %parallel_loop3A_724 = arith.index_cast %parallel_loop3A_723 : i32 to index
        %parallel_loop3A_725 = tpu.vector_load %arg6[%parallel_loop3A_724] {strides = array<i32>} : memref<4096xi32, #tpu.memory_space<vmem>>, vector<16xi32>,
        %parallel_loop3A_726 = tpu.vector_load_idx %arg7[%parallel_loop3A_725] : memref<16384xf32, #tpu.memory_space<vmem>>[vector<16xi32>], vector<16xf32>,
        %parallel_loop3A_727 = arith.constant 16 : i32
        %parallel_loop3A_728 = arith.muli %parallel_loop3A_721, %parallel_loop3A_727 : i32
        %parallel_loop3A_729 = arith.index_cast %parallel_loop3A_728 : i32 to index
        %parallel_loop3A_730 = tpu.vector_load %arg15[%parallel_loop3A_729] {strides = array<i32>} : memref<4096xf32, #tpu.memory_space<vmem>>, vector<16xf32>,
        tpu.vector_store %arg15[%parallel_loop3A_729], %parallel_loop3A_726 {strides = array<i32>} : memref<4096xf32, #tpu.memory_space<vmem>>, vector<16xf32>,
        %parallel_loop3A_731 = tpu.vector_load_idx %arg8[%parallel_loop3A_725] : memref<16384xf32, #tpu.memory_space<vmem>>[vector<16xi32>], vector<16xf32>,
        %parallel_loop3A_732 = arith.constant 16 : i32
        %parallel_loop3A_733 = arith.muli %parallel_loop3A_721, %parallel_loop3A_732 : i32
        %parallel_loop3A_734 = arith.index_cast %parallel_loop3A_733 : i32 to index
        %parallel_loop3A_735 = tpu.vector_load %arg16[%parallel_loop3A_734] {strides = array<i32>} : memref<4096xf32, #tpu.memory_space<vmem>>, vector<16xf32>,
        tpu.vector_store %arg16[%parallel_loop3A_734], %parallel_loop3A_731 {strides = array<i32>} : memref<4096xf32, #tpu.memory_space<vmem>>, vector<16xf32>,
        %parallel_loop3A_736 = tpu.vector_load_idx %arg9[%parallel_loop3A_725] : memref<16384xf32, #tpu.memory_space<vmem>>[vector<16xi32>], vector<16xf32>,
        %parallel_loop3A_737 = arith.constant 16 : i32
        %parallel_loop3A_738 = arith.muli %parallel_loop3A_721, %parallel_loop3A_737 : i32
        %parallel_loop3A_739 = arith.index_cast %parallel_loop3A_738 : i32 to index
        %parallel_loop3A_740 = tpu.vector_load %arg17[%parallel_loop3A_739] {strides = array<i32>} : memref<4096xf32, #tpu.memory_space<vmem>>, vector<16xf32>,
        tpu.vector_store %arg17[%parallel_loop3A_739], %parallel_loop3A_736 {strides = array<i32>} : memref<4096xf32, #tpu.memory_space<vmem>>, vector<16xf32>,
        %parallel_loop3A_741 = tpu.vector_load_idx %arg10[%parallel_loop3A_725] : memref<16384xf32, #tpu.memory_space<vmem>>[vector<16xi32>], vector<16xf32>,
        %parallel_loop3A_742 = arith.constant 16 : i32
        %parallel_loop3A_743 = arith.muli %parallel_loop3A_721, %parallel_loop3A_742 : i32
        %parallel_loop3A_744 = arith.index_cast %parallel_loop3A_743 : i32 to index
        %parallel_loop3A_745 = tpu.vector_load %arg18[%parallel_loop3A_744] {strides = array<i32>} : memref<4096xf32, #tpu.memory_space<vmem>>, vector<16xf32>,
        tpu.vector_store %arg18[%parallel_loop3A_744], %parallel_loop3A_741 {strides = array<i32>} : memref<4096xf32, #tpu.memory_space<vmem>>, vector<16xf32>,
      } {sc.loop_unroll_factor = 16 : i64, sc.parallel_access}
      %add3A_689 = arith.constant 0 : i32
      %add3A_690 = arith.addi %add3A_34, %add3A_689 : i32
      %dma_start3A_691 = arith.constant 0 : i32
      %dma_start3A_692 = tpu.memref_slice %arg4[%select_n3A, %add3A_690, %add3A_666, %dma_start3A_691] : memref<8x64x32x4096xf32, #tpu.memory_space<hbm>> -> memref<1x1x1x4096xf32, #tpu.memory_space<hbm>>
      %dma_start3A_693 = tpu.memref_squeeze %dma_start3A_692 : memref<1x1x1x4096xf32, #tpu.memory_space<hbm>> -> memref<4096xf32, #tpu.memory_space<hbm>>
      %dma_start3A_694 = arith.constant 0 : i32
      %dma_start3A_695 = tpu.memref_slice %arg4[%select_n3A, %add3A_690, %add3A_666, %dma_start3A_694] : memref<8x64x32x4096xf32, #tpu.memory_space<hbm>> -> memref<1x1x1x4096xf32, #tpu.memory_space<hbm>>
      %dma_start3A_696 = tpu.memref_squeeze %dma_start3A_695 : memref<1x1x1x4096xf32, #tpu.memory_space<hbm>> -> memref<4096xf32, #tpu.memory_space<hbm>>
      tpu.enqueue_dma source(%arg15 : memref<4096xf32, #tpu.memory_space<vmem>>) target(%dma_start3A_696 : memref<4096xf32, #tpu.memory_space<hbm>>) target_semaphore(%arg22 : memref<!tpu.dma_semaphore, #tpu.memory_space<semaphore_mem>>)
      %add3A_697 = arith.constant 1 : i32
      %add3A_698 = arith.addi %add3A_34, %add3A_697 : i32
      %dma_start3A_699 = arith.constant 0 : i32
      %dma_start3A_700 = tpu.memref_slice %arg4[%select_n3A, %add3A_698, %add3A_666, %dma_start3A_699] : memref<8x64x32x4096xf32, #tpu.memory_space<hbm>> -> memref<1x1x1x4096xf32, #tpu.memory_space<hbm>>
      %dma_start3A_701 = tpu.memref_squeeze %dma_start3A_700 : memref<1x1x1x4096xf32, #tpu.memory_space<hbm>> -> memref<4096xf32, #tpu.memory_space<hbm>>
      %dma_start3A_702 = arith.constant 0 : i32
      %dma_start3A_703 = tpu.memref_slice %arg4[%select_n3A, %add3A_698, %add3A_666, %dma_start3A_702] : memref<8x64x32x4096xf32, #tpu.memory_space<hbm>> -> memref<1x1x1x4096xf32, #tpu.memory_space<hbm>>
      %dma_start3A_704 = tpu.memref_squeeze %dma_start3A_703 : memref<1x1x1x4096xf32, #tpu.memory_space<hbm>> -> memref<4096xf32, #tpu.memory_space<hbm>>
      tpu.enqueue_dma source(%arg16 : memref<4096xf32, #tpu.memory_space<vmem>>) target(%dma_start3A_704 : memref<4096xf32, #tpu.memory_space<hbm>>) target_semaphore(%arg22 : memref<!tpu.dma_semaphore, #tpu.memory_space<semaphore_mem>>)
      %add3A_705 = arith.constant 2 : i32
      %add3A_706 = arith.addi %add3A_34, %add3A_705 : i32
      %dma_start3A_707 = arith.constant 0 : i32
      %dma_start3A_708 = tpu.memref_slice %arg4[%select_n3A, %add3A_706, %add3A_666, %dma_start3A_707] : memref<8x64x32x4096xf32, #tpu.memory_space<hbm>> -> memref<1x1x1x4096xf32, #tpu.memory_space<hbm>>
      %dma_start3A_709 = tpu.memref_squeeze %dma_start3A_708 : memref<1x1x1x4096xf32, #tpu.memory_space<hbm>> -> memref<4096xf32, #tpu.memory_space<hbm>>
      %dma_start3A_710 = arith.constant 0 : i32
      %dma_start3A_711 = tpu.memref_slice %arg4[%select_n3A, %add3A_706, %add3A_666, %dma_start3A_710] : memref<8x64x32x4096xf32, #tpu.memory_space<hbm>> -> memref<1x1x1x4096xf32, #tpu.memory_space<hbm>>
      %dma_start3A_712 = tpu.memref_squeeze %dma_start3A_711 : memref<1x1x1x4096xf32, #tpu.memory_space<hbm>> -> memref<4096xf32, #tpu.memory_space<hbm>>
      tpu.enqueue_dma source(%arg17 : memref<4096xf32, #tpu.memory_space<vmem>>) target(%dma_start3A_712 : memref<4096xf32, #tpu.memory_space<hbm>>) target_semaphore(%arg22 : memref<!tpu.dma_semaphore, #tpu.memory_space<semaphore_mem>>)
      %add3A_713 = arith.constant 3 : i32
      %add3A_714 = arith.addi %add3A_34, %add3A_713 : i32
      %dma_start3A_715 = arith.constant 0 : i32
      %dma_start3A_716 = tpu.memref_slice %arg4[%select_n3A, %add3A_714, %add3A_666, %dma_start3A_715] : memref<8x64x32x4096xf32, #tpu.memory_space<hbm>> -> memref<1x1x1x4096xf32, #tpu.memory_space<hbm>>
      %dma_start3A_717 = tpu.memref_squeeze %dma_start3A_716 : memref<1x1x1x4096xf32, #tpu.memory_space<hbm>> -> memref<4096xf32, #tpu.memory_space<hbm>>
      %dma_start3A_718 = arith.constant 0 : i32
      %dma_start3A_719 = tpu.memref_slice %arg4[%select_n3A, %add3A_714, %add3A_666, %dma_start3A_718] : memref<8x64x32x4096xf32, #tpu.memory_space<hbm>> -> memref<1x1x1x4096xf32, #tpu.memory_space<hbm>>
      %dma_start3A_720 = tpu.memref_squeeze %dma_start3A_719 : memref<1x1x1x4096xf32, #tpu.memory_space<hbm>> -> memref<4096xf32, #tpu.memory_space<hbm>>
      tpu.enqueue_dma source(%arg18 : memref<4096xf32, #tpu.memory_space<vmem>>) target(%dma_start3A_720 : memref<4096xf32, #tpu.memory_space<hbm>>) target_semaphore(%arg22 : memref<!tpu.dma_semaphore, #tpu.memory_space<semaphore_mem>>)
    }
    %scan3A_108 = arith.constant 16 : i32
    %mul3A_109 = arith.constant 16 : i32
    %mul3A_110 = arith.muli %select_n3A_30, %mul3A_109 : i32
    %add3A_111 = arith.constant 4 : i32
    %add3A_112 = arith.addi %mul3A_110, %add3A_111 : i32
    %add3A_113 = arith.constant 0 : i32
    %add3A_114 = arith.addi %add3A_112, %add3A_113 : i32
    %dma_start3A_115 = arith.constant 0 : i32
    %dma_start3A_116 = tpu.memref_slice %arg2[%select_n3A, %add3A_114, %dma_start3A_115] : memref<8x64x16384xf32, #tpu.memory_space<hbm>> -> memref<1x1x16384xf32, #tpu.memory_space<hbm>>
    %dma_start3A_117 = tpu.memref_squeeze %dma_start3A_116 : memref<1x1x16384xf32, #tpu.memory_space<hbm>> -> memref<16384xf32, #tpu.memory_space<hbm>>
    %dma_start3A_118 = arith.constant 0 : i32
    %dma_start3A_119 = tpu.memref_slice %arg2[%select_n3A, %add3A_114, %dma_start3A_118] : memref<8x64x16384xf32, #tpu.memory_space<hbm>> -> memref<1x1x16384xf32, #tpu.memory_space<hbm>>
    %dma_start3A_120 = tpu.memref_squeeze %dma_start3A_119 : memref<1x1x16384xf32, #tpu.memory_space<hbm>> -> memref<16384xf32, #tpu.memory_space<hbm>>
    tpu.enqueue_dma source(%dma_start3A_120 : memref<16384xf32, #tpu.memory_space<hbm>>) target(%arg7 : memref<16384xf32, #tpu.memory_space<vmem>>) target_semaphore(%arg19 : memref<!tpu.dma_semaphore, #tpu.memory_space<semaphore_mem>>)
    %add3A_121 = arith.constant 1 : i32
    %add3A_122 = arith.addi %add3A_112, %add3A_121 : i32
    %dma_start3A_123 = arith.constant 0 : i32
    %dma_start3A_124 = tpu.memref_slice %arg2[%select_n3A, %add3A_122, %dma_start3A_123] : memref<8x64x16384xf32, #tpu.memory_space<hbm>> -> memref<1x1x16384xf32, #tpu.memory_space<hbm>>
    %dma_start3A_125 = tpu.memref_squeeze %dma_start3A_124 : memref<1x1x16384xf32, #tpu.memory_space<hbm>> -> memref<16384xf32, #tpu.memory_space<hbm>>
    %dma_start3A_126 = arith.constant 0 : i32
    %dma_start3A_127 = tpu.memref_slice %arg2[%select_n3A, %add3A_122, %dma_start3A_126] : memref<8x64x16384xf32, #tpu.memory_space<hbm>> -> memref<1x1x16384xf32, #tpu.memory_space<hbm>>
    %dma_start3A_128 = tpu.memref_squeeze %dma_start3A_127 : memref<1x1x16384xf32, #tpu.memory_space<hbm>> -> memref<16384xf32, #tpu.memory_space<hbm>>
    tpu.enqueue_dma source(%dma_start3A_128 : memref<16384xf32, #tpu.memory_space<hbm>>) target(%arg8 : memref<16384xf32, #tpu.memory_space<vmem>>) target_semaphore(%arg19 : memref<!tpu.dma_semaphore, #tpu.memory_space<semaphore_mem>>)
    %add3A_129 = arith.constant 2 : i32
    %add3A_130 = arith.addi %add3A_112, %add3A_129 : i32
    %dma_start3A_131 = arith.constant 0 : i32
    %dma_start3A_132 = tpu.memref_slice %arg2[%select_n3A, %add3A_130, %dma_start3A_131] : memref<8x64x16384xf32, #tpu.memory_space<hbm>> -> memref<1x1x16384xf32, #tpu.memory_space<hbm>>
    %dma_start3A_133 = tpu.memref_squeeze %dma_start3A_132 : memref<1x1x16384xf32, #tpu.memory_space<hbm>> -> memref<16384xf32, #tpu.memory_space<hbm>>
    %dma_start3A_134 = arith.constant 0 : i32
    %dma_start3A_135 = tpu.memref_slice %arg2[%select_n3A, %add3A_130, %dma_start3A_134] : memref<8x64x16384xf32, #tpu.memory_space<hbm>> -> memref<1x1x16384xf32, #tpu.memory_space<hbm>>
    %dma_start3A_136 = tpu.memref_squeeze %dma_start3A_135 : memref<1x1x16384xf32, #tpu.memory_space<hbm>> -> memref<16384xf32, #tpu.memory_space<hbm>>
    tpu.enqueue_dma source(%dma_start3A_136 : memref<16384xf32, #tpu.memory_space<hbm>>) target(%arg9 : memref<16384xf32, #tpu.memory_space<vmem>>) target_semaphore(%arg19 : memref<!tpu.dma_semaphore, #tpu.memory_space<semaphore_mem>>)
    %add3A_137 = arith.constant 3 : i32
    %add3A_138 = arith.addi %add3A_112, %add3A_137 : i32
    %dma_start3A_139 = arith.constant 0 : i32
    %dma_start3A_140 = tpu.memref_slice %arg2[%select_n3A, %add3A_138, %dma_start3A_139] : memref<8x64x16384xf32, #tpu.memory_space<hbm>> -> memref<1x1x16384xf32, #tpu.memory_space<hbm>>
    %dma_start3A_141 = tpu.memref_squeeze %dma_start3A_140 : memref<1x1x16384xf32, #tpu.memory_space<hbm>> -> memref<16384xf32, #tpu.memory_space<hbm>>
    %dma_start3A_142 = arith.constant 0 : i32
    %dma_start3A_143 = tpu.memref_slice %arg2[%select_n3A, %add3A_138, %dma_start3A_142] : memref<8x64x16384xf32, #tpu.memory_space<hbm>> -> memref<1x1x16384xf32, #tpu.memory_space<hbm>>
    %dma_start3A_144 = tpu.memref_squeeze %dma_start3A_143 : memref<1x1x16384xf32, #tpu.memory_space<hbm>> -> memref<16384xf32, #tpu.memory_space<hbm>>
    tpu.enqueue_dma source(%dma_start3A_144 : memref<16384xf32, #tpu.memory_space<hbm>>) target(%arg10 : memref<16384xf32, #tpu.memory_space<vmem>>) target_semaphore(%arg19 : memref<!tpu.dma_semaphore, #tpu.memory_space<semaphore_mem>>)
    %dma_wait3A_145 = arith.constant 0 : i32
    %dma_wait3A_146 = arith.constant 0 : i32
    %dma_wait3A_147 = arith.constant 0 : i32
    %dma_wait3A_148 = tpu.memref_slice %arg4[%select_n3A, %dma_wait3A_145, %dma_wait3A_146, %dma_wait3A_147] : memref<8x64x32x4096xf32, #tpu.memory_space<hbm>> -> memref<1x1x1x4096xf32, #tpu.memory_space<hbm>>
    %dma_wait3A_149 = tpu.memref_squeeze %dma_wait3A_148 : memref<1x1x1x4096xf32, #tpu.memory_space<hbm>> -> memref<4096xf32, #tpu.memory_space<hbm>>
    %dma_wait3A_150 = arith.constant 0 : i32
    %dma_wait3A_151 = tpu.memref_slice %arg4[%select_n3A, %dma_wait3A_145, %dma_wait3A_146, %dma_wait3A_150] : memref<8x64x32x4096xf32, #tpu.memory_space<hbm>> -> memref<1x1x1x4096xf32, #tpu.memory_space<hbm>>
    %dma_wait3A_152 = tpu.memref_squeeze %dma_wait3A_151 : memref<1x1x1x4096xf32, #tpu.memory_space<hbm>> -> memref<4096xf32, #tpu.memory_space<hbm>>
    tpu.wait_dma2 semaphore(%arg21 : memref<!tpu.dma_semaphore, #tpu.memory_space<semaphore_mem>>) src(%arg11 : memref<4096xf32, #tpu.memory_space<vmem>>) dst(%dma_wait3A_152 : memref<4096xf32, #tpu.memory_space<hbm>>)
    %dma_wait3A_153 = arith.constant 0 : i32
    %dma_wait3A_154 = arith.constant 0 : i32
    %dma_wait3A_155 = arith.constant 0 : i32
    %dma_wait3A_156 = tpu.memref_slice %arg4[%select_n3A, %dma_wait3A_153, %dma_wait3A_154, %dma_wait3A_155] : memref<8x64x32x4096xf32, #tpu.memory_space<hbm>> -> memref<1x1x1x4096xf32, #tpu.memory_space<hbm>>
    %dma_wait3A_157 = tpu.memref_squeeze %dma_wait3A_156 : memref<1x1x1x4096xf32, #tpu.memory_space<hbm>> -> memref<4096xf32, #tpu.memory_space<hbm>>
    %dma_wait3A_158 = arith.constant 0 : i32
    %dma_wait3A_159 = tpu.memref_slice %arg4[%select_n3A, %dma_wait3A_153, %dma_wait3A_154, %dma_wait3A_158] : memref<8x64x32x4096xf32, #tpu.memory_space<hbm>> -> memref<1x1x1x4096xf32, #tpu.memory_space<hbm>>
    %dma_wait3A_160 = tpu.memref_squeeze %dma_wait3A_159 : memref<1x1x1x4096xf32, #tpu.memory_space<hbm>> -> memref<4096xf32, #tpu.memory_space<hbm>>
    tpu.wait_dma2 semaphore(%arg21 : memref<!tpu.dma_semaphore, #tpu.memory_space<semaphore_mem>>) src(%arg12 : memref<4096xf32, #tpu.memory_space<vmem>>) dst(%dma_wait3A_160 : memref<4096xf32, #tpu.memory_space<hbm>>)
    %dma_wait3A_161 = arith.constant 0 : i32
    %dma_wait3A_162 = arith.constant 0 : i32
    %dma_wait3A_163 = arith.constant 0 : i32
    %dma_wait3A_164 = tpu.memref_slice %arg4[%select_n3A, %dma_wait3A_161, %dma_wait3A_162, %dma_wait3A_163] : memref<8x64x32x4096xf32, #tpu.memory_space<hbm>> -> memref<1x1x1x4096xf32, #tpu.memory_space<hbm>>
    %dma_wait3A_165 = tpu.memref_squeeze %dma_wait3A_164 : memref<1x1x1x4096xf32, #tpu.memory_space<hbm>> -> memref<4096xf32, #tpu.memory_space<hbm>>
    %dma_wait3A_166 = arith.constant 0 : i32
    %dma_wait3A_167 = tpu.memref_slice %arg4[%select_n3A, %dma_wait3A_161, %dma_wait3A_162, %dma_wait3A_166] : memref<8x64x32x4096xf32, #tpu.memory_space<hbm>> -> memref<1x1x1x4096xf32, #tpu.memory_space<hbm>>
    %dma_wait3A_168 = tpu.memref_squeeze %dma_wait3A_167 : memref<1x1x1x4096xf32, #tpu.memory_space<hbm>> -> memref<4096xf32, #tpu.memory_space<hbm>>
    tpu.wait_dma2 semaphore(%arg21 : memref<!tpu.dma_semaphore, #tpu.memory_space<semaphore_mem>>) src(%arg13 : memref<4096xf32, #tpu.memory_space<vmem>>) dst(%dma_wait3A_168 : memref<4096xf32, #tpu.memory_space<hbm>>)
    %dma_wait3A_169 = arith.constant 0 : i32
    %dma_wait3A_170 = arith.constant 0 : i32
    %dma_wait3A_171 = arith.constant 0 : i32
    %dma_wait3A_172 = tpu.memref_slice %arg4[%select_n3A, %dma_wait3A_169, %dma_wait3A_170, %dma_wait3A_171] : memref<8x64x32x4096xf32, #tpu.memory_space<hbm>> -> memref<1x1x1x4096xf32, #tpu.memory_space<hbm>>
    %dma_wait3A_173 = tpu.memref_squeeze %dma_wait3A_172 : memref<1x1x1x4096xf32, #tpu.memory_space<hbm>> -> memref<4096xf32, #tpu.memory_space<hbm>>
    %dma_wait3A_174 = arith.constant 0 : i32
    %dma_wait3A_175 = tpu.memref_slice %arg4[%select_n3A, %dma_wait3A_169, %dma_wait3A_170, %dma_wait3A_174] : memref<8x64x32x4096xf32, #tpu.memory_space<hbm>> -> memref<1x1x1x4096xf32, #tpu.memory_space<hbm>>
    %dma_wait3A_176 = tpu.memref_squeeze %dma_wait3A_175 : memref<1x1x1x4096xf32, #tpu.memory_space<hbm>> -> memref<4096xf32, #tpu.memory_space<hbm>>
    tpu.wait_dma2 semaphore(%arg21 : memref<!tpu.dma_semaphore, #tpu.memory_space<semaphore_mem>>) src(%arg14 : memref<4096xf32, #tpu.memory_space<vmem>>) dst(%dma_wait3A_176 : memref<4096xf32, #tpu.memory_space<hbm>>)
    %dma_wait3A_177 = arith.constant 0 : i32
    %dma_wait3A_178 = arith.constant 0 : i32
    %dma_wait3A_179 = arith.constant 0 : i32
    %dma_wait3A_180 = tpu.memref_slice %arg4[%select_n3A, %dma_wait3A_177, %dma_wait3A_178, %dma_wait3A_179] : memref<8x64x32x4096xf32, #tpu.memory_space<hbm>> -> memref<1x1x1x4096xf32, #tpu.memory_space<hbm>>
    %dma_wait3A_181 = tpu.memref_squeeze %dma_wait3A_180 : memref<1x1x1x4096xf32, #tpu.memory_space<hbm>> -> memref<4096xf32, #tpu.memory_space<hbm>>
    %dma_wait3A_182 = arith.constant 0 : i32
    %dma_wait3A_183 = tpu.memref_slice %arg4[%select_n3A, %dma_wait3A_177, %dma_wait3A_178, %dma_wait3A_182] : memref<8x64x32x4096xf32, #tpu.memory_space<hbm>> -> memref<1x1x1x4096xf32, #tpu.memory_space<hbm>>
    %dma_wait3A_184 = tpu.memref_squeeze %dma_wait3A_183 : memref<1x1x1x4096xf32, #tpu.memory_space<hbm>> -> memref<4096xf32, #tpu.memory_space<hbm>>
    tpu.wait_dma2 semaphore(%arg22 : memref<!tpu.dma_semaphore, #tpu.memory_space<semaphore_mem>>) src(%arg15 : memref<4096xf32, #tpu.memory_space<vmem>>) dst(%dma_wait3A_184 : memref<4096xf32, #tpu.memory_space<hbm>>)
    %dma_wait3A_185 = arith.constant 0 : i32
    %dma_wait3A_186 = arith.constant 0 : i32
    %dma_wait3A_187 = arith.constant 0 : i32
    %dma_wait3A_188 = tpu.memref_slice %arg4[%select_n3A, %dma_wait3A_185, %dma_wait3A_186, %dma_wait3A_187] : memref<8x64x32x4096xf32, #tpu.memory_space<hbm>> -> memref<1x1x1x4096xf32, #tpu.memory_space<hbm>>
    %dma_wait3A_189 = tpu.memref_squeeze %dma_wait3A_188 : memref<1x1x1x4096xf32, #tpu.memory_space<hbm>> -> memref<4096xf32, #tpu.memory_space<hbm>>
    %dma_wait3A_190 = arith.constant 0 : i32
    %dma_wait3A_191 = tpu.memref_slice %arg4[%select_n3A, %dma_wait3A_185, %dma_wait3A_186, %dma_wait3A_190] : memref<8x64x32x4096xf32, #tpu.memory_space<hbm>> -> memref<1x1x1x4096xf32, #tpu.memory_space<hbm>>
    %dma_wait3A_192 = tpu.memref_squeeze %dma_wait3A_191 : memref<1x1x1x4096xf32, #tpu.memory_space<hbm>> -> memref<4096xf32, #tpu.memory_space<hbm>>
    tpu.wait_dma2 semaphore(%arg22 : memref<!tpu.dma_semaphore, #tpu.memory_space<semaphore_mem>>) src(%arg16 : memref<4096xf32, #tpu.memory_space<vmem>>) dst(%dma_wait3A_192 : memref<4096xf32, #tpu.memory_space<hbm>>)
    %dma_wait3A_193 = arith.constant 0 : i32
    %dma_wait3A_194 = arith.constant 0 : i32
    %dma_wait3A_195 = arith.constant 0 : i32
    %dma_wait3A_196 = tpu.memref_slice %arg4[%select_n3A, %dma_wait3A_193, %dma_wait3A_194, %dma_wait3A_195] : memref<8x64x32x4096xf32, #tpu.memory_space<hbm>> -> memref<1x1x1x4096xf32, #tpu.memory_space<hbm>>
    %dma_wait3A_197 = tpu.memref_squeeze %dma_wait3A_196 : memref<1x1x1x4096xf32, #tpu.memory_space<hbm>> -> memref<4096xf32, #tpu.memory_space<hbm>>
    %dma_wait3A_198 = arith.constant 0 : i32
    %dma_wait3A_199 = tpu.memref_slice %arg4[%select_n3A, %dma_wait3A_193, %dma_wait3A_194, %dma_wait3A_198] : memref<8x64x32x4096xf32, #tpu.memory_space<hbm>> -> memref<1x1x1x4096xf32, #tpu.memory_space<hbm>>
    %dma_wait3A_200 = tpu.memref_squeeze %dma_wait3A_199 : memref<1x1x1x4096xf32, #tpu.memory_space<hbm>> -> memref<4096xf32, #tpu.memory_space<hbm>>
    tpu.wait_dma2 semaphore(%arg22 : memref<!tpu.dma_semaphore, #tpu.memory_space<semaphore_mem>>) src(%arg17 : memref<4096xf32, #tpu.memory_space<vmem>>) dst(%dma_wait3A_200 : memref<4096xf32, #tpu.memory_space<hbm>>)
    %dma_wait3A_201 = arith.constant 0 : i32
    %dma_wait3A_202 = arith.constant 0 : i32
    %dma_wait3A_203 = arith.constant 0 : i32
    %dma_wait3A_204 = tpu.memref_slice %arg4[%select_n3A, %dma_wait3A_201, %dma_wait3A_202, %dma_wait3A_203] : memref<8x64x32x4096xf32, #tpu.memory_space<hbm>> -> memref<1x1x1x4096xf32, #tpu.memory_space<hbm>>
    %dma_wait3A_205 = tpu.memref_squeeze %dma_wait3A_204 : memref<1x1x1x4096xf32, #tpu.memory_space<hbm>> -> memref<4096xf32, #tpu.memory_space<hbm>>
    %dma_wait3A_206 = arith.constant 0 : i32
    %dma_wait3A_207 = tpu.memref_slice %arg4[%select_n3A, %dma_wait3A_201, %dma_wait3A_202, %dma_wait3A_206] : memref<8x64x32x4096xf32, #tpu.memory_space<hbm>> -> memref<1x1x1x4096xf32, #tpu.memory_space<hbm>>
    %dma_wait3A_208 = tpu.memref_squeeze %dma_wait3A_207 : memref<1x1x1x4096xf32, #tpu.memory_space<hbm>> -> memref<4096xf32, #tpu.memory_space<hbm>>
    tpu.wait_dma2 semaphore(%arg22 : memref<!tpu.dma_semaphore, #tpu.memory_space<semaphore_mem>>) src(%arg18 : memref<4096xf32, #tpu.memory_space<vmem>>) dst(%dma_wait3A_208 : memref<4096xf32, #tpu.memory_space<hbm>>)
    %add3A_209 = arith.constant 0 : i32
    %add3A_210 = arith.addi %add3A_112, %add3A_209 : i32
    %dma_wait3A_211 = arith.constant 0 : i32
    %dma_wait3A_212 = tpu.memref_slice %arg2[%select_n3A, %add3A_210, %dma_wait3A_211] : memref<8x64x16384xf32, #tpu.memory_space<hbm>> -> memref<1x1x16384xf32, #tpu.memory_space<hbm>>
    %dma_wait3A_213 = tpu.memref_squeeze %dma_wait3A_212 : memref<1x1x16384xf32, #tpu.memory_space<hbm>> -> memref<16384xf32, #tpu.memory_space<hbm>>
    %dma_wait3A_214 = arith.constant 0 : i32
    %dma_wait3A_215 = tpu.memref_slice %arg2[%select_n3A, %add3A_210, %dma_wait3A_214] : memref<8x64x16384xf32, #tpu.memory_space<hbm>> -> memref<1x1x16384xf32, #tpu.memory_space<hbm>>
    %dma_wait3A_216 = tpu.memref_squeeze %dma_wait3A_215 : memref<1x1x16384xf32, #tpu.memory_space<hbm>> -> memref<16384xf32, #tpu.memory_space<hbm>>
    tpu.wait_dma2 semaphore(%arg19 : memref<!tpu.dma_semaphore, #tpu.memory_space<semaphore_mem>>) src(%dma_wait3A_216 : memref<16384xf32, #tpu.memory_space<hbm>>) dst(%arg7 : memref<16384xf32, #tpu.memory_space<vmem>>)
    %add3A_217 = arith.constant 1 : i32
    %add3A_218 = arith.addi %add3A_112, %add3A_217 : i32
    %dma_wait3A_219 = arith.constant 0 : i32
    %dma_wait3A_220 = tpu.memref_slice %arg2[%select_n3A, %add3A_218, %dma_wait3A_219] : memref<8x64x16384xf32, #tpu.memory_space<hbm>> -> memref<1x1x16384xf32, #tpu.memory_space<hbm>>
    %dma_wait3A_221 = tpu.memref_squeeze %dma_wait3A_220 : memref<1x1x16384xf32, #tpu.memory_space<hbm>> -> memref<16384xf32, #tpu.memory_space<hbm>>
    %dma_wait3A_222 = arith.constant 0 : i32
    %dma_wait3A_223 = tpu.memref_slice %arg2[%select_n3A, %add3A_218, %dma_wait3A_222] : memref<8x64x16384xf32, #tpu.memory_space<hbm>> -> memref<1x1x16384xf32, #tpu.memory_space<hbm>>
    %dma_wait3A_224 = tpu.memref_squeeze %dma_wait3A_223 : memref<1x1x16384xf32, #tpu.memory_space<hbm>> -> memref<16384xf32, #tpu.memory_space<hbm>>
    tpu.wait_dma2 semaphore(%arg19 : memref<!tpu.dma_semaphore, #tpu.memory_space<semaphore_mem>>) src(%dma_wait3A_224 : memref<16384xf32, #tpu.memory_space<hbm>>) dst(%arg8 : memref<16384xf32, #tpu.memory_space<vmem>>)
    %add3A_225 = arith.constant 2 : i32
    %add3A_226 = arith.addi %add3A_112, %add3A_225 : i32
    %dma_wait3A_227 = arith.constant 0 : i32
    %dma_wait3A_228 = tpu.memref_slice %arg2[%select_n3A, %add3A_226, %dma_wait3A_227] : memref<8x64x16384xf32, #tpu.memory_space<hbm>> -> memref<1x1x16384xf32, #tpu.memory_space<hbm>>
    %dma_wait3A_229 = tpu.memref_squeeze %dma_wait3A_228 : memref<1x1x16384xf32, #tpu.memory_space<hbm>> -> memref<16384xf32, #tpu.memory_space<hbm>>
    %dma_wait3A_230 = arith.constant 0 : i32
    %dma_wait3A_231 = tpu.memref_slice %arg2[%select_n3A, %add3A_226, %dma_wait3A_230] : memref<8x64x16384xf32, #tpu.memory_space<hbm>> -> memref<1x1x16384xf32, #tpu.memory_space<hbm>>
    %dma_wait3A_232 = tpu.memref_squeeze %dma_wait3A_231 : memref<1x1x16384xf32, #tpu.memory_space<hbm>> -> memref<16384xf32, #tpu.memory_space<hbm>>
    tpu.wait_dma2 semaphore(%arg19 : memref<!tpu.dma_semaphore, #tpu.memory_space<semaphore_mem>>) src(%dma_wait3A_232 : memref<16384xf32, #tpu.memory_space<hbm>>) dst(%arg9 : memref<16384xf32, #tpu.memory_space<vmem>>)
    %add3A_233 = arith.constant 3 : i32
    %add3A_234 = arith.addi %add3A_112, %add3A_233 : i32
    %dma_wait3A_235 = arith.constant 0 : i32
    %dma_wait3A_236 = tpu.memref_slice %arg2[%select_n3A, %add3A_234, %dma_wait3A_235] : memref<8x64x16384xf32, #tpu.memory_space<hbm>> -> memref<1x1x16384xf32, #tpu.memory_space<hbm>>
    %dma_wait3A_237 = tpu.memref_squeeze %dma_wait3A_236 : memref<1x1x16384xf32, #tpu.memory_space<hbm>> -> memref<16384xf32, #tpu.memory_space<hbm>>
    %dma_wait3A_238 = arith.constant 0 : i32
    %dma_wait3A_239 = tpu.memref_slice %arg2[%select_n3A, %add3A_234, %dma_wait3A_238] : memref<8x64x16384xf32, #tpu.memory_space<hbm>> -> memref<1x1x16384xf32, #tpu.memory_space<hbm>>
    %dma_wait3A_240 = tpu.memref_squeeze %dma_wait3A_239 : memref<1x1x16384xf32, #tpu.memory_space<hbm>> -> memref<16384xf32, #tpu.memory_space<hbm>>
    tpu.wait_dma2 semaphore(%arg19 : memref<!tpu.dma_semaphore, #tpu.memory_space<semaphore_mem>>) src(%dma_wait3A_240 : memref<16384xf32, #tpu.memory_space<hbm>>) dst(%arg10 : memref<16384xf32, #tpu.memory_space<vmem>>)
    %dma_start3A_241 = arith.constant 0 : i32
    %dma_start3A_242 = arith.constant 0 : i32
    %dma_start3A_243 = tpu.memref_slice %arg3[%select_n3A, %dma_start3A_241, %dma_start3A_242] : memref<8x32x4096xi32, #tpu.memory_space<hbm>> -> memref<1x1x4096xi32, #tpu.memory_space<hbm>>
    %dma_start3A_244 = tpu.memref_squeeze %dma_start3A_243 : memref<1x1x4096xi32, #tpu.memory_space<hbm>> -> memref<4096xi32, #tpu.memory_space<hbm>>
    %dma_start3A_245 = arith.constant 0 : i32
    %dma_start3A_246 = tpu.memref_slice %arg3[%select_n3A, %dma_start3A_241, %dma_start3A_245] : memref<8x32x4096xi32, #tpu.memory_space<hbm>> -> memref<1x1x4096xi32, #tpu.memory_space<hbm>>
    %dma_start3A_247 = tpu.memref_squeeze %dma_start3A_246 : memref<1x1x4096xi32, #tpu.memory_space<hbm>> -> memref<4096xi32, #tpu.memory_space<hbm>>
    tpu.enqueue_dma source(%dma_start3A_247 : memref<4096xi32, #tpu.memory_space<hbm>>) target(%arg5 : memref<4096xi32, #tpu.memory_space<vmem>>) target_semaphore(%arg20 : memref<!tpu.dma_semaphore, #tpu.memory_space<semaphore_mem>>)
    %scan3A_248 = arith.constant 0 : i32
    %scan3A_249 = arith.constant 0 : i32
    %scan3A_250 = arith.constant 16 : i32
    %scan3A_251 = arith.addi %scan3A_249, %scan3A_250 : i32
    %scan3A_252 = arith.constant 1 : i32
    scf.for %scan3A_608 = %scan3A_249 to %scan3A_251 step %scan3A_252  : i32 {
      %mul3A_609 = arith.constant 2 : i32
      %mul3A_610 = arith.muli %scan3A_608, %mul3A_609 : i32
      %add3A_611 = arith.constant 0 : i32
      %add3A_612 = arith.addi %mul3A_610, %add3A_611 : i32
      %add3A_613 = arith.constant 1 : i32
      %add3A_614 = arith.addi %add3A_612, %add3A_613 : i32
      %lt3A_615 = arith.constant 32 : i32
      %lt3A_616 = arith.cmpi slt, %add3A_614, %lt3A_615 : i32
      %convert_element_type3A = arith.extui %lt3A_616 : i1 to i32
      %cond3A = arith.constant 0 : i32
      %cond3A_617 = arith.cmpi ne, %convert_element_type3A, %cond3A : i32
      scf.if %cond3A_617 {
        %add3A_721 = arith.constant 1 : i32
        %add3A_722 = arith.addi %add3A_612, %add3A_721 : i32
        %dma_start3A_723 = arith.constant 0 : i32
        %dma_start3A_724 = tpu.memref_slice %arg3[%select_n3A, %add3A_722, %dma_start3A_723] : memref<8x32x4096xi32, #tpu.memory_space<hbm>> -> memref<1x1x4096xi32, #tpu.memory_space<hbm>>
        %dma_start3A_725 = tpu.memref_squeeze %dma_start3A_724 : memref<1x1x4096xi32, #tpu.memory_space<hbm>> -> memref<4096xi32, #tpu.memory_space<hbm>>
        %dma_start3A_726 = arith.constant 0 : i32
        %dma_start3A_727 = tpu.memref_slice %arg3[%select_n3A, %add3A_722, %dma_start3A_726] : memref<8x32x4096xi32, #tpu.memory_space<hbm>> -> memref<1x1x4096xi32, #tpu.memory_space<hbm>>
        %dma_start3A_728 = tpu.memref_squeeze %dma_start3A_727 : memref<1x1x4096xi32, #tpu.memory_space<hbm>> -> memref<4096xi32, #tpu.memory_space<hbm>>
        tpu.enqueue_dma source(%dma_start3A_728 : memref<4096xi32, #tpu.memory_space<hbm>>) target(%arg6 : memref<4096xi32, #tpu.memory_space<vmem>>) target_semaphore(%arg20 : memref<!tpu.dma_semaphore, #tpu.memory_space<semaphore_mem>>)
      } else {
      }
      %dma_wait3A_618 = arith.constant 0 : i32
      %dma_wait3A_619 = arith.constant 0 : i32
      %dma_wait3A_620 = tpu.memref_slice %arg3[%select_n3A, %dma_wait3A_618, %dma_wait3A_619] : memref<8x32x4096xi32, #tpu.memory_space<hbm>> -> memref<1x1x4096xi32, #tpu.memory_space<hbm>>
      %dma_wait3A_621 = tpu.memref_squeeze %dma_wait3A_620 : memref<1x1x4096xi32, #tpu.memory_space<hbm>> -> memref<4096xi32, #tpu.memory_space<hbm>>
      %dma_wait3A_622 = arith.constant 0 : i32
      %dma_wait3A_623 = tpu.memref_slice %arg3[%select_n3A, %dma_wait3A_618, %dma_wait3A_622] : memref<8x32x4096xi32, #tpu.memory_space<hbm>> -> memref<1x1x4096xi32, #tpu.memory_space<hbm>>
      %dma_wait3A_624 = tpu.memref_squeeze %dma_wait3A_623 : memref<1x1x4096xi32, #tpu.memory_space<hbm>> -> memref<4096xi32, #tpu.memory_space<hbm>>
      tpu.wait_dma2 semaphore(%arg20 : memref<!tpu.dma_semaphore, #tpu.memory_space<semaphore_mem>>) src(%dma_wait3A_624 : memref<4096xi32, #tpu.memory_space<hbm>>) dst(%arg5 : memref<4096xi32, #tpu.memory_space<vmem>>)
      %gt3A = arith.constant 0 : i32
      %gt3A_625 = arith.cmpi sgt, %scan3A_608, %gt3A : i32
      %convert_element_type3A_626 = arith.extui %gt3A_625 : i1 to i32
      %cond3A_627 = arith.constant 0 : i32
      %cond3A_628 = arith.cmpi ne, %convert_element_type3A_626, %cond3A_627 : i32
      scf.if %cond3A_628 {
        %dma_wait3A_721 = arith.constant 0 : i32
        %dma_wait3A_722 = arith.constant 0 : i32
        %dma_wait3A_723 = arith.constant 0 : i32
        %dma_wait3A_724 = tpu.memref_slice %arg4[%select_n3A, %dma_wait3A_721, %dma_wait3A_722, %dma_wait3A_723] : memref<8x64x32x4096xf32, #tpu.memory_space<hbm>> -> memref<1x1x1x4096xf32, #tpu.memory_space<hbm>>
        %dma_wait3A_725 = tpu.memref_squeeze %dma_wait3A_724 : memref<1x1x1x4096xf32, #tpu.memory_space<hbm>> -> memref<4096xf32, #tpu.memory_space<hbm>>
        %dma_wait3A_726 = arith.constant 0 : i32
        %dma_wait3A_727 = tpu.memref_slice %arg4[%select_n3A, %dma_wait3A_721, %dma_wait3A_722, %dma_wait3A_726] : memref<8x64x32x4096xf32, #tpu.memory_space<hbm>> -> memref<1x1x1x4096xf32, #tpu.memory_space<hbm>>
        %dma_wait3A_728 = tpu.memref_squeeze %dma_wait3A_727 : memref<1x1x1x4096xf32, #tpu.memory_space<hbm>> -> memref<4096xf32, #tpu.memory_space<hbm>>
        tpu.wait_dma2 semaphore(%arg21 : memref<!tpu.dma_semaphore, #tpu.memory_space<semaphore_mem>>) src(%arg11 : memref<4096xf32, #tpu.memory_space<vmem>>) dst(%dma_wait3A_728 : memref<4096xf32, #tpu.memory_space<hbm>>)
        %dma_wait3A_729 = arith.constant 0 : i32
        %dma_wait3A_730 = arith.constant 0 : i32
        %dma_wait3A_731 = arith.constant 0 : i32
        %dma_wait3A_732 = tpu.memref_slice %arg4[%select_n3A, %dma_wait3A_729, %dma_wait3A_730, %dma_wait3A_731] : memref<8x64x32x4096xf32, #tpu.memory_space<hbm>> -> memref<1x1x1x4096xf32, #tpu.memory_space<hbm>>
        %dma_wait3A_733 = tpu.memref_squeeze %dma_wait3A_732 : memref<1x1x1x4096xf32, #tpu.memory_space<hbm>> -> memref<4096xf32, #tpu.memory_space<hbm>>
        %dma_wait3A_734 = arith.constant 0 : i32
        %dma_wait3A_735 = tpu.memref_slice %arg4[%select_n3A, %dma_wait3A_729, %dma_wait3A_730, %dma_wait3A_734] : memref<8x64x32x4096xf32, #tpu.memory_space<hbm>> -> memref<1x1x1x4096xf32, #tpu.memory_space<hbm>>
        %dma_wait3A_736 = tpu.memref_squeeze %dma_wait3A_735 : memref<1x1x1x4096xf32, #tpu.memory_space<hbm>> -> memref<4096xf32, #tpu.memory_space<hbm>>
        tpu.wait_dma2 semaphore(%arg21 : memref<!tpu.dma_semaphore, #tpu.memory_space<semaphore_mem>>) src(%arg12 : memref<4096xf32, #tpu.memory_space<vmem>>) dst(%dma_wait3A_736 : memref<4096xf32, #tpu.memory_space<hbm>>)
        %dma_wait3A_737 = arith.constant 0 : i32
        %dma_wait3A_738 = arith.constant 0 : i32
        %dma_wait3A_739 = arith.constant 0 : i32
        %dma_wait3A_740 = tpu.memref_slice %arg4[%select_n3A, %dma_wait3A_737, %dma_wait3A_738, %dma_wait3A_739] : memref<8x64x32x4096xf32, #tpu.memory_space<hbm>> -> memref<1x1x1x4096xf32, #tpu.memory_space<hbm>>
        %dma_wait3A_741 = tpu.memref_squeeze %dma_wait3A_740 : memref<1x1x1x4096xf32, #tpu.memory_space<hbm>> -> memref<4096xf32, #tpu.memory_space<hbm>>
        %dma_wait3A_742 = arith.constant 0 : i32
        %dma_wait3A_743 = tpu.memref_slice %arg4[%select_n3A, %dma_wait3A_737, %dma_wait3A_738, %dma_wait3A_742] : memref<8x64x32x4096xf32, #tpu.memory_space<hbm>> -> memref<1x1x1x4096xf32, #tpu.memory_space<hbm>>
        %dma_wait3A_744 = tpu.memref_squeeze %dma_wait3A_743 : memref<1x1x1x4096xf32, #tpu.memory_space<hbm>> -> memref<4096xf32, #tpu.memory_space<hbm>>
        tpu.wait_dma2 semaphore(%arg21 : memref<!tpu.dma_semaphore, #tpu.memory_space<semaphore_mem>>) src(%arg13 : memref<4096xf32, #tpu.memory_space<vmem>>) dst(%dma_wait3A_744 : memref<4096xf32, #tpu.memory_space<hbm>>)
        %dma_wait3A_745 = arith.constant 0 : i32
        %dma_wait3A_746 = arith.constant 0 : i32
        %dma_wait3A_747 = arith.constant 0 : i32
        %dma_wait3A_748 = tpu.memref_slice %arg4[%select_n3A, %dma_wait3A_745, %dma_wait3A_746, %dma_wait3A_747] : memref<8x64x32x4096xf32, #tpu.memory_space<hbm>> -> memref<1x1x1x4096xf32, #tpu.memory_space<hbm>>
        %dma_wait3A_749 = tpu.memref_squeeze %dma_wait3A_748 : memref<1x1x1x4096xf32, #tpu.memory_space<hbm>> -> memref<4096xf32, #tpu.memory_space<hbm>>
        %dma_wait3A_750 = arith.constant 0 : i32
        %dma_wait3A_751 = tpu.memref_slice %arg4[%select_n3A, %dma_wait3A_745, %dma_wait3A_746, %dma_wait3A_750] : memref<8x64x32x4096xf32, #tpu.memory_space<hbm>> -> memref<1x1x1x4096xf32, #tpu.memory_space<hbm>>
        %dma_wait3A_752 = tpu.memref_squeeze %dma_wait3A_751 : memref<1x1x1x4096xf32, #tpu.memory_space<hbm>> -> memref<4096xf32, #tpu.memory_space<hbm>>
        tpu.wait_dma2 semaphore(%arg21 : memref<!tpu.dma_semaphore, #tpu.memory_space<semaphore_mem>>) src(%arg14 : memref<4096xf32, #tpu.memory_space<vmem>>) dst(%dma_wait3A_752 : memref<4096xf32, #tpu.memory_space<hbm>>)
      } else {
      }
      %parallel_loop3A = arith.constant 0 : i32
      %parallel_loop3A_629 = arith.constant 256 : i32
      %parallel_loop3A_630 = arith.constant 1 : i32
      scf.for %parallel_loop3A_721 = %parallel_loop3A to %parallel_loop3A_629 step %parallel_loop3A_630  : i32 {
        %parallel_loop3A_722 = arith.constant 16 : i32
        %parallel_loop3A_723 = arith.muli %parallel_loop3A_721, %parallel_loop3A_722 : i32
        %parallel_loop3A_724 = arith.index_cast %parallel_loop3A_723 : i32 to index
        %parallel_loop3A_725 = tpu.vector_load %arg5[%parallel_loop3A_724] {strides = array<i32>} : memref<4096xi32, #tpu.memory_space<vmem>>, vector<16xi32>,
        %parallel_loop3A_726 = tpu.vector_load_idx %arg7[%parallel_loop3A_725] : memref<16384xf32, #tpu.memory_space<vmem>>[vector<16xi32>], vector<16xf32>,
        %parallel_loop3A_727 = arith.constant 16 : i32
        %parallel_loop3A_728 = arith.muli %parallel_loop3A_721, %parallel_loop3A_727 : i32
        %parallel_loop3A_729 = arith.index_cast %parallel_loop3A_728 : i32 to index
        %parallel_loop3A_730 = tpu.vector_load %arg11[%parallel_loop3A_729] {strides = array<i32>} : memref<4096xf32, #tpu.memory_space<vmem>>, vector<16xf32>,
        tpu.vector_store %arg11[%parallel_loop3A_729], %parallel_loop3A_726 {strides = array<i32>} : memref<4096xf32, #tpu.memory_space<vmem>>, vector<16xf32>,
        %parallel_loop3A_731 = tpu.vector_load_idx %arg8[%parallel_loop3A_725] : memref<16384xf32, #tpu.memory_space<vmem>>[vector<16xi32>], vector<16xf32>,
        %parallel_loop3A_732 = arith.constant 16 : i32
        %parallel_loop3A_733 = arith.muli %parallel_loop3A_721, %parallel_loop3A_732 : i32
        %parallel_loop3A_734 = arith.index_cast %parallel_loop3A_733 : i32 to index
        %parallel_loop3A_735 = tpu.vector_load %arg12[%parallel_loop3A_734] {strides = array<i32>} : memref<4096xf32, #tpu.memory_space<vmem>>, vector<16xf32>,
        tpu.vector_store %arg12[%parallel_loop3A_734], %parallel_loop3A_731 {strides = array<i32>} : memref<4096xf32, #tpu.memory_space<vmem>>, vector<16xf32>,
        %parallel_loop3A_736 = tpu.vector_load_idx %arg9[%parallel_loop3A_725] : memref<16384xf32, #tpu.memory_space<vmem>>[vector<16xi32>], vector<16xf32>,
        %parallel_loop3A_737 = arith.constant 16 : i32
        %parallel_loop3A_738 = arith.muli %parallel_loop3A_721, %parallel_loop3A_737 : i32
        %parallel_loop3A_739 = arith.index_cast %parallel_loop3A_738 : i32 to index
        %parallel_loop3A_740 = tpu.vector_load %arg13[%parallel_loop3A_739] {strides = array<i32>} : memref<4096xf32, #tpu.memory_space<vmem>>, vector<16xf32>,
        tpu.vector_store %arg13[%parallel_loop3A_739], %parallel_loop3A_736 {strides = array<i32>} : memref<4096xf32, #tpu.memory_space<vmem>>, vector<16xf32>,
        %parallel_loop3A_741 = tpu.vector_load_idx %arg10[%parallel_loop3A_725] : memref<16384xf32, #tpu.memory_space<vmem>>[vector<16xi32>], vector<16xf32>,
        %parallel_loop3A_742 = arith.constant 16 : i32
        %parallel_loop3A_743 = arith.muli %parallel_loop3A_721, %parallel_loop3A_742 : i32
        %parallel_loop3A_744 = arith.index_cast %parallel_loop3A_743 : i32 to index
        %parallel_loop3A_745 = tpu.vector_load %arg14[%parallel_loop3A_744] {strides = array<i32>} : memref<4096xf32, #tpu.memory_space<vmem>>, vector<16xf32>,
        tpu.vector_store %arg14[%parallel_loop3A_744], %parallel_loop3A_741 {strides = array<i32>} : memref<4096xf32, #tpu.memory_space<vmem>>, vector<16xf32>,
      } {sc.loop_unroll_factor = 16 : i64, sc.parallel_access}
      %add3A_631 = arith.constant 0 : i32
      %add3A_632 = arith.addi %add3A_112, %add3A_631 : i32
      %dma_start3A_633 = arith.constant 0 : i32
      %dma_start3A_634 = tpu.memref_slice %arg4[%select_n3A, %add3A_632, %add3A_612, %dma_start3A_633] : memref<8x64x32x4096xf32, #tpu.memory_space<hbm>> -> memref<1x1x1x4096xf32, #tpu.memory_space<hbm>>
      %dma_start3A_635 = tpu.memref_squeeze %dma_start3A_634 : memref<1x1x1x4096xf32, #tpu.memory_space<hbm>> -> memref<4096xf32, #tpu.memory_space<hbm>>
      %dma_start3A_636 = arith.constant 0 : i32
      %dma_start3A_637 = tpu.memref_slice %arg4[%select_n3A, %add3A_632, %add3A_612, %dma_start3A_636] : memref<8x64x32x4096xf32, #tpu.memory_space<hbm>> -> memref<1x1x1x4096xf32, #tpu.memory_space<hbm>>
      %dma_start3A_638 = tpu.memref_squeeze %dma_start3A_637 : memref<1x1x1x4096xf32, #tpu.memory_space<hbm>> -> memref<4096xf32, #tpu.memory_space<hbm>>
      tpu.enqueue_dma source(%arg11 : memref<4096xf32, #tpu.memory_space<vmem>>) target(%dma_start3A_638 : memref<4096xf32, #tpu.memory_space<hbm>>) target_semaphore(%arg21 : memref<!tpu.dma_semaphore, #tpu.memory_space<semaphore_mem>>)
      %add3A_639 = arith.constant 1 : i32
      %add3A_640 = arith.addi %add3A_112, %add3A_639 : i32
      %dma_start3A_641 = arith.constant 0 : i32
      %dma_start3A_642 = tpu.memref_slice %arg4[%select_n3A, %add3A_640, %add3A_612, %dma_start3A_641] : memref<8x64x32x4096xf32, #tpu.memory_space<hbm>> -> memref<1x1x1x4096xf32, #tpu.memory_space<hbm>>
      %dma_start3A_643 = tpu.memref_squeeze %dma_start3A_642 : memref<1x1x1x4096xf32, #tpu.memory_space<hbm>> -> memref<4096xf32, #tpu.memory_space<hbm>>
      %dma_start3A_644 = arith.constant 0 : i32
      %dma_start3A_645 = tpu.memref_slice %arg4[%select_n3A, %add3A_640, %add3A_612, %dma_start3A_644] : memref<8x64x32x4096xf32, #tpu.memory_space<hbm>> -> memref<1x1x1x4096xf32, #tpu.memory_space<hbm>>
      %dma_start3A_646 = tpu.memref_squeeze %dma_start3A_645 : memref<1x1x1x4096xf32, #tpu.memory_space<hbm>> -> memref<4096xf32, #tpu.memory_space<hbm>>
      tpu.enqueue_dma source(%arg12 : memref<4096xf32, #tpu.memory_space<vmem>>) target(%dma_start3A_646 : memref<4096xf32, #tpu.memory_space<hbm>>) target_semaphore(%arg21 : memref<!tpu.dma_semaphore, #tpu.memory_space<semaphore_mem>>)
      %add3A_647 = arith.constant 2 : i32
      %add3A_648 = arith.addi %add3A_112, %add3A_647 : i32
      %dma_start3A_649 = arith.constant 0 : i32
      %dma_start3A_650 = tpu.memref_slice %arg4[%select_n3A, %add3A_648, %add3A_612, %dma_start3A_649] : memref<8x64x32x4096xf32, #tpu.memory_space<hbm>> -> memref<1x1x1x4096xf32, #tpu.memory_space<hbm>>
      %dma_start3A_651 = tpu.memref_squeeze %dma_start3A_650 : memref<1x1x1x4096xf32, #tpu.memory_space<hbm>> -> memref<4096xf32, #tpu.memory_space<hbm>>
      %dma_start3A_652 = arith.constant 0 : i32
      %dma_start3A_653 = tpu.memref_slice %arg4[%select_n3A, %add3A_648, %add3A_612, %dma_start3A_652] : memref<8x64x32x4096xf32, #tpu.memory_space<hbm>> -> memref<1x1x1x4096xf32, #tpu.memory_space<hbm>>
      %dma_start3A_654 = tpu.memref_squeeze %dma_start3A_653 : memref<1x1x1x4096xf32, #tpu.memory_space<hbm>> -> memref<4096xf32, #tpu.memory_space<hbm>>
      tpu.enqueue_dma source(%arg13 : memref<4096xf32, #tpu.memory_space<vmem>>) target(%dma_start3A_654 : memref<4096xf32, #tpu.memory_space<hbm>>) target_semaphore(%arg21 : memref<!tpu.dma_semaphore, #tpu.memory_space<semaphore_mem>>)
      %add3A_655 = arith.constant 3 : i32
      %add3A_656 = arith.addi %add3A_112, %add3A_655 : i32
      %dma_start3A_657 = arith.constant 0 : i32
      %dma_start3A_658 = tpu.memref_slice %arg4[%select_n3A, %add3A_656, %add3A_612, %dma_start3A_657] : memref<8x64x32x4096xf32, #tpu.memory_space<hbm>> -> memref<1x1x1x4096xf32, #tpu.memory_space<hbm>>
      %dma_start3A_659 = tpu.memref_squeeze %dma_start3A_658 : memref<1x1x1x4096xf32, #tpu.memory_space<hbm>> -> memref<4096xf32, #tpu.memory_space<hbm>>
      %dma_start3A_660 = arith.constant 0 : i32
      %dma_start3A_661 = tpu.memref_slice %arg4[%select_n3A, %add3A_656, %add3A_612, %dma_start3A_660] : memref<8x64x32x4096xf32, #tpu.memory_space<hbm>> -> memref<1x1x1x4096xf32, #tpu.memory_space<hbm>>
      %dma_start3A_662 = tpu.memref_squeeze %dma_start3A_661 : memref<1x1x1x4096xf32, #tpu.memory_space<hbm>> -> memref<4096xf32, #tpu.memory_space<hbm>>
      tpu.enqueue_dma source(%arg14 : memref<4096xf32, #tpu.memory_space<vmem>>) target(%dma_start3A_662 : memref<4096xf32, #tpu.memory_space<hbm>>) target_semaphore(%arg21 : memref<!tpu.dma_semaphore, #tpu.memory_space<semaphore_mem>>)
      %mul3A_663 = arith.constant 2 : i32
      %mul3A_664 = arith.muli %scan3A_608, %mul3A_663 : i32
      %add3A_665 = arith.constant 1 : i32
      %add3A_666 = arith.addi %mul3A_664, %add3A_665 : i32
      %add3A_667 = arith.constant 1 : i32
      %add3A_668 = arith.addi %add3A_666, %add3A_667 : i32
      %lt3A_669 = arith.constant 32 : i32
      %lt3A_670 = arith.cmpi slt, %add3A_668, %lt3A_669 : i32
      %convert_element_type3A_671 = arith.extui %lt3A_670 : i1 to i32
      %cond3A_672 = arith.constant 0 : i32
      %cond3A_673 = arith.cmpi ne, %convert_element_type3A_671, %cond3A_672 : i32
      scf.if %cond3A_673 {
        %add3A_721 = arith.constant 1 : i32
        %add3A_722 = arith.addi %add3A_666, %add3A_721 : i32
        %dma_start3A_723 = arith.constant 0 : i32
        %dma_start3A_724 = tpu.memref_slice %arg3[%select_n3A, %add3A_722, %dma_start3A_723] : memref<8x32x4096xi32, #tpu.memory_space<hbm>> -> memref<1x1x4096xi32, #tpu.memory_space<hbm>>
        %dma_start3A_725 = tpu.memref_squeeze %dma_start3A_724 : memref<1x1x4096xi32, #tpu.memory_space<hbm>> -> memref<4096xi32, #tpu.memory_space<hbm>>
        %dma_start3A_726 = arith.constant 0 : i32
        %dma_start3A_727 = tpu.memref_slice %arg3[%select_n3A, %add3A_722, %dma_start3A_726] : memref<8x32x4096xi32, #tpu.memory_space<hbm>> -> memref<1x1x4096xi32, #tpu.memory_space<hbm>>
        %dma_start3A_728 = tpu.memref_squeeze %dma_start3A_727 : memref<1x1x4096xi32, #tpu.memory_space<hbm>> -> memref<4096xi32, #tpu.memory_space<hbm>>
        tpu.enqueue_dma source(%dma_start3A_728 : memref<4096xi32, #tpu.memory_space<hbm>>) target(%arg5 : memref<4096xi32, #tpu.memory_space<vmem>>) target_semaphore(%arg20 : memref<!tpu.dma_semaphore, #tpu.memory_space<semaphore_mem>>)
      } else {
      }
      %dma_wait3A_674 = arith.constant 0 : i32
      %dma_wait3A_675 = arith.constant 0 : i32
      %dma_wait3A_676 = tpu.memref_slice %arg3[%select_n3A, %dma_wait3A_674, %dma_wait3A_675] : memref<8x32x4096xi32, #tpu.memory_space<hbm>> -> memref<1x1x4096xi32, #tpu.memory_space<hbm>>
      %dma_wait3A_677 = tpu.memref_squeeze %dma_wait3A_676 : memref<1x1x4096xi32, #tpu.memory_space<hbm>> -> memref<4096xi32, #tpu.memory_space<hbm>>
      %dma_wait3A_678 = arith.constant 0 : i32
      %dma_wait3A_679 = tpu.memref_slice %arg3[%select_n3A, %dma_wait3A_674, %dma_wait3A_678] : memref<8x32x4096xi32, #tpu.memory_space<hbm>> -> memref<1x1x4096xi32, #tpu.memory_space<hbm>>
      %dma_wait3A_680 = tpu.memref_squeeze %dma_wait3A_679 : memref<1x1x4096xi32, #tpu.memory_space<hbm>> -> memref<4096xi32, #tpu.memory_space<hbm>>
      tpu.wait_dma2 semaphore(%arg20 : memref<!tpu.dma_semaphore, #tpu.memory_space<semaphore_mem>>) src(%dma_wait3A_680 : memref<4096xi32, #tpu.memory_space<hbm>>) dst(%arg6 : memref<4096xi32, #tpu.memory_space<vmem>>)
      %gt3A_681 = arith.constant 0 : i32
      %gt3A_682 = arith.cmpi sgt, %scan3A_608, %gt3A_681 : i32
      %convert_element_type3A_683 = arith.extui %gt3A_682 : i1 to i32
      %cond3A_684 = arith.constant 0 : i32
      %cond3A_685 = arith.cmpi ne, %convert_element_type3A_683, %cond3A_684 : i32
      scf.if %cond3A_685 {
        %dma_wait3A_721 = arith.constant 0 : i32
        %dma_wait3A_722 = arith.constant 0 : i32
        %dma_wait3A_723 = arith.constant 0 : i32
        %dma_wait3A_724 = tpu.memref_slice %arg4[%select_n3A, %dma_wait3A_721, %dma_wait3A_722, %dma_wait3A_723] : memref<8x64x32x4096xf32, #tpu.memory_space<hbm>> -> memref<1x1x1x4096xf32, #tpu.memory_space<hbm>>
        %dma_wait3A_725 = tpu.memref_squeeze %dma_wait3A_724 : memref<1x1x1x4096xf32, #tpu.memory_space<hbm>> -> memref<4096xf32, #tpu.memory_space<hbm>>
        %dma_wait3A_726 = arith.constant 0 : i32
        %dma_wait3A_727 = tpu.memref_slice %arg4[%select_n3A, %dma_wait3A_721, %dma_wait3A_722, %dma_wait3A_726] : memref<8x64x32x4096xf32, #tpu.memory_space<hbm>> -> memref<1x1x1x4096xf32, #tpu.memory_space<hbm>>
        %dma_wait3A_728 = tpu.memref_squeeze %dma_wait3A_727 : memref<1x1x1x4096xf32, #tpu.memory_space<hbm>> -> memref<4096xf32, #tpu.memory_space<hbm>>
        tpu.wait_dma2 semaphore(%arg22 : memref<!tpu.dma_semaphore, #tpu.memory_space<semaphore_mem>>) src(%arg15 : memref<4096xf32, #tpu.memory_space<vmem>>) dst(%dma_wait3A_728 : memref<4096xf32, #tpu.memory_space<hbm>>)
        %dma_wait3A_729 = arith.constant 0 : i32
        %dma_wait3A_730 = arith.constant 0 : i32
        %dma_wait3A_731 = arith.constant 0 : i32
        %dma_wait3A_732 = tpu.memref_slice %arg4[%select_n3A, %dma_wait3A_729, %dma_wait3A_730, %dma_wait3A_731] : memref<8x64x32x4096xf32, #tpu.memory_space<hbm>> -> memref<1x1x1x4096xf32, #tpu.memory_space<hbm>>
        %dma_wait3A_733 = tpu.memref_squeeze %dma_wait3A_732 : memref<1x1x1x4096xf32, #tpu.memory_space<hbm>> -> memref<4096xf32, #tpu.memory_space<hbm>>
        %dma_wait3A_734 = arith.constant 0 : i32
        %dma_wait3A_735 = tpu.memref_slice %arg4[%select_n3A, %dma_wait3A_729, %dma_wait3A_730, %dma_wait3A_734] : memref<8x64x32x4096xf32, #tpu.memory_space<hbm>> -> memref<1x1x1x4096xf32, #tpu.memory_space<hbm>>
        %dma_wait3A_736 = tpu.memref_squeeze %dma_wait3A_735 : memref<1x1x1x4096xf32, #tpu.memory_space<hbm>> -> memref<4096xf32, #tpu.memory_space<hbm>>
        tpu.wait_dma2 semaphore(%arg22 : memref<!tpu.dma_semaphore, #tpu.memory_space<semaphore_mem>>) src(%arg16 : memref<4096xf32, #tpu.memory_space<vmem>>) dst(%dma_wait3A_736 : memref<4096xf32, #tpu.memory_space<hbm>>)
        %dma_wait3A_737 = arith.constant 0 : i32
        %dma_wait3A_738 = arith.constant 0 : i32
        %dma_wait3A_739 = arith.constant 0 : i32
        %dma_wait3A_740 = tpu.memref_slice %arg4[%select_n3A, %dma_wait3A_737, %dma_wait3A_738, %dma_wait3A_739] : memref<8x64x32x4096xf32, #tpu.memory_space<hbm>> -> memref<1x1x1x4096xf32, #tpu.memory_space<hbm>>
        %dma_wait3A_741 = tpu.memref_squeeze %dma_wait3A_740 : memref<1x1x1x4096xf32, #tpu.memory_space<hbm>> -> memref<4096xf32, #tpu.memory_space<hbm>>
        %dma_wait3A_742 = arith.constant 0 : i32
        %dma_wait3A_743 = tpu.memref_slice %arg4[%select_n3A, %dma_wait3A_737, %dma_wait3A_738, %dma_wait3A_742] : memref<8x64x32x4096xf32, #tpu.memory_space<hbm>> -> memref<1x1x1x4096xf32, #tpu.memory_space<hbm>>
        %dma_wait3A_744 = tpu.memref_squeeze %dma_wait3A_743 : memref<1x1x1x4096xf32, #tpu.memory_space<hbm>> -> memref<4096xf32, #tpu.memory_space<hbm>>
        tpu.wait_dma2 semaphore(%arg22 : memref<!tpu.dma_semaphore, #tpu.memory_space<semaphore_mem>>) src(%arg17 : memref<4096xf32, #tpu.memory_space<vmem>>) dst(%dma_wait3A_744 : memref<4096xf32, #tpu.memory_space<hbm>>)
        %dma_wait3A_745 = arith.constant 0 : i32
        %dma_wait3A_746 = arith.constant 0 : i32
        %dma_wait3A_747 = arith.constant 0 : i32
        %dma_wait3A_748 = tpu.memref_slice %arg4[%select_n3A, %dma_wait3A_745, %dma_wait3A_746, %dma_wait3A_747] : memref<8x64x32x4096xf32, #tpu.memory_space<hbm>> -> memref<1x1x1x4096xf32, #tpu.memory_space<hbm>>
        %dma_wait3A_749 = tpu.memref_squeeze %dma_wait3A_748 : memref<1x1x1x4096xf32, #tpu.memory_space<hbm>> -> memref<4096xf32, #tpu.memory_space<hbm>>
        %dma_wait3A_750 = arith.constant 0 : i32
        %dma_wait3A_751 = tpu.memref_slice %arg4[%select_n3A, %dma_wait3A_745, %dma_wait3A_746, %dma_wait3A_750] : memref<8x64x32x4096xf32, #tpu.memory_space<hbm>> -> memref<1x1x1x4096xf32, #tpu.memory_space<hbm>>
        %dma_wait3A_752 = tpu.memref_squeeze %dma_wait3A_751 : memref<1x1x1x4096xf32, #tpu.memory_space<hbm>> -> memref<4096xf32, #tpu.memory_space<hbm>>
        tpu.wait_dma2 semaphore(%arg22 : memref<!tpu.dma_semaphore, #tpu.memory_space<semaphore_mem>>) src(%arg18 : memref<4096xf32, #tpu.memory_space<vmem>>) dst(%dma_wait3A_752 : memref<4096xf32, #tpu.memory_space<hbm>>)
      } else {
      }
      %parallel_loop3A_686 = arith.constant 0 : i32
      %parallel_loop3A_687 = arith.constant 256 : i32
      %parallel_loop3A_688 = arith.constant 1 : i32
      scf.for %parallel_loop3A_721 = %parallel_loop3A_686 to %parallel_loop3A_687 step %parallel_loop3A_688  : i32 {
        %parallel_loop3A_722 = arith.constant 16 : i32
        %parallel_loop3A_723 = arith.muli %parallel_loop3A_721, %parallel_loop3A_722 : i32
        %parallel_loop3A_724 = arith.index_cast %parallel_loop3A_723 : i32 to index
        %parallel_loop3A_725 = tpu.vector_load %arg6[%parallel_loop3A_724] {strides = array<i32>} : memref<4096xi32, #tpu.memory_space<vmem>>, vector<16xi32>,
        %parallel_loop3A_726 = tpu.vector_load_idx %arg7[%parallel_loop3A_725] : memref<16384xf32, #tpu.memory_space<vmem>>[vector<16xi32>], vector<16xf32>,
        %parallel_loop3A_727 = arith.constant 16 : i32
        %parallel_loop3A_728 = arith.muli %parallel_loop3A_721, %parallel_loop3A_727 : i32
        %parallel_loop3A_729 = arith.index_cast %parallel_loop3A_728 : i32 to index
        %parallel_loop3A_730 = tpu.vector_load %arg15[%parallel_loop3A_729] {strides = array<i32>} : memref<4096xf32, #tpu.memory_space<vmem>>, vector<16xf32>,
        tpu.vector_store %arg15[%parallel_loop3A_729], %parallel_loop3A_726 {strides = array<i32>} : memref<4096xf32, #tpu.memory_space<vmem>>, vector<16xf32>,
        %parallel_loop3A_731 = tpu.vector_load_idx %arg8[%parallel_loop3A_725] : memref<16384xf32, #tpu.memory_space<vmem>>[vector<16xi32>], vector<16xf32>,
        %parallel_loop3A_732 = arith.constant 16 : i32
        %parallel_loop3A_733 = arith.muli %parallel_loop3A_721, %parallel_loop3A_732 : i32
        %parallel_loop3A_734 = arith.index_cast %parallel_loop3A_733 : i32 to index
        %parallel_loop3A_735 = tpu.vector_load %arg16[%parallel_loop3A_734] {strides = array<i32>} : memref<4096xf32, #tpu.memory_space<vmem>>, vector<16xf32>,
        tpu.vector_store %arg16[%parallel_loop3A_734], %parallel_loop3A_731 {strides = array<i32>} : memref<4096xf32, #tpu.memory_space<vmem>>, vector<16xf32>,
        %parallel_loop3A_736 = tpu.vector_load_idx %arg9[%parallel_loop3A_725] : memref<16384xf32, #tpu.memory_space<vmem>>[vector<16xi32>], vector<16xf32>,
        %parallel_loop3A_737 = arith.constant 16 : i32
        %parallel_loop3A_738 = arith.muli %parallel_loop3A_721, %parallel_loop3A_737 : i32
        %parallel_loop3A_739 = arith.index_cast %parallel_loop3A_738 : i32 to index
        %parallel_loop3A_740 = tpu.vector_load %arg17[%parallel_loop3A_739] {strides = array<i32>} : memref<4096xf32, #tpu.memory_space<vmem>>, vector<16xf32>,
        tpu.vector_store %arg17[%parallel_loop3A_739], %parallel_loop3A_736 {strides = array<i32>} : memref<4096xf32, #tpu.memory_space<vmem>>, vector<16xf32>,
        %parallel_loop3A_741 = tpu.vector_load_idx %arg10[%parallel_loop3A_725] : memref<16384xf32, #tpu.memory_space<vmem>>[vector<16xi32>], vector<16xf32>,
        %parallel_loop3A_742 = arith.constant 16 : i32
        %parallel_loop3A_743 = arith.muli %parallel_loop3A_721, %parallel_loop3A_742 : i32
        %parallel_loop3A_744 = arith.index_cast %parallel_loop3A_743 : i32 to index
        %parallel_loop3A_745 = tpu.vector_load %arg18[%parallel_loop3A_744] {strides = array<i32>} : memref<4096xf32, #tpu.memory_space<vmem>>, vector<16xf32>,
        tpu.vector_store %arg18[%parallel_loop3A_744], %parallel_loop3A_741 {strides = array<i32>} : memref<4096xf32, #tpu.memory_space<vmem>>, vector<16xf32>,
      } {sc.loop_unroll_factor = 16 : i64, sc.parallel_access}
      %add3A_689 = arith.constant 0 : i32
      %add3A_690 = arith.addi %add3A_112, %add3A_689 : i32
      %dma_start3A_691 = arith.constant 0 : i32
      %dma_start3A_692 = tpu.memref_slice %arg4[%select_n3A, %add3A_690, %add3A_666, %dma_start3A_691] : memref<8x64x32x4096xf32, #tpu.memory_space<hbm>> -> memref<1x1x1x4096xf32, #tpu.memory_space<hbm>>
      %dma_start3A_693 = tpu.memref_squeeze %dma_start3A_692 : memref<1x1x1x4096xf32, #tpu.memory_space<hbm>> -> memref<4096xf32, #tpu.memory_space<hbm>>
      %dma_start3A_694 = arith.constant 0 : i32
      %dma_start3A_695 = tpu.memref_slice %arg4[%select_n3A, %add3A_690, %add3A_666, %dma_start3A_694] : memref<8x64x32x4096xf32, #tpu.memory_space<hbm>> -> memref<1x1x1x4096xf32, #tpu.memory_space<hbm>>
      %dma_start3A_696 = tpu.memref_squeeze %dma_start3A_695 : memref<1x1x1x4096xf32, #tpu.memory_space<hbm>> -> memref<4096xf32, #tpu.memory_space<hbm>>
      tpu.enqueue_dma source(%arg15 : memref<4096xf32, #tpu.memory_space<vmem>>) target(%dma_start3A_696 : memref<4096xf32, #tpu.memory_space<hbm>>) target_semaphore(%arg22 : memref<!tpu.dma_semaphore, #tpu.memory_space<semaphore_mem>>)
      %add3A_697 = arith.constant 1 : i32
      %add3A_698 = arith.addi %add3A_112, %add3A_697 : i32
      %dma_start3A_699 = arith.constant 0 : i32
      %dma_start3A_700 = tpu.memref_slice %arg4[%select_n3A, %add3A_698, %add3A_666, %dma_start3A_699] : memref<8x64x32x4096xf32, #tpu.memory_space<hbm>> -> memref<1x1x1x4096xf32, #tpu.memory_space<hbm>>
      %dma_start3A_701 = tpu.memref_squeeze %dma_start3A_700 : memref<1x1x1x4096xf32, #tpu.memory_space<hbm>> -> memref<4096xf32, #tpu.memory_space<hbm>>
      %dma_start3A_702 = arith.constant 0 : i32
      %dma_start3A_703 = tpu.memref_slice %arg4[%select_n3A, %add3A_698, %add3A_666, %dma_start3A_702] : memref<8x64x32x4096xf32, #tpu.memory_space<hbm>> -> memref<1x1x1x4096xf32, #tpu.memory_space<hbm>>
      %dma_start3A_704 = tpu.memref_squeeze %dma_start3A_703 : memref<1x1x1x4096xf32, #tpu.memory_space<hbm>> -> memref<4096xf32, #tpu.memory_space<hbm>>
      tpu.enqueue_dma source(%arg16 : memref<4096xf32, #tpu.memory_space<vmem>>) target(%dma_start3A_704 : memref<4096xf32, #tpu.memory_space<hbm>>) target_semaphore(%arg22 : memref<!tpu.dma_semaphore, #tpu.memory_space<semaphore_mem>>)
      %add3A_705 = arith.constant 2 : i32
      %add3A_706 = arith.addi %add3A_112, %add3A_705 : i32
      %dma_start3A_707 = arith.constant 0 : i32
      %dma_start3A_708 = tpu.memref_slice %arg4[%select_n3A, %add3A_706, %add3A_666, %dma_start3A_707] : memref<8x64x32x4096xf32, #tpu.memory_space<hbm>> -> memref<1x1x1x4096xf32, #tpu.memory_space<hbm>>
      %dma_start3A_709 = tpu.memref_squeeze %dma_start3A_708 : memref<1x1x1x4096xf32, #tpu.memory_space<hbm>> -> memref<4096xf32, #tpu.memory_space<hbm>>
      %dma_start3A_710 = arith.constant 0 : i32
      %dma_start3A_711 = tpu.memref_slice %arg4[%select_n3A, %add3A_706, %add3A_666, %dma_start3A_710] : memref<8x64x32x4096xf32, #tpu.memory_space<hbm>> -> memref<1x1x1x4096xf32, #tpu.memory_space<hbm>>
      %dma_start3A_712 = tpu.memref_squeeze %dma_start3A_711 : memref<1x1x1x4096xf32, #tpu.memory_space<hbm>> -> memref<4096xf32, #tpu.memory_space<hbm>>
      tpu.enqueue_dma source(%arg17 : memref<4096xf32, #tpu.memory_space<vmem>>) target(%dma_start3A_712 : memref<4096xf32, #tpu.memory_space<hbm>>) target_semaphore(%arg22 : memref<!tpu.dma_semaphore, #tpu.memory_space<semaphore_mem>>)
      %add3A_713 = arith.constant 3 : i32
      %add3A_714 = arith.addi %add3A_112, %add3A_713 : i32
      %dma_start3A_715 = arith.constant 0 : i32
      %dma_start3A_716 = tpu.memref_slice %arg4[%select_n3A, %add3A_714, %add3A_666, %dma_start3A_715] : memref<8x64x32x4096xf32, #tpu.memory_space<hbm>> -> memref<1x1x1x4096xf32, #tpu.memory_space<hbm>>
      %dma_start3A_717 = tpu.memref_squeeze %dma_start3A_716 : memref<1x1x1x4096xf32, #tpu.memory_space<hbm>> -> memref<4096xf32, #tpu.memory_space<hbm>>
      %dma_start3A_718 = arith.constant 0 : i32
      %dma_start3A_719 = tpu.memref_slice %arg4[%select_n3A, %add3A_714, %add3A_666, %dma_start3A_718] : memref<8x64x32x4096xf32, #tpu.memory_space<hbm>> -> memref<1x1x1x4096xf32, #tpu.memory_space<hbm>>
      %dma_start3A_720 = tpu.memref_squeeze %dma_start3A_719 : memref<1x1x1x4096xf32, #tpu.memory_space<hbm>> -> memref<4096xf32, #tpu.memory_space<hbm>>
      tpu.enqueue_dma source(%arg18 : memref<4096xf32, #tpu.memory_space<vmem>>) target(%dma_start3A_720 : memref<4096xf32, #tpu.memory_space<hbm>>) target_semaphore(%arg22 : memref<!tpu.dma_semaphore, #tpu.memory_space<semaphore_mem>>)
    }
    %scan3A_253 = arith.constant 16 : i32
    %mul3A_254 = arith.constant 16 : i32
    %mul3A_255 = arith.muli %select_n3A_30, %mul3A_254 : i32
    %add3A_256 = arith.constant 8 : i32
    %add3A_257 = arith.addi %mul3A_255, %add3A_256 : i32
    %add3A_258 = arith.constant 0 : i32
    %add3A_259 = arith.addi %add3A_257, %add3A_258 : i32
    %dma_start3A_260 = arith.constant 0 : i32
    %dma_start3A_261 = tpu.memref_slice %arg2[%select_n3A, %add3A_259, %dma_start3A_260] : memref<8x64x16384xf32, #tpu.memory_space<hbm>> -> memref<1x1x16384xf32, #tpu.memory_space<hbm>>
    %dma_start3A_262 = tpu.memref_squeeze %dma_start3A_261 : memref<1x1x16384xf32, #tpu.memory_space<hbm>> -> memref<16384xf32, #tpu.memory_space<hbm>>
    %dma_start3A_263 = arith.constant 0 : i32
    %dma_start3A_264 = tpu.memref_slice %arg2[%select_n3A, %add3A_259, %dma_start3A_263] : memref<8x64x16384xf32, #tpu.memory_space<hbm>> -> memref<1x1x16384xf32, #tpu.memory_space<hbm>>
    %dma_start3A_265 = tpu.memref_squeeze %dma_start3A_264 : memref<1x1x16384xf32, #tpu.memory_space<hbm>> -> memref<16384xf32, #tpu.memory_space<hbm>>
    tpu.enqueue_dma source(%dma_start3A_265 : memref<16384xf32, #tpu.memory_space<hbm>>) target(%arg7 : memref<16384xf32, #tpu.memory_space<vmem>>) target_semaphore(%arg19 : memref<!tpu.dma_semaphore, #tpu.memory_space<semaphore_mem>>)
    %add3A_266 = arith.constant 1 : i32
    %add3A_267 = arith.addi %add3A_257, %add3A_266 : i32
    %dma_start3A_268 = arith.constant 0 : i32
    %dma_start3A_269 = tpu.memref_slice %arg2[%select_n3A, %add3A_267, %dma_start3A_268] : memref<8x64x16384xf32, #tpu.memory_space<hbm>> -> memref<1x1x16384xf32, #tpu.memory_space<hbm>>
    %dma_start3A_270 = tpu.memref_squeeze %dma_start3A_269 : memref<1x1x16384xf32, #tpu.memory_space<hbm>> -> memref<16384xf32, #tpu.memory_space<hbm>>
    %dma_start3A_271 = arith.constant 0 : i32
    %dma_start3A_272 = tpu.memref_slice %arg2[%select_n3A, %add3A_267, %dma_start3A_271] : memref<8x64x16384xf32, #tpu.memory_space<hbm>> -> memref<1x1x16384xf32, #tpu.memory_space<hbm>>
    %dma_start3A_273 = tpu.memref_squeeze %dma_start3A_272 : memref<1x1x16384xf32, #tpu.memory_space<hbm>> -> memref<16384xf32, #tpu.memory_space<hbm>>
    tpu.enqueue_dma source(%dma_start3A_273 : memref<16384xf32, #tpu.memory_space<hbm>>) target(%arg8 : memref<16384xf32, #tpu.memory_space<vmem>>) target_semaphore(%arg19 : memref<!tpu.dma_semaphore, #tpu.memory_space<semaphore_mem>>)
    %add3A_274 = arith.constant 2 : i32
    %add3A_275 = arith.addi %add3A_257, %add3A_274 : i32
    %dma_start3A_276 = arith.constant 0 : i32
    %dma_start3A_277 = tpu.memref_slice %arg2[%select_n3A, %add3A_275, %dma_start3A_276] : memref<8x64x16384xf32, #tpu.memory_space<hbm>> -> memref<1x1x16384xf32, #tpu.memory_space<hbm>>
    %dma_start3A_278 = tpu.memref_squeeze %dma_start3A_277 : memref<1x1x16384xf32, #tpu.memory_space<hbm>> -> memref<16384xf32, #tpu.memory_space<hbm>>
    %dma_start3A_279 = arith.constant 0 : i32
    %dma_start3A_280 = tpu.memref_slice %arg2[%select_n3A, %add3A_275, %dma_start3A_279] : memref<8x64x16384xf32, #tpu.memory_space<hbm>> -> memref<1x1x16384xf32, #tpu.memory_space<hbm>>
    %dma_start3A_281 = tpu.memref_squeeze %dma_start3A_280 : memref<1x1x16384xf32, #tpu.memory_space<hbm>> -> memref<16384xf32, #tpu.memory_space<hbm>>
    tpu.enqueue_dma source(%dma_start3A_281 : memref<16384xf32, #tpu.memory_space<hbm>>) target(%arg9 : memref<16384xf32, #tpu.memory_space<vmem>>) target_semaphore(%arg19 : memref<!tpu.dma_semaphore, #tpu.memory_space<semaphore_mem>>)
    %add3A_282 = arith.constant 3 : i32
    %add3A_283 = arith.addi %add3A_257, %add3A_282 : i32
    %dma_start3A_284 = arith.constant 0 : i32
    %dma_start3A_285 = tpu.memref_slice %arg2[%select_n3A, %add3A_283, %dma_start3A_284] : memref<8x64x16384xf32, #tpu.memory_space<hbm>> -> memref<1x1x16384xf32, #tpu.memory_space<hbm>>
    %dma_start3A_286 = tpu.memref_squeeze %dma_start3A_285 : memref<1x1x16384xf32, #tpu.memory_space<hbm>> -> memref<16384xf32, #tpu.memory_space<hbm>>
    %dma_start3A_287 = arith.constant 0 : i32
    %dma_start3A_288 = tpu.memref_slice %arg2[%select_n3A, %add3A_283, %dma_start3A_287] : memref<8x64x16384xf32, #tpu.memory_space<hbm>> -> memref<1x1x16384xf32, #tpu.memory_space<hbm>>
    %dma_start3A_289 = tpu.memref_squeeze %dma_start3A_288 : memref<1x1x16384xf32, #tpu.memory_space<hbm>> -> memref<16384xf32, #tpu.memory_space<hbm>>
    tpu.enqueue_dma source(%dma_start3A_289 : memref<16384xf32, #tpu.memory_space<hbm>>) target(%arg10 : memref<16384xf32, #tpu.memory_space<vmem>>) target_semaphore(%arg19 : memref<!tpu.dma_semaphore, #tpu.memory_space<semaphore_mem>>)
    %dma_wait3A_290 = arith.constant 0 : i32
    %dma_wait3A_291 = arith.constant 0 : i32
    %dma_wait3A_292 = arith.constant 0 : i32
    %dma_wait3A_293 = tpu.memref_slice %arg4[%select_n3A, %dma_wait3A_290, %dma_wait3A_291, %dma_wait3A_292] : memref<8x64x32x4096xf32, #tpu.memory_space<hbm>> -> memref<1x1x1x4096xf32, #tpu.memory_space<hbm>>
    %dma_wait3A_294 = tpu.memref_squeeze %dma_wait3A_293 : memref<1x1x1x4096xf32, #tpu.memory_space<hbm>> -> memref<4096xf32, #tpu.memory_space<hbm>>
    %dma_wait3A_295 = arith.constant 0 : i32
    %dma_wait3A_296 = tpu.memref_slice %arg4[%select_n3A, %dma_wait3A_290, %dma_wait3A_291, %dma_wait3A_295] : memref<8x64x32x4096xf32, #tpu.memory_space<hbm>> -> memref<1x1x1x4096xf32, #tpu.memory_space<hbm>>
    %dma_wait3A_297 = tpu.memref_squeeze %dma_wait3A_296 : memref<1x1x1x4096xf32, #tpu.memory_space<hbm>> -> memref<4096xf32, #tpu.memory_space<hbm>>
    tpu.wait_dma2 semaphore(%arg21 : memref<!tpu.dma_semaphore, #tpu.memory_space<semaphore_mem>>) src(%arg11 : memref<4096xf32, #tpu.memory_space<vmem>>) dst(%dma_wait3A_297 : memref<4096xf32, #tpu.memory_space<hbm>>)
    %dma_wait3A_298 = arith.constant 0 : i32
    %dma_wait3A_299 = arith.constant 0 : i32
    %dma_wait3A_300 = arith.constant 0 : i32
    %dma_wait3A_301 = tpu.memref_slice %arg4[%select_n3A, %dma_wait3A_298, %dma_wait3A_299, %dma_wait3A_300] : memref<8x64x32x4096xf32, #tpu.memory_space<hbm>> -> memref<1x1x1x4096xf32, #tpu.memory_space<hbm>>
    %dma_wait3A_302 = tpu.memref_squeeze %dma_wait3A_301 : memref<1x1x1x4096xf32, #tpu.memory_space<hbm>> -> memref<4096xf32, #tpu.memory_space<hbm>>
    %dma_wait3A_303 = arith.constant 0 : i32
    %dma_wait3A_304 = tpu.memref_slice %arg4[%select_n3A, %dma_wait3A_298, %dma_wait3A_299, %dma_wait3A_303] : memref<8x64x32x4096xf32, #tpu.memory_space<hbm>> -> memref<1x1x1x4096xf32, #tpu.memory_space<hbm>>
    %dma_wait3A_305 = tpu.memref_squeeze %dma_wait3A_304 : memref<1x1x1x4096xf32, #tpu.memory_space<hbm>> -> memref<4096xf32, #tpu.memory_space<hbm>>
    tpu.wait_dma2 semaphore(%arg21 : memref<!tpu.dma_semaphore, #tpu.memory_space<semaphore_mem>>) src(%arg12 : memref<4096xf32, #tpu.memory_space<vmem>>) dst(%dma_wait3A_305 : memref<4096xf32, #tpu.memory_space<hbm>>)
    %dma_wait3A_306 = arith.constant 0 : i32
    %dma_wait3A_307 = arith.constant 0 : i32
    %dma_wait3A_308 = arith.constant 0 : i32
    %dma_wait3A_309 = tpu.memref_slice %arg4[%select_n3A, %dma_wait3A_306, %dma_wait3A_307, %dma_wait3A_308] : memref<8x64x32x4096xf32, #tpu.memory_space<hbm>> -> memref<1x1x1x4096xf32, #tpu.memory_space<hbm>>
    %dma_wait3A_310 = tpu.memref_squeeze %dma_wait3A_309 : memref<1x1x1x4096xf32, #tpu.memory_space<hbm>> -> memref<4096xf32, #tpu.memory_space<hbm>>
    %dma_wait3A_311 = arith.constant 0 : i32
    %dma_wait3A_312 = tpu.memref_slice %arg4[%select_n3A, %dma_wait3A_306, %dma_wait3A_307, %dma_wait3A_311] : memref<8x64x32x4096xf32, #tpu.memory_space<hbm>> -> memref<1x1x1x4096xf32, #tpu.memory_space<hbm>>
    %dma_wait3A_313 = tpu.memref_squeeze %dma_wait3A_312 : memref<1x1x1x4096xf32, #tpu.memory_space<hbm>> -> memref<4096xf32, #tpu.memory_space<hbm>>
    tpu.wait_dma2 semaphore(%arg21 : memref<!tpu.dma_semaphore, #tpu.memory_space<semaphore_mem>>) src(%arg13 : memref<4096xf32, #tpu.memory_space<vmem>>) dst(%dma_wait3A_313 : memref<4096xf32, #tpu.memory_space<hbm>>)
    %dma_wait3A_314 = arith.constant 0 : i32
    %dma_wait3A_315 = arith.constant 0 : i32
    %dma_wait3A_316 = arith.constant 0 : i32
    %dma_wait3A_317 = tpu.memref_slice %arg4[%select_n3A, %dma_wait3A_314, %dma_wait3A_315, %dma_wait3A_316] : memref<8x64x32x4096xf32, #tpu.memory_space<hbm>> -> memref<1x1x1x4096xf32, #tpu.memory_space<hbm>>
    %dma_wait3A_318 = tpu.memref_squeeze %dma_wait3A_317 : memref<1x1x1x4096xf32, #tpu.memory_space<hbm>> -> memref<4096xf32, #tpu.memory_space<hbm>>
    %dma_wait3A_319 = arith.constant 0 : i32
    %dma_wait3A_320 = tpu.memref_slice %arg4[%select_n3A, %dma_wait3A_314, %dma_wait3A_315, %dma_wait3A_319] : memref<8x64x32x4096xf32, #tpu.memory_space<hbm>> -> memref<1x1x1x4096xf32, #tpu.memory_space<hbm>>
    %dma_wait3A_321 = tpu.memref_squeeze %dma_wait3A_320 : memref<1x1x1x4096xf32, #tpu.memory_space<hbm>> -> memref<4096xf32, #tpu.memory_space<hbm>>
    tpu.wait_dma2 semaphore(%arg21 : memref<!tpu.dma_semaphore, #tpu.memory_space<semaphore_mem>>) src(%arg14 : memref<4096xf32, #tpu.memory_space<vmem>>) dst(%dma_wait3A_321 : memref<4096xf32, #tpu.memory_space<hbm>>)
    %dma_wait3A_322 = arith.constant 0 : i32
    %dma_wait3A_323 = arith.constant 0 : i32
    %dma_wait3A_324 = arith.constant 0 : i32
    %dma_wait3A_325 = tpu.memref_slice %arg4[%select_n3A, %dma_wait3A_322, %dma_wait3A_323, %dma_wait3A_324] : memref<8x64x32x4096xf32, #tpu.memory_space<hbm>> -> memref<1x1x1x4096xf32, #tpu.memory_space<hbm>>
    %dma_wait3A_326 = tpu.memref_squeeze %dma_wait3A_325 : memref<1x1x1x4096xf32, #tpu.memory_space<hbm>> -> memref<4096xf32, #tpu.memory_space<hbm>>
    %dma_wait3A_327 = arith.constant 0 : i32
    %dma_wait3A_328 = tpu.memref_slice %arg4[%select_n3A, %dma_wait3A_322, %dma_wait3A_323, %dma_wait3A_327] : memref<8x64x32x4096xf32, #tpu.memory_space<hbm>> -> memref<1x1x1x4096xf32, #tpu.memory_space<hbm>>
    %dma_wait3A_329 = tpu.memref_squeeze %dma_wait3A_328 : memref<1x1x1x4096xf32, #tpu.memory_space<hbm>> -> memref<4096xf32, #tpu.memory_space<hbm>>
    tpu.wait_dma2 semaphore(%arg22 : memref<!tpu.dma_semaphore, #tpu.memory_space<semaphore_mem>>) src(%arg15 : memref<4096xf32, #tpu.memory_space<vmem>>) dst(%dma_wait3A_329 : memref<4096xf32, #tpu.memory_space<hbm>>)
    %dma_wait3A_330 = arith.constant 0 : i32
    %dma_wait3A_331 = arith.constant 0 : i32
    %dma_wait3A_332 = arith.constant 0 : i32
    %dma_wait3A_333 = tpu.memref_slice %arg4[%select_n3A, %dma_wait3A_330, %dma_wait3A_331, %dma_wait3A_332] : memref<8x64x32x4096xf32, #tpu.memory_space<hbm>> -> memref<1x1x1x4096xf32, #tpu.memory_space<hbm>>
    %dma_wait3A_334 = tpu.memref_squeeze %dma_wait3A_333 : memref<1x1x1x4096xf32, #tpu.memory_space<hbm>> -> memref<4096xf32, #tpu.memory_space<hbm>>
    %dma_wait3A_335 = arith.constant 0 : i32
    %dma_wait3A_336 = tpu.memref_slice %arg4[%select_n3A, %dma_wait3A_330, %dma_wait3A_331, %dma_wait3A_335] : memref<8x64x32x4096xf32, #tpu.memory_space<hbm>> -> memref<1x1x1x4096xf32, #tpu.memory_space<hbm>>
    %dma_wait3A_337 = tpu.memref_squeeze %dma_wait3A_336 : memref<1x1x1x4096xf32, #tpu.memory_space<hbm>> -> memref<4096xf32, #tpu.memory_space<hbm>>
    tpu.wait_dma2 semaphore(%arg22 : memref<!tpu.dma_semaphore, #tpu.memory_space<semaphore_mem>>) src(%arg16 : memref<4096xf32, #tpu.memory_space<vmem>>) dst(%dma_wait3A_337 : memref<4096xf32, #tpu.memory_space<hbm>>)
    %dma_wait3A_338 = arith.constant 0 : i32
    %dma_wait3A_339 = arith.constant 0 : i32
    %dma_wait3A_340 = arith.constant 0 : i32
    %dma_wait3A_341 = tpu.memref_slice %arg4[%select_n3A, %dma_wait3A_338, %dma_wait3A_339, %dma_wait3A_340] : memref<8x64x32x4096xf32, #tpu.memory_space<hbm>> -> memref<1x1x1x4096xf32, #tpu.memory_space<hbm>>
    %dma_wait3A_342 = tpu.memref_squeeze %dma_wait3A_341 : memref<1x1x1x4096xf32, #tpu.memory_space<hbm>> -> memref<4096xf32, #tpu.memory_space<hbm>>
    %dma_wait3A_343 = arith.constant 0 : i32
    %dma_wait3A_344 = tpu.memref_slice %arg4[%select_n3A, %dma_wait3A_338, %dma_wait3A_339, %dma_wait3A_343] : memref<8x64x32x4096xf32, #tpu.memory_space<hbm>> -> memref<1x1x1x4096xf32, #tpu.memory_space<hbm>>
    %dma_wait3A_345 = tpu.memref_squeeze %dma_wait3A_344 : memref<1x1x1x4096xf32, #tpu.memory_space<hbm>> -> memref<4096xf32, #tpu.memory_space<hbm>>
    tpu.wait_dma2 semaphore(%arg22 : memref<!tpu.dma_semaphore, #tpu.memory_space<semaphore_mem>>) src(%arg17 : memref<4096xf32, #tpu.memory_space<vmem>>) dst(%dma_wait3A_345 : memref<4096xf32, #tpu.memory_space<hbm>>)
    %dma_wait3A_346 = arith.constant 0 : i32
    %dma_wait3A_347 = arith.constant 0 : i32
    %dma_wait3A_348 = arith.constant 0 : i32
    %dma_wait3A_349 = tpu.memref_slice %arg4[%select_n3A, %dma_wait3A_346, %dma_wait3A_347, %dma_wait3A_348] : memref<8x64x32x4096xf32, #tpu.memory_space<hbm>> -> memref<1x1x1x4096xf32, #tpu.memory_space<hbm>>
    %dma_wait3A_350 = tpu.memref_squeeze %dma_wait3A_349 : memref<1x1x1x4096xf32, #tpu.memory_space<hbm>> -> memref<4096xf32, #tpu.memory_space<hbm>>
    %dma_wait3A_351 = arith.constant 0 : i32
    %dma_wait3A_352 = tpu.memref_slice %arg4[%select_n3A, %dma_wait3A_346, %dma_wait3A_347, %dma_wait3A_351] : memref<8x64x32x4096xf32, #tpu.memory_space<hbm>> -> memref<1x1x1x4096xf32, #tpu.memory_space<hbm>>
    %dma_wait3A_353 = tpu.memref_squeeze %dma_wait3A_352 : memref<1x1x1x4096xf32, #tpu.memory_space<hbm>> -> memref<4096xf32, #tpu.memory_space<hbm>>
    tpu.wait_dma2 semaphore(%arg22 : memref<!tpu.dma_semaphore, #tpu.memory_space<semaphore_mem>>) src(%arg18 : memref<4096xf32, #tpu.memory_space<vmem>>) dst(%dma_wait3A_353 : memref<4096xf32, #tpu.memory_space<hbm>>)
    %add3A_354 = arith.constant 0 : i32
    %add3A_355 = arith.addi %add3A_257, %add3A_354 : i32
    %dma_wait3A_356 = arith.constant 0 : i32
    %dma_wait3A_357 = tpu.memref_slice %arg2[%select_n3A, %add3A_355, %dma_wait3A_356] : memref<8x64x16384xf32, #tpu.memory_space<hbm>> -> memref<1x1x16384xf32, #tpu.memory_space<hbm>>
    %dma_wait3A_358 = tpu.memref_squeeze %dma_wait3A_357 : memref<1x1x16384xf32, #tpu.memory_space<hbm>> -> memref<16384xf32, #tpu.memory_space<hbm>>
    %dma_wait3A_359 = arith.constant 0 : i32
    %dma_wait3A_360 = tpu.memref_slice %arg2[%select_n3A, %add3A_355, %dma_wait3A_359] : memref<8x64x16384xf32, #tpu.memory_space<hbm>> -> memref<1x1x16384xf32, #tpu.memory_space<hbm>>
    %dma_wait3A_361 = tpu.memref_squeeze %dma_wait3A_360 : memref<1x1x16384xf32, #tpu.memory_space<hbm>> -> memref<16384xf32, #tpu.memory_space<hbm>>
    tpu.wait_dma2 semaphore(%arg19 : memref<!tpu.dma_semaphore, #tpu.memory_space<semaphore_mem>>) src(%dma_wait3A_361 : memref<16384xf32, #tpu.memory_space<hbm>>) dst(%arg7 : memref<16384xf32, #tpu.memory_space<vmem>>)
    %add3A_362 = arith.constant 1 : i32
    %add3A_363 = arith.addi %add3A_257, %add3A_362 : i32
    %dma_wait3A_364 = arith.constant 0 : i32
    %dma_wait3A_365 = tpu.memref_slice %arg2[%select_n3A, %add3A_363, %dma_wait3A_364] : memref<8x64x16384xf32, #tpu.memory_space<hbm>> -> memref<1x1x16384xf32, #tpu.memory_space<hbm>>
    %dma_wait3A_366 = tpu.memref_squeeze %dma_wait3A_365 : memref<1x1x16384xf32, #tpu.memory_space<hbm>> -> memref<16384xf32, #tpu.memory_space<hbm>>
    %dma_wait3A_367 = arith.constant 0 : i32
    %dma_wait3A_368 = tpu.memref_slice %arg2[%select_n3A, %add3A_363, %dma_wait3A_367] : memref<8x64x16384xf32, #tpu.memory_space<hbm>> -> memref<1x1x16384xf32, #tpu.memory_space<hbm>>
    %dma_wait3A_369 = tpu.memref_squeeze %dma_wait3A_368 : memref<1x1x16384xf32, #tpu.memory_space<hbm>> -> memref<16384xf32, #tpu.memory_space<hbm>>
    tpu.wait_dma2 semaphore(%arg19 : memref<!tpu.dma_semaphore, #tpu.memory_space<semaphore_mem>>) src(%dma_wait3A_369 : memref<16384xf32, #tpu.memory_space<hbm>>) dst(%arg8 : memref<16384xf32, #tpu.memory_space<vmem>>)
    %add3A_370 = arith.constant 2 : i32
    %add3A_371 = arith.addi %add3A_257, %add3A_370 : i32
    %dma_wait3A_372 = arith.constant 0 : i32
    %dma_wait3A_373 = tpu.memref_slice %arg2[%select_n3A, %add3A_371, %dma_wait3A_372] : memref<8x64x16384xf32, #tpu.memory_space<hbm>> -> memref<1x1x16384xf32, #tpu.memory_space<hbm>>
    %dma_wait3A_374 = tpu.memref_squeeze %dma_wait3A_373 : memref<1x1x16384xf32, #tpu.memory_space<hbm>> -> memref<16384xf32, #tpu.memory_space<hbm>>
    %dma_wait3A_375 = arith.constant 0 : i32
    %dma_wait3A_376 = tpu.memref_slice %arg2[%select_n3A, %add3A_371, %dma_wait3A_375] : memref<8x64x16384xf32, #tpu.memory_space<hbm>> -> memref<1x1x16384xf32, #tpu.memory_space<hbm>>
    %dma_wait3A_377 = tpu.memref_squeeze %dma_wait3A_376 : memref<1x1x16384xf32, #tpu.memory_space<hbm>> -> memref<16384xf32, #tpu.memory_space<hbm>>
    tpu.wait_dma2 semaphore(%arg19 : memref<!tpu.dma_semaphore, #tpu.memory_space<semaphore_mem>>) src(%dma_wait3A_377 : memref<16384xf32, #tpu.memory_space<hbm>>) dst(%arg9 : memref<16384xf32, #tpu.memory_space<vmem>>)
    %add3A_378 = arith.constant 3 : i32
    %add3A_379 = arith.addi %add3A_257, %add3A_378 : i32
    %dma_wait3A_380 = arith.constant 0 : i32
    %dma_wait3A_381 = tpu.memref_slice %arg2[%select_n3A, %add3A_379, %dma_wait3A_380] : memref<8x64x16384xf32, #tpu.memory_space<hbm>> -> memref<1x1x16384xf32, #tpu.memory_space<hbm>>
    %dma_wait3A_382 = tpu.memref_squeeze %dma_wait3A_381 : memref<1x1x16384xf32, #tpu.memory_space<hbm>> -> memref<16384xf32, #tpu.memory_space<hbm>>
    %dma_wait3A_383 = arith.constant 0 : i32
    %dma_wait3A_384 = tpu.memref_slice %arg2[%select_n3A, %add3A_379, %dma_wait3A_383] : memref<8x64x16384xf32, #tpu.memory_space<hbm>> -> memref<1x1x16384xf32, #tpu.memory_space<hbm>>
    %dma_wait3A_385 = tpu.memref_squeeze %dma_wait3A_384 : memref<1x1x16384xf32, #tpu.memory_space<hbm>> -> memref<16384xf32, #tpu.memory_space<hbm>>
    tpu.wait_dma2 semaphore(%arg19 : memref<!tpu.dma_semaphore, #tpu.memory_space<semaphore_mem>>) src(%dma_wait3A_385 : memref<16384xf32, #tpu.memory_space<hbm>>) dst(%arg10 : memref<16384xf32, #tpu.memory_space<vmem>>)
    %dma_start3A_386 = arith.constant 0 : i32
    %dma_start3A_387 = arith.constant 0 : i32
    %dma_start3A_388 = tpu.memref_slice %arg3[%select_n3A, %dma_start3A_386, %dma_start3A_387] : memref<8x32x4096xi32, #tpu.memory_space<hbm>> -> memref<1x1x4096xi32, #tpu.memory_space<hbm>>
    %dma_start3A_389 = tpu.memref_squeeze %dma_start3A_388 : memref<1x1x4096xi32, #tpu.memory_space<hbm>> -> memref<4096xi32, #tpu.memory_space<hbm>>
    %dma_start3A_390 = arith.constant 0 : i32
    %dma_start3A_391 = tpu.memref_slice %arg3[%select_n3A, %dma_start3A_386, %dma_start3A_390] : memref<8x32x4096xi32, #tpu.memory_space<hbm>> -> memref<1x1x4096xi32, #tpu.memory_space<hbm>>
    %dma_start3A_392 = tpu.memref_squeeze %dma_start3A_391 : memref<1x1x4096xi32, #tpu.memory_space<hbm>> -> memref<4096xi32, #tpu.memory_space<hbm>>
    tpu.enqueue_dma source(%dma_start3A_392 : memref<4096xi32, #tpu.memory_space<hbm>>) target(%arg5 : memref<4096xi32, #tpu.memory_space<vmem>>) target_semaphore(%arg20 : memref<!tpu.dma_semaphore, #tpu.memory_space<semaphore_mem>>)
    %scan3A_393 = arith.constant 0 : i32
    %scan3A_394 = arith.constant 0 : i32
    %scan3A_395 = arith.constant 16 : i32
    %scan3A_396 = arith.addi %scan3A_394, %scan3A_395 : i32
    %scan3A_397 = arith.constant 1 : i32
    scf.for %scan3A_608 = %scan3A_394 to %scan3A_396 step %scan3A_397  : i32 {
      %mul3A_609 = arith.constant 2 : i32
      %mul3A_610 = arith.muli %scan3A_608, %mul3A_609 : i32
      %add3A_611 = arith.constant 0 : i32
      %add3A_612 = arith.addi %mul3A_610, %add3A_611 : i32
      %add3A_613 = arith.constant 1 : i32
      %add3A_614 = arith.addi %add3A_612, %add3A_613 : i32
      %lt3A_615 = arith.constant 32 : i32
      %lt3A_616 = arith.cmpi slt, %add3A_614, %lt3A_615 : i32
      %convert_element_type3A = arith.extui %lt3A_616 : i1 to i32
      %cond3A = arith.constant 0 : i32
      %cond3A_617 = arith.cmpi ne, %convert_element_type3A, %cond3A : i32
      scf.if %cond3A_617 {
        %add3A_721 = arith.constant 1 : i32
        %add3A_722 = arith.addi %add3A_612, %add3A_721 : i32
        %dma_start3A_723 = arith.constant 0 : i32
        %dma_start3A_724 = tpu.memref_slice %arg3[%select_n3A, %add3A_722, %dma_start3A_723] : memref<8x32x4096xi32, #tpu.memory_space<hbm>> -> memref<1x1x4096xi32, #tpu.memory_space<hbm>>
        %dma_start3A_725 = tpu.memref_squeeze %dma_start3A_724 : memref<1x1x4096xi32, #tpu.memory_space<hbm>> -> memref<4096xi32, #tpu.memory_space<hbm>>
        %dma_start3A_726 = arith.constant 0 : i32
        %dma_start3A_727 = tpu.memref_slice %arg3[%select_n3A, %add3A_722, %dma_start3A_726] : memref<8x32x4096xi32, #tpu.memory_space<hbm>> -> memref<1x1x4096xi32, #tpu.memory_space<hbm>>
        %dma_start3A_728 = tpu.memref_squeeze %dma_start3A_727 : memref<1x1x4096xi32, #tpu.memory_space<hbm>> -> memref<4096xi32, #tpu.memory_space<hbm>>
        tpu.enqueue_dma source(%dma_start3A_728 : memref<4096xi32, #tpu.memory_space<hbm>>) target(%arg6 : memref<4096xi32, #tpu.memory_space<vmem>>) target_semaphore(%arg20 : memref<!tpu.dma_semaphore, #tpu.memory_space<semaphore_mem>>)
      } else {
      }
      %dma_wait3A_618 = arith.constant 0 : i32
      %dma_wait3A_619 = arith.constant 0 : i32
      %dma_wait3A_620 = tpu.memref_slice %arg3[%select_n3A, %dma_wait3A_618, %dma_wait3A_619] : memref<8x32x4096xi32, #tpu.memory_space<hbm>> -> memref<1x1x4096xi32, #tpu.memory_space<hbm>>
      %dma_wait3A_621 = tpu.memref_squeeze %dma_wait3A_620 : memref<1x1x4096xi32, #tpu.memory_space<hbm>> -> memref<4096xi32, #tpu.memory_space<hbm>>
      %dma_wait3A_622 = arith.constant 0 : i32
      %dma_wait3A_623 = tpu.memref_slice %arg3[%select_n3A, %dma_wait3A_618, %dma_wait3A_622] : memref<8x32x4096xi32, #tpu.memory_space<hbm>> -> memref<1x1x4096xi32, #tpu.memory_space<hbm>>
      %dma_wait3A_624 = tpu.memref_squeeze %dma_wait3A_623 : memref<1x1x4096xi32, #tpu.memory_space<hbm>> -> memref<4096xi32, #tpu.memory_space<hbm>>
      tpu.wait_dma2 semaphore(%arg20 : memref<!tpu.dma_semaphore, #tpu.memory_space<semaphore_mem>>) src(%dma_wait3A_624 : memref<4096xi32, #tpu.memory_space<hbm>>) dst(%arg5 : memref<4096xi32, #tpu.memory_space<vmem>>)
      %gt3A = arith.constant 0 : i32
      %gt3A_625 = arith.cmpi sgt, %scan3A_608, %gt3A : i32
      %convert_element_type3A_626 = arith.extui %gt3A_625 : i1 to i32
      %cond3A_627 = arith.constant 0 : i32
      %cond3A_628 = arith.cmpi ne, %convert_element_type3A_626, %cond3A_627 : i32
      scf.if %cond3A_628 {
        %dma_wait3A_721 = arith.constant 0 : i32
        %dma_wait3A_722 = arith.constant 0 : i32
        %dma_wait3A_723 = arith.constant 0 : i32
        %dma_wait3A_724 = tpu.memref_slice %arg4[%select_n3A, %dma_wait3A_721, %dma_wait3A_722, %dma_wait3A_723] : memref<8x64x32x4096xf32, #tpu.memory_space<hbm>> -> memref<1x1x1x4096xf32, #tpu.memory_space<hbm>>
        %dma_wait3A_725 = tpu.memref_squeeze %dma_wait3A_724 : memref<1x1x1x4096xf32, #tpu.memory_space<hbm>> -> memref<4096xf32, #tpu.memory_space<hbm>>
        %dma_wait3A_726 = arith.constant 0 : i32
        %dma_wait3A_727 = tpu.memref_slice %arg4[%select_n3A, %dma_wait3A_721, %dma_wait3A_722, %dma_wait3A_726] : memref<8x64x32x4096xf32, #tpu.memory_space<hbm>> -> memref<1x1x1x4096xf32, #tpu.memory_space<hbm>>
        %dma_wait3A_728 = tpu.memref_squeeze %dma_wait3A_727 : memref<1x1x1x4096xf32, #tpu.memory_space<hbm>> -> memref<4096xf32, #tpu.memory_space<hbm>>
        tpu.wait_dma2 semaphore(%arg21 : memref<!tpu.dma_semaphore, #tpu.memory_space<semaphore_mem>>) src(%arg11 : memref<4096xf32, #tpu.memory_space<vmem>>) dst(%dma_wait3A_728 : memref<4096xf32, #tpu.memory_space<hbm>>)
        %dma_wait3A_729 = arith.constant 0 : i32
        %dma_wait3A_730 = arith.constant 0 : i32
        %dma_wait3A_731 = arith.constant 0 : i32
        %dma_wait3A_732 = tpu.memref_slice %arg4[%select_n3A, %dma_wait3A_729, %dma_wait3A_730, %dma_wait3A_731] : memref<8x64x32x4096xf32, #tpu.memory_space<hbm>> -> memref<1x1x1x4096xf32, #tpu.memory_space<hbm>>
        %dma_wait3A_733 = tpu.memref_squeeze %dma_wait3A_732 : memref<1x1x1x4096xf32, #tpu.memory_space<hbm>> -> memref<4096xf32, #tpu.memory_space<hbm>>
        %dma_wait3A_734 = arith.constant 0 : i32
        %dma_wait3A_735 = tpu.memref_slice %arg4[%select_n3A, %dma_wait3A_729, %dma_wait3A_730, %dma_wait3A_734] : memref<8x64x32x4096xf32, #tpu.memory_space<hbm>> -> memref<1x1x1x4096xf32, #tpu.memory_space<hbm>>
        %dma_wait3A_736 = tpu.memref_squeeze %dma_wait3A_735 : memref<1x1x1x4096xf32, #tpu.memory_space<hbm>> -> memref<4096xf32, #tpu.memory_space<hbm>>
        tpu.wait_dma2 semaphore(%arg21 : memref<!tpu.dma_semaphore, #tpu.memory_space<semaphore_mem>>) src(%arg12 : memref<4096xf32, #tpu.memory_space<vmem>>) dst(%dma_wait3A_736 : memref<4096xf32, #tpu.memory_space<hbm>>)
        %dma_wait3A_737 = arith.constant 0 : i32
        %dma_wait3A_738 = arith.constant 0 : i32
        %dma_wait3A_739 = arith.constant 0 : i32
        %dma_wait3A_740 = tpu.memref_slice %arg4[%select_n3A, %dma_wait3A_737, %dma_wait3A_738, %dma_wait3A_739] : memref<8x64x32x4096xf32, #tpu.memory_space<hbm>> -> memref<1x1x1x4096xf32, #tpu.memory_space<hbm>>
        %dma_wait3A_741 = tpu.memref_squeeze %dma_wait3A_740 : memref<1x1x1x4096xf32, #tpu.memory_space<hbm>> -> memref<4096xf32, #tpu.memory_space<hbm>>
        %dma_wait3A_742 = arith.constant 0 : i32
        %dma_wait3A_743 = tpu.memref_slice %arg4[%select_n3A, %dma_wait3A_737, %dma_wait3A_738, %dma_wait3A_742] : memref<8x64x32x4096xf32, #tpu.memory_space<hbm>> -> memref<1x1x1x4096xf32, #tpu.memory_space<hbm>>
        %dma_wait3A_744 = tpu.memref_squeeze %dma_wait3A_743 : memref<1x1x1x4096xf32, #tpu.memory_space<hbm>> -> memref<4096xf32, #tpu.memory_space<hbm>>
        tpu.wait_dma2 semaphore(%arg21 : memref<!tpu.dma_semaphore, #tpu.memory_space<semaphore_mem>>) src(%arg13 : memref<4096xf32, #tpu.memory_space<vmem>>) dst(%dma_wait3A_744 : memref<4096xf32, #tpu.memory_space<hbm>>)
        %dma_wait3A_745 = arith.constant 0 : i32
        %dma_wait3A_746 = arith.constant 0 : i32
        %dma_wait3A_747 = arith.constant 0 : i32
        %dma_wait3A_748 = tpu.memref_slice %arg4[%select_n3A, %dma_wait3A_745, %dma_wait3A_746, %dma_wait3A_747] : memref<8x64x32x4096xf32, #tpu.memory_space<hbm>> -> memref<1x1x1x4096xf32, #tpu.memory_space<hbm>>
        %dma_wait3A_749 = tpu.memref_squeeze %dma_wait3A_748 : memref<1x1x1x4096xf32, #tpu.memory_space<hbm>> -> memref<4096xf32, #tpu.memory_space<hbm>>
        %dma_wait3A_750 = arith.constant 0 : i32
        %dma_wait3A_751 = tpu.memref_slice %arg4[%select_n3A, %dma_wait3A_745, %dma_wait3A_746, %dma_wait3A_750] : memref<8x64x32x4096xf32, #tpu.memory_space<hbm>> -> memref<1x1x1x4096xf32, #tpu.memory_space<hbm>>
        %dma_wait3A_752 = tpu.memref_squeeze %dma_wait3A_751 : memref<1x1x1x4096xf32, #tpu.memory_space<hbm>> -> memref<4096xf32, #tpu.memory_space<hbm>>
        tpu.wait_dma2 semaphore(%arg21 : memref<!tpu.dma_semaphore, #tpu.memory_space<semaphore_mem>>) src(%arg14 : memref<4096xf32, #tpu.memory_space<vmem>>) dst(%dma_wait3A_752 : memref<4096xf32, #tpu.memory_space<hbm>>)
      } else {
      }
      %parallel_loop3A = arith.constant 0 : i32
      %parallel_loop3A_629 = arith.constant 256 : i32
      %parallel_loop3A_630 = arith.constant 1 : i32
      scf.for %parallel_loop3A_721 = %parallel_loop3A to %parallel_loop3A_629 step %parallel_loop3A_630  : i32 {
        %parallel_loop3A_722 = arith.constant 16 : i32
        %parallel_loop3A_723 = arith.muli %parallel_loop3A_721, %parallel_loop3A_722 : i32
        %parallel_loop3A_724 = arith.index_cast %parallel_loop3A_723 : i32 to index
        %parallel_loop3A_725 = tpu.vector_load %arg5[%parallel_loop3A_724] {strides = array<i32>} : memref<4096xi32, #tpu.memory_space<vmem>>, vector<16xi32>,
        %parallel_loop3A_726 = tpu.vector_load_idx %arg7[%parallel_loop3A_725] : memref<16384xf32, #tpu.memory_space<vmem>>[vector<16xi32>], vector<16xf32>,
        %parallel_loop3A_727 = arith.constant 16 : i32
        %parallel_loop3A_728 = arith.muli %parallel_loop3A_721, %parallel_loop3A_727 : i32
        %parallel_loop3A_729 = arith.index_cast %parallel_loop3A_728 : i32 to index
        %parallel_loop3A_730 = tpu.vector_load %arg11[%parallel_loop3A_729] {strides = array<i32>} : memref<4096xf32, #tpu.memory_space<vmem>>, vector<16xf32>,
        tpu.vector_store %arg11[%parallel_loop3A_729], %parallel_loop3A_726 {strides = array<i32>} : memref<4096xf32, #tpu.memory_space<vmem>>, vector<16xf32>,
        %parallel_loop3A_731 = tpu.vector_load_idx %arg8[%parallel_loop3A_725] : memref<16384xf32, #tpu.memory_space<vmem>>[vector<16xi32>], vector<16xf32>,
        %parallel_loop3A_732 = arith.constant 16 : i32
        %parallel_loop3A_733 = arith.muli %parallel_loop3A_721, %parallel_loop3A_732 : i32
        %parallel_loop3A_734 = arith.index_cast %parallel_loop3A_733 : i32 to index
        %parallel_loop3A_735 = tpu.vector_load %arg12[%parallel_loop3A_734] {strides = array<i32>} : memref<4096xf32, #tpu.memory_space<vmem>>, vector<16xf32>,
        tpu.vector_store %arg12[%parallel_loop3A_734], %parallel_loop3A_731 {strides = array<i32>} : memref<4096xf32, #tpu.memory_space<vmem>>, vector<16xf32>,
        %parallel_loop3A_736 = tpu.vector_load_idx %arg9[%parallel_loop3A_725] : memref<16384xf32, #tpu.memory_space<vmem>>[vector<16xi32>], vector<16xf32>,
        %parallel_loop3A_737 = arith.constant 16 : i32
        %parallel_loop3A_738 = arith.muli %parallel_loop3A_721, %parallel_loop3A_737 : i32
        %parallel_loop3A_739 = arith.index_cast %parallel_loop3A_738 : i32 to index
        %parallel_loop3A_740 = tpu.vector_load %arg13[%parallel_loop3A_739] {strides = array<i32>} : memref<4096xf32, #tpu.memory_space<vmem>>, vector<16xf32>,
        tpu.vector_store %arg13[%parallel_loop3A_739], %parallel_loop3A_736 {strides = array<i32>} : memref<4096xf32, #tpu.memory_space<vmem>>, vector<16xf32>,
        %parallel_loop3A_741 = tpu.vector_load_idx %arg10[%parallel_loop3A_725] : memref<16384xf32, #tpu.memory_space<vmem>>[vector<16xi32>], vector<16xf32>,
        %parallel_loop3A_742 = arith.constant 16 : i32
        %parallel_loop3A_743 = arith.muli %parallel_loop3A_721, %parallel_loop3A_742 : i32
        %parallel_loop3A_744 = arith.index_cast %parallel_loop3A_743 : i32 to index
        %parallel_loop3A_745 = tpu.vector_load %arg14[%parallel_loop3A_744] {strides = array<i32>} : memref<4096xf32, #tpu.memory_space<vmem>>, vector<16xf32>,
        tpu.vector_store %arg14[%parallel_loop3A_744], %parallel_loop3A_741 {strides = array<i32>} : memref<4096xf32, #tpu.memory_space<vmem>>, vector<16xf32>,
      } {sc.loop_unroll_factor = 16 : i64, sc.parallel_access}
      %add3A_631 = arith.constant 0 : i32
      %add3A_632 = arith.addi %add3A_257, %add3A_631 : i32
      %dma_start3A_633 = arith.constant 0 : i32
      %dma_start3A_634 = tpu.memref_slice %arg4[%select_n3A, %add3A_632, %add3A_612, %dma_start3A_633] : memref<8x64x32x4096xf32, #tpu.memory_space<hbm>> -> memref<1x1x1x4096xf32, #tpu.memory_space<hbm>>
      %dma_start3A_635 = tpu.memref_squeeze %dma_start3A_634 : memref<1x1x1x4096xf32, #tpu.memory_space<hbm>> -> memref<4096xf32, #tpu.memory_space<hbm>>
      %dma_start3A_636 = arith.constant 0 : i32
      %dma_start3A_637 = tpu.memref_slice %arg4[%select_n3A, %add3A_632, %add3A_612, %dma_start3A_636] : memref<8x64x32x4096xf32, #tpu.memory_space<hbm>> -> memref<1x1x1x4096xf32, #tpu.memory_space<hbm>>
      %dma_start3A_638 = tpu.memref_squeeze %dma_start3A_637 : memref<1x1x1x4096xf32, #tpu.memory_space<hbm>> -> memref<4096xf32, #tpu.memory_space<hbm>>
      tpu.enqueue_dma source(%arg11 : memref<4096xf32, #tpu.memory_space<vmem>>) target(%dma_start3A_638 : memref<4096xf32, #tpu.memory_space<hbm>>) target_semaphore(%arg21 : memref<!tpu.dma_semaphore, #tpu.memory_space<semaphore_mem>>)
      %add3A_639 = arith.constant 1 : i32
      %add3A_640 = arith.addi %add3A_257, %add3A_639 : i32
      %dma_start3A_641 = arith.constant 0 : i32
      %dma_start3A_642 = tpu.memref_slice %arg4[%select_n3A, %add3A_640, %add3A_612, %dma_start3A_641] : memref<8x64x32x4096xf32, #tpu.memory_space<hbm>> -> memref<1x1x1x4096xf32, #tpu.memory_space<hbm>>
      %dma_start3A_643 = tpu.memref_squeeze %dma_start3A_642 : memref<1x1x1x4096xf32, #tpu.memory_space<hbm>> -> memref<4096xf32, #tpu.memory_space<hbm>>
      %dma_start3A_644 = arith.constant 0 : i32
      %dma_start3A_645 = tpu.memref_slice %arg4[%select_n3A, %add3A_640, %add3A_612, %dma_start3A_644] : memref<8x64x32x4096xf32, #tpu.memory_space<hbm>> -> memref<1x1x1x4096xf32, #tpu.memory_space<hbm>>
      %dma_start3A_646 = tpu.memref_squeeze %dma_start3A_645 : memref<1x1x1x4096xf32, #tpu.memory_space<hbm>> -> memref<4096xf32, #tpu.memory_space<hbm>>
      tpu.enqueue_dma source(%arg12 : memref<4096xf32, #tpu.memory_space<vmem>>) target(%dma_start3A_646 : memref<4096xf32, #tpu.memory_space<hbm>>) target_semaphore(%arg21 : memref<!tpu.dma_semaphore, #tpu.memory_space<semaphore_mem>>)
      %add3A_647 = arith.constant 2 : i32
      %add3A_648 = arith.addi %add3A_257, %add3A_647 : i32
      %dma_start3A_649 = arith.constant 0 : i32
      %dma_start3A_650 = tpu.memref_slice %arg4[%select_n3A, %add3A_648, %add3A_612, %dma_start3A_649] : memref<8x64x32x4096xf32, #tpu.memory_space<hbm>> -> memref<1x1x1x4096xf32, #tpu.memory_space<hbm>>
      %dma_start3A_651 = tpu.memref_squeeze %dma_start3A_650 : memref<1x1x1x4096xf32, #tpu.memory_space<hbm>> -> memref<4096xf32, #tpu.memory_space<hbm>>
      %dma_start3A_652 = arith.constant 0 : i32
      %dma_start3A_653 = tpu.memref_slice %arg4[%select_n3A, %add3A_648, %add3A_612, %dma_start3A_652] : memref<8x64x32x4096xf32, #tpu.memory_space<hbm>> -> memref<1x1x1x4096xf32, #tpu.memory_space<hbm>>
      %dma_start3A_654 = tpu.memref_squeeze %dma_start3A_653 : memref<1x1x1x4096xf32, #tpu.memory_space<hbm>> -> memref<4096xf32, #tpu.memory_space<hbm>>
      tpu.enqueue_dma source(%arg13 : memref<4096xf32, #tpu.memory_space<vmem>>) target(%dma_start3A_654 : memref<4096xf32, #tpu.memory_space<hbm>>) target_semaphore(%arg21 : memref<!tpu.dma_semaphore, #tpu.memory_space<semaphore_mem>>)
      %add3A_655 = arith.constant 3 : i32
      %add3A_656 = arith.addi %add3A_257, %add3A_655 : i32
      %dma_start3A_657 = arith.constant 0 : i32
      %dma_start3A_658 = tpu.memref_slice %arg4[%select_n3A, %add3A_656, %add3A_612, %dma_start3A_657] : memref<8x64x32x4096xf32, #tpu.memory_space<hbm>> -> memref<1x1x1x4096xf32, #tpu.memory_space<hbm>>
      %dma_start3A_659 = tpu.memref_squeeze %dma_start3A_658 : memref<1x1x1x4096xf32, #tpu.memory_space<hbm>> -> memref<4096xf32, #tpu.memory_space<hbm>>
      %dma_start3A_660 = arith.constant 0 : i32
      %dma_start3A_661 = tpu.memref_slice %arg4[%select_n3A, %add3A_656, %add3A_612, %dma_start3A_660] : memref<8x64x32x4096xf32, #tpu.memory_space<hbm>> -> memref<1x1x1x4096xf32, #tpu.memory_space<hbm>>
      %dma_start3A_662 = tpu.memref_squeeze %dma_start3A_661 : memref<1x1x1x4096xf32, #tpu.memory_space<hbm>> -> memref<4096xf32, #tpu.memory_space<hbm>>
      tpu.enqueue_dma source(%arg14 : memref<4096xf32, #tpu.memory_space<vmem>>) target(%dma_start3A_662 : memref<4096xf32, #tpu.memory_space<hbm>>) target_semaphore(%arg21 : memref<!tpu.dma_semaphore, #tpu.memory_space<semaphore_mem>>)
      %mul3A_663 = arith.constant 2 : i32
      %mul3A_664 = arith.muli %scan3A_608, %mul3A_663 : i32
      %add3A_665 = arith.constant 1 : i32
      %add3A_666 = arith.addi %mul3A_664, %add3A_665 : i32
      %add3A_667 = arith.constant 1 : i32
      %add3A_668 = arith.addi %add3A_666, %add3A_667 : i32
      %lt3A_669 = arith.constant 32 : i32
      %lt3A_670 = arith.cmpi slt, %add3A_668, %lt3A_669 : i32
      %convert_element_type3A_671 = arith.extui %lt3A_670 : i1 to i32
      %cond3A_672 = arith.constant 0 : i32
      %cond3A_673 = arith.cmpi ne, %convert_element_type3A_671, %cond3A_672 : i32
      scf.if %cond3A_673 {
        %add3A_721 = arith.constant 1 : i32
        %add3A_722 = arith.addi %add3A_666, %add3A_721 : i32
        %dma_start3A_723 = arith.constant 0 : i32
        %dma_start3A_724 = tpu.memref_slice %arg3[%select_n3A, %add3A_722, %dma_start3A_723] : memref<8x32x4096xi32, #tpu.memory_space<hbm>> -> memref<1x1x4096xi32, #tpu.memory_space<hbm>>
        %dma_start3A_725 = tpu.memref_squeeze %dma_start3A_724 : memref<1x1x4096xi32, #tpu.memory_space<hbm>> -> memref<4096xi32, #tpu.memory_space<hbm>>
        %dma_start3A_726 = arith.constant 0 : i32
        %dma_start3A_727 = tpu.memref_slice %arg3[%select_n3A, %add3A_722, %dma_start3A_726] : memref<8x32x4096xi32, #tpu.memory_space<hbm>> -> memref<1x1x4096xi32, #tpu.memory_space<hbm>>
        %dma_start3A_728 = tpu.memref_squeeze %dma_start3A_727 : memref<1x1x4096xi32, #tpu.memory_space<hbm>> -> memref<4096xi32, #tpu.memory_space<hbm>>
        tpu.enqueue_dma source(%dma_start3A_728 : memref<4096xi32, #tpu.memory_space<hbm>>) target(%arg5 : memref<4096xi32, #tpu.memory_space<vmem>>) target_semaphore(%arg20 : memref<!tpu.dma_semaphore, #tpu.memory_space<semaphore_mem>>)
      } else {
      }
      %dma_wait3A_674 = arith.constant 0 : i32
      %dma_wait3A_675 = arith.constant 0 : i32
      %dma_wait3A_676 = tpu.memref_slice %arg3[%select_n3A, %dma_wait3A_674, %dma_wait3A_675] : memref<8x32x4096xi32, #tpu.memory_space<hbm>> -> memref<1x1x4096xi32, #tpu.memory_space<hbm>>
      %dma_wait3A_677 = tpu.memref_squeeze %dma_wait3A_676 : memref<1x1x4096xi32, #tpu.memory_space<hbm>> -> memref<4096xi32, #tpu.memory_space<hbm>>
      %dma_wait3A_678 = arith.constant 0 : i32
      %dma_wait3A_679 = tpu.memref_slice %arg3[%select_n3A, %dma_wait3A_674, %dma_wait3A_678] : memref<8x32x4096xi32, #tpu.memory_space<hbm>> -> memref<1x1x4096xi32, #tpu.memory_space<hbm>>
      %dma_wait3A_680 = tpu.memref_squeeze %dma_wait3A_679 : memref<1x1x4096xi32, #tpu.memory_space<hbm>> -> memref<4096xi32, #tpu.memory_space<hbm>>
      tpu.wait_dma2 semaphore(%arg20 : memref<!tpu.dma_semaphore, #tpu.memory_space<semaphore_mem>>) src(%dma_wait3A_680 : memref<4096xi32, #tpu.memory_space<hbm>>) dst(%arg6 : memref<4096xi32, #tpu.memory_space<vmem>>)
      %gt3A_681 = arith.constant 0 : i32
      %gt3A_682 = arith.cmpi sgt, %scan3A_608, %gt3A_681 : i32
      %convert_element_type3A_683 = arith.extui %gt3A_682 : i1 to i32
      %cond3A_684 = arith.constant 0 : i32
      %cond3A_685 = arith.cmpi ne, %convert_element_type3A_683, %cond3A_684 : i32
      scf.if %cond3A_685 {
        %dma_wait3A_721 = arith.constant 0 : i32
        %dma_wait3A_722 = arith.constant 0 : i32
        %dma_wait3A_723 = arith.constant 0 : i32
        %dma_wait3A_724 = tpu.memref_slice %arg4[%select_n3A, %dma_wait3A_721, %dma_wait3A_722, %dma_wait3A_723] : memref<8x64x32x4096xf32, #tpu.memory_space<hbm>> -> memref<1x1x1x4096xf32, #tpu.memory_space<hbm>>
        %dma_wait3A_725 = tpu.memref_squeeze %dma_wait3A_724 : memref<1x1x1x4096xf32, #tpu.memory_space<hbm>> -> memref<4096xf32, #tpu.memory_space<hbm>>
        %dma_wait3A_726 = arith.constant 0 : i32
        %dma_wait3A_727 = tpu.memref_slice %arg4[%select_n3A, %dma_wait3A_721, %dma_wait3A_722, %dma_wait3A_726] : memref<8x64x32x4096xf32, #tpu.memory_space<hbm>> -> memref<1x1x1x4096xf32, #tpu.memory_space<hbm>>
        %dma_wait3A_728 = tpu.memref_squeeze %dma_wait3A_727 : memref<1x1x1x4096xf32, #tpu.memory_space<hbm>> -> memref<4096xf32, #tpu.memory_space<hbm>>
        tpu.wait_dma2 semaphore(%arg22 : memref<!tpu.dma_semaphore, #tpu.memory_space<semaphore_mem>>) src(%arg15 : memref<4096xf32, #tpu.memory_space<vmem>>) dst(%dma_wait3A_728 : memref<4096xf32, #tpu.memory_space<hbm>>)
        %dma_wait3A_729 = arith.constant 0 : i32
        %dma_wait3A_730 = arith.constant 0 : i32
        %dma_wait3A_731 = arith.constant 0 : i32
        %dma_wait3A_732 = tpu.memref_slice %arg4[%select_n3A, %dma_wait3A_729, %dma_wait3A_730, %dma_wait3A_731] : memref<8x64x32x4096xf32, #tpu.memory_space<hbm>> -> memref<1x1x1x4096xf32, #tpu.memory_space<hbm>>
        %dma_wait3A_733 = tpu.memref_squeeze %dma_wait3A_732 : memref<1x1x1x4096xf32, #tpu.memory_space<hbm>> -> memref<4096xf32, #tpu.memory_space<hbm>>
        %dma_wait3A_734 = arith.constant 0 : i32
        %dma_wait3A_735 = tpu.memref_slice %arg4[%select_n3A, %dma_wait3A_729, %dma_wait3A_730, %dma_wait3A_734] : memref<8x64x32x4096xf32, #tpu.memory_space<hbm>> -> memref<1x1x1x4096xf32, #tpu.memory_space<hbm>>
        %dma_wait3A_736 = tpu.memref_squeeze %dma_wait3A_735 : memref<1x1x1x4096xf32, #tpu.memory_space<hbm>> -> memref<4096xf32, #tpu.memory_space<hbm>>
        tpu.wait_dma2 semaphore(%arg22 : memref<!tpu.dma_semaphore, #tpu.memory_space<semaphore_mem>>) src(%arg16 : memref<4096xf32, #tpu.memory_space<vmem>>) dst(%dma_wait3A_736 : memref<4096xf32, #tpu.memory_space<hbm>>)
        %dma_wait3A_737 = arith.constant 0 : i32
        %dma_wait3A_738 = arith.constant 0 : i32
        %dma_wait3A_739 = arith.constant 0 : i32
        %dma_wait3A_740 = tpu.memref_slice %arg4[%select_n3A, %dma_wait3A_737, %dma_wait3A_738, %dma_wait3A_739] : memref<8x64x32x4096xf32, #tpu.memory_space<hbm>> -> memref<1x1x1x4096xf32, #tpu.memory_space<hbm>>
        %dma_wait3A_741 = tpu.memref_squeeze %dma_wait3A_740 : memref<1x1x1x4096xf32, #tpu.memory_space<hbm>> -> memref<4096xf32, #tpu.memory_space<hbm>>
        %dma_wait3A_742 = arith.constant 0 : i32
        %dma_wait3A_743 = tpu.memref_slice %arg4[%select_n3A, %dma_wait3A_737, %dma_wait3A_738, %dma_wait3A_742] : memref<8x64x32x4096xf32, #tpu.memory_space<hbm>> -> memref<1x1x1x4096xf32, #tpu.memory_space<hbm>>
        %dma_wait3A_744 = tpu.memref_squeeze %dma_wait3A_743 : memref<1x1x1x4096xf32, #tpu.memory_space<hbm>> -> memref<4096xf32, #tpu.memory_space<hbm>>
        tpu.wait_dma2 semaphore(%arg22 : memref<!tpu.dma_semaphore, #tpu.memory_space<semaphore_mem>>) src(%arg17 : memref<4096xf32, #tpu.memory_space<vmem>>) dst(%dma_wait3A_744 : memref<4096xf32, #tpu.memory_space<hbm>>)
        %dma_wait3A_745 = arith.constant 0 : i32
        %dma_wait3A_746 = arith.constant 0 : i32
        %dma_wait3A_747 = arith.constant 0 : i32
        %dma_wait3A_748 = tpu.memref_slice %arg4[%select_n3A, %dma_wait3A_745, %dma_wait3A_746, %dma_wait3A_747] : memref<8x64x32x4096xf32, #tpu.memory_space<hbm>> -> memref<1x1x1x4096xf32, #tpu.memory_space<hbm>>
        %dma_wait3A_749 = tpu.memref_squeeze %dma_wait3A_748 : memref<1x1x1x4096xf32, #tpu.memory_space<hbm>> -> memref<4096xf32, #tpu.memory_space<hbm>>
        %dma_wait3A_750 = arith.constant 0 : i32
        %dma_wait3A_751 = tpu.memref_slice %arg4[%select_n3A, %dma_wait3A_745, %dma_wait3A_746, %dma_wait3A_750] : memref<8x64x32x4096xf32, #tpu.memory_space<hbm>> -> memref<1x1x1x4096xf32, #tpu.memory_space<hbm>>
        %dma_wait3A_752 = tpu.memref_squeeze %dma_wait3A_751 : memref<1x1x1x4096xf32, #tpu.memory_space<hbm>> -> memref<4096xf32, #tpu.memory_space<hbm>>
        tpu.wait_dma2 semaphore(%arg22 : memref<!tpu.dma_semaphore, #tpu.memory_space<semaphore_mem>>) src(%arg18 : memref<4096xf32, #tpu.memory_space<vmem>>) dst(%dma_wait3A_752 : memref<4096xf32, #tpu.memory_space<hbm>>)
      } else {
      }
      %parallel_loop3A_686 = arith.constant 0 : i32
      %parallel_loop3A_687 = arith.constant 256 : i32
      %parallel_loop3A_688 = arith.constant 1 : i32
      scf.for %parallel_loop3A_721 = %parallel_loop3A_686 to %parallel_loop3A_687 step %parallel_loop3A_688  : i32 {
        %parallel_loop3A_722 = arith.constant 16 : i32
        %parallel_loop3A_723 = arith.muli %parallel_loop3A_721, %parallel_loop3A_722 : i32
        %parallel_loop3A_724 = arith.index_cast %parallel_loop3A_723 : i32 to index
        %parallel_loop3A_725 = tpu.vector_load %arg6[%parallel_loop3A_724] {strides = array<i32>} : memref<4096xi32, #tpu.memory_space<vmem>>, vector<16xi32>,
        %parallel_loop3A_726 = tpu.vector_load_idx %arg7[%parallel_loop3A_725] : memref<16384xf32, #tpu.memory_space<vmem>>[vector<16xi32>], vector<16xf32>,
        %parallel_loop3A_727 = arith.constant 16 : i32
        %parallel_loop3A_728 = arith.muli %parallel_loop3A_721, %parallel_loop3A_727 : i32
        %parallel_loop3A_729 = arith.index_cast %parallel_loop3A_728 : i32 to index
        %parallel_loop3A_730 = tpu.vector_load %arg15[%parallel_loop3A_729] {strides = array<i32>} : memref<4096xf32, #tpu.memory_space<vmem>>, vector<16xf32>,
        tpu.vector_store %arg15[%parallel_loop3A_729], %parallel_loop3A_726 {strides = array<i32>} : memref<4096xf32, #tpu.memory_space<vmem>>, vector<16xf32>,
        %parallel_loop3A_731 = tpu.vector_load_idx %arg8[%parallel_loop3A_725] : memref<16384xf32, #tpu.memory_space<vmem>>[vector<16xi32>], vector<16xf32>,
        %parallel_loop3A_732 = arith.constant 16 : i32
        %parallel_loop3A_733 = arith.muli %parallel_loop3A_721, %parallel_loop3A_732 : i32
        %parallel_loop3A_734 = arith.index_cast %parallel_loop3A_733 : i32 to index
        %parallel_loop3A_735 = tpu.vector_load %arg16[%parallel_loop3A_734] {strides = array<i32>} : memref<4096xf32, #tpu.memory_space<vmem>>, vector<16xf32>,
        tpu.vector_store %arg16[%parallel_loop3A_734], %parallel_loop3A_731 {strides = array<i32>} : memref<4096xf32, #tpu.memory_space<vmem>>, vector<16xf32>,
        %parallel_loop3A_736 = tpu.vector_load_idx %arg9[%parallel_loop3A_725] : memref<16384xf32, #tpu.memory_space<vmem>>[vector<16xi32>], vector<16xf32>,
        %parallel_loop3A_737 = arith.constant 16 : i32
        %parallel_loop3A_738 = arith.muli %parallel_loop3A_721, %parallel_loop3A_737 : i32
        %parallel_loop3A_739 = arith.index_cast %parallel_loop3A_738 : i32 to index
        %parallel_loop3A_740 = tpu.vector_load %arg17[%parallel_loop3A_739] {strides = array<i32>} : memref<4096xf32, #tpu.memory_space<vmem>>, vector<16xf32>,
        tpu.vector_store %arg17[%parallel_loop3A_739], %parallel_loop3A_736 {strides = array<i32>} : memref<4096xf32, #tpu.memory_space<vmem>>, vector<16xf32>,
        %parallel_loop3A_741 = tpu.vector_load_idx %arg10[%parallel_loop3A_725] : memref<16384xf32, #tpu.memory_space<vmem>>[vector<16xi32>], vector<16xf32>,
        %parallel_loop3A_742 = arith.constant 16 : i32
        %parallel_loop3A_743 = arith.muli %parallel_loop3A_721, %parallel_loop3A_742 : i32
        %parallel_loop3A_744 = arith.index_cast %parallel_loop3A_743 : i32 to index
        %parallel_loop3A_745 = tpu.vector_load %arg18[%parallel_loop3A_744] {strides = array<i32>} : memref<4096xf32, #tpu.memory_space<vmem>>, vector<16xf32>,
        tpu.vector_store %arg18[%parallel_loop3A_744], %parallel_loop3A_741 {strides = array<i32>} : memref<4096xf32, #tpu.memory_space<vmem>>, vector<16xf32>,
      } {sc.loop_unroll_factor = 16 : i64, sc.parallel_access}
      %add3A_689 = arith.constant 0 : i32
      %add3A_690 = arith.addi %add3A_257, %add3A_689 : i32
      %dma_start3A_691 = arith.constant 0 : i32
      %dma_start3A_692 = tpu.memref_slice %arg4[%select_n3A, %add3A_690, %add3A_666, %dma_start3A_691] : memref<8x64x32x4096xf32, #tpu.memory_space<hbm>> -> memref<1x1x1x4096xf32, #tpu.memory_space<hbm>>
      %dma_start3A_693 = tpu.memref_squeeze %dma_start3A_692 : memref<1x1x1x4096xf32, #tpu.memory_space<hbm>> -> memref<4096xf32, #tpu.memory_space<hbm>>
      %dma_start3A_694 = arith.constant 0 : i32
      %dma_start3A_695 = tpu.memref_slice %arg4[%select_n3A, %add3A_690, %add3A_666, %dma_start3A_694] : memref<8x64x32x4096xf32, #tpu.memory_space<hbm>> -> memref<1x1x1x4096xf32, #tpu.memory_space<hbm>>
      %dma_start3A_696 = tpu.memref_squeeze %dma_start3A_695 : memref<1x1x1x4096xf32, #tpu.memory_space<hbm>> -> memref<4096xf32, #tpu.memory_space<hbm>>
      tpu.enqueue_dma source(%arg15 : memref<4096xf32, #tpu.memory_space<vmem>>) target(%dma_start3A_696 : memref<4096xf32, #tpu.memory_space<hbm>>) target_semaphore(%arg22 : memref<!tpu.dma_semaphore, #tpu.memory_space<semaphore_mem>>)
      %add3A_697 = arith.constant 1 : i32
      %add3A_698 = arith.addi %add3A_257, %add3A_697 : i32
      %dma_start3A_699 = arith.constant 0 : i32
      %dma_start3A_700 = tpu.memref_slice %arg4[%select_n3A, %add3A_698, %add3A_666, %dma_start3A_699] : memref<8x64x32x4096xf32, #tpu.memory_space<hbm>> -> memref<1x1x1x4096xf32, #tpu.memory_space<hbm>>
      %dma_start3A_701 = tpu.memref_squeeze %dma_start3A_700 : memref<1x1x1x4096xf32, #tpu.memory_space<hbm>> -> memref<4096xf32, #tpu.memory_space<hbm>>
      %dma_start3A_702 = arith.constant 0 : i32
      %dma_start3A_703 = tpu.memref_slice %arg4[%select_n3A, %add3A_698, %add3A_666, %dma_start3A_702] : memref<8x64x32x4096xf32, #tpu.memory_space<hbm>> -> memref<1x1x1x4096xf32, #tpu.memory_space<hbm>>
      %dma_start3A_704 = tpu.memref_squeeze %dma_start3A_703 : memref<1x1x1x4096xf32, #tpu.memory_space<hbm>> -> memref<4096xf32, #tpu.memory_space<hbm>>
      tpu.enqueue_dma source(%arg16 : memref<4096xf32, #tpu.memory_space<vmem>>) target(%dma_start3A_704 : memref<4096xf32, #tpu.memory_space<hbm>>) target_semaphore(%arg22 : memref<!tpu.dma_semaphore, #tpu.memory_space<semaphore_mem>>)
      %add3A_705 = arith.constant 2 : i32
      %add3A_706 = arith.addi %add3A_257, %add3A_705 : i32
      %dma_start3A_707 = arith.constant 0 : i32
      %dma_start3A_708 = tpu.memref_slice %arg4[%select_n3A, %add3A_706, %add3A_666, %dma_start3A_707] : memref<8x64x32x4096xf32, #tpu.memory_space<hbm>> -> memref<1x1x1x4096xf32, #tpu.memory_space<hbm>>
      %dma_start3A_709 = tpu.memref_squeeze %dma_start3A_708 : memref<1x1x1x4096xf32, #tpu.memory_space<hbm>> -> memref<4096xf32, #tpu.memory_space<hbm>>
      %dma_start3A_710 = arith.constant 0 : i32
      %dma_start3A_711 = tpu.memref_slice %arg4[%select_n3A, %add3A_706, %add3A_666, %dma_start3A_710] : memref<8x64x32x4096xf32, #tpu.memory_space<hbm>> -> memref<1x1x1x4096xf32, #tpu.memory_space<hbm>>
      %dma_start3A_712 = tpu.memref_squeeze %dma_start3A_711 : memref<1x1x1x4096xf32, #tpu.memory_space<hbm>> -> memref<4096xf32, #tpu.memory_space<hbm>>
      tpu.enqueue_dma source(%arg17 : memref<4096xf32, #tpu.memory_space<vmem>>) target(%dma_start3A_712 : memref<4096xf32, #tpu.memory_space<hbm>>) target_semaphore(%arg22 : memref<!tpu.dma_semaphore, #tpu.memory_space<semaphore_mem>>)
      %add3A_713 = arith.constant 3 : i32
      %add3A_714 = arith.addi %add3A_257, %add3A_713 : i32
      %dma_start3A_715 = arith.constant 0 : i32
      %dma_start3A_716 = tpu.memref_slice %arg4[%select_n3A, %add3A_714, %add3A_666, %dma_start3A_715] : memref<8x64x32x4096xf32, #tpu.memory_space<hbm>> -> memref<1x1x1x4096xf32, #tpu.memory_space<hbm>>
      %dma_start3A_717 = tpu.memref_squeeze %dma_start3A_716 : memref<1x1x1x4096xf32, #tpu.memory_space<hbm>> -> memref<4096xf32, #tpu.memory_space<hbm>>
      %dma_start3A_718 = arith.constant 0 : i32
      %dma_start3A_719 = tpu.memref_slice %arg4[%select_n3A, %add3A_714, %add3A_666, %dma_start3A_718] : memref<8x64x32x4096xf32, #tpu.memory_space<hbm>> -> memref<1x1x1x4096xf32, #tpu.memory_space<hbm>>
      %dma_start3A_720 = tpu.memref_squeeze %dma_start3A_719 : memref<1x1x1x4096xf32, #tpu.memory_space<hbm>> -> memref<4096xf32, #tpu.memory_space<hbm>>
      tpu.enqueue_dma source(%arg18 : memref<4096xf32, #tpu.memory_space<vmem>>) target(%dma_start3A_720 : memref<4096xf32, #tpu.memory_space<hbm>>) target_semaphore(%arg22 : memref<!tpu.dma_semaphore, #tpu.memory_space<semaphore_mem>>)
    }
    %scan3A_398 = arith.constant 16 : i32
    %mul3A_399 = arith.constant 16 : i32
    %mul3A_400 = arith.muli %select_n3A_30, %mul3A_399 : i32
    %add3A_401 = arith.constant 12 : i32
    %add3A_402 = arith.addi %mul3A_400, %add3A_401 : i32
    %add3A_403 = arith.constant 0 : i32
    %add3A_404 = arith.addi %add3A_402, %add3A_403 : i32
    %dma_start3A_405 = arith.constant 0 : i32
    %dma_start3A_406 = tpu.memref_slice %arg2[%select_n3A, %add3A_404, %dma_start3A_405] : memref<8x64x16384xf32, #tpu.memory_space<hbm>> -> memref<1x1x16384xf32, #tpu.memory_space<hbm>>
    %dma_start3A_407 = tpu.memref_squeeze %dma_start3A_406 : memref<1x1x16384xf32, #tpu.memory_space<hbm>> -> memref<16384xf32, #tpu.memory_space<hbm>>
    %dma_start3A_408 = arith.constant 0 : i32
    %dma_start3A_409 = tpu.memref_slice %arg2[%select_n3A, %add3A_404, %dma_start3A_408] : memref<8x64x16384xf32, #tpu.memory_space<hbm>> -> memref<1x1x16384xf32, #tpu.memory_space<hbm>>
    %dma_start3A_410 = tpu.memref_squeeze %dma_start3A_409 : memref<1x1x16384xf32, #tpu.memory_space<hbm>> -> memref<16384xf32, #tpu.memory_space<hbm>>
    tpu.enqueue_dma source(%dma_start3A_410 : memref<16384xf32, #tpu.memory_space<hbm>>) target(%arg7 : memref<16384xf32, #tpu.memory_space<vmem>>) target_semaphore(%arg19 : memref<!tpu.dma_semaphore, #tpu.memory_space<semaphore_mem>>)
    %add3A_411 = arith.constant 1 : i32
    %add3A_412 = arith.addi %add3A_402, %add3A_411 : i32
    %dma_start3A_413 = arith.constant 0 : i32
    %dma_start3A_414 = tpu.memref_slice %arg2[%select_n3A, %add3A_412, %dma_start3A_413] : memref<8x64x16384xf32, #tpu.memory_space<hbm>> -> memref<1x1x16384xf32, #tpu.memory_space<hbm>>
    %dma_start3A_415 = tpu.memref_squeeze %dma_start3A_414 : memref<1x1x16384xf32, #tpu.memory_space<hbm>> -> memref<16384xf32, #tpu.memory_space<hbm>>
    %dma_start3A_416 = arith.constant 0 : i32
    %dma_start3A_417 = tpu.memref_slice %arg2[%select_n3A, %add3A_412, %dma_start3A_416] : memref<8x64x16384xf32, #tpu.memory_space<hbm>> -> memref<1x1x16384xf32, #tpu.memory_space<hbm>>
    %dma_start3A_418 = tpu.memref_squeeze %dma_start3A_417 : memref<1x1x16384xf32, #tpu.memory_space<hbm>> -> memref<16384xf32, #tpu.memory_space<hbm>>
    tpu.enqueue_dma source(%dma_start3A_418 : memref<16384xf32, #tpu.memory_space<hbm>>) target(%arg8 : memref<16384xf32, #tpu.memory_space<vmem>>) target_semaphore(%arg19 : memref<!tpu.dma_semaphore, #tpu.memory_space<semaphore_mem>>)
    %add3A_419 = arith.constant 2 : i32
    %add3A_420 = arith.addi %add3A_402, %add3A_419 : i32
    %dma_start3A_421 = arith.constant 0 : i32
    %dma_start3A_422 = tpu.memref_slice %arg2[%select_n3A, %add3A_420, %dma_start3A_421] : memref<8x64x16384xf32, #tpu.memory_space<hbm>> -> memref<1x1x16384xf32, #tpu.memory_space<hbm>>
    %dma_start3A_423 = tpu.memref_squeeze %dma_start3A_422 : memref<1x1x16384xf32, #tpu.memory_space<hbm>> -> memref<16384xf32, #tpu.memory_space<hbm>>
    %dma_start3A_424 = arith.constant 0 : i32
    %dma_start3A_425 = tpu.memref_slice %arg2[%select_n3A, %add3A_420, %dma_start3A_424] : memref<8x64x16384xf32, #tpu.memory_space<hbm>> -> memref<1x1x16384xf32, #tpu.memory_space<hbm>>
    %dma_start3A_426 = tpu.memref_squeeze %dma_start3A_425 : memref<1x1x16384xf32, #tpu.memory_space<hbm>> -> memref<16384xf32, #tpu.memory_space<hbm>>
    tpu.enqueue_dma source(%dma_start3A_426 : memref<16384xf32, #tpu.memory_space<hbm>>) target(%arg9 : memref<16384xf32, #tpu.memory_space<vmem>>) target_semaphore(%arg19 : memref<!tpu.dma_semaphore, #tpu.memory_space<semaphore_mem>>)
    %add3A_427 = arith.constant 3 : i32
    %add3A_428 = arith.addi %add3A_402, %add3A_427 : i32
    %dma_start3A_429 = arith.constant 0 : i32
    %dma_start3A_430 = tpu.memref_slice %arg2[%select_n3A, %add3A_428, %dma_start3A_429] : memref<8x64x16384xf32, #tpu.memory_space<hbm>> -> memref<1x1x16384xf32, #tpu.memory_space<hbm>>
    %dma_start3A_431 = tpu.memref_squeeze %dma_start3A_430 : memref<1x1x16384xf32, #tpu.memory_space<hbm>> -> memref<16384xf32, #tpu.memory_space<hbm>>
    %dma_start3A_432 = arith.constant 0 : i32
    %dma_start3A_433 = tpu.memref_slice %arg2[%select_n3A, %add3A_428, %dma_start3A_432] : memref<8x64x16384xf32, #tpu.memory_space<hbm>> -> memref<1x1x16384xf32, #tpu.memory_space<hbm>>
    %dma_start3A_434 = tpu.memref_squeeze %dma_start3A_433 : memref<1x1x16384xf32, #tpu.memory_space<hbm>> -> memref<16384xf32, #tpu.memory_space<hbm>>
    tpu.enqueue_dma source(%dma_start3A_434 : memref<16384xf32, #tpu.memory_space<hbm>>) target(%arg10 : memref<16384xf32, #tpu.memory_space<vmem>>) target_semaphore(%arg19 : memref<!tpu.dma_semaphore, #tpu.memory_space<semaphore_mem>>)
    %dma_wait3A_435 = arith.constant 0 : i32
    %dma_wait3A_436 = arith.constant 0 : i32
    %dma_wait3A_437 = arith.constant 0 : i32
    %dma_wait3A_438 = tpu.memref_slice %arg4[%select_n3A, %dma_wait3A_435, %dma_wait3A_436, %dma_wait3A_437] : memref<8x64x32x4096xf32, #tpu.memory_space<hbm>> -> memref<1x1x1x4096xf32, #tpu.memory_space<hbm>>
    %dma_wait3A_439 = tpu.memref_squeeze %dma_wait3A_438 : memref<1x1x1x4096xf32, #tpu.memory_space<hbm>> -> memref<4096xf32, #tpu.memory_space<hbm>>
    %dma_wait3A_440 = arith.constant 0 : i32
    %dma_wait3A_441 = tpu.memref_slice %arg4[%select_n3A, %dma_wait3A_435, %dma_wait3A_436, %dma_wait3A_440] : memref<8x64x32x4096xf32, #tpu.memory_space<hbm>> -> memref<1x1x1x4096xf32, #tpu.memory_space<hbm>>
    %dma_wait3A_442 = tpu.memref_squeeze %dma_wait3A_441 : memref<1x1x1x4096xf32, #tpu.memory_space<hbm>> -> memref<4096xf32, #tpu.memory_space<hbm>>
    tpu.wait_dma2 semaphore(%arg21 : memref<!tpu.dma_semaphore, #tpu.memory_space<semaphore_mem>>) src(%arg11 : memref<4096xf32, #tpu.memory_space<vmem>>) dst(%dma_wait3A_442 : memref<4096xf32, #tpu.memory_space<hbm>>)
    %dma_wait3A_443 = arith.constant 0 : i32
    %dma_wait3A_444 = arith.constant 0 : i32
    %dma_wait3A_445 = arith.constant 0 : i32
    %dma_wait3A_446 = tpu.memref_slice %arg4[%select_n3A, %dma_wait3A_443, %dma_wait3A_444, %dma_wait3A_445] : memref<8x64x32x4096xf32, #tpu.memory_space<hbm>> -> memref<1x1x1x4096xf32, #tpu.memory_space<hbm>>
    %dma_wait3A_447 = tpu.memref_squeeze %dma_wait3A_446 : memref<1x1x1x4096xf32, #tpu.memory_space<hbm>> -> memref<4096xf32, #tpu.memory_space<hbm>>
    %dma_wait3A_448 = arith.constant 0 : i32
    %dma_wait3A_449 = tpu.memref_slice %arg4[%select_n3A, %dma_wait3A_443, %dma_wait3A_444, %dma_wait3A_448] : memref<8x64x32x4096xf32, #tpu.memory_space<hbm>> -> memref<1x1x1x4096xf32, #tpu.memory_space<hbm>>
    %dma_wait3A_450 = tpu.memref_squeeze %dma_wait3A_449 : memref<1x1x1x4096xf32, #tpu.memory_space<hbm>> -> memref<4096xf32, #tpu.memory_space<hbm>>
    tpu.wait_dma2 semaphore(%arg21 : memref<!tpu.dma_semaphore, #tpu.memory_space<semaphore_mem>>) src(%arg12 : memref<4096xf32, #tpu.memory_space<vmem>>) dst(%dma_wait3A_450 : memref<4096xf32, #tpu.memory_space<hbm>>)
    %dma_wait3A_451 = arith.constant 0 : i32
    %dma_wait3A_452 = arith.constant 0 : i32
    %dma_wait3A_453 = arith.constant 0 : i32
    %dma_wait3A_454 = tpu.memref_slice %arg4[%select_n3A, %dma_wait3A_451, %dma_wait3A_452, %dma_wait3A_453] : memref<8x64x32x4096xf32, #tpu.memory_space<hbm>> -> memref<1x1x1x4096xf32, #tpu.memory_space<hbm>>
    %dma_wait3A_455 = tpu.memref_squeeze %dma_wait3A_454 : memref<1x1x1x4096xf32, #tpu.memory_space<hbm>> -> memref<4096xf32, #tpu.memory_space<hbm>>
    %dma_wait3A_456 = arith.constant 0 : i32
    %dma_wait3A_457 = tpu.memref_slice %arg4[%select_n3A, %dma_wait3A_451, %dma_wait3A_452, %dma_wait3A_456] : memref<8x64x32x4096xf32, #tpu.memory_space<hbm>> -> memref<1x1x1x4096xf32, #tpu.memory_space<hbm>>
    %dma_wait3A_458 = tpu.memref_squeeze %dma_wait3A_457 : memref<1x1x1x4096xf32, #tpu.memory_space<hbm>> -> memref<4096xf32, #tpu.memory_space<hbm>>
    tpu.wait_dma2 semaphore(%arg21 : memref<!tpu.dma_semaphore, #tpu.memory_space<semaphore_mem>>) src(%arg13 : memref<4096xf32, #tpu.memory_space<vmem>>) dst(%dma_wait3A_458 : memref<4096xf32, #tpu.memory_space<hbm>>)
    %dma_wait3A_459 = arith.constant 0 : i32
    %dma_wait3A_460 = arith.constant 0 : i32
    %dma_wait3A_461 = arith.constant 0 : i32
    %dma_wait3A_462 = tpu.memref_slice %arg4[%select_n3A, %dma_wait3A_459, %dma_wait3A_460, %dma_wait3A_461] : memref<8x64x32x4096xf32, #tpu.memory_space<hbm>> -> memref<1x1x1x4096xf32, #tpu.memory_space<hbm>>
    %dma_wait3A_463 = tpu.memref_squeeze %dma_wait3A_462 : memref<1x1x1x4096xf32, #tpu.memory_space<hbm>> -> memref<4096xf32, #tpu.memory_space<hbm>>
    %dma_wait3A_464 = arith.constant 0 : i32
    %dma_wait3A_465 = tpu.memref_slice %arg4[%select_n3A, %dma_wait3A_459, %dma_wait3A_460, %dma_wait3A_464] : memref<8x64x32x4096xf32, #tpu.memory_space<hbm>> -> memref<1x1x1x4096xf32, #tpu.memory_space<hbm>>
    %dma_wait3A_466 = tpu.memref_squeeze %dma_wait3A_465 : memref<1x1x1x4096xf32, #tpu.memory_space<hbm>> -> memref<4096xf32, #tpu.memory_space<hbm>>
    tpu.wait_dma2 semaphore(%arg21 : memref<!tpu.dma_semaphore, #tpu.memory_space<semaphore_mem>>) src(%arg14 : memref<4096xf32, #tpu.memory_space<vmem>>) dst(%dma_wait3A_466 : memref<4096xf32, #tpu.memory_space<hbm>>)
    %dma_wait3A_467 = arith.constant 0 : i32
    %dma_wait3A_468 = arith.constant 0 : i32
    %dma_wait3A_469 = arith.constant 0 : i32
    %dma_wait3A_470 = tpu.memref_slice %arg4[%select_n3A, %dma_wait3A_467, %dma_wait3A_468, %dma_wait3A_469] : memref<8x64x32x4096xf32, #tpu.memory_space<hbm>> -> memref<1x1x1x4096xf32, #tpu.memory_space<hbm>>
    %dma_wait3A_471 = tpu.memref_squeeze %dma_wait3A_470 : memref<1x1x1x4096xf32, #tpu.memory_space<hbm>> -> memref<4096xf32, #tpu.memory_space<hbm>>
    %dma_wait3A_472 = arith.constant 0 : i32
    %dma_wait3A_473 = tpu.memref_slice %arg4[%select_n3A, %dma_wait3A_467, %dma_wait3A_468, %dma_wait3A_472] : memref<8x64x32x4096xf32, #tpu.memory_space<hbm>> -> memref<1x1x1x4096xf32, #tpu.memory_space<hbm>>
    %dma_wait3A_474 = tpu.memref_squeeze %dma_wait3A_473 : memref<1x1x1x4096xf32, #tpu.memory_space<hbm>> -> memref<4096xf32, #tpu.memory_space<hbm>>
    tpu.wait_dma2 semaphore(%arg22 : memref<!tpu.dma_semaphore, #tpu.memory_space<semaphore_mem>>) src(%arg15 : memref<4096xf32, #tpu.memory_space<vmem>>) dst(%dma_wait3A_474 : memref<4096xf32, #tpu.memory_space<hbm>>)
    %dma_wait3A_475 = arith.constant 0 : i32
    %dma_wait3A_476 = arith.constant 0 : i32
    %dma_wait3A_477 = arith.constant 0 : i32
    %dma_wait3A_478 = tpu.memref_slice %arg4[%select_n3A, %dma_wait3A_475, %dma_wait3A_476, %dma_wait3A_477] : memref<8x64x32x4096xf32, #tpu.memory_space<hbm>> -> memref<1x1x1x4096xf32, #tpu.memory_space<hbm>>
    %dma_wait3A_479 = tpu.memref_squeeze %dma_wait3A_478 : memref<1x1x1x4096xf32, #tpu.memory_space<hbm>> -> memref<4096xf32, #tpu.memory_space<hbm>>
    %dma_wait3A_480 = arith.constant 0 : i32
    %dma_wait3A_481 = tpu.memref_slice %arg4[%select_n3A, %dma_wait3A_475, %dma_wait3A_476, %dma_wait3A_480] : memref<8x64x32x4096xf32, #tpu.memory_space<hbm>> -> memref<1x1x1x4096xf32, #tpu.memory_space<hbm>>
    %dma_wait3A_482 = tpu.memref_squeeze %dma_wait3A_481 : memref<1x1x1x4096xf32, #tpu.memory_space<hbm>> -> memref<4096xf32, #tpu.memory_space<hbm>>
    tpu.wait_dma2 semaphore(%arg22 : memref<!tpu.dma_semaphore, #tpu.memory_space<semaphore_mem>>) src(%arg16 : memref<4096xf32, #tpu.memory_space<vmem>>) dst(%dma_wait3A_482 : memref<4096xf32, #tpu.memory_space<hbm>>)
    %dma_wait3A_483 = arith.constant 0 : i32
    %dma_wait3A_484 = arith.constant 0 : i32
    %dma_wait3A_485 = arith.constant 0 : i32
    %dma_wait3A_486 = tpu.memref_slice %arg4[%select_n3A, %dma_wait3A_483, %dma_wait3A_484, %dma_wait3A_485] : memref<8x64x32x4096xf32, #tpu.memory_space<hbm>> -> memref<1x1x1x4096xf32, #tpu.memory_space<hbm>>
    %dma_wait3A_487 = tpu.memref_squeeze %dma_wait3A_486 : memref<1x1x1x4096xf32, #tpu.memory_space<hbm>> -> memref<4096xf32, #tpu.memory_space<hbm>>
    %dma_wait3A_488 = arith.constant 0 : i32
    %dma_wait3A_489 = tpu.memref_slice %arg4[%select_n3A, %dma_wait3A_483, %dma_wait3A_484, %dma_wait3A_488] : memref<8x64x32x4096xf32, #tpu.memory_space<hbm>> -> memref<1x1x1x4096xf32, #tpu.memory_space<hbm>>
    %dma_wait3A_490 = tpu.memref_squeeze %dma_wait3A_489 : memref<1x1x1x4096xf32, #tpu.memory_space<hbm>> -> memref<4096xf32, #tpu.memory_space<hbm>>
    tpu.wait_dma2 semaphore(%arg22 : memref<!tpu.dma_semaphore, #tpu.memory_space<semaphore_mem>>) src(%arg17 : memref<4096xf32, #tpu.memory_space<vmem>>) dst(%dma_wait3A_490 : memref<4096xf32, #tpu.memory_space<hbm>>)
    %dma_wait3A_491 = arith.constant 0 : i32
    %dma_wait3A_492 = arith.constant 0 : i32
    %dma_wait3A_493 = arith.constant 0 : i32
    %dma_wait3A_494 = tpu.memref_slice %arg4[%select_n3A, %dma_wait3A_491, %dma_wait3A_492, %dma_wait3A_493] : memref<8x64x32x4096xf32, #tpu.memory_space<hbm>> -> memref<1x1x1x4096xf32, #tpu.memory_space<hbm>>
    %dma_wait3A_495 = tpu.memref_squeeze %dma_wait3A_494 : memref<1x1x1x4096xf32, #tpu.memory_space<hbm>> -> memref<4096xf32, #tpu.memory_space<hbm>>
    %dma_wait3A_496 = arith.constant 0 : i32
    %dma_wait3A_497 = tpu.memref_slice %arg4[%select_n3A, %dma_wait3A_491, %dma_wait3A_492, %dma_wait3A_496] : memref<8x64x32x4096xf32, #tpu.memory_space<hbm>> -> memref<1x1x1x4096xf32, #tpu.memory_space<hbm>>
    %dma_wait3A_498 = tpu.memref_squeeze %dma_wait3A_497 : memref<1x1x1x4096xf32, #tpu.memory_space<hbm>> -> memref<4096xf32, #tpu.memory_space<hbm>>
    tpu.wait_dma2 semaphore(%arg22 : memref<!tpu.dma_semaphore, #tpu.memory_space<semaphore_mem>>) src(%arg18 : memref<4096xf32, #tpu.memory_space<vmem>>) dst(%dma_wait3A_498 : memref<4096xf32, #tpu.memory_space<hbm>>)
    %add3A_499 = arith.constant 0 : i32
    %add3A_500 = arith.addi %add3A_402, %add3A_499 : i32
    %dma_wait3A_501 = arith.constant 0 : i32
    %dma_wait3A_502 = tpu.memref_slice %arg2[%select_n3A, %add3A_500, %dma_wait3A_501] : memref<8x64x16384xf32, #tpu.memory_space<hbm>> -> memref<1x1x16384xf32, #tpu.memory_space<hbm>>
    %dma_wait3A_503 = tpu.memref_squeeze %dma_wait3A_502 : memref<1x1x16384xf32, #tpu.memory_space<hbm>> -> memref<16384xf32, #tpu.memory_space<hbm>>
    %dma_wait3A_504 = arith.constant 0 : i32
    %dma_wait3A_505 = tpu.memref_slice %arg2[%select_n3A, %add3A_500, %dma_wait3A_504] : memref<8x64x16384xf32, #tpu.memory_space<hbm>> -> memref<1x1x16384xf32, #tpu.memory_space<hbm>>
    %dma_wait3A_506 = tpu.memref_squeeze %dma_wait3A_505 : memref<1x1x16384xf32, #tpu.memory_space<hbm>> -> memref<16384xf32, #tpu.memory_space<hbm>>
    tpu.wait_dma2 semaphore(%arg19 : memref<!tpu.dma_semaphore, #tpu.memory_space<semaphore_mem>>) src(%dma_wait3A_506 : memref<16384xf32, #tpu.memory_space<hbm>>) dst(%arg7 : memref<16384xf32, #tpu.memory_space<vmem>>)
    %add3A_507 = arith.constant 1 : i32
    %add3A_508 = arith.addi %add3A_402, %add3A_507 : i32
    %dma_wait3A_509 = arith.constant 0 : i32
    %dma_wait3A_510 = tpu.memref_slice %arg2[%select_n3A, %add3A_508, %dma_wait3A_509] : memref<8x64x16384xf32, #tpu.memory_space<hbm>> -> memref<1x1x16384xf32, #tpu.memory_space<hbm>>
    %dma_wait3A_511 = tpu.memref_squeeze %dma_wait3A_510 : memref<1x1x16384xf32, #tpu.memory_space<hbm>> -> memref<16384xf32, #tpu.memory_space<hbm>>
    %dma_wait3A_512 = arith.constant 0 : i32
    %dma_wait3A_513 = tpu.memref_slice %arg2[%select_n3A, %add3A_508, %dma_wait3A_512] : memref<8x64x16384xf32, #tpu.memory_space<hbm>> -> memref<1x1x16384xf32, #tpu.memory_space<hbm>>
    %dma_wait3A_514 = tpu.memref_squeeze %dma_wait3A_513 : memref<1x1x16384xf32, #tpu.memory_space<hbm>> -> memref<16384xf32, #tpu.memory_space<hbm>>
    tpu.wait_dma2 semaphore(%arg19 : memref<!tpu.dma_semaphore, #tpu.memory_space<semaphore_mem>>) src(%dma_wait3A_514 : memref<16384xf32, #tpu.memory_space<hbm>>) dst(%arg8 : memref<16384xf32, #tpu.memory_space<vmem>>)
    %add3A_515 = arith.constant 2 : i32
    %add3A_516 = arith.addi %add3A_402, %add3A_515 : i32
    %dma_wait3A_517 = arith.constant 0 : i32
    %dma_wait3A_518 = tpu.memref_slice %arg2[%select_n3A, %add3A_516, %dma_wait3A_517] : memref<8x64x16384xf32, #tpu.memory_space<hbm>> -> memref<1x1x16384xf32, #tpu.memory_space<hbm>>
    %dma_wait3A_519 = tpu.memref_squeeze %dma_wait3A_518 : memref<1x1x16384xf32, #tpu.memory_space<hbm>> -> memref<16384xf32, #tpu.memory_space<hbm>>
    %dma_wait3A_520 = arith.constant 0 : i32
    %dma_wait3A_521 = tpu.memref_slice %arg2[%select_n3A, %add3A_516, %dma_wait3A_520] : memref<8x64x16384xf32, #tpu.memory_space<hbm>> -> memref<1x1x16384xf32, #tpu.memory_space<hbm>>
    %dma_wait3A_522 = tpu.memref_squeeze %dma_wait3A_521 : memref<1x1x16384xf32, #tpu.memory_space<hbm>> -> memref<16384xf32, #tpu.memory_space<hbm>>
    tpu.wait_dma2 semaphore(%arg19 : memref<!tpu.dma_semaphore, #tpu.memory_space<semaphore_mem>>) src(%dma_wait3A_522 : memref<16384xf32, #tpu.memory_space<hbm>>) dst(%arg9 : memref<16384xf32, #tpu.memory_space<vmem>>)
    %add3A_523 = arith.constant 3 : i32
    %add3A_524 = arith.addi %add3A_402, %add3A_523 : i32
    %dma_wait3A_525 = arith.constant 0 : i32
    %dma_wait3A_526 = tpu.memref_slice %arg2[%select_n3A, %add3A_524, %dma_wait3A_525] : memref<8x64x16384xf32, #tpu.memory_space<hbm>> -> memref<1x1x16384xf32, #tpu.memory_space<hbm>>
    %dma_wait3A_527 = tpu.memref_squeeze %dma_wait3A_526 : memref<1x1x16384xf32, #tpu.memory_space<hbm>> -> memref<16384xf32, #tpu.memory_space<hbm>>
    %dma_wait3A_528 = arith.constant 0 : i32
    %dma_wait3A_529 = tpu.memref_slice %arg2[%select_n3A, %add3A_524, %dma_wait3A_528] : memref<8x64x16384xf32, #tpu.memory_space<hbm>> -> memref<1x1x16384xf32, #tpu.memory_space<hbm>>
    %dma_wait3A_530 = tpu.memref_squeeze %dma_wait3A_529 : memref<1x1x16384xf32, #tpu.memory_space<hbm>> -> memref<16384xf32, #tpu.memory_space<hbm>>
    tpu.wait_dma2 semaphore(%arg19 : memref<!tpu.dma_semaphore, #tpu.memory_space<semaphore_mem>>) src(%dma_wait3A_530 : memref<16384xf32, #tpu.memory_space<hbm>>) dst(%arg10 : memref<16384xf32, #tpu.memory_space<vmem>>)
    %dma_start3A_531 = arith.constant 0 : i32
    %dma_start3A_532 = arith.constant 0 : i32
    %dma_start3A_533 = tpu.memref_slice %arg3[%select_n3A, %dma_start3A_531, %dma_start3A_532] : memref<8x32x4096xi32, #tpu.memory_space<hbm>> -> memref<1x1x4096xi32, #tpu.memory_space<hbm>>
    %dma_start3A_534 = tpu.memref_squeeze %dma_start3A_533 : memref<1x1x4096xi32, #tpu.memory_space<hbm>> -> memref<4096xi32, #tpu.memory_space<hbm>>
    %dma_start3A_535 = arith.constant 0 : i32
    %dma_start3A_536 = tpu.memref_slice %arg3[%select_n3A, %dma_start3A_531, %dma_start3A_535] : memref<8x32x4096xi32, #tpu.memory_space<hbm>> -> memref<1x1x4096xi32, #tpu.memory_space<hbm>>
    %dma_start3A_537 = tpu.memref_squeeze %dma_start3A_536 : memref<1x1x4096xi32, #tpu.memory_space<hbm>> -> memref<4096xi32, #tpu.memory_space<hbm>>
    tpu.enqueue_dma source(%dma_start3A_537 : memref<4096xi32, #tpu.memory_space<hbm>>) target(%arg5 : memref<4096xi32, #tpu.memory_space<vmem>>) target_semaphore(%arg20 : memref<!tpu.dma_semaphore, #tpu.memory_space<semaphore_mem>>)
    %scan3A_538 = arith.constant 0 : i32
    %scan3A_539 = arith.constant 0 : i32
    %scan3A_540 = arith.constant 16 : i32
    %scan3A_541 = arith.addi %scan3A_539, %scan3A_540 : i32
    %scan3A_542 = arith.constant 1 : i32
    scf.for %scan3A_608 = %scan3A_539 to %scan3A_541 step %scan3A_542  : i32 {
      %mul3A_609 = arith.constant 2 : i32
      %mul3A_610 = arith.muli %scan3A_608, %mul3A_609 : i32
      %add3A_611 = arith.constant 0 : i32
      %add3A_612 = arith.addi %mul3A_610, %add3A_611 : i32
      %add3A_613 = arith.constant 1 : i32
      %add3A_614 = arith.addi %add3A_612, %add3A_613 : i32
      %lt3A_615 = arith.constant 32 : i32
      %lt3A_616 = arith.cmpi slt, %add3A_614, %lt3A_615 : i32
      %convert_element_type3A = arith.extui %lt3A_616 : i1 to i32
      %cond3A = arith.constant 0 : i32
      %cond3A_617 = arith.cmpi ne, %convert_element_type3A, %cond3A : i32
      scf.if %cond3A_617 {
        %add3A_721 = arith.constant 1 : i32
        %add3A_722 = arith.addi %add3A_612, %add3A_721 : i32
        %dma_start3A_723 = arith.constant 0 : i32
        %dma_start3A_724 = tpu.memref_slice %arg3[%select_n3A, %add3A_722, %dma_start3A_723] : memref<8x32x4096xi32, #tpu.memory_space<hbm>> -> memref<1x1x4096xi32, #tpu.memory_space<hbm>>
        %dma_start3A_725 = tpu.memref_squeeze %dma_start3A_724 : memref<1x1x4096xi32, #tpu.memory_space<hbm>> -> memref<4096xi32, #tpu.memory_space<hbm>>
        %dma_start3A_726 = arith.constant 0 : i32
        %dma_start3A_727 = tpu.memref_slice %arg3[%select_n3A, %add3A_722, %dma_start3A_726] : memref<8x32x4096xi32, #tpu.memory_space<hbm>> -> memref<1x1x4096xi32, #tpu.memory_space<hbm>>
        %dma_start3A_728 = tpu.memref_squeeze %dma_start3A_727 : memref<1x1x4096xi32, #tpu.memory_space<hbm>> -> memref<4096xi32, #tpu.memory_space<hbm>>
        tpu.enqueue_dma source(%dma_start3A_728 : memref<4096xi32, #tpu.memory_space<hbm>>) target(%arg6 : memref<4096xi32, #tpu.memory_space<vmem>>) target_semaphore(%arg20 : memref<!tpu.dma_semaphore, #tpu.memory_space<semaphore_mem>>)
      } else {
      }
      %dma_wait3A_618 = arith.constant 0 : i32
      %dma_wait3A_619 = arith.constant 0 : i32
      %dma_wait3A_620 = tpu.memref_slice %arg3[%select_n3A, %dma_wait3A_618, %dma_wait3A_619] : memref<8x32x4096xi32, #tpu.memory_space<hbm>> -> memref<1x1x4096xi32, #tpu.memory_space<hbm>>
      %dma_wait3A_621 = tpu.memref_squeeze %dma_wait3A_620 : memref<1x1x4096xi32, #tpu.memory_space<hbm>> -> memref<4096xi32, #tpu.memory_space<hbm>>
      %dma_wait3A_622 = arith.constant 0 : i32
      %dma_wait3A_623 = tpu.memref_slice %arg3[%select_n3A, %dma_wait3A_618, %dma_wait3A_622] : memref<8x32x4096xi32, #tpu.memory_space<hbm>> -> memref<1x1x4096xi32, #tpu.memory_space<hbm>>
      %dma_wait3A_624 = tpu.memref_squeeze %dma_wait3A_623 : memref<1x1x4096xi32, #tpu.memory_space<hbm>> -> memref<4096xi32, #tpu.memory_space<hbm>>
      tpu.wait_dma2 semaphore(%arg20 : memref<!tpu.dma_semaphore, #tpu.memory_space<semaphore_mem>>) src(%dma_wait3A_624 : memref<4096xi32, #tpu.memory_space<hbm>>) dst(%arg5 : memref<4096xi32, #tpu.memory_space<vmem>>)
      %gt3A = arith.constant 0 : i32
      %gt3A_625 = arith.cmpi sgt, %scan3A_608, %gt3A : i32
      %convert_element_type3A_626 = arith.extui %gt3A_625 : i1 to i32
      %cond3A_627 = arith.constant 0 : i32
      %cond3A_628 = arith.cmpi ne, %convert_element_type3A_626, %cond3A_627 : i32
      scf.if %cond3A_628 {
        %dma_wait3A_721 = arith.constant 0 : i32
        %dma_wait3A_722 = arith.constant 0 : i32
        %dma_wait3A_723 = arith.constant 0 : i32
        %dma_wait3A_724 = tpu.memref_slice %arg4[%select_n3A, %dma_wait3A_721, %dma_wait3A_722, %dma_wait3A_723] : memref<8x64x32x4096xf32, #tpu.memory_space<hbm>> -> memref<1x1x1x4096xf32, #tpu.memory_space<hbm>>
        %dma_wait3A_725 = tpu.memref_squeeze %dma_wait3A_724 : memref<1x1x1x4096xf32, #tpu.memory_space<hbm>> -> memref<4096xf32, #tpu.memory_space<hbm>>
        %dma_wait3A_726 = arith.constant 0 : i32
        %dma_wait3A_727 = tpu.memref_slice %arg4[%select_n3A, %dma_wait3A_721, %dma_wait3A_722, %dma_wait3A_726] : memref<8x64x32x4096xf32, #tpu.memory_space<hbm>> -> memref<1x1x1x4096xf32, #tpu.memory_space<hbm>>
        %dma_wait3A_728 = tpu.memref_squeeze %dma_wait3A_727 : memref<1x1x1x4096xf32, #tpu.memory_space<hbm>> -> memref<4096xf32, #tpu.memory_space<hbm>>
        tpu.wait_dma2 semaphore(%arg21 : memref<!tpu.dma_semaphore, #tpu.memory_space<semaphore_mem>>) src(%arg11 : memref<4096xf32, #tpu.memory_space<vmem>>) dst(%dma_wait3A_728 : memref<4096xf32, #tpu.memory_space<hbm>>)
        %dma_wait3A_729 = arith.constant 0 : i32
        %dma_wait3A_730 = arith.constant 0 : i32
        %dma_wait3A_731 = arith.constant 0 : i32
        %dma_wait3A_732 = tpu.memref_slice %arg4[%select_n3A, %dma_wait3A_729, %dma_wait3A_730, %dma_wait3A_731] : memref<8x64x32x4096xf32, #tpu.memory_space<hbm>> -> memref<1x1x1x4096xf32, #tpu.memory_space<hbm>>
        %dma_wait3A_733 = tpu.memref_squeeze %dma_wait3A_732 : memref<1x1x1x4096xf32, #tpu.memory_space<hbm>> -> memref<4096xf32, #tpu.memory_space<hbm>>
        %dma_wait3A_734 = arith.constant 0 : i32
        %dma_wait3A_735 = tpu.memref_slice %arg4[%select_n3A, %dma_wait3A_729, %dma_wait3A_730, %dma_wait3A_734] : memref<8x64x32x4096xf32, #tpu.memory_space<hbm>> -> memref<1x1x1x4096xf32, #tpu.memory_space<hbm>>
        %dma_wait3A_736 = tpu.memref_squeeze %dma_wait3A_735 : memref<1x1x1x4096xf32, #tpu.memory_space<hbm>> -> memref<4096xf32, #tpu.memory_space<hbm>>
        tpu.wait_dma2 semaphore(%arg21 : memref<!tpu.dma_semaphore, #tpu.memory_space<semaphore_mem>>) src(%arg12 : memref<4096xf32, #tpu.memory_space<vmem>>) dst(%dma_wait3A_736 : memref<4096xf32, #tpu.memory_space<hbm>>)
        %dma_wait3A_737 = arith.constant 0 : i32
        %dma_wait3A_738 = arith.constant 0 : i32
        %dma_wait3A_739 = arith.constant 0 : i32
        %dma_wait3A_740 = tpu.memref_slice %arg4[%select_n3A, %dma_wait3A_737, %dma_wait3A_738, %dma_wait3A_739] : memref<8x64x32x4096xf32, #tpu.memory_space<hbm>> -> memref<1x1x1x4096xf32, #tpu.memory_space<hbm>>
        %dma_wait3A_741 = tpu.memref_squeeze %dma_wait3A_740 : memref<1x1x1x4096xf32, #tpu.memory_space<hbm>> -> memref<4096xf32, #tpu.memory_space<hbm>>
        %dma_wait3A_742 = arith.constant 0 : i32
        %dma_wait3A_743 = tpu.memref_slice %arg4[%select_n3A, %dma_wait3A_737, %dma_wait3A_738, %dma_wait3A_742] : memref<8x64x32x4096xf32, #tpu.memory_space<hbm>> -> memref<1x1x1x4096xf32, #tpu.memory_space<hbm>>
        %dma_wait3A_744 = tpu.memref_squeeze %dma_wait3A_743 : memref<1x1x1x4096xf32, #tpu.memory_space<hbm>> -> memref<4096xf32, #tpu.memory_space<hbm>>
        tpu.wait_dma2 semaphore(%arg21 : memref<!tpu.dma_semaphore, #tpu.memory_space<semaphore_mem>>) src(%arg13 : memref<4096xf32, #tpu.memory_space<vmem>>) dst(%dma_wait3A_744 : memref<4096xf32, #tpu.memory_space<hbm>>)
        %dma_wait3A_745 = arith.constant 0 : i32
        %dma_wait3A_746 = arith.constant 0 : i32
        %dma_wait3A_747 = arith.constant 0 : i32
        %dma_wait3A_748 = tpu.memref_slice %arg4[%select_n3A, %dma_wait3A_745, %dma_wait3A_746, %dma_wait3A_747] : memref<8x64x32x4096xf32, #tpu.memory_space<hbm>> -> memref<1x1x1x4096xf32, #tpu.memory_space<hbm>>
        %dma_wait3A_749 = tpu.memref_squeeze %dma_wait3A_748 : memref<1x1x1x4096xf32, #tpu.memory_space<hbm>> -> memref<4096xf32, #tpu.memory_space<hbm>>
        %dma_wait3A_750 = arith.constant 0 : i32
        %dma_wait3A_751 = tpu.memref_slice %arg4[%select_n3A, %dma_wait3A_745, %dma_wait3A_746, %dma_wait3A_750] : memref<8x64x32x4096xf32, #tpu.memory_space<hbm>> -> memref<1x1x1x4096xf32, #tpu.memory_space<hbm>>
        %dma_wait3A_752 = tpu.memref_squeeze %dma_wait3A_751 : memref<1x1x1x4096xf32, #tpu.memory_space<hbm>> -> memref<4096xf32, #tpu.memory_space<hbm>>
        tpu.wait_dma2 semaphore(%arg21 : memref<!tpu.dma_semaphore, #tpu.memory_space<semaphore_mem>>) src(%arg14 : memref<4096xf32, #tpu.memory_space<vmem>>) dst(%dma_wait3A_752 : memref<4096xf32, #tpu.memory_space<hbm>>)
      } else {
      }
      %parallel_loop3A = arith.constant 0 : i32
      %parallel_loop3A_629 = arith.constant 256 : i32
      %parallel_loop3A_630 = arith.constant 1 : i32
      scf.for %parallel_loop3A_721 = %parallel_loop3A to %parallel_loop3A_629 step %parallel_loop3A_630  : i32 {
        %parallel_loop3A_722 = arith.constant 16 : i32
        %parallel_loop3A_723 = arith.muli %parallel_loop3A_721, %parallel_loop3A_722 : i32
        %parallel_loop3A_724 = arith.index_cast %parallel_loop3A_723 : i32 to index
        %parallel_loop3A_725 = tpu.vector_load %arg5[%parallel_loop3A_724] {strides = array<i32>} : memref<4096xi32, #tpu.memory_space<vmem>>, vector<16xi32>,
        %parallel_loop3A_726 = tpu.vector_load_idx %arg7[%parallel_loop3A_725] : memref<16384xf32, #tpu.memory_space<vmem>>[vector<16xi32>], vector<16xf32>,
        %parallel_loop3A_727 = arith.constant 16 : i32
        %parallel_loop3A_728 = arith.muli %parallel_loop3A_721, %parallel_loop3A_727 : i32
        %parallel_loop3A_729 = arith.index_cast %parallel_loop3A_728 : i32 to index
        %parallel_loop3A_730 = tpu.vector_load %arg11[%parallel_loop3A_729] {strides = array<i32>} : memref<4096xf32, #tpu.memory_space<vmem>>, vector<16xf32>,
        tpu.vector_store %arg11[%parallel_loop3A_729], %parallel_loop3A_726 {strides = array<i32>} : memref<4096xf32, #tpu.memory_space<vmem>>, vector<16xf32>,
        %parallel_loop3A_731 = tpu.vector_load_idx %arg8[%parallel_loop3A_725] : memref<16384xf32, #tpu.memory_space<vmem>>[vector<16xi32>], vector<16xf32>,
        %parallel_loop3A_732 = arith.constant 16 : i32
        %parallel_loop3A_733 = arith.muli %parallel_loop3A_721, %parallel_loop3A_732 : i32
        %parallel_loop3A_734 = arith.index_cast %parallel_loop3A_733 : i32 to index
        %parallel_loop3A_735 = tpu.vector_load %arg12[%parallel_loop3A_734] {strides = array<i32>} : memref<4096xf32, #tpu.memory_space<vmem>>, vector<16xf32>,
        tpu.vector_store %arg12[%parallel_loop3A_734], %parallel_loop3A_731 {strides = array<i32>} : memref<4096xf32, #tpu.memory_space<vmem>>, vector<16xf32>,
        %parallel_loop3A_736 = tpu.vector_load_idx %arg9[%parallel_loop3A_725] : memref<16384xf32, #tpu.memory_space<vmem>>[vector<16xi32>], vector<16xf32>,
        %parallel_loop3A_737 = arith.constant 16 : i32
        %parallel_loop3A_738 = arith.muli %parallel_loop3A_721, %parallel_loop3A_737 : i32
        %parallel_loop3A_739 = arith.index_cast %parallel_loop3A_738 : i32 to index
        %parallel_loop3A_740 = tpu.vector_load %arg13[%parallel_loop3A_739] {strides = array<i32>} : memref<4096xf32, #tpu.memory_space<vmem>>, vector<16xf32>,
        tpu.vector_store %arg13[%parallel_loop3A_739], %parallel_loop3A_736 {strides = array<i32>} : memref<4096xf32, #tpu.memory_space<vmem>>, vector<16xf32>,
        %parallel_loop3A_741 = tpu.vector_load_idx %arg10[%parallel_loop3A_725] : memref<16384xf32, #tpu.memory_space<vmem>>[vector<16xi32>], vector<16xf32>,
        %parallel_loop3A_742 = arith.constant 16 : i32
        %parallel_loop3A_743 = arith.muli %parallel_loop3A_721, %parallel_loop3A_742 : i32
        %parallel_loop3A_744 = arith.index_cast %parallel_loop3A_743 : i32 to index
        %parallel_loop3A_745 = tpu.vector_load %arg14[%parallel_loop3A_744] {strides = array<i32>} : memref<4096xf32, #tpu.memory_space<vmem>>, vector<16xf32>,
        tpu.vector_store %arg14[%parallel_loop3A_744], %parallel_loop3A_741 {strides = array<i32>} : memref<4096xf32, #tpu.memory_space<vmem>>, vector<16xf32>,
      } {sc.loop_unroll_factor = 16 : i64, sc.parallel_access}
      %add3A_631 = arith.constant 0 : i32
      %add3A_632 = arith.addi %add3A_402, %add3A_631 : i32
      %dma_start3A_633 = arith.constant 0 : i32
      %dma_start3A_634 = tpu.memref_slice %arg4[%select_n3A, %add3A_632, %add3A_612, %dma_start3A_633] : memref<8x64x32x4096xf32, #tpu.memory_space<hbm>> -> memref<1x1x1x4096xf32, #tpu.memory_space<hbm>>
      %dma_start3A_635 = tpu.memref_squeeze %dma_start3A_634 : memref<1x1x1x4096xf32, #tpu.memory_space<hbm>> -> memref<4096xf32, #tpu.memory_space<hbm>>
      %dma_start3A_636 = arith.constant 0 : i32
      %dma_start3A_637 = tpu.memref_slice %arg4[%select_n3A, %add3A_632, %add3A_612, %dma_start3A_636] : memref<8x64x32x4096xf32, #tpu.memory_space<hbm>> -> memref<1x1x1x4096xf32, #tpu.memory_space<hbm>>
      %dma_start3A_638 = tpu.memref_squeeze %dma_start3A_637 : memref<1x1x1x4096xf32, #tpu.memory_space<hbm>> -> memref<4096xf32, #tpu.memory_space<hbm>>
      tpu.enqueue_dma source(%arg11 : memref<4096xf32, #tpu.memory_space<vmem>>) target(%dma_start3A_638 : memref<4096xf32, #tpu.memory_space<hbm>>) target_semaphore(%arg21 : memref<!tpu.dma_semaphore, #tpu.memory_space<semaphore_mem>>)
      %add3A_639 = arith.constant 1 : i32
      %add3A_640 = arith.addi %add3A_402, %add3A_639 : i32
      %dma_start3A_641 = arith.constant 0 : i32
      %dma_start3A_642 = tpu.memref_slice %arg4[%select_n3A, %add3A_640, %add3A_612, %dma_start3A_641] : memref<8x64x32x4096xf32, #tpu.memory_space<hbm>> -> memref<1x1x1x4096xf32, #tpu.memory_space<hbm>>
      %dma_start3A_643 = tpu.memref_squeeze %dma_start3A_642 : memref<1x1x1x4096xf32, #tpu.memory_space<hbm>> -> memref<4096xf32, #tpu.memory_space<hbm>>
      %dma_start3A_644 = arith.constant 0 : i32
      %dma_start3A_645 = tpu.memref_slice %arg4[%select_n3A, %add3A_640, %add3A_612, %dma_start3A_644] : memref<8x64x32x4096xf32, #tpu.memory_space<hbm>> -> memref<1x1x1x4096xf32, #tpu.memory_space<hbm>>
      %dma_start3A_646 = tpu.memref_squeeze %dma_start3A_645 : memref<1x1x1x4096xf32, #tpu.memory_space<hbm>> -> memref<4096xf32, #tpu.memory_space<hbm>>
      tpu.enqueue_dma source(%arg12 : memref<4096xf32, #tpu.memory_space<vmem>>) target(%dma_start3A_646 : memref<4096xf32, #tpu.memory_space<hbm>>) target_semaphore(%arg21 : memref<!tpu.dma_semaphore, #tpu.memory_space<semaphore_mem>>)
      %add3A_647 = arith.constant 2 : i32
      %add3A_648 = arith.addi %add3A_402, %add3A_647 : i32
      %dma_start3A_649 = arith.constant 0 : i32
      %dma_start3A_650 = tpu.memref_slice %arg4[%select_n3A, %add3A_648, %add3A_612, %dma_start3A_649] : memref<8x64x32x4096xf32, #tpu.memory_space<hbm>> -> memref<1x1x1x4096xf32, #tpu.memory_space<hbm>>
      %dma_start3A_651 = tpu.memref_squeeze %dma_start3A_650 : memref<1x1x1x4096xf32, #tpu.memory_space<hbm>> -> memref<4096xf32, #tpu.memory_space<hbm>>
      %dma_start3A_652 = arith.constant 0 : i32
      %dma_start3A_653 = tpu.memref_slice %arg4[%select_n3A, %add3A_648, %add3A_612, %dma_start3A_652] : memref<8x64x32x4096xf32, #tpu.memory_space<hbm>> -> memref<1x1x1x4096xf32, #tpu.memory_space<hbm>>
      %dma_start3A_654 = tpu.memref_squeeze %dma_start3A_653 : memref<1x1x1x4096xf32, #tpu.memory_space<hbm>> -> memref<4096xf32, #tpu.memory_space<hbm>>
      tpu.enqueue_dma source(%arg13 : memref<4096xf32, #tpu.memory_space<vmem>>) target(%dma_start3A_654 : memref<4096xf32, #tpu.memory_space<hbm>>) target_semaphore(%arg21 : memref<!tpu.dma_semaphore, #tpu.memory_space<semaphore_mem>>)
      %add3A_655 = arith.constant 3 : i32
      %add3A_656 = arith.addi %add3A_402, %add3A_655 : i32
      %dma_start3A_657 = arith.constant 0 : i32
      %dma_start3A_658 = tpu.memref_slice %arg4[%select_n3A, %add3A_656, %add3A_612, %dma_start3A_657] : memref<8x64x32x4096xf32, #tpu.memory_space<hbm>> -> memref<1x1x1x4096xf32, #tpu.memory_space<hbm>>
      %dma_start3A_659 = tpu.memref_squeeze %dma_start3A_658 : memref<1x1x1x4096xf32, #tpu.memory_space<hbm>> -> memref<4096xf32, #tpu.memory_space<hbm>>
      %dma_start3A_660 = arith.constant 0 : i32
      %dma_start3A_661 = tpu.memref_slice %arg4[%select_n3A, %add3A_656, %add3A_612, %dma_start3A_660] : memref<8x64x32x4096xf32, #tpu.memory_space<hbm>> -> memref<1x1x1x4096xf32, #tpu.memory_space<hbm>>
      %dma_start3A_662 = tpu.memref_squeeze %dma_start3A_661 : memref<1x1x1x4096xf32, #tpu.memory_space<hbm>> -> memref<4096xf32, #tpu.memory_space<hbm>>
      tpu.enqueue_dma source(%arg14 : memref<4096xf32, #tpu.memory_space<vmem>>) target(%dma_start3A_662 : memref<4096xf32, #tpu.memory_space<hbm>>) target_semaphore(%arg21 : memref<!tpu.dma_semaphore, #tpu.memory_space<semaphore_mem>>)
      %mul3A_663 = arith.constant 2 : i32
      %mul3A_664 = arith.muli %scan3A_608, %mul3A_663 : i32
      %add3A_665 = arith.constant 1 : i32
      %add3A_666 = arith.addi %mul3A_664, %add3A_665 : i32
      %add3A_667 = arith.constant 1 : i32
      %add3A_668 = arith.addi %add3A_666, %add3A_667 : i32
      %lt3A_669 = arith.constant 32 : i32
      %lt3A_670 = arith.cmpi slt, %add3A_668, %lt3A_669 : i32
      %convert_element_type3A_671 = arith.extui %lt3A_670 : i1 to i32
      %cond3A_672 = arith.constant 0 : i32
      %cond3A_673 = arith.cmpi ne, %convert_element_type3A_671, %cond3A_672 : i32
      scf.if %cond3A_673 {
        %add3A_721 = arith.constant 1 : i32
        %add3A_722 = arith.addi %add3A_666, %add3A_721 : i32
        %dma_start3A_723 = arith.constant 0 : i32
        %dma_start3A_724 = tpu.memref_slice %arg3[%select_n3A, %add3A_722, %dma_start3A_723] : memref<8x32x4096xi32, #tpu.memory_space<hbm>> -> memref<1x1x4096xi32, #tpu.memory_space<hbm>>
        %dma_start3A_725 = tpu.memref_squeeze %dma_start3A_724 : memref<1x1x4096xi32, #tpu.memory_space<hbm>> -> memref<4096xi32, #tpu.memory_space<hbm>>
        %dma_start3A_726 = arith.constant 0 : i32
        %dma_start3A_727 = tpu.memref_slice %arg3[%select_n3A, %add3A_722, %dma_start3A_726] : memref<8x32x4096xi32, #tpu.memory_space<hbm>> -> memref<1x1x4096xi32, #tpu.memory_space<hbm>>
        %dma_start3A_728 = tpu.memref_squeeze %dma_start3A_727 : memref<1x1x4096xi32, #tpu.memory_space<hbm>> -> memref<4096xi32, #tpu.memory_space<hbm>>
        tpu.enqueue_dma source(%dma_start3A_728 : memref<4096xi32, #tpu.memory_space<hbm>>) target(%arg5 : memref<4096xi32, #tpu.memory_space<vmem>>) target_semaphore(%arg20 : memref<!tpu.dma_semaphore, #tpu.memory_space<semaphore_mem>>)
      } else {
      }
      %dma_wait3A_674 = arith.constant 0 : i32
      %dma_wait3A_675 = arith.constant 0 : i32
      %dma_wait3A_676 = tpu.memref_slice %arg3[%select_n3A, %dma_wait3A_674, %dma_wait3A_675] : memref<8x32x4096xi32, #tpu.memory_space<hbm>> -> memref<1x1x4096xi32, #tpu.memory_space<hbm>>
      %dma_wait3A_677 = tpu.memref_squeeze %dma_wait3A_676 : memref<1x1x4096xi32, #tpu.memory_space<hbm>> -> memref<4096xi32, #tpu.memory_space<hbm>>
      %dma_wait3A_678 = arith.constant 0 : i32
      %dma_wait3A_679 = tpu.memref_slice %arg3[%select_n3A, %dma_wait3A_674, %dma_wait3A_678] : memref<8x32x4096xi32, #tpu.memory_space<hbm>> -> memref<1x1x4096xi32, #tpu.memory_space<hbm>>
      %dma_wait3A_680 = tpu.memref_squeeze %dma_wait3A_679 : memref<1x1x4096xi32, #tpu.memory_space<hbm>> -> memref<4096xi32, #tpu.memory_space<hbm>>
      tpu.wait_dma2 semaphore(%arg20 : memref<!tpu.dma_semaphore, #tpu.memory_space<semaphore_mem>>) src(%dma_wait3A_680 : memref<4096xi32, #tpu.memory_space<hbm>>) dst(%arg6 : memref<4096xi32, #tpu.memory_space<vmem>>)
      %gt3A_681 = arith.constant 0 : i32
      %gt3A_682 = arith.cmpi sgt, %scan3A_608, %gt3A_681 : i32
      %convert_element_type3A_683 = arith.extui %gt3A_682 : i1 to i32
      %cond3A_684 = arith.constant 0 : i32
      %cond3A_685 = arith.cmpi ne, %convert_element_type3A_683, %cond3A_684 : i32
      scf.if %cond3A_685 {
        %dma_wait3A_721 = arith.constant 0 : i32
        %dma_wait3A_722 = arith.constant 0 : i32
        %dma_wait3A_723 = arith.constant 0 : i32
        %dma_wait3A_724 = tpu.memref_slice %arg4[%select_n3A, %dma_wait3A_721, %dma_wait3A_722, %dma_wait3A_723] : memref<8x64x32x4096xf32, #tpu.memory_space<hbm>> -> memref<1x1x1x4096xf32, #tpu.memory_space<hbm>>
        %dma_wait3A_725 = tpu.memref_squeeze %dma_wait3A_724 : memref<1x1x1x4096xf32, #tpu.memory_space<hbm>> -> memref<4096xf32, #tpu.memory_space<hbm>>
        %dma_wait3A_726 = arith.constant 0 : i32
        %dma_wait3A_727 = tpu.memref_slice %arg4[%select_n3A, %dma_wait3A_721, %dma_wait3A_722, %dma_wait3A_726] : memref<8x64x32x4096xf32, #tpu.memory_space<hbm>> -> memref<1x1x1x4096xf32, #tpu.memory_space<hbm>>
        %dma_wait3A_728 = tpu.memref_squeeze %dma_wait3A_727 : memref<1x1x1x4096xf32, #tpu.memory_space<hbm>> -> memref<4096xf32, #tpu.memory_space<hbm>>
        tpu.wait_dma2 semaphore(%arg22 : memref<!tpu.dma_semaphore, #tpu.memory_space<semaphore_mem>>) src(%arg15 : memref<4096xf32, #tpu.memory_space<vmem>>) dst(%dma_wait3A_728 : memref<4096xf32, #tpu.memory_space<hbm>>)
        %dma_wait3A_729 = arith.constant 0 : i32
        %dma_wait3A_730 = arith.constant 0 : i32
        %dma_wait3A_731 = arith.constant 0 : i32
        %dma_wait3A_732 = tpu.memref_slice %arg4[%select_n3A, %dma_wait3A_729, %dma_wait3A_730, %dma_wait3A_731] : memref<8x64x32x4096xf32, #tpu.memory_space<hbm>> -> memref<1x1x1x4096xf32, #tpu.memory_space<hbm>>
        %dma_wait3A_733 = tpu.memref_squeeze %dma_wait3A_732 : memref<1x1x1x4096xf32, #tpu.memory_space<hbm>> -> memref<4096xf32, #tpu.memory_space<hbm>>
        %dma_wait3A_734 = arith.constant 0 : i32
        %dma_wait3A_735 = tpu.memref_slice %arg4[%select_n3A, %dma_wait3A_729, %dma_wait3A_730, %dma_wait3A_734] : memref<8x64x32x4096xf32, #tpu.memory_space<hbm>> -> memref<1x1x1x4096xf32, #tpu.memory_space<hbm>>
        %dma_wait3A_736 = tpu.memref_squeeze %dma_wait3A_735 : memref<1x1x1x4096xf32, #tpu.memory_space<hbm>> -> memref<4096xf32, #tpu.memory_space<hbm>>
        tpu.wait_dma2 semaphore(%arg22 : memref<!tpu.dma_semaphore, #tpu.memory_space<semaphore_mem>>) src(%arg16 : memref<4096xf32, #tpu.memory_space<vmem>>) dst(%dma_wait3A_736 : memref<4096xf32, #tpu.memory_space<hbm>>)
        %dma_wait3A_737 = arith.constant 0 : i32
        %dma_wait3A_738 = arith.constant 0 : i32
        %dma_wait3A_739 = arith.constant 0 : i32
        %dma_wait3A_740 = tpu.memref_slice %arg4[%select_n3A, %dma_wait3A_737, %dma_wait3A_738, %dma_wait3A_739] : memref<8x64x32x4096xf32, #tpu.memory_space<hbm>> -> memref<1x1x1x4096xf32, #tpu.memory_space<hbm>>
        %dma_wait3A_741 = tpu.memref_squeeze %dma_wait3A_740 : memref<1x1x1x4096xf32, #tpu.memory_space<hbm>> -> memref<4096xf32, #tpu.memory_space<hbm>>
        %dma_wait3A_742 = arith.constant 0 : i32
        %dma_wait3A_743 = tpu.memref_slice %arg4[%select_n3A, %dma_wait3A_737, %dma_wait3A_738, %dma_wait3A_742] : memref<8x64x32x4096xf32, #tpu.memory_space<hbm>> -> memref<1x1x1x4096xf32, #tpu.memory_space<hbm>>
        %dma_wait3A_744 = tpu.memref_squeeze %dma_wait3A_743 : memref<1x1x1x4096xf32, #tpu.memory_space<hbm>> -> memref<4096xf32, #tpu.memory_space<hbm>>
        tpu.wait_dma2 semaphore(%arg22 : memref<!tpu.dma_semaphore, #tpu.memory_space<semaphore_mem>>) src(%arg17 : memref<4096xf32, #tpu.memory_space<vmem>>) dst(%dma_wait3A_744 : memref<4096xf32, #tpu.memory_space<hbm>>)
        %dma_wait3A_745 = arith.constant 0 : i32
        %dma_wait3A_746 = arith.constant 0 : i32
        %dma_wait3A_747 = arith.constant 0 : i32
        %dma_wait3A_748 = tpu.memref_slice %arg4[%select_n3A, %dma_wait3A_745, %dma_wait3A_746, %dma_wait3A_747] : memref<8x64x32x4096xf32, #tpu.memory_space<hbm>> -> memref<1x1x1x4096xf32, #tpu.memory_space<hbm>>
        %dma_wait3A_749 = tpu.memref_squeeze %dma_wait3A_748 : memref<1x1x1x4096xf32, #tpu.memory_space<hbm>> -> memref<4096xf32, #tpu.memory_space<hbm>>
        %dma_wait3A_750 = arith.constant 0 : i32
        %dma_wait3A_751 = tpu.memref_slice %arg4[%select_n3A, %dma_wait3A_745, %dma_wait3A_746, %dma_wait3A_750] : memref<8x64x32x4096xf32, #tpu.memory_space<hbm>> -> memref<1x1x1x4096xf32, #tpu.memory_space<hbm>>
        %dma_wait3A_752 = tpu.memref_squeeze %dma_wait3A_751 : memref<1x1x1x4096xf32, #tpu.memory_space<hbm>> -> memref<4096xf32, #tpu.memory_space<hbm>>
        tpu.wait_dma2 semaphore(%arg22 : memref<!tpu.dma_semaphore, #tpu.memory_space<semaphore_mem>>) src(%arg18 : memref<4096xf32, #tpu.memory_space<vmem>>) dst(%dma_wait3A_752 : memref<4096xf32, #tpu.memory_space<hbm>>)
      } else {
      }
      %parallel_loop3A_686 = arith.constant 0 : i32
      %parallel_loop3A_687 = arith.constant 256 : i32
      %parallel_loop3A_688 = arith.constant 1 : i32
      scf.for %parallel_loop3A_721 = %parallel_loop3A_686 to %parallel_loop3A_687 step %parallel_loop3A_688  : i32 {
        %parallel_loop3A_722 = arith.constant 16 : i32
        %parallel_loop3A_723 = arith.muli %parallel_loop3A_721, %parallel_loop3A_722 : i32
        %parallel_loop3A_724 = arith.index_cast %parallel_loop3A_723 : i32 to index
        %parallel_loop3A_725 = tpu.vector_load %arg6[%parallel_loop3A_724] {strides = array<i32>} : memref<4096xi32, #tpu.memory_space<vmem>>, vector<16xi32>,
        %parallel_loop3A_726 = tpu.vector_load_idx %arg7[%parallel_loop3A_725] : memref<16384xf32, #tpu.memory_space<vmem>>[vector<16xi32>], vector<16xf32>,
        %parallel_loop3A_727 = arith.constant 16 : i32
        %parallel_loop3A_728 = arith.muli %parallel_loop3A_721, %parallel_loop3A_727 : i32
        %parallel_loop3A_729 = arith.index_cast %parallel_loop3A_728 : i32 to index
        %parallel_loop3A_730 = tpu.vector_load %arg15[%parallel_loop3A_729] {strides = array<i32>} : memref<4096xf32, #tpu.memory_space<vmem>>, vector<16xf32>,
        tpu.vector_store %arg15[%parallel_loop3A_729], %parallel_loop3A_726 {strides = array<i32>} : memref<4096xf32, #tpu.memory_space<vmem>>, vector<16xf32>,
        %parallel_loop3A_731 = tpu.vector_load_idx %arg8[%parallel_loop3A_725] : memref<16384xf32, #tpu.memory_space<vmem>>[vector<16xi32>], vector<16xf32>,
        %parallel_loop3A_732 = arith.constant 16 : i32
        %parallel_loop3A_733 = arith.muli %parallel_loop3A_721, %parallel_loop3A_732 : i32
        %parallel_loop3A_734 = arith.index_cast %parallel_loop3A_733 : i32 to index
        %parallel_loop3A_735 = tpu.vector_load %arg16[%parallel_loop3A_734] {strides = array<i32>} : memref<4096xf32, #tpu.memory_space<vmem>>, vector<16xf32>,
        tpu.vector_store %arg16[%parallel_loop3A_734], %parallel_loop3A_731 {strides = array<i32>} : memref<4096xf32, #tpu.memory_space<vmem>>, vector<16xf32>,
        %parallel_loop3A_736 = tpu.vector_load_idx %arg9[%parallel_loop3A_725] : memref<16384xf32, #tpu.memory_space<vmem>>[vector<16xi32>], vector<16xf32>,
        %parallel_loop3A_737 = arith.constant 16 : i32
        %parallel_loop3A_738 = arith.muli %parallel_loop3A_721, %parallel_loop3A_737 : i32
        %parallel_loop3A_739 = arith.index_cast %parallel_loop3A_738 : i32 to index
        %parallel_loop3A_740 = tpu.vector_load %arg17[%parallel_loop3A_739] {strides = array<i32>} : memref<4096xf32, #tpu.memory_space<vmem>>, vector<16xf32>,
        tpu.vector_store %arg17[%parallel_loop3A_739], %parallel_loop3A_736 {strides = array<i32>} : memref<4096xf32, #tpu.memory_space<vmem>>, vector<16xf32>,
        %parallel_loop3A_741 = tpu.vector_load_idx %arg10[%parallel_loop3A_725] : memref<16384xf32, #tpu.memory_space<vmem>>[vector<16xi32>], vector<16xf32>,
        %parallel_loop3A_742 = arith.constant 16 : i32
        %parallel_loop3A_743 = arith.muli %parallel_loop3A_721, %parallel_loop3A_742 : i32
        %parallel_loop3A_744 = arith.index_cast %parallel_loop3A_743 : i32 to index
        %parallel_loop3A_745 = tpu.vector_load %arg18[%parallel_loop3A_744] {strides = array<i32>} : memref<4096xf32, #tpu.memory_space<vmem>>, vector<16xf32>,
        tpu.vector_store %arg18[%parallel_loop3A_744], %parallel_loop3A_741 {strides = array<i32>} : memref<4096xf32, #tpu.memory_space<vmem>>, vector<16xf32>,
      } {sc.loop_unroll_factor = 16 : i64, sc.parallel_access}
      %add3A_689 = arith.constant 0 : i32
      %add3A_690 = arith.addi %add3A_402, %add3A_689 : i32
      %dma_start3A_691 = arith.constant 0 : i32
      %dma_start3A_692 = tpu.memref_slice %arg4[%select_n3A, %add3A_690, %add3A_666, %dma_start3A_691] : memref<8x64x32x4096xf32, #tpu.memory_space<hbm>> -> memref<1x1x1x4096xf32, #tpu.memory_space<hbm>>
      %dma_start3A_693 = tpu.memref_squeeze %dma_start3A_692 : memref<1x1x1x4096xf32, #tpu.memory_space<hbm>> -> memref<4096xf32, #tpu.memory_space<hbm>>
      %dma_start3A_694 = arith.constant 0 : i32
      %dma_start3A_695 = tpu.memref_slice %arg4[%select_n3A, %add3A_690, %add3A_666, %dma_start3A_694] : memref<8x64x32x4096xf32, #tpu.memory_space<hbm>> -> memref<1x1x1x4096xf32, #tpu.memory_space<hbm>>
      %dma_start3A_696 = tpu.memref_squeeze %dma_start3A_695 : memref<1x1x1x4096xf32, #tpu.memory_space<hbm>> -> memref<4096xf32, #tpu.memory_space<hbm>>
      tpu.enqueue_dma source(%arg15 : memref<4096xf32, #tpu.memory_space<vmem>>) target(%dma_start3A_696 : memref<4096xf32, #tpu.memory_space<hbm>>) target_semaphore(%arg22 : memref<!tpu.dma_semaphore, #tpu.memory_space<semaphore_mem>>)
      %add3A_697 = arith.constant 1 : i32
      %add3A_698 = arith.addi %add3A_402, %add3A_697 : i32
      %dma_start3A_699 = arith.constant 0 : i32
      %dma_start3A_700 = tpu.memref_slice %arg4[%select_n3A, %add3A_698, %add3A_666, %dma_start3A_699] : memref<8x64x32x4096xf32, #tpu.memory_space<hbm>> -> memref<1x1x1x4096xf32, #tpu.memory_space<hbm>>
      %dma_start3A_701 = tpu.memref_squeeze %dma_start3A_700 : memref<1x1x1x4096xf32, #tpu.memory_space<hbm>> -> memref<4096xf32, #tpu.memory_space<hbm>>
      %dma_start3A_702 = arith.constant 0 : i32
      %dma_start3A_703 = tpu.memref_slice %arg4[%select_n3A, %add3A_698, %add3A_666, %dma_start3A_702] : memref<8x64x32x4096xf32, #tpu.memory_space<hbm>> -> memref<1x1x1x4096xf32, #tpu.memory_space<hbm>>
      %dma_start3A_704 = tpu.memref_squeeze %dma_start3A_703 : memref<1x1x1x4096xf32, #tpu.memory_space<hbm>> -> memref<4096xf32, #tpu.memory_space<hbm>>
      tpu.enqueue_dma source(%arg16 : memref<4096xf32, #tpu.memory_space<vmem>>) target(%dma_start3A_704 : memref<4096xf32, #tpu.memory_space<hbm>>) target_semaphore(%arg22 : memref<!tpu.dma_semaphore, #tpu.memory_space<semaphore_mem>>)
      %add3A_705 = arith.constant 2 : i32
      %add3A_706 = arith.addi %add3A_402, %add3A_705 : i32
      %dma_start3A_707 = arith.constant 0 : i32
      %dma_start3A_708 = tpu.memref_slice %arg4[%select_n3A, %add3A_706, %add3A_666, %dma_start3A_707] : memref<8x64x32x4096xf32, #tpu.memory_space<hbm>> -> memref<1x1x1x4096xf32, #tpu.memory_space<hbm>>
      %dma_start3A_709 = tpu.memref_squeeze %dma_start3A_708 : memref<1x1x1x4096xf32, #tpu.memory_space<hbm>> -> memref<4096xf32, #tpu.memory_space<hbm>>
      %dma_start3A_710 = arith.constant 0 : i32
      %dma_start3A_711 = tpu.memref_slice %arg4[%select_n3A, %add3A_706, %add3A_666, %dma_start3A_710] : memref<8x64x32x4096xf32, #tpu.memory_space<hbm>> -> memref<1x1x1x4096xf32, #tpu.memory_space<hbm>>
      %dma_start3A_712 = tpu.memref_squeeze %dma_start3A_711 : memref<1x1x1x4096xf32, #tpu.memory_space<hbm>> -> memref<4096xf32, #tpu.memory_space<hbm>>
      tpu.enqueue_dma source(%arg17 : memref<4096xf32, #tpu.memory_space<vmem>>) target(%dma_start3A_712 : memref<4096xf32, #tpu.memory_space<hbm>>) target_semaphore(%arg22 : memref<!tpu.dma_semaphore, #tpu.memory_space<semaphore_mem>>)
      %add3A_713 = arith.constant 3 : i32
      %add3A_714 = arith.addi %add3A_402, %add3A_713 : i32
      %dma_start3A_715 = arith.constant 0 : i32
      %dma_start3A_716 = tpu.memref_slice %arg4[%select_n3A, %add3A_714, %add3A_666, %dma_start3A_715] : memref<8x64x32x4096xf32, #tpu.memory_space<hbm>> -> memref<1x1x1x4096xf32, #tpu.memory_space<hbm>>
      %dma_start3A_717 = tpu.memref_squeeze %dma_start3A_716 : memref<1x1x1x4096xf32, #tpu.memory_space<hbm>> -> memref<4096xf32, #tpu.memory_space<hbm>>
      %dma_start3A_718 = arith.constant 0 : i32
      %dma_start3A_719 = tpu.memref_slice %arg4[%select_n3A, %add3A_714, %add3A_666, %dma_start3A_718] : memref<8x64x32x4096xf32, #tpu.memory_space<hbm>> -> memref<1x1x1x4096xf32, #tpu.memory_space<hbm>>
      %dma_start3A_720 = tpu.memref_squeeze %dma_start3A_719 : memref<1x1x1x4096xf32, #tpu.memory_space<hbm>> -> memref<4096xf32, #tpu.memory_space<hbm>>
      tpu.enqueue_dma source(%arg18 : memref<4096xf32, #tpu.memory_space<vmem>>) target(%dma_start3A_720 : memref<4096xf32, #tpu.memory_space<hbm>>) target_semaphore(%arg22 : memref<!tpu.dma_semaphore, #tpu.memory_space<semaphore_mem>>)
    }
    %scan3A_543 = arith.constant 16 : i32
    %dma_wait3A_544 = arith.constant 0 : i32
    %dma_wait3A_545 = arith.constant 0 : i32
    %dma_wait3A_546 = arith.constant 0 : i32
    %dma_wait3A_547 = tpu.memref_slice %arg4[%select_n3A, %dma_wait3A_544, %dma_wait3A_545, %dma_wait3A_546] : memref<8x64x32x4096xf32, #tpu.memory_space<hbm>> -> memref<1x1x1x4096xf32, #tpu.memory_space<hbm>>
    %dma_wait3A_548 = tpu.memref_squeeze %dma_wait3A_547 : memref<1x1x1x4096xf32, #tpu.memory_space<hbm>> -> memref<4096xf32, #tpu.memory_space<hbm>>
    %dma_wait3A_549 = arith.constant 0 : i32
    %dma_wait3A_550 = tpu.memref_slice %arg4[%select_n3A, %dma_wait3A_544, %dma_wait3A_545, %dma_wait3A_549] : memref<8x64x32x4096xf32, #tpu.memory_space<hbm>> -> memref<1x1x1x4096xf32, #tpu.memory_space<hbm>>
    %dma_wait3A_551 = tpu.memref_squeeze %dma_wait3A_550 : memref<1x1x1x4096xf32, #tpu.memory_space<hbm>> -> memref<4096xf32, #tpu.memory_space<hbm>>
    tpu.wait_dma2 semaphore(%arg21 : memref<!tpu.dma_semaphore, #tpu.memory_space<semaphore_mem>>) src(%arg11 : memref<4096xf32, #tpu.memory_space<vmem>>) dst(%dma_wait3A_551 : memref<4096xf32, #tpu.memory_space<hbm>>)
    %dma_wait3A_552 = arith.constant 0 : i32
    %dma_wait3A_553 = arith.constant 0 : i32
    %dma_wait3A_554 = arith.constant 0 : i32
    %dma_wait3A_555 = tpu.memref_slice %arg4[%select_n3A, %dma_wait3A_552, %dma_wait3A_553, %dma_wait3A_554] : memref<8x64x32x4096xf32, #tpu.memory_space<hbm>> -> memref<1x1x1x4096xf32, #tpu.memory_space<hbm>>
    %dma_wait3A_556 = tpu.memref_squeeze %dma_wait3A_555 : memref<1x1x1x4096xf32, #tpu.memory_space<hbm>> -> memref<4096xf32, #tpu.memory_space<hbm>>
    %dma_wait3A_557 = arith.constant 0 : i32
    %dma_wait3A_558 = tpu.memref_slice %arg4[%select_n3A, %dma_wait3A_552, %dma_wait3A_553, %dma_wait3A_557] : memref<8x64x32x4096xf32, #tpu.memory_space<hbm>> -> memref<1x1x1x4096xf32, #tpu.memory_space<hbm>>
    %dma_wait3A_559 = tpu.memref_squeeze %dma_wait3A_558 : memref<1x1x1x4096xf32, #tpu.memory_space<hbm>> -> memref<4096xf32, #tpu.memory_space<hbm>>
    tpu.wait_dma2 semaphore(%arg21 : memref<!tpu.dma_semaphore, #tpu.memory_space<semaphore_mem>>) src(%arg12 : memref<4096xf32, #tpu.memory_space<vmem>>) dst(%dma_wait3A_559 : memref<4096xf32, #tpu.memory_space<hbm>>)
    %dma_wait3A_560 = arith.constant 0 : i32
    %dma_wait3A_561 = arith.constant 0 : i32
    %dma_wait3A_562 = arith.constant 0 : i32
    %dma_wait3A_563 = tpu.memref_slice %arg4[%select_n3A, %dma_wait3A_560, %dma_wait3A_561, %dma_wait3A_562] : memref<8x64x32x4096xf32, #tpu.memory_space<hbm>> -> memref<1x1x1x4096xf32, #tpu.memory_space<hbm>>
    %dma_wait3A_564 = tpu.memref_squeeze %dma_wait3A_563 : memref<1x1x1x4096xf32, #tpu.memory_space<hbm>> -> memref<4096xf32, #tpu.memory_space<hbm>>
    %dma_wait3A_565 = arith.constant 0 : i32
    %dma_wait3A_566 = tpu.memref_slice %arg4[%select_n3A, %dma_wait3A_560, %dma_wait3A_561, %dma_wait3A_565] : memref<8x64x32x4096xf32, #tpu.memory_space<hbm>> -> memref<1x1x1x4096xf32, #tpu.memory_space<hbm>>
    %dma_wait3A_567 = tpu.memref_squeeze %dma_wait3A_566 : memref<1x1x1x4096xf32, #tpu.memory_space<hbm>> -> memref<4096xf32, #tpu.memory_space<hbm>>
    tpu.wait_dma2 semaphore(%arg21 : memref<!tpu.dma_semaphore, #tpu.memory_space<semaphore_mem>>) src(%arg13 : memref<4096xf32, #tpu.memory_space<vmem>>) dst(%dma_wait3A_567 : memref<4096xf32, #tpu.memory_space<hbm>>)
    %dma_wait3A_568 = arith.constant 0 : i32
    %dma_wait3A_569 = arith.constant 0 : i32
    %dma_wait3A_570 = arith.constant 0 : i32
    %dma_wait3A_571 = tpu.memref_slice %arg4[%select_n3A, %dma_wait3A_568, %dma_wait3A_569, %dma_wait3A_570] : memref<8x64x32x4096xf32, #tpu.memory_space<hbm>> -> memref<1x1x1x4096xf32, #tpu.memory_space<hbm>>
    %dma_wait3A_572 = tpu.memref_squeeze %dma_wait3A_571 : memref<1x1x1x4096xf32, #tpu.memory_space<hbm>> -> memref<4096xf32, #tpu.memory_space<hbm>>
    %dma_wait3A_573 = arith.constant 0 : i32
    %dma_wait3A_574 = tpu.memref_slice %arg4[%select_n3A, %dma_wait3A_568, %dma_wait3A_569, %dma_wait3A_573] : memref<8x64x32x4096xf32, #tpu.memory_space<hbm>> -> memref<1x1x1x4096xf32, #tpu.memory_space<hbm>>
    %dma_wait3A_575 = tpu.memref_squeeze %dma_wait3A_574 : memref<1x1x1x4096xf32, #tpu.memory_space<hbm>> -> memref<4096xf32, #tpu.memory_space<hbm>>
    tpu.wait_dma2 semaphore(%arg21 : memref<!tpu.dma_semaphore, #tpu.memory_space<semaphore_mem>>) src(%arg14 : memref<4096xf32, #tpu.memory_space<vmem>>) dst(%dma_wait3A_575 : memref<4096xf32, #tpu.memory_space<hbm>>)
    %dma_wait3A_576 = arith.constant 0 : i32
    %dma_wait3A_577 = arith.constant 0 : i32
    %dma_wait3A_578 = arith.constant 0 : i32
    %dma_wait3A_579 = tpu.memref_slice %arg4[%select_n3A, %dma_wait3A_576, %dma_wait3A_577, %dma_wait3A_578] : memref<8x64x32x4096xf32, #tpu.memory_space<hbm>> -> memref<1x1x1x4096xf32, #tpu.memory_space<hbm>>
    %dma_wait3A_580 = tpu.memref_squeeze %dma_wait3A_579 : memref<1x1x1x4096xf32, #tpu.memory_space<hbm>> -> memref<4096xf32, #tpu.memory_space<hbm>>
    %dma_wait3A_581 = arith.constant 0 : i32
    %dma_wait3A_582 = tpu.memref_slice %arg4[%select_n3A, %dma_wait3A_576, %dma_wait3A_577, %dma_wait3A_581] : memref<8x64x32x4096xf32, #tpu.memory_space<hbm>> -> memref<1x1x1x4096xf32, #tpu.memory_space<hbm>>
    %dma_wait3A_583 = tpu.memref_squeeze %dma_wait3A_582 : memref<1x1x1x4096xf32, #tpu.memory_space<hbm>> -> memref<4096xf32, #tpu.memory_space<hbm>>
    tpu.wait_dma2 semaphore(%arg22 : memref<!tpu.dma_semaphore, #tpu.memory_space<semaphore_mem>>) src(%arg15 : memref<4096xf32, #tpu.memory_space<vmem>>) dst(%dma_wait3A_583 : memref<4096xf32, #tpu.memory_space<hbm>>)
    %dma_wait3A_584 = arith.constant 0 : i32
    %dma_wait3A_585 = arith.constant 0 : i32
    %dma_wait3A_586 = arith.constant 0 : i32
    %dma_wait3A_587 = tpu.memref_slice %arg4[%select_n3A, %dma_wait3A_584, %dma_wait3A_585, %dma_wait3A_586] : memref<8x64x32x4096xf32, #tpu.memory_space<hbm>> -> memref<1x1x1x4096xf32, #tpu.memory_space<hbm>>
    %dma_wait3A_588 = tpu.memref_squeeze %dma_wait3A_587 : memref<1x1x1x4096xf32, #tpu.memory_space<hbm>> -> memref<4096xf32, #tpu.memory_space<hbm>>
    %dma_wait3A_589 = arith.constant 0 : i32
    %dma_wait3A_590 = tpu.memref_slice %arg4[%select_n3A, %dma_wait3A_584, %dma_wait3A_585, %dma_wait3A_589] : memref<8x64x32x4096xf32, #tpu.memory_space<hbm>> -> memref<1x1x1x4096xf32, #tpu.memory_space<hbm>>
    %dma_wait3A_591 = tpu.memref_squeeze %dma_wait3A_590 : memref<1x1x1x4096xf32, #tpu.memory_space<hbm>> -> memref<4096xf32, #tpu.memory_space<hbm>>
    tpu.wait_dma2 semaphore(%arg22 : memref<!tpu.dma_semaphore, #tpu.memory_space<semaphore_mem>>) src(%arg16 : memref<4096xf32, #tpu.memory_space<vmem>>) dst(%dma_wait3A_591 : memref<4096xf32, #tpu.memory_space<hbm>>)
    %dma_wait3A_592 = arith.constant 0 : i32
    %dma_wait3A_593 = arith.constant 0 : i32
    %dma_wait3A_594 = arith.constant 0 : i32
    %dma_wait3A_595 = tpu.memref_slice %arg4[%select_n3A, %dma_wait3A_592, %dma_wait3A_593, %dma_wait3A_594] : memref<8x64x32x4096xf32, #tpu.memory_space<hbm>> -> memref<1x1x1x4096xf32, #tpu.memory_space<hbm>>
    %dma_wait3A_596 = tpu.memref_squeeze %dma_wait3A_595 : memref<1x1x1x4096xf32, #tpu.memory_space<hbm>> -> memref<4096xf32, #tpu.memory_space<hbm>>
    %dma_wait3A_597 = arith.constant 0 : i32
    %dma_wait3A_598 = tpu.memref_slice %arg4[%select_n3A, %dma_wait3A_592, %dma_wait3A_593, %dma_wait3A_597] : memref<8x64x32x4096xf32, #tpu.memory_space<hbm>> -> memref<1x1x1x4096xf32, #tpu.memory_space<hbm>>
    %dma_wait3A_599 = tpu.memref_squeeze %dma_wait3A_598 : memref<1x1x1x4096xf32, #tpu.memory_space<hbm>> -> memref<4096xf32, #tpu.memory_space<hbm>>
    tpu.wait_dma2 semaphore(%arg22 : memref<!tpu.dma_semaphore, #tpu.memory_space<semaphore_mem>>) src(%arg17 : memref<4096xf32, #tpu.memory_space<vmem>>) dst(%dma_wait3A_599 : memref<4096xf32, #tpu.memory_space<hbm>>)
    %dma_wait3A_600 = arith.constant 0 : i32
    %dma_wait3A_601 = arith.constant 0 : i32
    %dma_wait3A_602 = arith.constant 0 : i32
    %dma_wait3A_603 = tpu.memref_slice %arg4[%select_n3A, %dma_wait3A_600, %dma_wait3A_601, %dma_wait3A_602] : memref<8x64x32x4096xf32, #tpu.memory_space<hbm>> -> memref<1x1x1x4096xf32, #tpu.memory_space<hbm>>
    %dma_wait3A_604 = tpu.memref_squeeze %dma_wait3A_603 : memref<1x1x1x4096xf32, #tpu.memory_space<hbm>> -> memref<4096xf32, #tpu.memory_space<hbm>>
    %dma_wait3A_605 = arith.constant 0 : i32
    %dma_wait3A_606 = tpu.memref_slice %arg4[%select_n3A, %dma_wait3A_600, %dma_wait3A_601, %dma_wait3A_605] : memref<8x64x32x4096xf32, #tpu.memory_space<hbm>> -> memref<1x1x1x4096xf32, #tpu.memory_space<hbm>>
    %dma_wait3A_607 = tpu.memref_squeeze %dma_wait3A_606 : memref<1x1x1x4096xf32, #tpu.memory_space<hbm>> -> memref<4096xf32, #tpu.memory_space<hbm>>
    tpu.wait_dma2 semaphore(%arg22 : memref<!tpu.dma_semaphore, #tpu.memory_space<semaphore_mem>>) src(%arg18 : memref<4096xf32, #tpu.memory_space<vmem>>) dst(%dma_wait3A_607 : memref<4096xf32, #tpu.memory_space<hbm>>)
    return
  }
}

</mosaic_0001>

<sc_bundles>
// kernel: kernel.3.cloned.1.call-start
scs
__scs_entry_jumppad:
0x0: {  	(pc) =	sbr.rel $0x88, $3  }
0x1: {  	(tag) =	ssettag $0x0;
	lr =	simm.s32 $0x1  }
0x2: {  	[smem:$0x3F9F] =	sst lr;
	_ =	strace $0xD0000000  }
0x3: {  	_ = 	snop  }
0x4: {  	_ = 	snop  }
0x5: {  	_ = 	snop  }
0x6: {  	_ = 	snop  }
0x7: {  	_ = 	snop  }
__scs_overlays_trampoline_lowered:
0x8: {  	[smem:$0x3FAE] =	sst s0  }
0x9: {  	[smem:$0x3FAF] =	sst s1  }
0xa: {  	[smem:$0x3FB0] =	sst s2  }
0xb: {  	[smem:$0x3FB1] =	sst s3  }
0xc: {  	[smem:$0x3FB2] =	sst s4  }
0xd: {  	[smem:$0x3FB3] =	sst s5  }
0xe: {  	[smem:$0x3FB4] =	sst s6  }
0xf: {  	[smem:$0x3FB5] =	sst s7  }
0x10: {  	[smem:$0x3FB6] =	sst s8  }
0x11: {  	[smem:$0x3FB7] =	sst s9;
	s0 =	simm.s32 @!p0 $0x0  }
0x12: {  	s1 =	sld [smem:$0x3F9D];
	s0 =	simm.s32 @p0 $0x1  }
0x13: {  	[smem:$0x3FB8] =	sst s0;
	s0 =	simm.s32 @!p1 $0x0  }
0x14: {  	s2 =	sld [smem:$0x3F9C];
	s0 =	simm.s32 @p1 $0x1  }
0x15: {  	[smem:$0x3FB9] =	sst s0;
	s0 =	simm.s32 @!p2 $0x0  }
0x16: {  	s3 =	sld [smem:$0x3FDB];
	s0 =	simm.s32 @p2 $0x1  }
0x17: {  	s4 =	simm.s32 $0x1BF5;
	[smem:$0x3FBB] =	sst s0  }
0x18: {  	s0 =	sld [smem:$0x3F9E];
	_ =	swait.ge [sflag:s4], $0x0  }
0x19: {  	s7 =	sld [smem:$0x3F9F]  }
0x1a: {  	s8 =	sadd.s32 $0xFFFFE003, lr  }
0x1b: {  	s9 =	sadd.s32 $0xFFFFFEF7, lr;
	s5 =	simm.s32 $0xFFFFFFFF;
	p2 =	slt.u32 s8, $0xFFFFF086  }
0x1c: {  	p1 =	slt.u32 s9, $0xF7A;
	s5 =	simm.s32 @!p2 $0x0  }
0x1d: {  	s5 =	simm.s32 @p1 $0x1;
	p0 =	seq.s32 s7, s2  }
0x1e: {  	s7 =	smul.u32 @!p0 $0xF7A, s2;
	p2 =	seq.s32 @!p0 s5, $0x0  }
0x1f: {  	s9 =	smul.u32 $0xF7A, s1;
	s8 =	simm.s32 @!p0 $0x1BF5;
	p2 =	por !p2, p0  }
0x20: {  	[sflag:s8] =	ssyncset.s32 @!p0 $0xFFFFF086;
	s6 =	sadd.s32 @!p0 s3, s7;
	s7 =	simm.s32 @!p0 $0x108  }
0x21: {  	s3 =	sadd.s32 s3, s9;
	s6 =	sadd.s32 @!p0 $0x88, s6;
	s7 =	simm.s32 @p2 $0x1082  }
0x22: {  	[simem:s7], [sflag:s8] =	dma.local @!p0 [hbm:s6], $0xF7A  }
0x23: {  	s9 =	sor.u32 $0xD0000000, s2;
	s6 =	simm.s32 $0x108;
	_ =	swait.ge @!p0 [sflag:s8], $0x0  }
0x24: {  	s3 =	sadd.s32 $0x88, s3;
	s6 =	simm.s32 @!p1 $0x1082;
	[sflag:s4] =	ssyncset.s32 $0xFFFFF086  }
0x25: {  	[simem:s6], [sflag:s4] =	dma.local [hbm:s3], $0xF7A  }
0x26: {  	[smem:$0x3F9F] =	sst s1;
	(tag) =	ssettag s2;
	_ =	strace s9  }
0x27: {  	s1 =	sld [smem:$0x3FAF]  }
0x28: {  	s2 =	sld [smem:$0x3FB0]  }
0x29: {  	s4 =	sld [smem:$0x3FB2]  }
0x2a: {  	p0 =	seq.s32 s5, $0x0;
	s5 =	sld [smem:$0x3FB3]  }
0x2b: {  	s6 =	sld [smem:$0x3FB4]  }
0x2c: {  	s7 =	sld [smem:$0x3FB5]  }
0x2d: {  	s3 =	simm.s32 $0x108;
	s8 =	sld [smem:$0x3FB6]  }
0x2e: {  	s3 =	simm.s32 @!p0 $0x1082;
	s9 =	sld [smem:$0x3FB7]  }
0x2f: {  	lr =	sadd.s32 s0, s3;
	s0 =	sld [smem:$0x3FAE]  }
0x30: {  	s3 =	sld [smem:$0x3FB1]  }
0x31: {  	[smem:$0x3FBA] =	sst s10  }
0x32: {  	s10 =	sld [smem:$0x3FB8];
	_ =	sdelay $0x3  }
0x33: {  	p0 =	seq.s32 s10, $0x1;
	s10 =	sld [smem:$0x3FBA];
	_ =	sdelay $0x3  }
0x34: {  	[smem:$0x3FBA] =	sst s10  }
0x35: {  	s10 =	sld [smem:$0x3FB9];
	_ =	sdelay $0x3  }
0x36: {  	p1 =	seq.s32 s10, $0x1;
	s10 =	sld [smem:$0x3FBA];
	_ =	sdelay $0x3  }
0x37: {  	[smem:$0x3FBA] =	sst s10  }
0x38: {  	s10 =	sld [smem:$0x3FBB]  }
0x39: {  	_ = 	snop;
	(pc) =	sbr.ind lr, $3  }
0x3a: {  	_ = 	snop  }
0x3b: {  	_ = 	snop  }
0x3c: {  	p2 =	seq.s32 s10, $0x1;
	s10 =	sld [smem:$0x3FBA]  }
0x3d: {  	_ =	shalt  }
0x3e: {  	_ =	shalt  }
0x3f: {  	_ =	shalt  }
0x40: {  	_ =	shalt  }
0x41: {  	_ =	shalt  }
0x42: {  	_ =	shalt  }
0x43: {  	_ =	shalt  }
0x44: {  	_ =	shalt  }
0x45: {  	_ =	shalt  }
0x46: {  	_ =	shalt  }
0x47: {  	_ =	shalt  }
0x48: {  	_ =	shalt  }
0x49: {  	_ =	shalt  }
0x4a: {  	_ =	shalt  }
0x4b: {  	_ =	shalt  }
0x4c: {  	_ =	shalt  }
0x4d: {  	_ =	shalt  }
0x4e: {  	_ =	shalt  }
0x4f: {  	_ =	shalt  }
0x50: {  	_ =	shalt  }
0x51: {  	_ =	shalt  }
0x52: {  	_ =	shalt  }
0x53: {  	_ =	shalt  }
0x54: {  	_ =	shalt  }
0x55: {  	_ =	shalt  }
0x56: {  	_ =	shalt  }
0x57: {  	_ =	shalt  }
0x58: {  	_ =	shalt  }
0x59: {  	_ =	shalt  }
0x5a: {  	_ =	shalt  }
0x5b: {  	_ =	shalt  }
0x5c: {  	_ =	shalt  }
0x5d: {  	_ =	shalt  }
0x5e: {  	_ =	shalt  }
0x5f: {  	_ =	shalt  }
0x60: {  	_ =	shalt  }
0x61: {  	_ =	shalt  }
0x62: {  	_ =	shalt  }
0x63: {  	_ =	shalt  }
0x64: {  	_ =	shalt  }
0x65: {  	_ =	shalt  }
0x66: {  	_ =	shalt  }
0x67: {  	_ =	shalt  }
0x68: {  	_ =	shalt  }
0x69: {  	_ =	shalt  }
0x6a: {  	_ =	shalt  }
0x6b: {  	_ =	shalt  }
0x6c: {  	_ =	shalt  }
0x6d: {  	_ =	shalt  }
0x6e: {  	_ =	shalt  }
0x6f: {  	_ =	shalt  }
0x70: {  	_ =	shalt  }
0x71: {  	_ =	shalt  }
0x72: {  	_ =	shalt  }
0x73: {  	_ =	shalt  }
0x74: {  	_ =	shalt  }
0x75: {  	_ =	shalt  }
0x76: {  	_ =	shalt  }
0x77: {  	_ =	shalt  }
0x78: {  	_ =	shalt  }
0x79: {  	_ =	shalt  }
0x7a: {  	_ =	shalt  }
0x7b: {  	_ =	shalt  }
0x7c: {  	_ =	shalt  }
0x7d: {  	_ =	shalt  }
0x7e: {  	_ =	shalt  }
0x7f: {  	_ =	shalt  }
0x80: {  	_ =	shalt  }
0x81: {  	_ =	shalt  }
0x82: {  	_ =	shalt  }
0x83: {  	_ =	shalt  }
0x84: {  	_ =	shalt  }
0x85: {  	_ =	shalt  }
0x86: {  	_ =	shalt  }
0x87: {  	_ =	shalt  }
.Lfunc_end0:
.L_simem_size_0:
called_computation_lowered:
.L_overlay_start_0:
0x88: {  	s2 =	sld [smem:$0x3FD9]  }
0x89: {  	s3 =	sld [smem:$0x3FFE];
	_ =	sdelay $0x1  }
0x8a: {  	s1 =	srdreg.scid  }
0x8b: {  	s0 =	sand.u32 $0x1, s1  }
0x8c: {  	s18 =	sshll.u32 s0, $0xA;
	s2 =	sadd.s32 s3, s2  }
0x8d: {  	s2 =	sadd.s32 s2, s18  }
0x8e: {  	[smem:$0x3FC6] =	sst s2  }
0x8f: {  	_ = 	snop  }
0x90: {  	s2 =	sld [smem:$0x3FC9]  }
0x91: {  	s19 =	sld [smem:$0x3FC8]  }
0x92: {  	s4 =	sld [smem:$0x3FD0];
	(tm) =	ssettm $0x1  }
0x93: {  	s5 =	sld [smem:$0x3FFB];
	_ =	sdelay $0x3  }
0x94: {  	_ =	strace s5  }
0x95: {  	s5 =	sld [smem:$0x3FFC];
	_ =	sdelay $0x3  }
0x96: {  	_ =	strace s5  }
0x97: {  	s5 =	sld [smem:$0x3FFD];
	_ =	sdelay $0x3  }
0x98: {  	_ =	strace s5  }
0x99: {  	_ =	strace $0x8FFFFFFF  }
0x9a: {  	s20 =	sld [smem:$0x3FDB];
	_ =	sdelay $0x1  }
0x9b: {  	s6 =	simm.s32 $_scs_section_size  }
0x9c: {  	s7 =	simm.s32 $_size__tile_overlayer_lowered;
	s8 =	simm.s32 $_tile_overlayer_lowered  }
0x9d: {  	s23 =	simm.s32 $0x1BFF;
	s22 =	sshll.u32 s8, $0x1;
	s5 =	sadd.s32 s6, s20  }
0x9e: {  	s9 =	simm.s32 $0x0;
	s21 =	sshll.u32 s7, $0x1;
	s7 =	sadd.s32 s22, s5  }
0x9f: {  	[timem:s9], [sflag:s23] =	dma.local [hbm:s7], s21  }
0xa0: {  	_ =	swait.ge [sflag:s23], s21  }
0xa1: {  	s6 =	ssub.s32 $0x0, s21;
	[sflag:s23] =	ssyncset.done $0x0  }
0xa2: {  	[sflag:s23] =	ssyncadd.s32 s6;
	_ =	sdelay $0x1  }
0xa3: {  	s24 =	simm.s32 $0x1B8B  }
0xa4: {  	_ =	swait.ge [sflag:s24], $0x1  }
0xa5: {  	[sflag:s24] =	ssyncset.done $0x0  }
0xa6: {  	s25 =	simm.s32 $0x1B8E;
	[sflag:s24] =	ssyncadd.s32 $0xFFFFFFFF  }
0xa7: {  	s26 =	simm.s32 $execute0_lowered;
	[smem:$0x3FD2] =	sst s25  }
0xa8: {  	s6 =	sshll.u32 s26, $0x1;
	_ =	strace $0x80000046;
	[dreg:$0x1] =	wrdreg $0xFFFFFFFF  }
0xa9: {  	s28 =	simm.s32 $_size_execute0_lowered;
	s5 =	sadd.s32 s5, s6;
	[dreg:$0x0] =	wrdreg $0x0  }
0xaa: {  	s6 =	sshll.u32 s28, $0x1;
	[dreg:$0x2] =	wrdreg s5  }
0xab: {  	[dreg:$0x3] =	wrdreg s6  }
0xac: {  	[dreg:$0x4] =	wrdreg $0xC0  }
0xad: {  	_ =	task [dreg:s9], $0x5FFFF  }
0xae: {  	[dreg:$0x1] =	wrdreg $0xFFFFFFFF  }
0xaf: {  	[dreg:$0x0] =	wrdreg $0x60  }
0xb0: {  	[dreg:$0x2] =	wrdreg s2  }
0xb1: {  	[dreg:$0x3] =	wrdreg s19  }
0xb2: {  	[dreg:$0x4] =	wrdreg s4  }
0xb3: {  	[dreg:$0x5] =	wrdreg $0x9  }
0xb4: {  	_ =	task.clear_ibuf [dreg:s9], $0x6FFFF;
	_ =	strace $0x90000046  }
0xb5: {  	s29 =	simm.s32 $0x9;
	_ =	strace $0x80000048  }
0xb6: {  	_ =	swait.ge [sflag:s29], $0x1  }
0xb7: {  	[sflag:s29] =	ssyncadd.s32 $0xFFFFFFFF  }
0xb8: {  	_ =	strace $0x90000048  }
0xb9: {  	_ =	sfence  }
0xba: {  	s30 =	sld [smem:$0x0];
	_ =	sdelay $0x2  }
0xbb: {  	s31 =	sshll.u32 s1, $0xD;
	s1 =	sshrl.u32 s1, $0x2  }
0xbc: {  	s3 =	sand.u32 $0x4000, s31;
	s1 =	sadd.s32 s1, s30  }
0xbd: {  	s0 =	sor.u32 s3, s0;
	s1 =	sshll.u32 s1, $0x11  }
0xbe: {  	s0 =	sor.u32 s1, s0  }
0xbf: {  	s0 =	sadd.s32 $0x8F2B, s0  }
0xc0: {  	[sflag:s0] =	ssyncadd.remote.s32 $0x1  }
0xc1: {  	_ =	sfence.sel $0xFFFF  }
0xc2: {  	[dreg:$0x0] =	wrdreg $0xFFFFFFFF;
	(pc) =	sbr.abs _section_cstart, $3  }
0xc3: {  	[dreg:$0x1] =	wrdreg $0xFFFFFFFF  }
0xc4: {  	_ =	task.clear_ibuf [dreg:s9], $0x2FFFF;
	_ =	strace $0x9FFFFFFF  }
0xc5: {  	(tm) =	ssettm $0x7FFFFFFF  }
tec
execute0_lowered:
.L_overlay_start_1:
0x0: {  	(tag) =	ssettag $0x1  }
0x1: {  	s2 =	stileid.u32  }
0x2: {  	s0 =	srdreg.scid;
	s29 =	rddreg [dreg:$0x2]  }
0x3: {  	s1 =	sshll.u32 s2, $0x1;
	s3 =	sand.u32 $0x1, s0;
	s0 =	sshrl.u32 s2, $0x1  }
0x4: {  	s1 =	sand.u32 $0x2, s1;
	s24 =	ssub.s32 $0x2, s3;
	s6 =	sshll.u32 s0, $0x14  }
0x5: {  	s31 =	sshll.u32 s0, $0x11;
	s2 =	sor.u32 s3, s1;
	s5 =	sshrl.u32 s24, $0x1  }
0x6: {  	s3 =	rddreg [dreg:$0x0];
	s4 =	sshll.u32 s2, $0x12;
	s1 =	ssub.s32 s24, s5  }
0x7: {  	s8 =	sadd.s32 $0x10, s3;
	s9 =	sshll.u32 s2, $0x4;
	s10 =	sadd.s32 $0x20, s3  }
0x8: {  	s11 =	sadd.s32 $0x30, s3;
	s20 =	sadd.s32 $0x40, s3;
	s22 =	sadd.s32 $0x50, s3  }
0x9: {  	s4 =	sor.u32 s6, s4;
	s5 =	sor.u32 $0x9, s9;
	s15 =	sor.u32 $0xB, s9  }
0xa: {  	s7 =	sshrl.u32 s4, $0x3;
	s13 =	sshll.u32 s5, $0xE;
	s17 =	sshll.u32 s15, $0xE  }
0xb: {  	s4 =	sadd.s32 s7, s8;
	s25 =	sadd.s32 s7, s10;
	s14 =	sadd.s32 s7, s11  }
0xc: {  	s13 =	sand.u32 $0xE0000, s13;
	s28 =	sand.u32 $0xE0000, s17;
	[dreg:$0x4] =	wrdreg s4  }
0xd: {  	s23 =	sadd.s32 s7, s22;
	[dreg:$0x5] =	wrdreg s25;
	s4 =	sor.u32 $0x8, s9  }
0xe: {  	[dreg:$0x6] =	wrdreg s14;
	s13 =	sor.u32 s6, s13;
	s14 =	sor.u32 $0xA, s9  }
0xf: {  	[dreg:$0xd] =	wrdreg s23;
	s12 =	sshll.u32 s4, $0xE;
	s13 =	sshrl.u32 s13, $0x3  }
0x10: {  	s16 =	sshll.u32 s14, $0xE;
	s12 =	sor.u32 s6, s12;
	s8 =	sadd.s32 s13, s8  }
0x11: {  	s26 =	sand.u32 $0xE0000, s16;
	s13 =	sor.u32 s6, s28;
	s16 =	sor.u32 $0xC, s9  }
0x12: {  	[dreg:$0x7] =	wrdreg s8;
	s8 =	sor.u32 s6, s26;
	s13 =	sshrl.u32 s13, $0x3  }
0x13: {  	s30 =	sshll.u32 s16, $0xE;
	s24 =	sshrl.u32 s12, $0x3;
	s26 =	sadd.s32 $0x60, s3  }
0x14: {  	s12 =	sshll.u32 s5, $0x11;
	s5 =	simm.s32 $0xA000;
	s8 =	sshrl.u32 s8, $0x3  }
0x15: {  	s13 =	sadd.s32 s13, s11;
	s17 =	sand.u32 $0xE0000, s30;
	s28 =	sadd.s32 s7, s26  }
0x16: {  	s30 =	sadd.s32 s3, s7;
	s8 =	sadd.s32 s8, s10;
	[dreg:$0x9] =	wrdreg s13  }
0x17: {  	s10 =	sor.u32 $0xD, s9;
	s9 =	sor.u32 $0xE, s9;
	[dreg:$0xf] =	wrdreg s28  }
0x18: {  	[dreg:$0x11] =	wrdreg s30;
	s30 =	smax.u32 s1, $0x1;
	s1 =	simm.s32 $0x80  }
0x19: {  	[dreg:$0x8] =	wrdreg s8;
	s8 =	sor.u32 s6, s17;
	s18 =	sshll.u32 s10, $0xE  }
0x1a: {  	s19 =	sshll.u32 s9, $0xE;
	s17 =	sshllo.u32 s2, $0x4;
	s2 =	sshll.u32 s2, $0x15  }
0x1b: {  	s23 =	sshll.u32 s9, $0x11;
	s9 =	simm.s32 $0x2;
	s11 =	sand.u32 $0xE0000, s18  }
0x1c: {  	s13 =	sand.u32 $0xE0000, s19;
	s18 =	sshll.u32 s17, $0xE;
	s8 =	sshrl.u32 s8, $0x3  }
0x1d: {  	s19 =	sshll.u32 s15, $0x11;
	s15 =	simm.s32 $0x16000;
	s11 =	sor.u32 s6, s11  }
0x1e: {  	s13 =	sor.u32 s6, s13;
	s18 =	sand.u32 $0xE0000, s18;
	s8 =	sadd.s32 s8, s20  }
0x1f: {  	s6 =	sor.u32 s6, s18;
	[dreg:$0xa] =	wrdreg s8;
	s21 =	sshrl.u32 s11, $0x3  }
0x20: {  	s18 =	sadd.s32 s7, s20;
	s25 =	sshrl.u32 s13, $0x3;
	s20 =	sshll.u32 s16, $0x11  }
0x21: {  	s16 =	simm.s32 $0x17000;
	[dreg:$0xb] =	wrdreg s18;
	s8 =	sadd.s32 s21, s22  }
0x22: {  	s11 =	sadd.s32 s25, s26;
	s6 =	sshrl.u32 s6, $0x3;
	s26 =	rddreg [dreg:$0x1]  }
0x23: {  	s18 =	sshll.u32 s14, $0x11;
	s22 =	sshll.u32 s10, $0x11;
	[dreg:$0xc] =	wrdreg s8  }
0x24: {  	[dreg:$0xe] =	wrdreg s11;
	s8 =	sadd.s32 s3, s24;
	s3 =	sadd.s32 $0x70, s3  }
0x25: {  	s25 =	sshll.u32 s0, $0xE;
	[dreg:$0x10] =	wrdreg s8;
	s7 =	sadd.s32 s7, s3  }
0x26: {  	s10 =	simm.s32 $0x12000;
	s3 =	sadd.s32 s6, s3;
	[dreg:$0x12] =	wrdreg s7  }
0x27: {  	s8 =	sshll.u32 s0, $0x17;
	[dreg:$0x13] =	wrdreg s3;
	s7 =	simm.s32 $0x0  }
0x28: {  	s14 =	simm.s32 $0x4;
	s2 =	sor.u32 s8, s2;
	[smem:$0x7FF] =	sst s7  }
0x29: {  	s11 =	sshll.u32 s4, $0x11;
	s13 =	sor.u32 s8, s12;
	[dreg:$0x14] =	wrdreg s2  }
0x2a: {  	s24 =	sshll.u32 s17, $0x11;
	s21 =	sor.u32 s8, s20;
	[dreg:$0x16] =	wrdreg s13  }
0x2b: {  	s28 =	sadd.s32 s26, s25;
	s2 =	sor.u32 s8, s11;
	[dreg:$0x19] =	wrdreg s21  }
0x2c: {  	s4 =	simm.s32 $0x6000;
	[dreg:$0x15] =	wrdreg s2;
	s2 =	sor.u32 s8, s18  }
0x2d: {  	s25 =	simm.s32 $0x19000;
	[dreg:$0x17] =	wrdreg s2;
	s2 =	sor.u32 s8, s19  }
0x2e: {  	s6 =	simm.s32 $0xE000;
	[dreg:$0x18] =	wrdreg s2;
	s2 =	sor.u32 s8, s22  }
0x2f: {  	s0 =	simm.s32 $0x18000;
	[dreg:$0x1a] =	wrdreg s2;
	s2 =	sor.u32 s8, s23  }
0x30: {  	s3 =	simm.s32 $0x2000;
	[dreg:$0x1b] =	wrdreg s2;
	s2 =	sor.u32 s8, s24  }
0x31: {  	s12 =	simm.s32 $0x14000;
	s11 =	simm.s32 $0x13000;
	[dreg:$0x1c] =	wrdreg s2  }
0x32: {  	s13 =	simm.s32 $0x15000;
	_ =	strace $0x80000047;
	[dreg:$0x1d] =	wrdreg s28  }
0x33: {  	s8 =	simm.s32 $0x0;
	s2 =	simm.s32 $0x400;
	[dreg:$0x1e] =	wrdreg s30  }
.LBB2_1:
0x34: {  	[dreg:$0x1f] =	wrdreg s8  }
0x35: {  	s7 =	rddreg [dreg:$0x11]  }
0x36: {  	[tilespmem:s3], [sflag:$0x1] =	stream.strided.gather [hbm4b:s7+s1], $0x4000, s2, s1, $0x38;
	[tilespmem:$0x1A000] =	vst v63  }
0x37: {  	s21 =	rddreg [dreg:$0x4]  }
0x38: {  	[tilespmem:s4], [sflag:$0x1] =	stream.strided.gather [hbm4b:s21+s1], $0x4000, s2, s1, $0x38;
	[tilespmem:$0x1A000] =	vst v63  }
0x39: {  	s22 =	rddreg [dreg:$0x5]  }
0x3a: {  	[tilespmem:s5], [sflag:$0x1] =	stream.strided.gather [hbm4b:s22+s1], $0x4000, s2, s1, $0x38;
	[tilespmem:$0x1A000] =	vst v63  }
0x3b: {  	s23 =	rddreg [dreg:$0x6];
	s24 =	simm.s32 $0x1  }
0x3c: {  	[tilespmem:s6], [sflag:$0x1] =	stream.strided.gather [hbm4b:s23+s1], $0x4000, s2, s1, $0x38;
	[tilespmem:$0x1A000] =	vst v63  }
0x3d: {  	_ =	swait.ge [sflag:s24], $0x4000  }
0x3e: {  	[sflag:s24] =	ssyncset.done $0x0  }
0x3f: {  	[sflag:s24] =	ssyncadd.s32 $0xFFFFC000  }
0x40: {  	_ =	swait.ge [sflag:s24], $0x4000  }
0x41: {  	[sflag:s24] =	ssyncset.done $0x0  }
0x42: {  	[sflag:s24] =	ssyncadd.s32 $0xFFFFC000  }
0x43: {  	_ =	swait.ge [sflag:s24], $0x4000  }
0x44: {  	[sflag:s24] =	ssyncset.done $0x0  }
0x45: {  	[sflag:s24] =	ssyncadd.s32 $0xFFFFC000  }
0x46: {  	_ =	swait.ge [sflag:s24], $0x4000  }
0x47: {  	s28 =	simm.s32 $0x0;
	[sflag:s24] =	ssyncset.done $0x0  }
0x48: {  	s7 =	simm.s32 $0x0;
	s30 =	rddreg [dreg:$0x1d];
	[sflag:s24] =	ssyncadd.s32 $0xFFFFC000  }
0x49: {  	[tilespmem:s28], [sflag:$0x2] =	stream.strided.gather [hbm4b:s30+s1], $0x1000, s2, s1, $0x38;
	[tilespmem:$0x1A000] =	vst v63  }
.LBB2_2:
0x4a: {  	s8 =	sshll.u32 s7, $0x8;
	s17 =	sshll.u32 s7, $0xD  }
0x4b: {  	s24 =	sand.u32 $0x300, s8;
	s20 =	sand.u32 $0x18000, s17  }
0x4c: {  	s19 =	sor.u32 $0x80, s24;
	s21 =	sor.u32 s31, s20  }
0x4d: {  	s8 =	sor.u32 s19, s21  }
0x4e: {  	s8 =	sshrl.u32 s8, $0x3  }
0x4f: {  	s22 =	simm.s32 $0x1000;
	s8 =	sadd.s32 s26, s8  }
0x50: {  	[tilespmem:s22], [sflag:$0x2] =	stream.strided.gather [hbm4b:s8+s1], $0x1000, s2, s1, $0x38;
	[tilespmem:$0x1A000] =	vst v63  }
0x51: {  	_ =	swait.ge [sflag:s9], $0x1000  }
0x52: {  	p0 =	seq.s32 s7, $0x0;
	[sflag:s9] =	ssyncset.done $0x0  }
0x53: {  	s8 =	simm.s32 @!p0 $0x3;
	[sflag:s9] =	ssyncadd.s32 $0xFFFFF000  }
0x54: {  	_ =	swait.ge @!p0 [sflag:s8], $0x1000  }
0x55: {  	[sflag:s8] =	ssyncset.done @!p0 $0x0  }
0x56: {  	[sflag:s8] =	ssyncadd.s32 @!p0 $0xFFFFF000  }
0x57: {  	_ =	swait.ge @!p0 [sflag:s8], $0x1000  }
0x58: {  	[sflag:s8] =	ssyncset.done @!p0 $0x0  }
0x59: {  	[sflag:s8] =	ssyncadd.s32 @!p0 $0xFFFFF000  }
0x5a: {  	_ =	swait.ge @!p0 [sflag:s8], $0x1000  }
0x5b: {  	[sflag:s8] =	ssyncset.done @!p0 $0x0  }
0x5c: {  	[sflag:s8] =	ssyncadd.s32 @!p0 $0xFFFFF000  }
0x5d: {  	_ =	swait.ge @!p0 [sflag:s8], $0x1000  }
0x5e: {  	[sflag:s8] =	ssyncset.done @!p0 $0x0  }
0x5f: {  	s23 =	simm.s32 $0x80;
	[sflag:s8] =	ssyncadd.s32 @!p0 $0xFFFFF000  }
0x60: {  	v0 =	vld [tilespmem:s23+$0x70]  }
0x61: {  	v1 =	vld [tilespmem:s23+$0xFFFFFF90]  }
0x62: {  	v2 =	vld [tilespmem:s23+$0xFFFFFFA0]  }
0x63: {  	v3 =	vld [tilespmem:s23+$0xFFFFFFB0]  }
0x64: {  	v4 =	vld [tilespmem:s23+$0xFFFFFFC0]  }
0x65: {  	v5 =	vld [tilespmem:s23+$0xFFFFFFD0]  }
0x66: {  	v6 =	vld [tilespmem:s23+$0xFFFFFFE0]  }
0x67: {  	v7 =	vld [tilespmem:s23+$0xFFFFFFF0]  }
0x68: {  	v9 =	vld [tilespmem:s23+$0x0]  }
0x69: {  	v10 =	vld [tilespmem:s23+$0x10]  }
0x6a: {  	v11 =	vld [tilespmem:s23+$0x20]  }
0x6b: {  	v12 =	vld [tilespmem:s23+$0x30]  }
0x6c: {  	v13 =	vld [tilespmem:s23+$0x40]  }
0x6d: {  	v14 =	vld [tilespmem:s23+$0x50]  }
0x6e: {  	v15 =	vld [tilespmem:s23+$0x60]  }
0x6f: {  	v16 =	vld [tilespmem:s23+$0xFFFFFF80]  }
0x70: {  	v8 =	vld.idx.msk [tilespmem:v0+s3+$0x0], $0xffff  }
0x71: {  	v17 =	vld.idx.msk [tilespmem:v1+s3+$0x0], $0xffff  }
0x72: {  	v18 =	vld.idx.msk [tilespmem:v2+s3+$0x0], $0xffff  }
0x73: {  	v19 =	vld.idx.msk [tilespmem:v3+s3+$0x0], $0xffff  }
0x74: {  	v20 =	vld.idx.msk [tilespmem:v4+s3+$0x0], $0xffff  }
0x75: {  	s21 =	simm.s32 $0x12080;
	v21 =	vld.idx.msk [tilespmem:v5+s3+$0x0], $0xffff  }
0x76: {  	v31 =	vld.idx.msk [tilespmem:v6+s3+$0x0], $0xffff;
	[tilespmem:s21+$0x70] =	vst v8  }
0x77: {  	v22 =	vld.idx.msk [tilespmem:v16+s3+$0x0], $0xffff;
	[tilespmem:s21+$0xFFFFFF90] =	vst v17  }
0x78: {  	v32 =	vld.idx.msk [tilespmem:v7+s3+$0x0], $0xffff;
	[tilespmem:s21+$0xFFFFFFA0] =	vst v18  }
0x79: {  	v33 =	vld.idx.msk [tilespmem:v9+s3+$0x0], $0xffff;
	[tilespmem:s21+$0xFFFFFFB0] =	vst v19  }
0x7a: {  	v34 =	vld.idx.msk [tilespmem:v10+s3+$0x0], $0xffff;
	[tilespmem:s21+$0xFFFFFFC0] =	vst v20  }
0x7b: {  	v35 =	vld.idx.msk [tilespmem:v11+s3+$0x0], $0xffff;
	[tilespmem:s21+$0xFFFFFFD0] =	vst v21  }
0x7c: {  	[tilespmem:s21+$0xFFFFFFE0] =	vst v31;
	v8 =	vld.idx.msk [tilespmem:v0+s4+$0x0], $0xffff  }
0x7d: {  	v36 =	vld.idx.msk [tilespmem:v12+s3+$0x0], $0xffff;
	[tilespmem:s21+$0xFFFFFF80] =	vst v22  }
0x7e: {  	v37 =	vld.idx.msk [tilespmem:v13+s3+$0x0], $0xffff;
	[tilespmem:s21+$0xFFFFFFF0] =	vst v32  }
0x7f: {  	v38 =	vld.idx.msk [tilespmem:v14+s3+$0x0], $0xffff;
	[tilespmem:s21+$0x0] =	vst v33  }
0x80: {  	s22 =	simm.s32 $0x13080;
	v39 =	vld.idx.msk [tilespmem:v15+s3+$0x0], $0xffff;
	[tilespmem:s21+$0x10] =	vst v34  }
0x81: {  	v40 =	vld.idx.msk [tilespmem:v16+s4+$0x0], $0xffff;
	[tilespmem:s22+$0x70] =	vst v8  }
0x82: {  	[tilespmem:s21+$0x20] =	vst v35;
	v8 =	vld.idx.msk [tilespmem:v0+s5+$0x0], $0xffff  }
0x83: {  	[tilespmem:s21+$0x30] =	vst v36;
	v41 =	vld.idx.msk [tilespmem:v2+s4+$0x0], $0xffff  }
0x84: {  	[tilespmem:s21+$0x40] =	vst v37;
	v42 =	vld.idx.msk [tilespmem:v3+s4+$0x0], $0xffff  }
0x85: {  	[tilespmem:s21+$0x50] =	vst v38;
	v43 =	vld.idx.msk [tilespmem:v4+s4+$0x0], $0xffff  }
0x86: {  	s23 =	simm.s32 $0x14080;
	[tilespmem:s21+$0x60] =	vst v39;
	v44 =	vld.idx.msk [tilespmem:v5+s4+$0x0], $0xffff  }
0x87: {  	v45 =	vld.idx.msk [tilespmem:v6+s4+$0x0], $0xffff;
	[tilespmem:s23+$0x70] =	vst v8  }
0x88: {  	[tilespmem:s22+$0xFFFFFF80] =	vst v40;
	v0 =	vld.idx.msk [tilespmem:v0+s6+$0x0], $0xffff  }
0x89: {  	v46 =	vld.idx.msk [tilespmem:v9+s4+$0x0], $0xffff;
	[tilespmem:s22+$0xFFFFFFA0] =	vst v41  }
0x8a: {  	v47 =	vld.idx.msk [tilespmem:v10+s4+$0x0], $0xffff;
	[tilespmem:s22+$0xFFFFFFB0] =	vst v42  }
0x8b: {  	v48 =	vld.idx.msk [tilespmem:v11+s4+$0x0], $0xffff;
	[tilespmem:s22+$0xFFFFFFC0] =	vst v43  }
0x8c: {  	s28 =	simm.s32 $0x15080;
	v49 =	vld.idx.msk [tilespmem:v12+s4+$0x0], $0xffff;
	[tilespmem:s22+$0xFFFFFFD0] =	vst v44  }
0x8d: {  	[tilespmem:s28+$0x70] =	vst v0;
	v0 =	vld.idx.msk [tilespmem:v1+s4+$0x0], $0xffff  }
0x8e: {  	v50 =	vld.idx.msk [tilespmem:v13+s4+$0x0], $0xffff;
	[tilespmem:s22+$0xFFFFFFE0] =	vst v45  }
0x8f: {  	v51 =	vld.idx.msk [tilespmem:v15+s4+$0x0], $0xffff;
	[tilespmem:s22+$0x0] =	vst v46  }
0x90: {  	[tilespmem:s22+$0x10] =	vst v47;
	v21 =	vld.idx.msk [tilespmem:v16+s5+$0x0], $0xffff  }
0x91: {  	[tilespmem:s22+$0x20] =	vst v48;
	v53 =	vld.idx.msk [tilespmem:v2+s5+$0x0], $0xffff  }
0x92: {  	[tilespmem:s22+$0xFFFFFF90] =	vst v0;
	v0 =	vld.idx.msk [tilespmem:v7+s4+$0x0], $0xffff  }
0x93: {  	[tilespmem:s22+$0x30] =	vst v49;
	v54 =	vld.idx.msk [tilespmem:v3+s5+$0x0], $0xffff  }
0x94: {  	[tilespmem:s22+$0x40] =	vst v50;
	v55 =	vld.idx.msk [tilespmem:v4+s5+$0x0], $0xffff  }
0x95: {  	[tilespmem:s22+$0x60] =	vst v51;
	v56 =	vld.idx.msk [tilespmem:v6+s5+$0x0], $0xffff  }
0x96: {  	v58 =	vld.idx.msk [tilespmem:v9+s5+$0x0], $0xffff;
	[tilespmem:s23+$0xFFFFFF80] =	vst v21  }
0x97: {  	[tilespmem:s22+$0xFFFFFFF0] =	vst v0;
	v0 =	vld.idx.msk [tilespmem:v14+s4+$0x0], $0xffff  }
0x98: {  	v59 =	vld.idx.msk [tilespmem:v10+s5+$0x0], $0xffff;
	[tilespmem:s23+$0xFFFFFFA0] =	vst v53  }
0x99: {  	[tilespmem:s23+$0xFFFFFFB0] =	vst v54;
	v52 =	vld.idx.msk [tilespmem:v1+s5+$0x0], $0xffff  }
0x9a: {  	v60 =	vld.idx.msk [tilespmem:v11+s5+$0x0], $0xffff;
	[tilespmem:s23+$0xFFFFFFC0] =	vst v55  }
0x9b: {  	v61 =	vld.idx.msk [tilespmem:v13+s5+$0x0], $0xffff;
	[tilespmem:s23+$0xFFFFFFE0] =	vst v56  }
0x9c: {  	[tilespmem:s22+$0x50] =	vst v0;
	v0 =	vld.idx.msk [tilespmem:v5+s5+$0x0], $0xffff  }
0x9d: {  	v63 =	vld.idx.msk [tilespmem:v15+s5+$0x0], $0xffff;
	[tilespmem:s23+$0x0] =	vst v58  }
0x9e: {  	[tilespmem:s23+$0xFFFFFF90] =	vst v52;
	v57 =	vld.idx.msk [tilespmem:v7+s5+$0x0], $0xffff  }
0x9f: {  	[tilespmem:s23+$0x10] =	vst v59;
	v1 =	vld.idx.msk [tilespmem:v1+s6+$0x0], $0xffff  }
0xa0: {  	[tilespmem:s23+$0x20] =	vst v60;
	v16 =	vld.idx.msk [tilespmem:v16+s6+$0x0], $0xffff  }
0xa1: {  	[tilespmem:s23+$0xFFFFFFD0] =	vst v0;
	v0 =	vld.idx.msk [tilespmem:v12+s5+$0x0], $0xffff  }
0xa2: {  	[tilespmem:s23+$0x40] =	vst v61;
	v2 =	vld.idx.msk [tilespmem:v2+s6+$0x0], $0xffff  }
0xa3: {  	[tilespmem:s23+$0xFFFFFFF0] =	vst v57;
	v62 =	vld.idx.msk [tilespmem:v14+s5+$0x0], $0xffff  }
0xa4: {  	[tilespmem:s28+$0xFFFFFF90] =	vst v1;
	v1 =	vld.idx.msk [tilespmem:v7+s6+$0x0], $0xffff  }
0xa5: {  	[tilespmem:s23+$0x60] =	vst v63;
	v6 =	vld.idx.msk [tilespmem:v6+s6+$0x0], $0xffff  }
0xa6: {  	[tilespmem:s23+$0x30] =	vst v0;
	v0 =	vld.idx.msk [tilespmem:v3+s6+$0x0], $0xffff  }
0xa7: {  	[tilespmem:s28+$0xFFFFFF80] =	vst v16;
	v3 =	vld.idx.msk [tilespmem:v4+s6+$0x0], $0xffff  }
0xa8: {  	v7 =	vld.idx.msk [tilespmem:v9+s6+$0x0], $0xffff;
	[tilespmem:s23+$0x50] =	vst v62  }
0xa9: {  	[tilespmem:s28+$0xFFFFFFF0] =	vst v1;
	v1 =	vld.idx.msk [tilespmem:v14+s6+$0x0], $0xffff  }
0xaa: {  	[tilespmem:s28+$0xFFFFFFA0] =	vst v2;
	v4 =	vld.idx.msk [tilespmem:v5+s6+$0x0], $0xffff  }
0xab: {  	[tilespmem:s28+$0xFFFFFFE0] =	vst v6;
	v5 =	vld.idx.msk [tilespmem:v10+s6+$0x0], $0xffff  }
0xac: {  	[tilespmem:s28+$0xFFFFFFC0] =	vst v3;
	v3 =	vld.idx.msk [tilespmem:v11+s6+$0x0], $0xffff  }
0xad: {  	[tilespmem:s28+$0x0] =	vst v7;
	v2 =	vld.idx.msk [tilespmem:v12+s6+$0x0], $0xffff  }
0xae: {  	[tilespmem:s28+$0xFFFFFFB0] =	vst v0;
	v0 =	vld.idx.msk [tilespmem:v13+s6+$0x0], $0xffff  }
0xaf: {  	s30 =	simm.s32 $0x0;
	s18 =	simm.s32 $0x180;
	s17 =	sshll.u32 s7, $0x1;
	[tilespmem:s28+$0xFFFFFFD0] =	vst v4;
	v4 =	vld.idx.msk [tilespmem:v15+s6+$0x0], $0xffff  }
.LBB2_3:
0xb0: {  	v15 =	vld [tilespmem:s18+$0x70];
	s30 =	sadd.s32 $0x10, s30;
	[tilespmem:s28+$0x10] =	vst v5  }
0xb1: {  	v7 =	vld [tilespmem:s18+$0xFFFFFF90];
	p1 =	slt.u32 s30, $0xF0;
	[tilespmem:s28+$0x20] =	vst v3  }
0xb2: {  	v10 =	vld [tilespmem:s18+$0xFFFFFFA0];
	[tilespmem:s28+$0x30] =	vst v2  }
0xb3: {  	v11 =	vld [tilespmem:s18+$0xFFFFFFB0];
	[tilespmem:s28+$0x40] =	vst v0  }
0xb4: {  	v12 =	vld [tilespmem:s18+$0xFFFFFFC0];
	[tilespmem:s28+$0x50] =	vst v1  }
0xb5: {  	v13 =	vld [tilespmem:s18+$0xFFFFFFD0];
	[tilespmem:s28+$0x60] =	vst v4  }
0xb6: {  	v8 =	vld [tilespmem:s18+$0xFFFFFFE0]  }
0xb7: {  	v5 =	vld [tilespmem:s18+$0xFFFFFFF0]  }
0xb8: {  	v4 =	vld.idx.msk [tilespmem:v15+s3+$0x0], $0xffff  }
0xb9: {  	v9 =	vld [tilespmem:s18+$0x0]  }
0xba: {  	v6 =	vld [tilespmem:s18+$0x10]  }
0xbb: {  	v3 =	vld [tilespmem:s18+$0x20]  }
0xbc: {  	v2 =	vld [tilespmem:s18+$0x30]  }
0xbd: {  	s21 =	sadd.s32 $0x100, s21;
	v0 =	vld [tilespmem:s18+$0x40]  }
0xbe: {  	v1 =	vld [tilespmem:s18+$0x50];
	[tilespmem:s21+$0x70] =	vst v4  }
0xbf: {  	v16 =	vld.idx.msk [tilespmem:v15+s4+$0x0], $0xffff  }
0xc0: {  	v4 =	vld [tilespmem:s18+$0x60]  }
0xc1: {  	v14 =	vld [tilespmem:s18+$0xFFFFFF80]  }
0xc2: {  	v17 =	vld.idx.msk [tilespmem:v7+s3+$0x0], $0xffff  }
0xc3: {  	v18 =	vld.idx.msk [tilespmem:v10+s3+$0x0], $0xffff  }
0xc4: {  	s22 =	sadd.s32 $0x100, s22;
	v19 =	vld.idx.msk [tilespmem:v11+s3+$0x0], $0xffff  }
0xc5: {  	v20 =	vld.idx.msk [tilespmem:v12+s3+$0x0], $0xffff;
	[tilespmem:s22+$0x70] =	vst v16  }
0xc6: {  	v16 =	vld.idx.msk [tilespmem:v15+s5+$0x0], $0xffff  }
0xc7: {  	v21 =	vld.idx.msk [tilespmem:v13+s3+$0x0], $0xffff  }
0xc8: {  	[tilespmem:s21+$0xFFFFFF90] =	vst v17;
	v17 =	vld.idx.msk [tilespmem:v8+s3+$0x0], $0xffff  }
0xc9: {  	v22 =	vld.idx.msk [tilespmem:v14+s3+$0x0], $0xffff;
	[tilespmem:s21+$0xFFFFFFA0] =	vst v18  }
0xca: {  	[tilespmem:s21+$0xFFFFFFB0] =	vst v19;
	v18 =	vld.idx.msk [tilespmem:v5+s3+$0x0], $0xffff  }
0xcb: {  	s23 =	sadd.s32 $0x100, s23;
	[tilespmem:s21+$0xFFFFFFC0] =	vst v20;
	v19 =	vld.idx.msk [tilespmem:v9+s3+$0x0], $0xffff  }
0xcc: {  	v20 =	vld.idx.msk [tilespmem:v6+s3+$0x0], $0xffff;
	[tilespmem:s23+$0x70] =	vst v16  }
0xcd: {  	[tilespmem:s21+$0xFFFFFFD0] =	vst v21;
	v15 =	vld.idx.msk [tilespmem:v15+s6+$0x0], $0xffff  }
0xce: {  	[tilespmem:s21+$0xFFFFFFE0] =	vst v17;
	v16 =	vld.idx.msk [tilespmem:v3+s3+$0x0], $0xffff  }
0xcf: {  	[tilespmem:s21+$0xFFFFFF80] =	vst v22;
	v17 =	vld.idx.msk [tilespmem:v2+s3+$0x0], $0xffff  }
0xd0: {  	[tilespmem:s21+$0xFFFFFFF0] =	vst v18;
	v18 =	vld.idx.msk [tilespmem:v0+s3+$0x0], $0xffff  }
0xd1: {  	[tilespmem:s21+$0x0] =	vst v19;
	v19 =	vld.idx.msk [tilespmem:v1+s3+$0x0], $0xffff  }
0xd2: {  	s28 =	sadd.s32 $0x100, s28;
	[tilespmem:s21+$0x10] =	vst v20;
	v20 =	vld.idx.msk [tilespmem:v4+s3+$0x0], $0xffff  }
0xd3: {  	v21 =	vld.idx.msk [tilespmem:v14+s4+$0x0], $0xffff;
	[tilespmem:s28+$0x70] =	vst v15  }
0xd4: {  	v15 =	vld.idx.msk [tilespmem:v7+s4+$0x0], $0xffff;
	[tilespmem:s21+$0x20] =	vst v16  }
0xd5: {  	v16 =	vld.idx.msk [tilespmem:v10+s4+$0x0], $0xffff;
	[tilespmem:s21+$0x30] =	vst v17  }
0xd6: {  	v17 =	vld.idx.msk [tilespmem:v11+s4+$0x0], $0xffff;
	[tilespmem:s21+$0x40] =	vst v18  }
0xd7: {  	v18 =	vld.idx.msk [tilespmem:v12+s4+$0x0], $0xffff;
	[tilespmem:s21+$0x50] =	vst v19  }
0xd8: {  	v19 =	vld.idx.msk [tilespmem:v13+s4+$0x0], $0xffff;
	[tilespmem:s21+$0x60] =	vst v20  }
0xd9: {  	[tilespmem:s22+$0xFFFFFF80] =	vst v21;
	v20 =	vld.idx.msk [tilespmem:v8+s4+$0x0], $0xffff  }
0xda: {  	[tilespmem:s22+$0xFFFFFF90] =	vst v15;
	v15 =	vld.idx.msk [tilespmem:v5+s4+$0x0], $0xffff  }
0xdb: {  	[tilespmem:s22+$0xFFFFFFA0] =	vst v16;
	v16 =	vld.idx.msk [tilespmem:v9+s4+$0x0], $0xffff  }
0xdc: {  	[tilespmem:s22+$0xFFFFFFB0] =	vst v17;
	v17 =	vld.idx.msk [tilespmem:v6+s4+$0x0], $0xffff  }
0xdd: {  	[tilespmem:s22+$0xFFFFFFC0] =	vst v18;
	v18 =	vld.idx.msk [tilespmem:v3+s4+$0x0], $0xffff  }
0xde: {  	[tilespmem:s22+$0xFFFFFFD0] =	vst v19;
	v19 =	vld.idx.msk [tilespmem:v2+s4+$0x0], $0xffff  }
0xdf: {  	[tilespmem:s22+$0xFFFFFFE0] =	vst v20;
	v20 =	vld.idx.msk [tilespmem:v0+s4+$0x0], $0xffff  }
0xe0: {  	[tilespmem:s22+$0xFFFFFFF0] =	vst v15;
	v15 =	vld.idx.msk [tilespmem:v1+s4+$0x0], $0xffff  }
0xe1: {  	[tilespmem:s22+$0x0] =	vst v16;
	v16 =	vld.idx.msk [tilespmem:v4+s4+$0x0], $0xffff  }
0xe2: {  	v21 =	vld.idx.msk [tilespmem:v14+s5+$0x0], $0xffff;
	[tilespmem:s22+$0x10] =	vst v17  }
0xe3: {  	v17 =	vld.idx.msk [tilespmem:v7+s5+$0x0], $0xffff;
	[tilespmem:s22+$0x20] =	vst v18  }
0xe4: {  	v18 =	vld.idx.msk [tilespmem:v10+s5+$0x0], $0xffff;
	[tilespmem:s22+$0x30] =	vst v19  }
0xe5: {  	v19 =	vld.idx.msk [tilespmem:v11+s5+$0x0], $0xffff;
	[tilespmem:s22+$0x40] =	vst v20  }
0xe6: {  	v20 =	vld.idx.msk [tilespmem:v12+s5+$0x0], $0xffff;
	[tilespmem:s22+$0x50] =	vst v15  }
0xe7: {  	v15 =	vld.idx.msk [tilespmem:v13+s5+$0x0], $0xffff;
	[tilespmem:s22+$0x60] =	vst v16  }
0xe8: {  	[tilespmem:s23+$0xFFFFFF80] =	vst v21;
	v16 =	vld.idx.msk [tilespmem:v8+s5+$0x0], $0xffff  }
0xe9: {  	[tilespmem:s23+$0xFFFFFF90] =	vst v17;
	v17 =	vld.idx.msk [tilespmem:v5+s5+$0x0], $0xffff  }
0xea: {  	[tilespmem:s23+$0xFFFFFFA0] =	vst v18;
	v18 =	vld.idx.msk [tilespmem:v9+s5+$0x0], $0xffff  }
0xeb: {  	[tilespmem:s23+$0xFFFFFFB0] =	vst v19;
	v19 =	vld.idx.msk [tilespmem:v6+s5+$0x0], $0xffff  }
0xec: {  	[tilespmem:s23+$0xFFFFFFC0] =	vst v20;
	v20 =	vld.idx.msk [tilespmem:v3+s5+$0x0], $0xffff  }
0xed: {  	[tilespmem:s23+$0xFFFFFFD0] =	vst v15;
	v15 =	vld.idx.msk [tilespmem:v2+s5+$0x0], $0xffff  }
0xee: {  	[tilespmem:s23+$0xFFFFFFE0] =	vst v16;
	v16 =	vld.idx.msk [tilespmem:v0+s5+$0x0], $0xffff  }
0xef: {  	[tilespmem:s23+$0xFFFFFFF0] =	vst v17;
	v17 =	vld.idx.msk [tilespmem:v1+s5+$0x0], $0xffff  }
0xf0: {  	[tilespmem:s23+$0x0] =	vst v18;
	v18 =	vld.idx.msk [tilespmem:v4+s5+$0x0], $0xffff  }
0xf1: {  	v14 =	vld.idx.msk [tilespmem:v14+s6+$0x0], $0xffff;
	[tilespmem:s23+$0x10] =	vst v19  }
0xf2: {  	v7 =	vld.idx.msk [tilespmem:v7+s6+$0x0], $0xffff;
	[tilespmem:s23+$0x20] =	vst v20  }
0xf3: {  	v10 =	vld.idx.msk [tilespmem:v10+s6+$0x0], $0xffff;
	[tilespmem:s23+$0x30] =	vst v15  }
0xf4: {  	v11 =	vld.idx.msk [tilespmem:v11+s6+$0x0], $0xffff;
	[tilespmem:s23+$0x40] =	vst v16  }
0xf5: {  	v12 =	vld.idx.msk [tilespmem:v12+s6+$0x0], $0xffff;
	[tilespmem:s23+$0x50] =	vst v17  }
0xf6: {  	v13 =	vld.idx.msk [tilespmem:v13+s6+$0x0], $0xffff;
	[tilespmem:s23+$0x60] =	vst v18  }
0xf7: {  	[tilespmem:s28+$0xFFFFFF80] =	vst v14;
	v8 =	vld.idx.msk [tilespmem:v8+s6+$0x0], $0xffff  }
0xf8: {  	[tilespmem:s28+$0xFFFFFF90] =	vst v7;
	v7 =	vld.idx.msk [tilespmem:v5+s6+$0x0], $0xffff  }
0xf9: {  	[tilespmem:s28+$0xFFFFFFA0] =	vst v10;
	v9 =	vld.idx.msk [tilespmem:v9+s6+$0x0], $0xffff  }
0xfa: {  	[tilespmem:s28+$0xFFFFFFB0] =	vst v11;
	v5 =	vld.idx.msk [tilespmem:v6+s6+$0x0], $0xffff  }
.Ltmp0:
0xfb: {  	[tilespmem:s28+$0xFFFFFFC0] =	vst v12;
	v3 =	vld.idx.msk [tilespmem:v3+s6+$0x0], $0xffff;
	(pc) =	sbr.rel @p1 .LBB2_3-.Ltmp0, $4  }
0xfc: {  	[tilespmem:s28+$0xFFFFFFD0] =	vst v13;
	v2 =	vld.idx.msk [tilespmem:v2+s6+$0x0], $0xffff  }
0xfd: {  	[tilespmem:s28+$0xFFFFFFE0] =	vst v8;
	v0 =	vld.idx.msk [tilespmem:v0+s6+$0x0], $0xffff  }
0xfe: {  	[tilespmem:s28+$0xFFFFFFF0] =	vst v7;
	v1 =	vld.idx.msk [tilespmem:v1+s6+$0x0], $0xffff  }
0xff: {  	s18 =	sadd.s32 $0x100, s18;
	[tilespmem:s28+$0x0] =	vst v9;
	v4 =	vld.idx.msk [tilespmem:v4+s6+$0x0], $0xffff  }
0x100: {  	[tilespmem:s28+$0x10] =	vst v5  }
0x101: {  	[tilespmem:s28+$0x20] =	vst v3  }
0x102: {  	[tilespmem:s28+$0x30] =	vst v2  }
0x103: {  	s8 =	rddreg [dreg:$0x14]  }
0x104: {  	s20 =	sor.u32 s20, s8  }
0x105: {  	[tilespmem:s28+$0x40] =	vst v0;
	s8 =	sor.u32 s24, s20  }
0x106: {  	[tilespmem:s28+$0x50] =	vst v1;
	s21 =	sor.u32 $0x20000, s20;
	s8 =	sshrl.u32 s8, $0x3  }
0x107: {  	[tilespmem:s28+$0x60] =	vst v4;
	s23 =	sor.u32 s24, s21;
	s8 =	sadd.s32 s29, s8  }
0x108: {  	[hbm4b:s8+s1] =	stream.strided.scatter [tilespmem:s10], [sflag:$0x3], $0x1000, s2, s1, $0x38;
	[tilespmem:$0x1A000] =	vst v63  }
0x109: {  	s22 =	sor.u32 $0x40000, s20;
	s8 =	sshrl.u32 s23, $0x3  }
0x10a: {  	s28 =	sor.u32 s24, s22;
	s8 =	sadd.s32 s29, s8  }
0x10b: {  	[hbm4b:s8+s1] =	stream.strided.scatter [tilespmem:s11], [sflag:$0x3], $0x1000, s2, s1, $0x38;
	[tilespmem:$0x1A000] =	vst v63  }
0x10c: {  	p1 =	sne.s32 s7, $0xF;
	s23 =	sor.u32 $0x60000, s20;
	s8 =	sshrl.u32 s28, $0x3  }
.Ltmp1:
0x10d: {  	s30 =	sor.u32 s24, s23;
	s8 =	sadd.s32 s29, s8;
	(pc) =	sbr.rel @p1 .LBB2_6-.Ltmp1, $4  }
0x10e: {  	[hbm4b:s8+s1] =	stream.strided.scatter [tilespmem:s12], [sflag:$0x3], $0x1000, s2, s1, $0x38;
	[tilespmem:$0x1A000] =	vst v63  }
0x10f: {  	s8 =	sshrl.u32 s30, $0x3  }
0x110: {  	s8 =	sadd.s32 s29, s8  }
0x111: {  	[hbm4b:s8+s1] =	stream.strided.scatter [tilespmem:s13], [sflag:$0x3], $0x1000, s2, s1, $0x38;
	[tilespmem:$0x1A000] =	vst v63  }
.Ltmp2:
0x112: {  	(pc) =	sbr.rel .LBB2_7-.Ltmp2, $4  }
0x113: {  	_ = 	snop  }
0x114: {  	_ =	swait.ge [sflag:s9], $0x1000  }
0x115: {  	[sflag:s9] =	ssyncset.done $0x0  }
0x116: {  	[sflag:s9] =	ssyncadd.s32 $0xFFFFF000  }
.LBB2_6:
0x117: {  	s8 =	sadd.s32 $0x2, s17  }
0x118: {  	s17 =	sshll.u32 s8, $0xC  }
0x119: {  	s8 =	sshll.u32 s8, $0x7;
	s17 =	sand.u32 $0x38000, s17  }
0x11a: {  	s8 =	sand.u32 $0x300, s8;
	s17 =	sadd.s32 s31, s17  }
0x11b: {  	s8 =	sor.u32 s8, s17  }
0x11c: {  	s8 =	sshrl.u32 s8, $0x3  }
.Ltmp3:
0x11d: {  	s30 =	simm.s32 $0x0;
	s8 =	sadd.s32 s26, s8;
	(pc) =	sbr.rel @p0 .LBB2_8-.Ltmp3, $4  }
0x11e: {  	[tilespmem:s30], [sflag:$0x2] =	stream.strided.gather [hbm4b:s8+s1], $0x1000, s2, s1, $0x38;
	[tilespmem:$0x1A000] =	vst v63  }
0x11f: {  	_ =	swait.ge [sflag:s9], $0x1000  }
0x120: {  	[sflag:s9] =	ssyncset.done $0x0  }
0x121: {  	[sflag:s9] =	ssyncadd.s32 $0xFFFFF000  }
.LBB2_7:
0x122: {  	_ =	swait.ge [sflag:s14], $0x1000  }
0x123: {  	[sflag:s14] =	ssyncset.done $0x0  }
0x124: {  	[sflag:s14] =	ssyncadd.s32 $0xFFFFF000  }
0x125: {  	_ =	swait.ge [sflag:s14], $0x1000  }
0x126: {  	[sflag:s14] =	ssyncset.done $0x0  }
0x127: {  	[sflag:s14] =	ssyncadd.s32 $0xFFFFF000  }
0x128: {  	_ =	swait.ge [sflag:s14], $0x1000  }
0x129: {  	[sflag:s14] =	ssyncset.done $0x0  }
0x12a: {  	[sflag:s14] =	ssyncadd.s32 $0xFFFFF000  }
0x12b: {  	_ =	swait.ge [sflag:s14], $0x1000  }
0x12c: {  	[sflag:s14] =	ssyncset.done $0x0  }
0x12d: {  	[sflag:s14] =	ssyncadd.s32 $0xFFFFF000  }
.LBB2_8:
0x12e: {  	s8 =	simm.s32 $0x1080  }
0x12f: {  	v0 =	vld [tilespmem:s8+$0x70]  }
0x130: {  	v1 =	vld [tilespmem:s8+$0xFFFFFF90]  }
0x131: {  	v2 =	vld [tilespmem:s8+$0xFFFFFFA0]  }
0x132: {  	v3 =	vld [tilespmem:s8+$0xFFFFFFB0]  }
0x133: {  	v4 =	vld [tilespmem:s8+$0xFFFFFFC0]  }
0x134: {  	v5 =	vld [tilespmem:s8+$0xFFFFFFD0]  }
0x135: {  	v6 =	vld [tilespmem:s8+$0xFFFFFFE0]  }
0x136: {  	v7 =	vld [tilespmem:s8+$0xFFFFFFF0]  }
0x137: {  	v9 =	vld [tilespmem:s8+$0x0]  }
0x138: {  	v10 =	vld [tilespmem:s8+$0x10]  }
0x139: {  	v11 =	vld [tilespmem:s8+$0x20]  }
0x13a: {  	v12 =	vld [tilespmem:s8+$0x30]  }
0x13b: {  	v13 =	vld [tilespmem:s8+$0x40]  }
0x13c: {  	v14 =	vld [tilespmem:s8+$0x50]  }
0x13d: {  	v15 =	vld [tilespmem:s8+$0x60]  }
0x13e: {  	v16 =	vld [tilespmem:s8+$0xFFFFFF80]  }
0x13f: {  	v8 =	vld.idx.msk [tilespmem:v0+s3+$0x0], $0xffff  }
0x140: {  	v17 =	vld.idx.msk [tilespmem:v1+s3+$0x0], $0xffff  }
0x141: {  	v18 =	vld.idx.msk [tilespmem:v2+s3+$0x0], $0xffff  }
0x142: {  	v19 =	vld.idx.msk [tilespmem:v3+s3+$0x0], $0xffff  }
0x143: {  	v20 =	vld.idx.msk [tilespmem:v4+s3+$0x0], $0xffff  }
0x144: {  	s24 =	simm.s32 $0x16080;
	v21 =	vld.idx.msk [tilespmem:v5+s3+$0x0], $0xffff  }
0x145: {  	v31 =	vld.idx.msk [tilespmem:v6+s3+$0x0], $0xffff;
	[tilespmem:s24+$0x70] =	vst v8  }
0x146: {  	v22 =	vld.idx.msk [tilespmem:v16+s3+$0x0], $0xffff;
	[tilespmem:s24+$0xFFFFFF90] =	vst v17  }
0x147: {  	v32 =	vld.idx.msk [tilespmem:v7+s3+$0x0], $0xffff;
	[tilespmem:s24+$0xFFFFFFA0] =	vst v18  }
0x148: {  	v33 =	vld.idx.msk [tilespmem:v9+s3+$0x0], $0xffff;
	[tilespmem:s24+$0xFFFFFFB0] =	vst v19  }
0x149: {  	v34 =	vld.idx.msk [tilespmem:v10+s3+$0x0], $0xffff;
	[tilespmem:s24+$0xFFFFFFC0] =	vst v20  }
0x14a: {  	v35 =	vld.idx.msk [tilespmem:v11+s3+$0x0], $0xffff;
	[tilespmem:s24+$0xFFFFFFD0] =	vst v21  }
0x14b: {  	[tilespmem:s24+$0xFFFFFFE0] =	vst v31;
	v8 =	vld.idx.msk [tilespmem:v0+s4+$0x0], $0xffff  }
0x14c: {  	v36 =	vld.idx.msk [tilespmem:v12+s3+$0x0], $0xffff;
	[tilespmem:s24+$0xFFFFFF80] =	vst v22  }
0x14d: {  	v37 =	vld.idx.msk [tilespmem:v13+s3+$0x0], $0xffff;
	[tilespmem:s24+$0xFFFFFFF0] =	vst v32  }
0x14e: {  	v38 =	vld.idx.msk [tilespmem:v14+s3+$0x0], $0xffff;
	[tilespmem:s24+$0x0] =	vst v33  }
0x14f: {  	s28 =	simm.s32 $0x17080;
	v39 =	vld.idx.msk [tilespmem:v15+s3+$0x0], $0xffff;
	[tilespmem:s24+$0x10] =	vst v34  }
0x150: {  	v40 =	vld.idx.msk [tilespmem:v16+s4+$0x0], $0xffff;
	[tilespmem:s28+$0x70] =	vst v8  }
0x151: {  	[tilespmem:s24+$0x20] =	vst v35;
	v8 =	vld.idx.msk [tilespmem:v0+s5+$0x0], $0xffff  }
0x152: {  	[tilespmem:s24+$0x30] =	vst v36;
	v41 =	vld.idx.msk [tilespmem:v2+s4+$0x0], $0xffff  }
0x153: {  	[tilespmem:s24+$0x40] =	vst v37;
	v42 =	vld.idx.msk [tilespmem:v3+s4+$0x0], $0xffff  }
0x154: {  	[tilespmem:s24+$0x50] =	vst v38;
	v43 =	vld.idx.msk [tilespmem:v4+s4+$0x0], $0xffff  }
0x155: {  	s30 =	simm.s32 $0x18080;
	[tilespmem:s24+$0x60] =	vst v39;
	v44 =	vld.idx.msk [tilespmem:v5+s4+$0x0], $0xffff  }
0x156: {  	v45 =	vld.idx.msk [tilespmem:v6+s4+$0x0], $0xffff;
	[tilespmem:s30+$0x70] =	vst v8  }
0x157: {  	[tilespmem:s28+$0xFFFFFF80] =	vst v40;
	v0 =	vld.idx.msk [tilespmem:v0+s6+$0x0], $0xffff  }
0x158: {  	v46 =	vld.idx.msk [tilespmem:v9+s4+$0x0], $0xffff;
	[tilespmem:s28+$0xFFFFFFA0] =	vst v41  }
0x159: {  	v47 =	vld.idx.msk [tilespmem:v10+s4+$0x0], $0xffff;
	[tilespmem:s28+$0xFFFFFFB0] =	vst v42  }
0x15a: {  	v48 =	vld.idx.msk [tilespmem:v11+s4+$0x0], $0xffff;
	[tilespmem:s28+$0xFFFFFFC0] =	vst v43  }
0x15b: {  	s17 =	simm.s32 $0x19080;
	v49 =	vld.idx.msk [tilespmem:v12+s4+$0x0], $0xffff;
	[tilespmem:s28+$0xFFFFFFD0] =	vst v44  }
0x15c: {  	[tilespmem:s17+$0x70] =	vst v0;
	v0 =	vld.idx.msk [tilespmem:v1+s4+$0x0], $0xffff  }
0x15d: {  	v50 =	vld.idx.msk [tilespmem:v13+s4+$0x0], $0xffff;
	[tilespmem:s28+$0xFFFFFFE0] =	vst v45  }
0x15e: {  	v51 =	vld.idx.msk [tilespmem:v15+s4+$0x0], $0xffff;
	[tilespmem:s28+$0x0] =	vst v46  }
0x15f: {  	[tilespmem:s28+$0x10] =	vst v47;
	v21 =	vld.idx.msk [tilespmem:v16+s5+$0x0], $0xffff  }
0x160: {  	[tilespmem:s28+$0x20] =	vst v48;
	v53 =	vld.idx.msk [tilespmem:v2+s5+$0x0], $0xffff  }
0x161: {  	[tilespmem:s28+$0xFFFFFF90] =	vst v0;
	v0 =	vld.idx.msk [tilespmem:v7+s4+$0x0], $0xffff  }
0x162: {  	[tilespmem:s28+$0x30] =	vst v49;
	v54 =	vld.idx.msk [tilespmem:v3+s5+$0x0], $0xffff  }
0x163: {  	[tilespmem:s28+$0x40] =	vst v50;
	v55 =	vld.idx.msk [tilespmem:v4+s5+$0x0], $0xffff  }
0x164: {  	[tilespmem:s28+$0x60] =	vst v51;
	v56 =	vld.idx.msk [tilespmem:v6+s5+$0x0], $0xffff  }
0x165: {  	v58 =	vld.idx.msk [tilespmem:v9+s5+$0x0], $0xffff;
	[tilespmem:s30+$0xFFFFFF80] =	vst v21  }
0x166: {  	[tilespmem:s28+$0xFFFFFFF0] =	vst v0;
	v0 =	vld.idx.msk [tilespmem:v14+s4+$0x0], $0xffff  }
0x167: {  	v59 =	vld.idx.msk [tilespmem:v10+s5+$0x0], $0xffff;
	[tilespmem:s30+$0xFFFFFFA0] =	vst v53  }
0x168: {  	[tilespmem:s30+$0xFFFFFFB0] =	vst v54;
	v52 =	vld.idx.msk [tilespmem:v1+s5+$0x0], $0xffff  }
0x169: {  	v60 =	vld.idx.msk [tilespmem:v11+s5+$0x0], $0xffff;
	[tilespmem:s30+$0xFFFFFFC0] =	vst v55  }
0x16a: {  	v61 =	vld.idx.msk [tilespmem:v13+s5+$0x0], $0xffff;
	[tilespmem:s30+$0xFFFFFFE0] =	vst v56  }
0x16b: {  	[tilespmem:s28+$0x50] =	vst v0;
	v0 =	vld.idx.msk [tilespmem:v5+s5+$0x0], $0xffff  }
0x16c: {  	v63 =	vld.idx.msk [tilespmem:v15+s5+$0x0], $0xffff;
	[tilespmem:s30+$0x0] =	vst v58  }
0x16d: {  	[tilespmem:s30+$0xFFFFFF90] =	vst v52;
	v57 =	vld.idx.msk [tilespmem:v7+s5+$0x0], $0xffff  }
0x16e: {  	[tilespmem:s30+$0x10] =	vst v59;
	v1 =	vld.idx.msk [tilespmem:v1+s6+$0x0], $0xffff  }
0x16f: {  	[tilespmem:s30+$0x20] =	vst v60;
	v16 =	vld.idx.msk [tilespmem:v16+s6+$0x0], $0xffff  }
0x170: {  	[tilespmem:s30+$0xFFFFFFD0] =	vst v0;
	v0 =	vld.idx.msk [tilespmem:v12+s5+$0x0], $0xffff  }
0x171: {  	[tilespmem:s30+$0x40] =	vst v61;
	v2 =	vld.idx.msk [tilespmem:v2+s6+$0x0], $0xffff  }
0x172: {  	[tilespmem:s30+$0xFFFFFFF0] =	vst v57;
	v62 =	vld.idx.msk [tilespmem:v14+s5+$0x0], $0xffff  }
0x173: {  	[tilespmem:s17+$0xFFFFFF90] =	vst v1;
	v1 =	vld.idx.msk [tilespmem:v7+s6+$0x0], $0xffff  }
0x174: {  	[tilespmem:s30+$0x60] =	vst v63;
	v6 =	vld.idx.msk [tilespmem:v6+s6+$0x0], $0xffff  }
0x175: {  	[tilespmem:s30+$0x30] =	vst v0;
	v0 =	vld.idx.msk [tilespmem:v3+s6+$0x0], $0xffff  }
0x176: {  	[tilespmem:s17+$0xFFFFFF80] =	vst v16;
	v3 =	vld.idx.msk [tilespmem:v4+s6+$0x0], $0xffff  }
0x177: {  	v7 =	vld.idx.msk [tilespmem:v9+s6+$0x0], $0xffff;
	[tilespmem:s30+$0x50] =	vst v62  }
0x178: {  	[tilespmem:s17+$0xFFFFFFF0] =	vst v1;
	v1 =	vld.idx.msk [tilespmem:v14+s6+$0x0], $0xffff  }
0x179: {  	[tilespmem:s17+$0xFFFFFFA0] =	vst v2;
	v4 =	vld.idx.msk [tilespmem:v5+s6+$0x0], $0xffff  }
0x17a: {  	[tilespmem:s17+$0xFFFFFFE0] =	vst v6;
	v5 =	vld.idx.msk [tilespmem:v10+s6+$0x0], $0xffff  }
0x17b: {  	[tilespmem:s17+$0xFFFFFFC0] =	vst v3;
	v3 =	vld.idx.msk [tilespmem:v11+s6+$0x0], $0xffff  }
0x17c: {  	[tilespmem:s17+$0x0] =	vst v7;
	v2 =	vld.idx.msk [tilespmem:v12+s6+$0x0], $0xffff  }
0x17d: {  	[tilespmem:s17+$0xFFFFFFB0] =	vst v0;
	v0 =	vld.idx.msk [tilespmem:v13+s6+$0x0], $0xffff  }
0x17e: {  	s18 =	simm.s32 $0x0;
	s8 =	simm.s32 $0x1180;
	[tilespmem:s17+$0xFFFFFFD0] =	vst v4;
	v4 =	vld.idx.msk [tilespmem:v15+s6+$0x0], $0xffff  }
.LBB2_9:
0x17f: {  	v15 =	vld [tilespmem:s8+$0x70];
	s18 =	sadd.s32 $0x10, s18;
	[tilespmem:s17+$0x10] =	vst v5  }
0x180: {  	v7 =	vld [tilespmem:s8+$0xFFFFFF90];
	p0 =	slt.u32 s18, $0xF0;
	[tilespmem:s17+$0x20] =	vst v3  }
0x181: {  	v10 =	vld [tilespmem:s8+$0xFFFFFFA0];
	[tilespmem:s17+$0x30] =	vst v2  }
0x182: {  	v11 =	vld [tilespmem:s8+$0xFFFFFFB0];
	[tilespmem:s17+$0x40] =	vst v0  }
0x183: {  	v12 =	vld [tilespmem:s8+$0xFFFFFFC0];
	[tilespmem:s17+$0x50] =	vst v1  }
0x184: {  	v13 =	vld [tilespmem:s8+$0xFFFFFFD0];
	[tilespmem:s17+$0x60] =	vst v4  }
0x185: {  	v8 =	vld [tilespmem:s8+$0xFFFFFFE0]  }
0x186: {  	v5 =	vld [tilespmem:s8+$0xFFFFFFF0]  }
0x187: {  	v4 =	vld.idx.msk [tilespmem:v15+s3+$0x0], $0xffff  }
0x188: {  	v9 =	vld [tilespmem:s8+$0x0]  }
0x189: {  	v6 =	vld [tilespmem:s8+$0x10]  }
0x18a: {  	v3 =	vld [tilespmem:s8+$0x20]  }
0x18b: {  	v2 =	vld [tilespmem:s8+$0x30]  }
0x18c: {  	s24 =	sadd.s32 $0x100, s24;
	v0 =	vld [tilespmem:s8+$0x40]  }
0x18d: {  	v1 =	vld [tilespmem:s8+$0x50];
	[tilespmem:s24+$0x70] =	vst v4  }
0x18e: {  	v16 =	vld.idx.msk [tilespmem:v15+s4+$0x0], $0xffff  }
0x18f: {  	v4 =	vld [tilespmem:s8+$0x60]  }
0x190: {  	v14 =	vld [tilespmem:s8+$0xFFFFFF80]  }
0x191: {  	v17 =	vld.idx.msk [tilespmem:v7+s3+$0x0], $0xffff  }
0x192: {  	v18 =	vld.idx.msk [tilespmem:v10+s3+$0x0], $0xffff  }
0x193: {  	s28 =	sadd.s32 $0x100, s28;
	v19 =	vld.idx.msk [tilespmem:v11+s3+$0x0], $0xffff  }
0x194: {  	v20 =	vld.idx.msk [tilespmem:v12+s3+$0x0], $0xffff;
	[tilespmem:s28+$0x70] =	vst v16  }
0x195: {  	v16 =	vld.idx.msk [tilespmem:v15+s5+$0x0], $0xffff  }
0x196: {  	v21 =	vld.idx.msk [tilespmem:v13+s3+$0x0], $0xffff  }
0x197: {  	[tilespmem:s24+$0xFFFFFF90] =	vst v17;
	v17 =	vld.idx.msk [tilespmem:v8+s3+$0x0], $0xffff  }
0x198: {  	v22 =	vld.idx.msk [tilespmem:v14+s3+$0x0], $0xffff;
	[tilespmem:s24+$0xFFFFFFA0] =	vst v18  }
0x199: {  	[tilespmem:s24+$0xFFFFFFB0] =	vst v19;
	v18 =	vld.idx.msk [tilespmem:v5+s3+$0x0], $0xffff  }
0x19a: {  	s30 =	sadd.s32 $0x100, s30;
	[tilespmem:s24+$0xFFFFFFC0] =	vst v20;
	v19 =	vld.idx.msk [tilespmem:v9+s3+$0x0], $0xffff  }
0x19b: {  	v20 =	vld.idx.msk [tilespmem:v6+s3+$0x0], $0xffff;
	[tilespmem:s30+$0x70] =	vst v16  }
0x19c: {  	[tilespmem:s24+$0xFFFFFFD0] =	vst v21;
	v15 =	vld.idx.msk [tilespmem:v15+s6+$0x0], $0xffff  }
0x19d: {  	[tilespmem:s24+$0xFFFFFFE0] =	vst v17;
	v16 =	vld.idx.msk [tilespmem:v3+s3+$0x0], $0xffff  }
0x19e: {  	[tilespmem:s24+$0xFFFFFF80] =	vst v22;
	v17 =	vld.idx.msk [tilespmem:v2+s3+$0x0], $0xffff  }
0x19f: {  	[tilespmem:s24+$0xFFFFFFF0] =	vst v18;
	v18 =	vld.idx.msk [tilespmem:v0+s3+$0x0], $0xffff  }
0x1a0: {  	[tilespmem:s24+$0x0] =	vst v19;
	v19 =	vld.idx.msk [tilespmem:v1+s3+$0x0], $0xffff  }
0x1a1: {  	s17 =	sadd.s32 $0x100, s17;
	[tilespmem:s24+$0x10] =	vst v20;
	v20 =	vld.idx.msk [tilespmem:v4+s3+$0x0], $0xffff  }
0x1a2: {  	v21 =	vld.idx.msk [tilespmem:v14+s4+$0x0], $0xffff;
	[tilespmem:s17+$0x70] =	vst v15  }
0x1a3: {  	v15 =	vld.idx.msk [tilespmem:v7+s4+$0x0], $0xffff;
	[tilespmem:s24+$0x20] =	vst v16  }
0x1a4: {  	v16 =	vld.idx.msk [tilespmem:v10+s4+$0x0], $0xffff;
	[tilespmem:s24+$0x30] =	vst v17  }
0x1a5: {  	v17 =	vld.idx.msk [tilespmem:v11+s4+$0x0], $0xffff;
	[tilespmem:s24+$0x40] =	vst v18  }
0x1a6: {  	v18 =	vld.idx.msk [tilespmem:v12+s4+$0x0], $0xffff;
	[tilespmem:s24+$0x50] =	vst v19  }
0x1a7: {  	v19 =	vld.idx.msk [tilespmem:v13+s4+$0x0], $0xffff;
	[tilespmem:s24+$0x60] =	vst v20  }
0x1a8: {  	[tilespmem:s28+$0xFFFFFF80] =	vst v21;
	v20 =	vld.idx.msk [tilespmem:v8+s4+$0x0], $0xffff  }
0x1a9: {  	[tilespmem:s28+$0xFFFFFF90] =	vst v15;
	v15 =	vld.idx.msk [tilespmem:v5+s4+$0x0], $0xffff  }
0x1aa: {  	[tilespmem:s28+$0xFFFFFFA0] =	vst v16;
	v16 =	vld.idx.msk [tilespmem:v9+s4+$0x0], $0xffff  }
0x1ab: {  	[tilespmem:s28+$0xFFFFFFB0] =	vst v17;
	v17 =	vld.idx.msk [tilespmem:v6+s4+$0x0], $0xffff  }
0x1ac: {  	[tilespmem:s28+$0xFFFFFFC0] =	vst v18;
	v18 =	vld.idx.msk [tilespmem:v3+s4+$0x0], $0xffff  }
0x1ad: {  	[tilespmem:s28+$0xFFFFFFD0] =	vst v19;
	v19 =	vld.idx.msk [tilespmem:v2+s4+$0x0], $0xffff  }
0x1ae: {  	[tilespmem:s28+$0xFFFFFFE0] =	vst v20;
	v20 =	vld.idx.msk [tilespmem:v0+s4+$0x0], $0xffff  }
0x1af: {  	[tilespmem:s28+$0xFFFFFFF0] =	vst v15;
	v15 =	vld.idx.msk [tilespmem:v1+s4+$0x0], $0xffff  }
0x1b0: {  	[tilespmem:s28+$0x0] =	vst v16;
	v16 =	vld.idx.msk [tilespmem:v4+s4+$0x0], $0xffff  }
0x1b1: {  	v21 =	vld.idx.msk [tilespmem:v14+s5+$0x0], $0xffff;
	[tilespmem:s28+$0x10] =	vst v17  }
0x1b2: {  	v17 =	vld.idx.msk [tilespmem:v7+s5+$0x0], $0xffff;
	[tilespmem:s28+$0x20] =	vst v18  }
0x1b3: {  	v18 =	vld.idx.msk [tilespmem:v10+s5+$0x0], $0xffff;
	[tilespmem:s28+$0x30] =	vst v19  }
0x1b4: {  	v19 =	vld.idx.msk [tilespmem:v11+s5+$0x0], $0xffff;
	[tilespmem:s28+$0x40] =	vst v20  }
0x1b5: {  	v20 =	vld.idx.msk [tilespmem:v12+s5+$0x0], $0xffff;
	[tilespmem:s28+$0x50] =	vst v15  }
0x1b6: {  	v15 =	vld.idx.msk [tilespmem:v13+s5+$0x0], $0xffff;
	[tilespmem:s28+$0x60] =	vst v16  }
0x1b7: {  	[tilespmem:s30+$0xFFFFFF80] =	vst v21;
	v16 =	vld.idx.msk [tilespmem:v8+s5+$0x0], $0xffff  }
0x1b8: {  	[tilespmem:s30+$0xFFFFFF90] =	vst v17;
	v17 =	vld.idx.msk [tilespmem:v5+s5+$0x0], $0xffff  }
0x1b9: {  	[tilespmem:s30+$0xFFFFFFA0] =	vst v18;
	v18 =	vld.idx.msk [tilespmem:v9+s5+$0x0], $0xffff  }
0x1ba: {  	[tilespmem:s30+$0xFFFFFFB0] =	vst v19;
	v19 =	vld.idx.msk [tilespmem:v6+s5+$0x0], $0xffff  }
0x1bb: {  	[tilespmem:s30+$0xFFFFFFC0] =	vst v20;
	v20 =	vld.idx.msk [tilespmem:v3+s5+$0x0], $0xffff  }
0x1bc: {  	[tilespmem:s30+$0xFFFFFFD0] =	vst v15;
	v15 =	vld.idx.msk [tilespmem:v2+s5+$0x0], $0xffff  }
0x1bd: {  	[tilespmem:s30+$0xFFFFFFE0] =	vst v16;
	v16 =	vld.idx.msk [tilespmem:v0+s5+$0x0], $0xffff  }
0x1be: {  	[tilespmem:s30+$0xFFFFFFF0] =	vst v17;
	v17 =	vld.idx.msk [tilespmem:v1+s5+$0x0], $0xffff  }
0x1bf: {  	[tilespmem:s30+$0x0] =	vst v18;
	v18 =	vld.idx.msk [tilespmem:v4+s5+$0x0], $0xffff  }
0x1c0: {  	v14 =	vld.idx.msk [tilespmem:v14+s6+$0x0], $0xffff;
	[tilespmem:s30+$0x10] =	vst v19  }
0x1c1: {  	v7 =	vld.idx.msk [tilespmem:v7+s6+$0x0], $0xffff;
	[tilespmem:s30+$0x20] =	vst v20  }
0x1c2: {  	v10 =	vld.idx.msk [tilespmem:v10+s6+$0x0], $0xffff;
	[tilespmem:s30+$0x30] =	vst v15  }
0x1c3: {  	v11 =	vld.idx.msk [tilespmem:v11+s6+$0x0], $0xffff;
	[tilespmem:s30+$0x40] =	vst v16  }
0x1c4: {  	v12 =	vld.idx.msk [tilespmem:v12+s6+$0x0], $0xffff;
	[tilespmem:s30+$0x50] =	vst v17  }
0x1c5: {  	v13 =	vld.idx.msk [tilespmem:v13+s6+$0x0], $0xffff;
	[tilespmem:s30+$0x60] =	vst v18  }
0x1c6: {  	[tilespmem:s17+$0xFFFFFF80] =	vst v14;
	v8 =	vld.idx.msk [tilespmem:v8+s6+$0x0], $0xffff  }
0x1c7: {  	[tilespmem:s17+$0xFFFFFF90] =	vst v7;
	v7 =	vld.idx.msk [tilespmem:v5+s6+$0x0], $0xffff  }
0x1c8: {  	[tilespmem:s17+$0xFFFFFFA0] =	vst v10;
	v9 =	vld.idx.msk [tilespmem:v9+s6+$0x0], $0xffff  }
0x1c9: {  	[tilespmem:s17+$0xFFFFFFB0] =	vst v11;
	v5 =	vld.idx.msk [tilespmem:v6+s6+$0x0], $0xffff  }
.Ltmp4:
0x1ca: {  	[tilespmem:s17+$0xFFFFFFC0] =	vst v12;
	v3 =	vld.idx.msk [tilespmem:v3+s6+$0x0], $0xffff;
	(pc) =	sbr.rel @p0 .LBB2_9-.Ltmp4, $4  }
0x1cb: {  	[tilespmem:s17+$0xFFFFFFD0] =	vst v13;
	v2 =	vld.idx.msk [tilespmem:v2+s6+$0x0], $0xffff  }
0x1cc: {  	[tilespmem:s17+$0xFFFFFFE0] =	vst v8;
	v0 =	vld.idx.msk [tilespmem:v0+s6+$0x0], $0xffff  }
0x1cd: {  	[tilespmem:s17+$0xFFFFFFF0] =	vst v7;
	v1 =	vld.idx.msk [tilespmem:v1+s6+$0x0], $0xffff  }
0x1ce: {  	s8 =	sadd.s32 $0x100, s8;
	[tilespmem:s17+$0x0] =	vst v9;
	v4 =	vld.idx.msk [tilespmem:v4+s6+$0x0], $0xffff  }
0x1cf: {  	[tilespmem:s17+$0x10] =	vst v5  }
0x1d0: {  	[tilespmem:s17+$0x20] =	vst v3  }
0x1d1: {  	[tilespmem:s17+$0x30] =	vst v2  }
0x1d2: {  	s8 =	sor.u32 s19, s20;
	[tilespmem:s17+$0x40] =	vst v0  }
0x1d3: {  	s8 =	sshrl.u32 s8, $0x3;
	[tilespmem:s17+$0x50] =	vst v1  }
0x1d4: {  	s24 =	sor.u32 s19, s21;
	s8 =	sadd.s32 s29, s8;
	[tilespmem:s17+$0x60] =	vst v4  }
0x1d5: {  	[hbm4b:s8+s1] =	stream.strided.scatter [tilespmem:s15], [sflag:$0x4], $0x1000, s2, s1, $0x38;
	[tilespmem:$0x1A000] =	vst v63  }
0x1d6: {  	s8 =	sshrl.u32 s24, $0x3  }
0x1d7: {  	s28 =	sor.u32 s19, s22;
	s7 =	sadd.s32 $0x1, s7;
	s8 =	sadd.s32 s29, s8  }
0x1d8: {  	[hbm4b:s8+s1] =	stream.strided.scatter [tilespmem:s16], [sflag:$0x4], $0x1000, s2, s1, $0x38;
	[tilespmem:$0x1A000] =	vst v63  }
0x1d9: {  	p0 =	sne.s32 s7, $0x10;
	s8 =	sshrl.u32 s28, $0x3  }
.Ltmp5:
0x1da: {  	s30 =	sor.u32 s19, s23;
	s8 =	sadd.s32 s29, s8;
	(pc) =	sbr.rel @p0 .LBB2_2-.Ltmp5, $4  }
0x1db: {  	[hbm4b:s8+s1] =	stream.strided.scatter [tilespmem:s0], [sflag:$0x4], $0x1000, s2, s1, $0x38;
	[tilespmem:$0x1A000] =	vst v63  }
0x1dc: {  	s8 =	sshrl.u32 s30, $0x3  }
0x1dd: {  	s8 =	sadd.s32 s29, s8  }
0x1de: {  	[hbm4b:s8+s1] =	stream.strided.scatter [tilespmem:s25], [sflag:$0x4], $0x1000, s2, s1, $0x38;
	[tilespmem:$0x1A000] =	vst v63  }
0x1df: {  	s7 =	rddreg [dreg:$0xb]  }
0x1e0: {  	[tilespmem:s3], [sflag:$0x1] =	stream.strided.gather [hbm4b:s7+s1], $0x4000, s2, s1, $0x38;
	[tilespmem:$0x1A000] =	vst v63  }
0x1e1: {  	s22 =	rddreg [dreg:$0xd]  }
0x1e2: {  	[tilespmem:s4], [sflag:$0x1] =	stream.strided.gather [hbm4b:s22+s1], $0x4000, s2, s1, $0x38;
	[tilespmem:$0x1A000] =	vst v63  }
0x1e3: {  	s23 =	rddreg [dreg:$0xf]  }
0x1e4: {  	[tilespmem:s5], [sflag:$0x1] =	stream.strided.gather [hbm4b:s23+s1], $0x4000, s2, s1, $0x38;
	[tilespmem:$0x1A000] =	vst v63  }
0x1e5: {  	s24 =	rddreg [dreg:$0x12];
	s28 =	simm.s32 $0x3  }
0x1e6: {  	[tilespmem:s6], [sflag:$0x1] =	stream.strided.gather [hbm4b:s24+s1], $0x4000, s2, s1, $0x38;
	[tilespmem:$0x1A000] =	vst v63  }
0x1e7: {  	_ =	swait.ge [sflag:s28], $0x1000  }
0x1e8: {  	[sflag:s28] =	ssyncset.done $0x0  }
0x1e9: {  	[sflag:s28] =	ssyncadd.s32 $0xFFFFF000  }
0x1ea: {  	_ =	swait.ge [sflag:s28], $0x1000  }
0x1eb: {  	[sflag:s28] =	ssyncset.done $0x0  }
0x1ec: {  	[sflag:s28] =	ssyncadd.s32 $0xFFFFF000  }
0x1ed: {  	_ =	swait.ge [sflag:s28], $0x1000  }
0x1ee: {  	[sflag:s28] =	ssyncset.done $0x0  }
0x1ef: {  	[sflag:s28] =	ssyncadd.s32 $0xFFFFF000  }
0x1f0: {  	_ =	swait.ge [sflag:s28], $0x1000  }
0x1f1: {  	[sflag:s28] =	ssyncset.done $0x0  }
0x1f2: {  	[sflag:s28] =	ssyncadd.s32 $0xFFFFF000  }
0x1f3: {  	_ =	swait.ge [sflag:s14], $0x1000  }
0x1f4: {  	[sflag:s14] =	ssyncset.done $0x0  }
0x1f5: {  	[sflag:s14] =	ssyncadd.s32 $0xFFFFF000  }
0x1f6: {  	_ =	swait.ge [sflag:s14], $0x1000  }
0x1f7: {  	[sflag:s14] =	ssyncset.done $0x0  }
0x1f8: {  	[sflag:s14] =	ssyncadd.s32 $0xFFFFF000  }
0x1f9: {  	_ =	swait.ge [sflag:s14], $0x1000  }
0x1fa: {  	[sflag:s14] =	ssyncset.done $0x0  }
0x1fb: {  	[sflag:s14] =	ssyncadd.s32 $0xFFFFF000  }
0x1fc: {  	_ =	swait.ge [sflag:s14], $0x1000  }
0x1fd: {  	[sflag:s14] =	ssyncset.done $0x0  }
0x1fe: {  	s30 =	simm.s32 $0x1;
	[sflag:s14] =	ssyncadd.s32 $0xFFFFF000  }
0x1ff: {  	_ =	swait.ge [sflag:s30], $0x4000  }
0x200: {  	[sflag:s30] =	ssyncset.done $0x0  }
0x201: {  	[sflag:s30] =	ssyncadd.s32 $0xFFFFC000  }
0x202: {  	_ =	swait.ge [sflag:s30], $0x4000  }
0x203: {  	[sflag:s30] =	ssyncset.done $0x0  }
0x204: {  	[sflag:s30] =	ssyncadd.s32 $0xFFFFC000  }
0x205: {  	_ =	swait.ge [sflag:s30], $0x4000  }
0x206: {  	[sflag:s30] =	ssyncset.done $0x0  }
0x207: {  	[sflag:s30] =	ssyncadd.s32 $0xFFFFC000  }
0x208: {  	_ =	swait.ge [sflag:s30], $0x4000  }
0x209: {  	[sflag:s30] =	ssyncset.done $0x0  }
0x20a: {  	s7 =	simm.s32 $0x0;
	s8 =	rddreg [dreg:$0x1d];
	[sflag:s30] =	ssyncadd.s32 $0xFFFFC000  }
0x20b: {  	[tilespmem:s7], [sflag:$0x2] =	stream.strided.gather [hbm4b:s8+s1], $0x1000, s2, s1, $0x38;
	[tilespmem:$0x1A000] =	vst v63  }
.LBB2_12:
0x20c: {  	s8 =	sshll.u32 s7, $0x8;
	s17 =	sshll.u32 s7, $0xD  }
0x20d: {  	s24 =	sand.u32 $0x300, s8;
	s20 =	sand.u32 $0x18000, s17  }
0x20e: {  	s19 =	sor.u32 $0x80, s24;
	s22 =	sor.u32 s31, s20  }
0x20f: {  	s8 =	sor.u32 s19, s22  }
0x210: {  	s8 =	sshrl.u32 s8, $0x3  }
0x211: {  	s23 =	simm.s32 $0x1000;
	s8 =	sadd.s32 s26, s8  }
0x212: {  	[tilespmem:s23], [sflag:$0x2] =	stream.strided.gather [hbm4b:s8+s1], $0x1000, s2, s1, $0x38;
	[tilespmem:$0x1A000] =	vst v63  }
0x213: {  	_ =	swait.ge [sflag:s9], $0x1000  }
0x214: {  	p0 =	seq.s32 s7, $0x0;
	[sflag:s9] =	ssyncset.done $0x0  }
0x215: {  	s8 =	simm.s32 @!p0 $0x3;
	[sflag:s9] =	ssyncadd.s32 $0xFFFFF000  }
0x216: {  	_ =	swait.ge @!p0 [sflag:s8], $0x1000  }
0x217: {  	[sflag:s8] =	ssyncset.done @!p0 $0x0  }
0x218: {  	[sflag:s8] =	ssyncadd.s32 @!p0 $0xFFFFF000  }
0x219: {  	_ =	swait.ge @!p0 [sflag:s8], $0x1000  }
0x21a: {  	[sflag:s8] =	ssyncset.done @!p0 $0x0  }
0x21b: {  	[sflag:s8] =	ssyncadd.s32 @!p0 $0xFFFFF000  }
0x21c: {  	_ =	swait.ge @!p0 [sflag:s8], $0x1000  }
0x21d: {  	[sflag:s8] =	ssyncset.done @!p0 $0x0  }
0x21e: {  	[sflag:s8] =	ssyncadd.s32 @!p0 $0xFFFFF000  }
0x21f: {  	_ =	swait.ge @!p0 [sflag:s8], $0x1000  }
0x220: {  	[sflag:s8] =	ssyncset.done @!p0 $0x0  }
0x221: {  	s30 =	simm.s32 $0x80;
	[sflag:s8] =	ssyncadd.s32 @!p0 $0xFFFFF000  }
0x222: {  	v0 =	vld [tilespmem:s30+$0x70]  }
0x223: {  	v1 =	vld [tilespmem:s30+$0xFFFFFF90]  }
0x224: {  	v2 =	vld [tilespmem:s30+$0xFFFFFFA0]  }
0x225: {  	v3 =	vld [tilespmem:s30+$0xFFFFFFB0]  }
0x226: {  	v4 =	vld [tilespmem:s30+$0xFFFFFFC0]  }
0x227: {  	v5 =	vld [tilespmem:s30+$0xFFFFFFD0]  }
0x228: {  	v6 =	vld [tilespmem:s30+$0xFFFFFFE0]  }
0x229: {  	v7 =	vld [tilespmem:s30+$0xFFFFFFF0]  }
0x22a: {  	v9 =	vld [tilespmem:s30+$0x0]  }
0x22b: {  	v10 =	vld [tilespmem:s30+$0x10]  }
0x22c: {  	v11 =	vld [tilespmem:s30+$0x20]  }
0x22d: {  	v12 =	vld [tilespmem:s30+$0x30]  }
0x22e: {  	v13 =	vld [tilespmem:s30+$0x40]  }
0x22f: {  	v14 =	vld [tilespmem:s30+$0x50]  }
0x230: {  	v15 =	vld [tilespmem:s30+$0x60]  }
0x231: {  	v16 =	vld [tilespmem:s30+$0xFFFFFF80]  }
0x232: {  	v8 =	vld.idx.msk [tilespmem:v0+s3+$0x0], $0xffff  }
0x233: {  	v17 =	vld.idx.msk [tilespmem:v1+s3+$0x0], $0xffff  }
0x234: {  	v18 =	vld.idx.msk [tilespmem:v2+s3+$0x0], $0xffff  }
0x235: {  	v19 =	vld.idx.msk [tilespmem:v3+s3+$0x0], $0xffff  }
0x236: {  	v20 =	vld.idx.msk [tilespmem:v4+s3+$0x0], $0xffff  }
0x237: {  	s21 =	simm.s32 $0x12080;
	v21 =	vld.idx.msk [tilespmem:v5+s3+$0x0], $0xffff  }
0x238: {  	v31 =	vld.idx.msk [tilespmem:v6+s3+$0x0], $0xffff;
	[tilespmem:s21+$0x70] =	vst v8  }
0x239: {  	v22 =	vld.idx.msk [tilespmem:v16+s3+$0x0], $0xffff;
	[tilespmem:s21+$0xFFFFFF90] =	vst v17  }
0x23a: {  	v32 =	vld.idx.msk [tilespmem:v7+s3+$0x0], $0xffff;
	[tilespmem:s21+$0xFFFFFFA0] =	vst v18  }
0x23b: {  	v33 =	vld.idx.msk [tilespmem:v9+s3+$0x0], $0xffff;
	[tilespmem:s21+$0xFFFFFFB0] =	vst v19  }
0x23c: {  	v34 =	vld.idx.msk [tilespmem:v10+s3+$0x0], $0xffff;
	[tilespmem:s21+$0xFFFFFFC0] =	vst v20  }
0x23d: {  	v35 =	vld.idx.msk [tilespmem:v11+s3+$0x0], $0xffff;
	[tilespmem:s21+$0xFFFFFFD0] =	vst v21  }
0x23e: {  	[tilespmem:s21+$0xFFFFFFE0] =	vst v31;
	v8 =	vld.idx.msk [tilespmem:v0+s4+$0x0], $0xffff  }
0x23f: {  	v36 =	vld.idx.msk [tilespmem:v12+s3+$0x0], $0xffff;
	[tilespmem:s21+$0xFFFFFF80] =	vst v22  }
0x240: {  	v37 =	vld.idx.msk [tilespmem:v13+s3+$0x0], $0xffff;
	[tilespmem:s21+$0xFFFFFFF0] =	vst v32  }
0x241: {  	v38 =	vld.idx.msk [tilespmem:v14+s3+$0x0], $0xffff;
	[tilespmem:s21+$0x0] =	vst v33  }
0x242: {  	s22 =	simm.s32 $0x13080;
	v39 =	vld.idx.msk [tilespmem:v15+s3+$0x0], $0xffff;
	[tilespmem:s21+$0x10] =	vst v34  }
0x243: {  	v40 =	vld.idx.msk [tilespmem:v16+s4+$0x0], $0xffff;
	[tilespmem:s22+$0x70] =	vst v8  }
0x244: {  	[tilespmem:s21+$0x20] =	vst v35;
	v8 =	vld.idx.msk [tilespmem:v0+s5+$0x0], $0xffff  }
0x245: {  	[tilespmem:s21+$0x30] =	vst v36;
	v41 =	vld.idx.msk [tilespmem:v2+s4+$0x0], $0xffff  }
0x246: {  	[tilespmem:s21+$0x40] =	vst v37;
	v42 =	vld.idx.msk [tilespmem:v3+s4+$0x0], $0xffff  }
0x247: {  	[tilespmem:s21+$0x50] =	vst v38;
	v43 =	vld.idx.msk [tilespmem:v4+s4+$0x0], $0xffff  }
0x248: {  	s23 =	simm.s32 $0x14080;
	[tilespmem:s21+$0x60] =	vst v39;
	v44 =	vld.idx.msk [tilespmem:v5+s4+$0x0], $0xffff  }
0x249: {  	v45 =	vld.idx.msk [tilespmem:v6+s4+$0x0], $0xffff;
	[tilespmem:s23+$0x70] =	vst v8  }
0x24a: {  	[tilespmem:s22+$0xFFFFFF80] =	vst v40;
	v0 =	vld.idx.msk [tilespmem:v0+s6+$0x0], $0xffff  }
0x24b: {  	v46 =	vld.idx.msk [tilespmem:v9+s4+$0x0], $0xffff;
	[tilespmem:s22+$0xFFFFFFA0] =	vst v41  }
0x24c: {  	v47 =	vld.idx.msk [tilespmem:v10+s4+$0x0], $0xffff;
	[tilespmem:s22+$0xFFFFFFB0] =	vst v42  }
0x24d: {  	v48 =	vld.idx.msk [tilespmem:v11+s4+$0x0], $0xffff;
	[tilespmem:s22+$0xFFFFFFC0] =	vst v43  }
0x24e: {  	s28 =	simm.s32 $0x15080;
	v49 =	vld.idx.msk [tilespmem:v12+s4+$0x0], $0xffff;
	[tilespmem:s22+$0xFFFFFFD0] =	vst v44  }
0x24f: {  	[tilespmem:s28+$0x70] =	vst v0;
	v0 =	vld.idx.msk [tilespmem:v1+s4+$0x0], $0xffff  }
0x250: {  	v50 =	vld.idx.msk [tilespmem:v13+s4+$0x0], $0xffff;
	[tilespmem:s22+$0xFFFFFFE0] =	vst v45  }
0x251: {  	v51 =	vld.idx.msk [tilespmem:v15+s4+$0x0], $0xffff;
	[tilespmem:s22+$0x0] =	vst v46  }
0x252: {  	[tilespmem:s22+$0x10] =	vst v47;
	v21 =	vld.idx.msk [tilespmem:v16+s5+$0x0], $0xffff  }
0x253: {  	[tilespmem:s22+$0x20] =	vst v48;
	v53 =	vld.idx.msk [tilespmem:v2+s5+$0x0], $0xffff  }
0x254: {  	[tilespmem:s22+$0xFFFFFF90] =	vst v0;
	v0 =	vld.idx.msk [tilespmem:v7+s4+$0x0], $0xffff  }
0x255: {  	[tilespmem:s22+$0x30] =	vst v49;
	v54 =	vld.idx.msk [tilespmem:v3+s5+$0x0], $0xffff  }
0x256: {  	[tilespmem:s22+$0x40] =	vst v50;
	v55 =	vld.idx.msk [tilespmem:v4+s5+$0x0], $0xffff  }
0x257: {  	[tilespmem:s22+$0x60] =	vst v51;
	v56 =	vld.idx.msk [tilespmem:v6+s5+$0x0], $0xffff  }
0x258: {  	v58 =	vld.idx.msk [tilespmem:v9+s5+$0x0], $0xffff;
	[tilespmem:s23+$0xFFFFFF80] =	vst v21  }
0x259: {  	[tilespmem:s22+$0xFFFFFFF0] =	vst v0;
	v0 =	vld.idx.msk [tilespmem:v14+s4+$0x0], $0xffff  }
0x25a: {  	v59 =	vld.idx.msk [tilespmem:v10+s5+$0x0], $0xffff;
	[tilespmem:s23+$0xFFFFFFA0] =	vst v53  }
0x25b: {  	[tilespmem:s23+$0xFFFFFFB0] =	vst v54;
	v52 =	vld.idx.msk [tilespmem:v1+s5+$0x0], $0xffff  }
0x25c: {  	v60 =	vld.idx.msk [tilespmem:v11+s5+$0x0], $0xffff;
	[tilespmem:s23+$0xFFFFFFC0] =	vst v55  }
0x25d: {  	v61 =	vld.idx.msk [tilespmem:v13+s5+$0x0], $0xffff;
	[tilespmem:s23+$0xFFFFFFE0] =	vst v56  }
0x25e: {  	[tilespmem:s22+$0x50] =	vst v0;
	v0 =	vld.idx.msk [tilespmem:v5+s5+$0x0], $0xffff  }
0x25f: {  	v63 =	vld.idx.msk [tilespmem:v15+s5+$0x0], $0xffff;
	[tilespmem:s23+$0x0] =	vst v58  }
0x260: {  	[tilespmem:s23+$0xFFFFFF90] =	vst v52;
	v57 =	vld.idx.msk [tilespmem:v7+s5+$0x0], $0xffff  }
0x261: {  	[tilespmem:s23+$0x10] =	vst v59;
	v1 =	vld.idx.msk [tilespmem:v1+s6+$0x0], $0xffff  }
0x262: {  	[tilespmem:s23+$0x20] =	vst v60;
	v16 =	vld.idx.msk [tilespmem:v16+s6+$0x0], $0xffff  }
0x263: {  	[tilespmem:s23+$0xFFFFFFD0] =	vst v0;
	v0 =	vld.idx.msk [tilespmem:v12+s5+$0x0], $0xffff  }
0x264: {  	[tilespmem:s23+$0x40] =	vst v61;
	v2 =	vld.idx.msk [tilespmem:v2+s6+$0x0], $0xffff  }
0x265: {  	[tilespmem:s23+$0xFFFFFFF0] =	vst v57;
	v62 =	vld.idx.msk [tilespmem:v14+s5+$0x0], $0xffff  }
0x266: {  	[tilespmem:s28+$0xFFFFFF90] =	vst v1;
	v1 =	vld.idx.msk [tilespmem:v7+s6+$0x0], $0xffff  }
0x267: {  	[tilespmem:s23+$0x60] =	vst v63;
	v6 =	vld.idx.msk [tilespmem:v6+s6+$0x0], $0xffff  }
0x268: {  	[tilespmem:s23+$0x30] =	vst v0;
	v0 =	vld.idx.msk [tilespmem:v3+s6+$0x0], $0xffff  }
0x269: {  	[tilespmem:s28+$0xFFFFFF80] =	vst v16;
	v3 =	vld.idx.msk [tilespmem:v4+s6+$0x0], $0xffff  }
0x26a: {  	v7 =	vld.idx.msk [tilespmem:v9+s6+$0x0], $0xffff;
	[tilespmem:s23+$0x50] =	vst v62  }
0x26b: {  	[tilespmem:s28+$0xFFFFFFF0] =	vst v1;
	v1 =	vld.idx.msk [tilespmem:v14+s6+$0x0], $0xffff  }
0x26c: {  	[tilespmem:s28+$0xFFFFFFA0] =	vst v2;
	v4 =	vld.idx.msk [tilespmem:v5+s6+$0x0], $0xffff  }
0x26d: {  	[tilespmem:s28+$0xFFFFFFE0] =	vst v6;
	v5 =	vld.idx.msk [tilespmem:v10+s6+$0x0], $0xffff  }
0x26e: {  	[tilespmem:s28+$0xFFFFFFC0] =	vst v3;
	v3 =	vld.idx.msk [tilespmem:v11+s6+$0x0], $0xffff  }
0x26f: {  	[tilespmem:s28+$0x0] =	vst v7;
	v2 =	vld.idx.msk [tilespmem:v12+s6+$0x0], $0xffff  }
0x270: {  	[tilespmem:s28+$0xFFFFFFB0] =	vst v0;
	v0 =	vld.idx.msk [tilespmem:v13+s6+$0x0], $0xffff  }
0x271: {  	s18 =	simm.s32 $0x0;
	s17 =	sshll.u32 s7, $0x1;
	s8 =	simm.s32 $0x180;
	[tilespmem:s28+$0xFFFFFFD0] =	vst v4;
	v4 =	vld.idx.msk [tilespmem:v15+s6+$0x0], $0xffff  }
.LBB2_13:
0x272: {  	v15 =	vld [tilespmem:s8+$0x70];
	s18 =	sadd.s32 $0x10, s18;
	[tilespmem:s28+$0x10] =	vst v5  }
0x273: {  	v7 =	vld [tilespmem:s8+$0xFFFFFF90];
	p1 =	slt.u32 s18, $0xF0;
	[tilespmem:s28+$0x20] =	vst v3  }
0x274: {  	v10 =	vld [tilespmem:s8+$0xFFFFFFA0];
	[tilespmem:s28+$0x30] =	vst v2  }
0x275: {  	v11 =	vld [tilespmem:s8+$0xFFFFFFB0];
	[tilespmem:s28+$0x40] =	vst v0  }
0x276: {  	v12 =	vld [tilespmem:s8+$0xFFFFFFC0];
	[tilespmem:s28+$0x50] =	vst v1  }
0x277: {  	v13 =	vld [tilespmem:s8+$0xFFFFFFD0];
	[tilespmem:s28+$0x60] =	vst v4  }
0x278: {  	v8 =	vld [tilespmem:s8+$0xFFFFFFE0]  }
0x279: {  	v5 =	vld [tilespmem:s8+$0xFFFFFFF0]  }
0x27a: {  	v4 =	vld.idx.msk [tilespmem:v15+s3+$0x0], $0xffff  }
0x27b: {  	v9 =	vld [tilespmem:s8+$0x0]  }
0x27c: {  	v6 =	vld [tilespmem:s8+$0x10]  }
0x27d: {  	v3 =	vld [tilespmem:s8+$0x20]  }
0x27e: {  	v2 =	vld [tilespmem:s8+$0x30]  }
0x27f: {  	s21 =	sadd.s32 $0x100, s21;
	v0 =	vld [tilespmem:s8+$0x40]  }
0x280: {  	v1 =	vld [tilespmem:s8+$0x50];
	[tilespmem:s21+$0x70] =	vst v4  }
0x281: {  	v16 =	vld.idx.msk [tilespmem:v15+s4+$0x0], $0xffff  }
0x282: {  	v4 =	vld [tilespmem:s8+$0x60]  }
0x283: {  	v14 =	vld [tilespmem:s8+$0xFFFFFF80]  }
0x284: {  	v17 =	vld.idx.msk [tilespmem:v7+s3+$0x0], $0xffff  }
0x285: {  	v18 =	vld.idx.msk [tilespmem:v10+s3+$0x0], $0xffff  }
0x286: {  	s22 =	sadd.s32 $0x100, s22;
	v19 =	vld.idx.msk [tilespmem:v11+s3+$0x0], $0xffff  }
0x287: {  	v20 =	vld.idx.msk [tilespmem:v12+s3+$0x0], $0xffff;
	[tilespmem:s22+$0x70] =	vst v16  }
0x288: {  	v16 =	vld.idx.msk [tilespmem:v15+s5+$0x0], $0xffff  }
0x289: {  	v21 =	vld.idx.msk [tilespmem:v13+s3+$0x0], $0xffff  }
0x28a: {  	[tilespmem:s21+$0xFFFFFF90] =	vst v17;
	v17 =	vld.idx.msk [tilespmem:v8+s3+$0x0], $0xffff  }
0x28b: {  	v22 =	vld.idx.msk [tilespmem:v14+s3+$0x0], $0xffff;
	[tilespmem:s21+$0xFFFFFFA0] =	vst v18  }
0x28c: {  	[tilespmem:s21+$0xFFFFFFB0] =	vst v19;
	v18 =	vld.idx.msk [tilespmem:v5+s3+$0x0], $0xffff  }
0x28d: {  	s23 =	sadd.s32 $0x100, s23;
	[tilespmem:s21+$0xFFFFFFC0] =	vst v20;
	v19 =	vld.idx.msk [tilespmem:v9+s3+$0x0], $0xffff  }
0x28e: {  	v20 =	vld.idx.msk [tilespmem:v6+s3+$0x0], $0xffff;
	[tilespmem:s23+$0x70] =	vst v16  }
0x28f: {  	[tilespmem:s21+$0xFFFFFFD0] =	vst v21;
	v15 =	vld.idx.msk [tilespmem:v15+s6+$0x0], $0xffff  }
0x290: {  	[tilespmem:s21+$0xFFFFFFE0] =	vst v17;
	v16 =	vld.idx.msk [tilespmem:v3+s3+$0x0], $0xffff  }
0x291: {  	[tilespmem:s21+$0xFFFFFF80] =	vst v22;
	v17 =	vld.idx.msk [tilespmem:v2+s3+$0x0], $0xffff  }
0x292: {  	[tilespmem:s21+$0xFFFFFFF0] =	vst v18;
	v18 =	vld.idx.msk [tilespmem:v0+s3+$0x0], $0xffff  }
0x293: {  	[tilespmem:s21+$0x0] =	vst v19;
	v19 =	vld.idx.msk [tilespmem:v1+s3+$0x0], $0xffff  }
0x294: {  	s28 =	sadd.s32 $0x100, s28;
	[tilespmem:s21+$0x10] =	vst v20;
	v20 =	vld.idx.msk [tilespmem:v4+s3+$0x0], $0xffff  }
0x295: {  	v21 =	vld.idx.msk [tilespmem:v14+s4+$0x0], $0xffff;
	[tilespmem:s28+$0x70] =	vst v15  }
0x296: {  	v15 =	vld.idx.msk [tilespmem:v7+s4+$0x0], $0xffff;
	[tilespmem:s21+$0x20] =	vst v16  }
0x297: {  	v16 =	vld.idx.msk [tilespmem:v10+s4+$0x0], $0xffff;
	[tilespmem:s21+$0x30] =	vst v17  }
0x298: {  	v17 =	vld.idx.msk [tilespmem:v11+s4+$0x0], $0xffff;
	[tilespmem:s21+$0x40] =	vst v18  }
0x299: {  	v18 =	vld.idx.msk [tilespmem:v12+s4+$0x0], $0xffff;
	[tilespmem:s21+$0x50] =	vst v19  }
0x29a: {  	v19 =	vld.idx.msk [tilespmem:v13+s4+$0x0], $0xffff;
	[tilespmem:s21+$0x60] =	vst v20  }
0x29b: {  	[tilespmem:s22+$0xFFFFFF80] =	vst v21;
	v20 =	vld.idx.msk [tilespmem:v8+s4+$0x0], $0xffff  }
0x29c: {  	[tilespmem:s22+$0xFFFFFF90] =	vst v15;
	v15 =	vld.idx.msk [tilespmem:v5+s4+$0x0], $0xffff  }
0x29d: {  	[tilespmem:s22+$0xFFFFFFA0] =	vst v16;
	v16 =	vld.idx.msk [tilespmem:v9+s4+$0x0], $0xffff  }
0x29e: {  	[tilespmem:s22+$0xFFFFFFB0] =	vst v17;
	v17 =	vld.idx.msk [tilespmem:v6+s4+$0x0], $0xffff  }
0x29f: {  	[tilespmem:s22+$0xFFFFFFC0] =	vst v18;
	v18 =	vld.idx.msk [tilespmem:v3+s4+$0x0], $0xffff  }
0x2a0: {  	[tilespmem:s22+$0xFFFFFFD0] =	vst v19;
	v19 =	vld.idx.msk [tilespmem:v2+s4+$0x0], $0xffff  }
0x2a1: {  	[tilespmem:s22+$0xFFFFFFE0] =	vst v20;
	v20 =	vld.idx.msk [tilespmem:v0+s4+$0x0], $0xffff  }
0x2a2: {  	[tilespmem:s22+$0xFFFFFFF0] =	vst v15;
	v15 =	vld.idx.msk [tilespmem:v1+s4+$0x0], $0xffff  }
0x2a3: {  	[tilespmem:s22+$0x0] =	vst v16;
	v16 =	vld.idx.msk [tilespmem:v4+s4+$0x0], $0xffff  }
0x2a4: {  	v21 =	vld.idx.msk [tilespmem:v14+s5+$0x0], $0xffff;
	[tilespmem:s22+$0x10] =	vst v17  }
0x2a5: {  	v17 =	vld.idx.msk [tilespmem:v7+s5+$0x0], $0xffff;
	[tilespmem:s22+$0x20] =	vst v18  }
0x2a6: {  	v18 =	vld.idx.msk [tilespmem:v10+s5+$0x0], $0xffff;
	[tilespmem:s22+$0x30] =	vst v19  }
0x2a7: {  	v19 =	vld.idx.msk [tilespmem:v11+s5+$0x0], $0xffff;
	[tilespmem:s22+$0x40] =	vst v20  }
0x2a8: {  	v20 =	vld.idx.msk [tilespmem:v12+s5+$0x0], $0xffff;
	[tilespmem:s22+$0x50] =	vst v15  }
0x2a9: {  	v15 =	vld.idx.msk [tilespmem:v13+s5+$0x0], $0xffff;
	[tilespmem:s22+$0x60] =	vst v16  }
0x2aa: {  	[tilespmem:s23+$0xFFFFFF80] =	vst v21;
	v16 =	vld.idx.msk [tilespmem:v8+s5+$0x0], $0xffff  }
0x2ab: {  	[tilespmem:s23+$0xFFFFFF90] =	vst v17;
	v17 =	vld.idx.msk [tilespmem:v5+s5+$0x0], $0xffff  }
0x2ac: {  	[tilespmem:s23+$0xFFFFFFA0] =	vst v18;
	v18 =	vld.idx.msk [tilespmem:v9+s5+$0x0], $0xffff  }
0x2ad: {  	[tilespmem:s23+$0xFFFFFFB0] =	vst v19;
	v19 =	vld.idx.msk [tilespmem:v6+s5+$0x0], $0xffff  }
0x2ae: {  	[tilespmem:s23+$0xFFFFFFC0] =	vst v20;
	v20 =	vld.idx.msk [tilespmem:v3+s5+$0x0], $0xffff  }
0x2af: {  	[tilespmem:s23+$0xFFFFFFD0] =	vst v15;
	v15 =	vld.idx.msk [tilespmem:v2+s5+$0x0], $0xffff  }
0x2b0: {  	[tilespmem:s23+$0xFFFFFFE0] =	vst v16;
	v16 =	vld.idx.msk [tilespmem:v0+s5+$0x0], $0xffff  }
0x2b1: {  	[tilespmem:s23+$0xFFFFFFF0] =	vst v17;
	v17 =	vld.idx.msk [tilespmem:v1+s5+$0x0], $0xffff  }
0x2b2: {  	[tilespmem:s23+$0x0] =	vst v18;
	v18 =	vld.idx.msk [tilespmem:v4+s5+$0x0], $0xffff  }
0x2b3: {  	v14 =	vld.idx.msk [tilespmem:v14+s6+$0x0], $0xffff;
	[tilespmem:s23+$0x10] =	vst v19  }
0x2b4: {  	v7 =	vld.idx.msk [tilespmem:v7+s6+$0x0], $0xffff;
	[tilespmem:s23+$0x20] =	vst v20  }
0x2b5: {  	v10 =	vld.idx.msk [tilespmem:v10+s6+$0x0], $0xffff;
	[tilespmem:s23+$0x30] =	vst v15  }
0x2b6: {  	v11 =	vld.idx.msk [tilespmem:v11+s6+$0x0], $0xffff;
	[tilespmem:s23+$0x40] =	vst v16  }
0x2b7: {  	v12 =	vld.idx.msk [tilespmem:v12+s6+$0x0], $0xffff;
	[tilespmem:s23+$0x50] =	vst v17  }
0x2b8: {  	v13 =	vld.idx.msk [tilespmem:v13+s6+$0x0], $0xffff;
	[tilespmem:s23+$0x60] =	vst v18  }
0x2b9: {  	[tilespmem:s28+$0xFFFFFF80] =	vst v14;
	v8 =	vld.idx.msk [tilespmem:v8+s6+$0x0], $0xffff  }
0x2ba: {  	[tilespmem:s28+$0xFFFFFF90] =	vst v7;
	v7 =	vld.idx.msk [tilespmem:v5+s6+$0x0], $0xffff  }
0x2bb: {  	[tilespmem:s28+$0xFFFFFFA0] =	vst v10;
	v9 =	vld.idx.msk [tilespmem:v9+s6+$0x0], $0xffff  }
0x2bc: {  	[tilespmem:s28+$0xFFFFFFB0] =	vst v11;
	v5 =	vld.idx.msk [tilespmem:v6+s6+$0x0], $0xffff  }
.Ltmp6:
0x2bd: {  	[tilespmem:s28+$0xFFFFFFC0] =	vst v12;
	v3 =	vld.idx.msk [tilespmem:v3+s6+$0x0], $0xffff;
	(pc) =	sbr.rel @p1 .LBB2_13-.Ltmp6, $4  }
0x2be: {  	[tilespmem:s28+$0xFFFFFFD0] =	vst v13;
	v2 =	vld.idx.msk [tilespmem:v2+s6+$0x0], $0xffff  }
0x2bf: {  	[tilespmem:s28+$0xFFFFFFE0] =	vst v8;
	v0 =	vld.idx.msk [tilespmem:v0+s6+$0x0], $0xffff  }
0x2c0: {  	[tilespmem:s28+$0xFFFFFFF0] =	vst v7;
	v1 =	vld.idx.msk [tilespmem:v1+s6+$0x0], $0xffff  }
0x2c1: {  	s8 =	sadd.s32 $0x100, s8;
	[tilespmem:s28+$0x0] =	vst v9;
	v4 =	vld.idx.msk [tilespmem:v4+s6+$0x0], $0xffff  }
0x2c2: {  	[tilespmem:s28+$0x10] =	vst v5  }
0x2c3: {  	[tilespmem:s28+$0x20] =	vst v3  }
0x2c4: {  	s8 =	rddreg [dreg:$0x14]  }
0x2c5: {  	s8 =	sor.u32 s20, s8  }
0x2c6: {  	[tilespmem:s28+$0x30] =	vst v2;
	s20 =	sor.u32 $0x80000, s8  }
0x2c7: {  	[tilespmem:s28+$0x40] =	vst v0;
	s18 =	sor.u32 s24, s20  }
0x2c8: {  	[tilespmem:s28+$0x50] =	vst v1;
	s21 =	sor.u32 $0xA0000, s8;
	s18 =	sshrl.u32 s18, $0x3  }
0x2c9: {  	[tilespmem:s28+$0x60] =	vst v4;
	s28 =	sor.u32 s24, s21;
	s18 =	sadd.s32 s29, s18  }
0x2ca: {  	[hbm4b:s18+s1] =	stream.strided.scatter [tilespmem:s10], [sflag:$0x3], $0x1000, s2, s1, $0x38;
	[tilespmem:$0x1A000] =	vst v63  }
0x2cb: {  	p1 =	sne.s32 s7, $0xF;
	s22 =	sor.u32 $0xC0000, s8;
	s18 =	sshrl.u32 s28, $0x3  }
0x2cc: {  	s23 =	sor.u32 $0xE0000, s8;
	s30 =	sor.u32 s24, s22;
	s18 =	sadd.s32 s29, s18  }
0x2cd: {  	[hbm4b:s18+s1] =	stream.strided.scatter [tilespmem:s11], [sflag:$0x3], $0x1000, s2, s1, $0x38;
	[tilespmem:$0x1A000] =	vst v63  }
.Ltmp7:
0x2ce: {  	s8 =	sor.u32 s24, s23;
	s18 =	sshrl.u32 s30, $0x3;
	(pc) =	sbr.rel @p1 .LBB2_16-.Ltmp7, $4  }
0x2cf: {  	s8 =	sshrl.u32 s8, $0x3;
	s18 =	sadd.s32 s29, s18  }
0x2d0: {  	[hbm4b:s18+s1] =	stream.strided.scatter [tilespmem:s12], [sflag:$0x3], $0x1000, s2, s1, $0x38;
	[tilespmem:$0x1A000] =	vst v63  }
0x2d1: {  	s8 =	sadd.s32 s29, s8  }
0x2d2: {  	[hbm4b:s8+s1] =	stream.strided.scatter [tilespmem:s13], [sflag:$0x3], $0x1000, s2, s1, $0x38;
	[tilespmem:$0x1A000] =	vst v63  }
.Ltmp8:
0x2d3: {  	(pc) =	sbr.rel .LBB2_17-.Ltmp8, $4  }
0x2d4: {  	_ = 	snop  }
0x2d5: {  	_ =	swait.ge [sflag:s9], $0x1000  }
0x2d6: {  	[sflag:s9] =	ssyncset.done $0x0  }
0x2d7: {  	[sflag:s9] =	ssyncadd.s32 $0xFFFFF000  }
.LBB2_16:
0x2d8: {  	s8 =	sadd.s32 $0x2, s17  }
0x2d9: {  	s17 =	sshll.u32 s8, $0xC  }
0x2da: {  	s8 =	sshll.u32 s8, $0x7;
	s17 =	sand.u32 $0x38000, s17  }
0x2db: {  	s8 =	sand.u32 $0x300, s8;
	s17 =	sadd.s32 s31, s17  }
0x2dc: {  	s8 =	sor.u32 s8, s17  }
0x2dd: {  	s8 =	sshrl.u32 s8, $0x3  }
.Ltmp9:
0x2de: {  	s30 =	simm.s32 $0x0;
	s8 =	sadd.s32 s26, s8;
	(pc) =	sbr.rel @p0 .LBB2_18-.Ltmp9, $4  }
0x2df: {  	[tilespmem:s30], [sflag:$0x2] =	stream.strided.gather [hbm4b:s8+s1], $0x1000, s2, s1, $0x38;
	[tilespmem:$0x1A000] =	vst v63  }
0x2e0: {  	_ =	swait.ge [sflag:s9], $0x1000  }
0x2e1: {  	[sflag:s9] =	ssyncset.done $0x0  }
0x2e2: {  	[sflag:s9] =	ssyncadd.s32 $0xFFFFF000  }
.LBB2_17:
0x2e3: {  	_ =	swait.ge [sflag:s14], $0x1000  }
0x2e4: {  	[sflag:s14] =	ssyncset.done $0x0  }
0x2e5: {  	[sflag:s14] =	ssyncadd.s32 $0xFFFFF000  }
0x2e6: {  	_ =	swait.ge [sflag:s14], $0x1000  }
0x2e7: {  	[sflag:s14] =	ssyncset.done $0x0  }
0x2e8: {  	[sflag:s14] =	ssyncadd.s32 $0xFFFFF000  }
0x2e9: {  	_ =	swait.ge [sflag:s14], $0x1000  }
0x2ea: {  	[sflag:s14] =	ssyncset.done $0x0  }
0x2eb: {  	[sflag:s14] =	ssyncadd.s32 $0xFFFFF000  }
0x2ec: {  	_ =	swait.ge [sflag:s14], $0x1000  }
0x2ed: {  	[sflag:s14] =	ssyncset.done $0x0  }
0x2ee: {  	[sflag:s14] =	ssyncadd.s32 $0xFFFFF000  }
.LBB2_18:
0x2ef: {  	s8 =	simm.s32 $0x1080  }
0x2f0: {  	v0 =	vld [tilespmem:s8+$0x70]  }
0x2f1: {  	v1 =	vld [tilespmem:s8+$0xFFFFFF90]  }
0x2f2: {  	v2 =	vld [tilespmem:s8+$0xFFFFFFA0]  }
0x2f3: {  	v3 =	vld [tilespmem:s8+$0xFFFFFFB0]  }
0x2f4: {  	v4 =	vld [tilespmem:s8+$0xFFFFFFC0]  }
0x2f5: {  	v5 =	vld [tilespmem:s8+$0xFFFFFFD0]  }
0x2f6: {  	v6 =	vld [tilespmem:s8+$0xFFFFFFE0]  }
0x2f7: {  	v7 =	vld [tilespmem:s8+$0xFFFFFFF0]  }
0x2f8: {  	v9 =	vld [tilespmem:s8+$0x0]  }
0x2f9: {  	v10 =	vld [tilespmem:s8+$0x10]  }
0x2fa: {  	v11 =	vld [tilespmem:s8+$0x20]  }
0x2fb: {  	v12 =	vld [tilespmem:s8+$0x30]  }
0x2fc: {  	v13 =	vld [tilespmem:s8+$0x40]  }
0x2fd: {  	v14 =	vld [tilespmem:s8+$0x50]  }
0x2fe: {  	v15 =	vld [tilespmem:s8+$0x60]  }
0x2ff: {  	v16 =	vld [tilespmem:s8+$0xFFFFFF80]  }
0x300: {  	v8 =	vld.idx.msk [tilespmem:v0+s3+$0x0], $0xffff  }
0x301: {  	v17 =	vld.idx.msk [tilespmem:v1+s3+$0x0], $0xffff  }
0x302: {  	v18 =	vld.idx.msk [tilespmem:v2+s3+$0x0], $0xffff  }
0x303: {  	v19 =	vld.idx.msk [tilespmem:v3+s3+$0x0], $0xffff  }
0x304: {  	v20 =	vld.idx.msk [tilespmem:v4+s3+$0x0], $0xffff  }
0x305: {  	s24 =	simm.s32 $0x16080;
	v21 =	vld.idx.msk [tilespmem:v5+s3+$0x0], $0xffff  }
0x306: {  	v31 =	vld.idx.msk [tilespmem:v6+s3+$0x0], $0xffff;
	[tilespmem:s24+$0x70] =	vst v8  }
0x307: {  	v22 =	vld.idx.msk [tilespmem:v16+s3+$0x0], $0xffff;
	[tilespmem:s24+$0xFFFFFF90] =	vst v17  }
0x308: {  	v32 =	vld.idx.msk [tilespmem:v7+s3+$0x0], $0xffff;
	[tilespmem:s24+$0xFFFFFFA0] =	vst v18  }
0x309: {  	v33 =	vld.idx.msk [tilespmem:v9+s3+$0x0], $0xffff;
	[tilespmem:s24+$0xFFFFFFB0] =	vst v19  }
0x30a: {  	v34 =	vld.idx.msk [tilespmem:v10+s3+$0x0], $0xffff;
	[tilespmem:s24+$0xFFFFFFC0] =	vst v20  }
0x30b: {  	v35 =	vld.idx.msk [tilespmem:v11+s3+$0x0], $0xffff;
	[tilespmem:s24+$0xFFFFFFD0] =	vst v21  }
0x30c: {  	[tilespmem:s24+$0xFFFFFFE0] =	vst v31;
	v8 =	vld.idx.msk [tilespmem:v0+s4+$0x0], $0xffff  }
0x30d: {  	v36 =	vld.idx.msk [tilespmem:v12+s3+$0x0], $0xffff;
	[tilespmem:s24+$0xFFFFFF80] =	vst v22  }
0x30e: {  	v37 =	vld.idx.msk [tilespmem:v13+s3+$0x0], $0xffff;
	[tilespmem:s24+$0xFFFFFFF0] =	vst v32  }
0x30f: {  	v38 =	vld.idx.msk [tilespmem:v14+s3+$0x0], $0xffff;
	[tilespmem:s24+$0x0] =	vst v33  }
0x310: {  	s28 =	simm.s32 $0x17080;
	v39 =	vld.idx.msk [tilespmem:v15+s3+$0x0], $0xffff;
	[tilespmem:s24+$0x10] =	vst v34  }
0x311: {  	v40 =	vld.idx.msk [tilespmem:v16+s4+$0x0], $0xffff;
	[tilespmem:s28+$0x70] =	vst v8  }
0x312: {  	[tilespmem:s24+$0x20] =	vst v35;
	v8 =	vld.idx.msk [tilespmem:v0+s5+$0x0], $0xffff  }
0x313: {  	[tilespmem:s24+$0x30] =	vst v36;
	v41 =	vld.idx.msk [tilespmem:v2+s4+$0x0], $0xffff  }
0x314: {  	[tilespmem:s24+$0x40] =	vst v37;
	v42 =	vld.idx.msk [tilespmem:v3+s4+$0x0], $0xffff  }
0x315: {  	[tilespmem:s24+$0x50] =	vst v38;
	v43 =	vld.idx.msk [tilespmem:v4+s4+$0x0], $0xffff  }
0x316: {  	s30 =	simm.s32 $0x18080;
	[tilespmem:s24+$0x60] =	vst v39;
	v44 =	vld.idx.msk [tilespmem:v5+s4+$0x0], $0xffff  }
0x317: {  	v45 =	vld.idx.msk [tilespmem:v6+s4+$0x0], $0xffff;
	[tilespmem:s30+$0x70] =	vst v8  }
0x318: {  	[tilespmem:s28+$0xFFFFFF80] =	vst v40;
	v0 =	vld.idx.msk [tilespmem:v0+s6+$0x0], $0xffff  }
0x319: {  	v46 =	vld.idx.msk [tilespmem:v9+s4+$0x0], $0xffff;
	[tilespmem:s28+$0xFFFFFFA0] =	vst v41  }
0x31a: {  	v47 =	vld.idx.msk [tilespmem:v10+s4+$0x0], $0xffff;
	[tilespmem:s28+$0xFFFFFFB0] =	vst v42  }
0x31b: {  	v48 =	vld.idx.msk [tilespmem:v11+s4+$0x0], $0xffff;
	[tilespmem:s28+$0xFFFFFFC0] =	vst v43  }
0x31c: {  	s17 =	simm.s32 $0x19080;
	v49 =	vld.idx.msk [tilespmem:v12+s4+$0x0], $0xffff;
	[tilespmem:s28+$0xFFFFFFD0] =	vst v44  }
0x31d: {  	[tilespmem:s17+$0x70] =	vst v0;
	v0 =	vld.idx.msk [tilespmem:v1+s4+$0x0], $0xffff  }
0x31e: {  	v50 =	vld.idx.msk [tilespmem:v13+s4+$0x0], $0xffff;
	[tilespmem:s28+$0xFFFFFFE0] =	vst v45  }
0x31f: {  	v51 =	vld.idx.msk [tilespmem:v15+s4+$0x0], $0xffff;
	[tilespmem:s28+$0x0] =	vst v46  }
0x320: {  	[tilespmem:s28+$0x10] =	vst v47;
	v21 =	vld.idx.msk [tilespmem:v16+s5+$0x0], $0xffff  }
0x321: {  	[tilespmem:s28+$0x20] =	vst v48;
	v53 =	vld.idx.msk [tilespmem:v2+s5+$0x0], $0xffff  }
0x322: {  	[tilespmem:s28+$0xFFFFFF90] =	vst v0;
	v0 =	vld.idx.msk [tilespmem:v7+s4+$0x0], $0xffff  }
0x323: {  	[tilespmem:s28+$0x30] =	vst v49;
	v54 =	vld.idx.msk [tilespmem:v3+s5+$0x0], $0xffff  }
0x324: {  	[tilespmem:s28+$0x40] =	vst v50;
	v55 =	vld.idx.msk [tilespmem:v4+s5+$0x0], $0xffff  }
0x325: {  	[tilespmem:s28+$0x60] =	vst v51;
	v56 =	vld.idx.msk [tilespmem:v6+s5+$0x0], $0xffff  }
0x326: {  	v58 =	vld.idx.msk [tilespmem:v9+s5+$0x0], $0xffff;
	[tilespmem:s30+$0xFFFFFF80] =	vst v21  }
0x327: {  	[tilespmem:s28+$0xFFFFFFF0] =	vst v0;
	v0 =	vld.idx.msk [tilespmem:v14+s4+$0x0], $0xffff  }
0x328: {  	v59 =	vld.idx.msk [tilespmem:v10+s5+$0x0], $0xffff;
	[tilespmem:s30+$0xFFFFFFA0] =	vst v53  }
0x329: {  	[tilespmem:s30+$0xFFFFFFB0] =	vst v54;
	v52 =	vld.idx.msk [tilespmem:v1+s5+$0x0], $0xffff  }
0x32a: {  	v60 =	vld.idx.msk [tilespmem:v11+s5+$0x0], $0xffff;
	[tilespmem:s30+$0xFFFFFFC0] =	vst v55  }
0x32b: {  	v61 =	vld.idx.msk [tilespmem:v13+s5+$0x0], $0xffff;
	[tilespmem:s30+$0xFFFFFFE0] =	vst v56  }
0x32c: {  	[tilespmem:s28+$0x50] =	vst v0;
	v0 =	vld.idx.msk [tilespmem:v5+s5+$0x0], $0xffff  }
0x32d: {  	v63 =	vld.idx.msk [tilespmem:v15+s5+$0x0], $0xffff;
	[tilespmem:s30+$0x0] =	vst v58  }
0x32e: {  	[tilespmem:s30+$0xFFFFFF90] =	vst v52;
	v57 =	vld.idx.msk [tilespmem:v7+s5+$0x0], $0xffff  }
0x32f: {  	[tilespmem:s30+$0x10] =	vst v59;
	v1 =	vld.idx.msk [tilespmem:v1+s6+$0x0], $0xffff  }
0x330: {  	[tilespmem:s30+$0x20] =	vst v60;
	v16 =	vld.idx.msk [tilespmem:v16+s6+$0x0], $0xffff  }
0x331: {  	[tilespmem:s30+$0xFFFFFFD0] =	vst v0;
	v0 =	vld.idx.msk [tilespmem:v12+s5+$0x0], $0xffff  }
0x332: {  	[tilespmem:s30+$0x40] =	vst v61;
	v2 =	vld.idx.msk [tilespmem:v2+s6+$0x0], $0xffff  }
0x333: {  	[tilespmem:s30+$0xFFFFFFF0] =	vst v57;
	v62 =	vld.idx.msk [tilespmem:v14+s5+$0x0], $0xffff  }
0x334: {  	[tilespmem:s17+$0xFFFFFF90] =	vst v1;
	v1 =	vld.idx.msk [tilespmem:v7+s6+$0x0], $0xffff  }
0x335: {  	[tilespmem:s30+$0x60] =	vst v63;
	v6 =	vld.idx.msk [tilespmem:v6+s6+$0x0], $0xffff  }
0x336: {  	[tilespmem:s30+$0x30] =	vst v0;
	v0 =	vld.idx.msk [tilespmem:v3+s6+$0x0], $0xffff  }
0x337: {  	[tilespmem:s17+$0xFFFFFF80] =	vst v16;
	v3 =	vld.idx.msk [tilespmem:v4+s6+$0x0], $0xffff  }
0x338: {  	v7 =	vld.idx.msk [tilespmem:v9+s6+$0x0], $0xffff;
	[tilespmem:s30+$0x50] =	vst v62  }
0x339: {  	[tilespmem:s17+$0xFFFFFFF0] =	vst v1;
	v1 =	vld.idx.msk [tilespmem:v14+s6+$0x0], $0xffff  }
0x33a: {  	[tilespmem:s17+$0xFFFFFFA0] =	vst v2;
	v4 =	vld.idx.msk [tilespmem:v5+s6+$0x0], $0xffff  }
0x33b: {  	[tilespmem:s17+$0xFFFFFFE0] =	vst v6;
	v5 =	vld.idx.msk [tilespmem:v10+s6+$0x0], $0xffff  }
0x33c: {  	[tilespmem:s17+$0xFFFFFFC0] =	vst v3;
	v3 =	vld.idx.msk [tilespmem:v11+s6+$0x0], $0xffff  }
0x33d: {  	[tilespmem:s17+$0x0] =	vst v7;
	v2 =	vld.idx.msk [tilespmem:v12+s6+$0x0], $0xffff  }
0x33e: {  	[tilespmem:s17+$0xFFFFFFB0] =	vst v0;
	v0 =	vld.idx.msk [tilespmem:v13+s6+$0x0], $0xffff  }
0x33f: {  	s18 =	simm.s32 $0x0;
	s8 =	simm.s32 $0x1180;
	[tilespmem:s17+$0xFFFFFFD0] =	vst v4;
	v4 =	vld.idx.msk [tilespmem:v15+s6+$0x0], $0xffff  }
.LBB2_19:
0x340: {  	v15 =	vld [tilespmem:s8+$0x70];
	s18 =	sadd.s32 $0x10, s18;
	[tilespmem:s17+$0x10] =	vst v5  }
0x341: {  	v7 =	vld [tilespmem:s8+$0xFFFFFF90];
	p0 =	slt.u32 s18, $0xF0;
	[tilespmem:s17+$0x20] =	vst v3  }
0x342: {  	v10 =	vld [tilespmem:s8+$0xFFFFFFA0];
	[tilespmem:s17+$0x30] =	vst v2  }
0x343: {  	v11 =	vld [tilespmem:s8+$0xFFFFFFB0];
	[tilespmem:s17+$0x40] =	vst v0  }
0x344: {  	v12 =	vld [tilespmem:s8+$0xFFFFFFC0];
	[tilespmem:s17+$0x50] =	vst v1  }
0x345: {  	v13 =	vld [tilespmem:s8+$0xFFFFFFD0];
	[tilespmem:s17+$0x60] =	vst v4  }
0x346: {  	v8 =	vld [tilespmem:s8+$0xFFFFFFE0]  }
0x347: {  	v5 =	vld [tilespmem:s8+$0xFFFFFFF0]  }
0x348: {  	v4 =	vld.idx.msk [tilespmem:v15+s3+$0x0], $0xffff  }
0x349: {  	v9 =	vld [tilespmem:s8+$0x0]  }
0x34a: {  	v6 =	vld [tilespmem:s8+$0x10]  }
0x34b: {  	v3 =	vld [tilespmem:s8+$0x20]  }
0x34c: {  	v2 =	vld [tilespmem:s8+$0x30]  }
0x34d: {  	s24 =	sadd.s32 $0x100, s24;
	v0 =	vld [tilespmem:s8+$0x40]  }
0x34e: {  	v1 =	vld [tilespmem:s8+$0x50];
	[tilespmem:s24+$0x70] =	vst v4  }
0x34f: {  	v16 =	vld.idx.msk [tilespmem:v15+s4+$0x0], $0xffff  }
0x350: {  	v4 =	vld [tilespmem:s8+$0x60]  }
0x351: {  	v14 =	vld [tilespmem:s8+$0xFFFFFF80]  }
0x352: {  	v17 =	vld.idx.msk [tilespmem:v7+s3+$0x0], $0xffff  }
0x353: {  	v18 =	vld.idx.msk [tilespmem:v10+s3+$0x0], $0xffff  }
0x354: {  	s28 =	sadd.s32 $0x100, s28;
	v19 =	vld.idx.msk [tilespmem:v11+s3+$0x0], $0xffff  }
0x355: {  	v20 =	vld.idx.msk [tilespmem:v12+s3+$0x0], $0xffff;
	[tilespmem:s28+$0x70] =	vst v16  }
0x356: {  	v16 =	vld.idx.msk [tilespmem:v15+s5+$0x0], $0xffff  }
0x357: {  	v21 =	vld.idx.msk [tilespmem:v13+s3+$0x0], $0xffff  }
0x358: {  	[tilespmem:s24+$0xFFFFFF90] =	vst v17;
	v17 =	vld.idx.msk [tilespmem:v8+s3+$0x0], $0xffff  }
0x359: {  	v22 =	vld.idx.msk [tilespmem:v14+s3+$0x0], $0xffff;
	[tilespmem:s24+$0xFFFFFFA0] =	vst v18  }
0x35a: {  	[tilespmem:s24+$0xFFFFFFB0] =	vst v19;
	v18 =	vld.idx.msk [tilespmem:v5+s3+$0x0], $0xffff  }
0x35b: {  	s30 =	sadd.s32 $0x100, s30;
	[tilespmem:s24+$0xFFFFFFC0] =	vst v20;
	v19 =	vld.idx.msk [tilespmem:v9+s3+$0x0], $0xffff  }
0x35c: {  	v20 =	vld.idx.msk [tilespmem:v6+s3+$0x0], $0xffff;
	[tilespmem:s30+$0x70] =	vst v16  }
0x35d: {  	[tilespmem:s24+$0xFFFFFFD0] =	vst v21;
	v15 =	vld.idx.msk [tilespmem:v15+s6+$0x0], $0xffff  }
0x35e: {  	[tilespmem:s24+$0xFFFFFFE0] =	vst v17;
	v16 =	vld.idx.msk [tilespmem:v3+s3+$0x0], $0xffff  }
0x35f: {  	[tilespmem:s24+$0xFFFFFF80] =	vst v22;
	v17 =	vld.idx.msk [tilespmem:v2+s3+$0x0], $0xffff  }
0x360: {  	[tilespmem:s24+$0xFFFFFFF0] =	vst v18;
	v18 =	vld.idx.msk [tilespmem:v0+s3+$0x0], $0xffff  }
0x361: {  	[tilespmem:s24+$0x0] =	vst v19;
	v19 =	vld.idx.msk [tilespmem:v1+s3+$0x0], $0xffff  }
0x362: {  	s17 =	sadd.s32 $0x100, s17;
	[tilespmem:s24+$0x10] =	vst v20;
	v20 =	vld.idx.msk [tilespmem:v4+s3+$0x0], $0xffff  }
0x363: {  	v21 =	vld.idx.msk [tilespmem:v14+s4+$0x0], $0xffff;
	[tilespmem:s17+$0x70] =	vst v15  }
0x364: {  	v15 =	vld.idx.msk [tilespmem:v7+s4+$0x0], $0xffff;
	[tilespmem:s24+$0x20] =	vst v16  }
0x365: {  	v16 =	vld.idx.msk [tilespmem:v10+s4+$0x0], $0xffff;
	[tilespmem:s24+$0x30] =	vst v17  }
0x366: {  	v17 =	vld.idx.msk [tilespmem:v11+s4+$0x0], $0xffff;
	[tilespmem:s24+$0x40] =	vst v18  }
0x367: {  	v18 =	vld.idx.msk [tilespmem:v12+s4+$0x0], $0xffff;
	[tilespmem:s24+$0x50] =	vst v19  }
0x368: {  	v19 =	vld.idx.msk [tilespmem:v13+s4+$0x0], $0xffff;
	[tilespmem:s24+$0x60] =	vst v20  }
0x369: {  	[tilespmem:s28+$0xFFFFFF80] =	vst v21;
	v20 =	vld.idx.msk [tilespmem:v8+s4+$0x0], $0xffff  }
0x36a: {  	[tilespmem:s28+$0xFFFFFF90] =	vst v15;
	v15 =	vld.idx.msk [tilespmem:v5+s4+$0x0], $0xffff  }
0x36b: {  	[tilespmem:s28+$0xFFFFFFA0] =	vst v16;
	v16 =	vld.idx.msk [tilespmem:v9+s4+$0x0], $0xffff  }
0x36c: {  	[tilespmem:s28+$0xFFFFFFB0] =	vst v17;
	v17 =	vld.idx.msk [tilespmem:v6+s4+$0x0], $0xffff  }
0x36d: {  	[tilespmem:s28+$0xFFFFFFC0] =	vst v18;
	v18 =	vld.idx.msk [tilespmem:v3+s4+$0x0], $0xffff  }
0x36e: {  	[tilespmem:s28+$0xFFFFFFD0] =	vst v19;
	v19 =	vld.idx.msk [tilespmem:v2+s4+$0x0], $0xffff  }
0x36f: {  	[tilespmem:s28+$0xFFFFFFE0] =	vst v20;
	v20 =	vld.idx.msk [tilespmem:v0+s4+$0x0], $0xffff  }
0x370: {  	[tilespmem:s28+$0xFFFFFFF0] =	vst v15;
	v15 =	vld.idx.msk [tilespmem:v1+s4+$0x0], $0xffff  }
0x371: {  	[tilespmem:s28+$0x0] =	vst v16;
	v16 =	vld.idx.msk [tilespmem:v4+s4+$0x0], $0xffff  }
0x372: {  	v21 =	vld.idx.msk [tilespmem:v14+s5+$0x0], $0xffff;
	[tilespmem:s28+$0x10] =	vst v17  }
0x373: {  	v17 =	vld.idx.msk [tilespmem:v7+s5+$0x0], $0xffff;
	[tilespmem:s28+$0x20] =	vst v18  }
0x374: {  	v18 =	vld.idx.msk [tilespmem:v10+s5+$0x0], $0xffff;
	[tilespmem:s28+$0x30] =	vst v19  }
0x375: {  	v19 =	vld.idx.msk [tilespmem:v11+s5+$0x0], $0xffff;
	[tilespmem:s28+$0x40] =	vst v20  }
0x376: {  	v20 =	vld.idx.msk [tilespmem:v12+s5+$0x0], $0xffff;
	[tilespmem:s28+$0x50] =	vst v15  }
0x377: {  	v15 =	vld.idx.msk [tilespmem:v13+s5+$0x0], $0xffff;
	[tilespmem:s28+$0x60] =	vst v16  }
0x378: {  	[tilespmem:s30+$0xFFFFFF80] =	vst v21;
	v16 =	vld.idx.msk [tilespmem:v8+s5+$0x0], $0xffff  }
0x379: {  	[tilespmem:s30+$0xFFFFFF90] =	vst v17;
	v17 =	vld.idx.msk [tilespmem:v5+s5+$0x0], $0xffff  }
0x37a: {  	[tilespmem:s30+$0xFFFFFFA0] =	vst v18;
	v18 =	vld.idx.msk [tilespmem:v9+s5+$0x0], $0xffff  }
0x37b: {  	[tilespmem:s30+$0xFFFFFFB0] =	vst v19;
	v19 =	vld.idx.msk [tilespmem:v6+s5+$0x0], $0xffff  }
0x37c: {  	[tilespmem:s30+$0xFFFFFFC0] =	vst v20;
	v20 =	vld.idx.msk [tilespmem:v3+s5+$0x0], $0xffff  }
0x37d: {  	[tilespmem:s30+$0xFFFFFFD0] =	vst v15;
	v15 =	vld.idx.msk [tilespmem:v2+s5+$0x0], $0xffff  }
0x37e: {  	[tilespmem:s30+$0xFFFFFFE0] =	vst v16;
	v16 =	vld.idx.msk [tilespmem:v0+s5+$0x0], $0xffff  }
0x37f: {  	[tilespmem:s30+$0xFFFFFFF0] =	vst v17;
	v17 =	vld.idx.msk [tilespmem:v1+s5+$0x0], $0xffff  }
0x380: {  	[tilespmem:s30+$0x0] =	vst v18;
	v18 =	vld.idx.msk [tilespmem:v4+s5+$0x0], $0xffff  }
0x381: {  	v14 =	vld.idx.msk [tilespmem:v14+s6+$0x0], $0xffff;
	[tilespmem:s30+$0x10] =	vst v19  }
0x382: {  	v7 =	vld.idx.msk [tilespmem:v7+s6+$0x0], $0xffff;
	[tilespmem:s30+$0x20] =	vst v20  }
0x383: {  	v10 =	vld.idx.msk [tilespmem:v10+s6+$0x0], $0xffff;
	[tilespmem:s30+$0x30] =	vst v15  }
0x384: {  	v11 =	vld.idx.msk [tilespmem:v11+s6+$0x0], $0xffff;
	[tilespmem:s30+$0x40] =	vst v16  }
0x385: {  	v12 =	vld.idx.msk [tilespmem:v12+s6+$0x0], $0xffff;
	[tilespmem:s30+$0x50] =	vst v17  }
0x386: {  	v13 =	vld.idx.msk [tilespmem:v13+s6+$0x0], $0xffff;
	[tilespmem:s30+$0x60] =	vst v18  }
0x387: {  	[tilespmem:s17+$0xFFFFFF80] =	vst v14;
	v8 =	vld.idx.msk [tilespmem:v8+s6+$0x0], $0xffff  }
0x388: {  	[tilespmem:s17+$0xFFFFFF90] =	vst v7;
	v7 =	vld.idx.msk [tilespmem:v5+s6+$0x0], $0xffff  }
0x389: {  	[tilespmem:s17+$0xFFFFFFA0] =	vst v10;
	v9 =	vld.idx.msk [tilespmem:v9+s6+$0x0], $0xffff  }
0x38a: {  	[tilespmem:s17+$0xFFFFFFB0] =	vst v11;
	v5 =	vld.idx.msk [tilespmem:v6+s6+$0x0], $0xffff  }
.Ltmp10:
0x38b: {  	[tilespmem:s17+$0xFFFFFFC0] =	vst v12;
	v3 =	vld.idx.msk [tilespmem:v3+s6+$0x0], $0xffff;
	(pc) =	sbr.rel @p0 .LBB2_19-.Ltmp10, $4  }
0x38c: {  	[tilespmem:s17+$0xFFFFFFD0] =	vst v13;
	v2 =	vld.idx.msk [tilespmem:v2+s6+$0x0], $0xffff  }
0x38d: {  	[tilespmem:s17+$0xFFFFFFE0] =	vst v8;
	v0 =	vld.idx.msk [tilespmem:v0+s6+$0x0], $0xffff  }
0x38e: {  	[tilespmem:s17+$0xFFFFFFF0] =	vst v7;
	v1 =	vld.idx.msk [tilespmem:v1+s6+$0x0], $0xffff  }
0x38f: {  	s8 =	sadd.s32 $0x100, s8;
	[tilespmem:s17+$0x0] =	vst v9;
	v4 =	vld.idx.msk [tilespmem:v4+s6+$0x0], $0xffff  }
0x390: {  	[tilespmem:s17+$0x10] =	vst v5  }
0x391: {  	[tilespmem:s17+$0x20] =	vst v3  }
0x392: {  	[tilespmem:s17+$0x30] =	vst v2  }
0x393: {  	s8 =	sor.u32 s19, s20;
	[tilespmem:s17+$0x40] =	vst v0  }
0x394: {  	s8 =	sshrl.u32 s8, $0x3;
	[tilespmem:s17+$0x50] =	vst v1  }
0x395: {  	s24 =	sor.u32 s19, s21;
	s8 =	sadd.s32 s29, s8;
	[tilespmem:s17+$0x60] =	vst v4  }
0x396: {  	[hbm4b:s8+s1] =	stream.strided.scatter [tilespmem:s15], [sflag:$0x4], $0x1000, s2, s1, $0x38;
	[tilespmem:$0x1A000] =	vst v63  }
0x397: {  	s8 =	sshrl.u32 s24, $0x3  }
0x398: {  	s28 =	sor.u32 s19, s22;
	s7 =	sadd.s32 $0x1, s7;
	s8 =	sadd.s32 s29, s8  }
0x399: {  	[hbm4b:s8+s1] =	stream.strided.scatter [tilespmem:s16], [sflag:$0x4], $0x1000, s2, s1, $0x38;
	[tilespmem:$0x1A000] =	vst v63  }
0x39a: {  	p0 =	sne.s32 s7, $0x10;
	s8 =	sshrl.u32 s28, $0x3  }
.Ltmp11:
0x39b: {  	s30 =	sor.u32 s19, s23;
	s8 =	sadd.s32 s29, s8;
	(pc) =	sbr.rel @p0 .LBB2_12-.Ltmp11, $4  }
0x39c: {  	[hbm4b:s8+s1] =	stream.strided.scatter [tilespmem:s0], [sflag:$0x4], $0x1000, s2, s1, $0x38;
	[tilespmem:$0x1A000] =	vst v63  }
0x39d: {  	s8 =	sshrl.u32 s30, $0x3  }
0x39e: {  	s8 =	sadd.s32 s29, s8  }
0x39f: {  	[hbm4b:s8+s1] =	stream.strided.scatter [tilespmem:s25], [sflag:$0x4], $0x1000, s2, s1, $0x38;
	[tilespmem:$0x1A000] =	vst v63  }
0x3a0: {  	s7 =	rddreg [dreg:$0x10]  }
0x3a1: {  	[tilespmem:s3], [sflag:$0x1] =	stream.strided.gather [hbm4b:s7+s1], $0x4000, s2, s1, $0x38;
	[tilespmem:$0x1A000] =	vst v63  }
0x3a2: {  	s22 =	rddreg [dreg:$0x7]  }
0x3a3: {  	[tilespmem:s4], [sflag:$0x1] =	stream.strided.gather [hbm4b:s22+s1], $0x4000, s2, s1, $0x38;
	[tilespmem:$0x1A000] =	vst v63  }
0x3a4: {  	s23 =	rddreg [dreg:$0x8]  }
0x3a5: {  	[tilespmem:s5], [sflag:$0x1] =	stream.strided.gather [hbm4b:s23+s1], $0x4000, s2, s1, $0x38;
	[tilespmem:$0x1A000] =	vst v63  }
0x3a6: {  	s24 =	rddreg [dreg:$0x9];
	s28 =	simm.s32 $0x3  }
0x3a7: {  	[tilespmem:s6], [sflag:$0x1] =	stream.strided.gather [hbm4b:s24+s1], $0x4000, s2, s1, $0x38;
	[tilespmem:$0x1A000] =	vst v63  }
0x3a8: {  	_ =	swait.ge [sflag:s28], $0x1000  }
0x3a9: {  	[sflag:s28] =	ssyncset.done $0x0  }
0x3aa: {  	[sflag:s28] =	ssyncadd.s32 $0xFFFFF000  }
0x3ab: {  	_ =	swait.ge [sflag:s28], $0x1000  }
0x3ac: {  	[sflag:s28] =	ssyncset.done $0x0  }
0x3ad: {  	[sflag:s28] =	ssyncadd.s32 $0xFFFFF000  }
0x3ae: {  	_ =	swait.ge [sflag:s28], $0x1000  }
0x3af: {  	[sflag:s28] =	ssyncset.done $0x0  }
0x3b0: {  	[sflag:s28] =	ssyncadd.s32 $0xFFFFF000  }
0x3b1: {  	_ =	swait.ge [sflag:s28], $0x1000  }
0x3b2: {  	[sflag:s28] =	ssyncset.done $0x0  }
0x3b3: {  	[sflag:s28] =	ssyncadd.s32 $0xFFFFF000  }
0x3b4: {  	_ =	swait.ge [sflag:s14], $0x1000  }
0x3b5: {  	[sflag:s14] =	ssyncset.done $0x0  }
0x3b6: {  	[sflag:s14] =	ssyncadd.s32 $0xFFFFF000  }
0x3b7: {  	_ =	swait.ge [sflag:s14], $0x1000  }
0x3b8: {  	[sflag:s14] =	ssyncset.done $0x0  }
0x3b9: {  	[sflag:s14] =	ssyncadd.s32 $0xFFFFF000  }
0x3ba: {  	_ =	swait.ge [sflag:s14], $0x1000  }
0x3bb: {  	[sflag:s14] =	ssyncset.done $0x0  }
0x3bc: {  	[sflag:s14] =	ssyncadd.s32 $0xFFFFF000  }
0x3bd: {  	_ =	swait.ge [sflag:s14], $0x1000  }
0x3be: {  	[sflag:s14] =	ssyncset.done $0x0  }
0x3bf: {  	s30 =	simm.s32 $0x1;
	[sflag:s14] =	ssyncadd.s32 $0xFFFFF000  }
0x3c0: {  	_ =	swait.ge [sflag:s30], $0x4000  }
0x3c1: {  	[sflag:s30] =	ssyncset.done $0x0  }
0x3c2: {  	[sflag:s30] =	ssyncadd.s32 $0xFFFFC000  }
0x3c3: {  	_ =	swait.ge [sflag:s30], $0x4000  }
0x3c4: {  	[sflag:s30] =	ssyncset.done $0x0  }
0x3c5: {  	[sflag:s30] =	ssyncadd.s32 $0xFFFFC000  }
0x3c6: {  	_ =	swait.ge [sflag:s30], $0x4000  }
0x3c7: {  	[sflag:s30] =	ssyncset.done $0x0  }
0x3c8: {  	[sflag:s30] =	ssyncadd.s32 $0xFFFFC000  }
0x3c9: {  	_ =	swait.ge [sflag:s30], $0x4000  }
0x3ca: {  	[sflag:s30] =	ssyncset.done $0x0  }
0x3cb: {  	s7 =	simm.s32 $0x0;
	s8 =	rddreg [dreg:$0x1d];
	[sflag:s30] =	ssyncadd.s32 $0xFFFFC000  }
0x3cc: {  	[tilespmem:s7], [sflag:$0x2] =	stream.strided.gather [hbm4b:s8+s1], $0x1000, s2, s1, $0x38;
	[tilespmem:$0x1A000] =	vst v63  }
.LBB2_22:
0x3cd: {  	s8 =	sshll.u32 s7, $0x8;
	s17 =	sshll.u32 s7, $0xD  }
0x3ce: {  	s24 =	sand.u32 $0x300, s8;
	s23 =	sand.u32 $0x18000, s17  }
0x3cf: {  	s19 =	sor.u32 $0x80, s24;
	s21 =	sor.u32 s31, s23  }
0x3d0: {  	s8 =	sor.u32 s19, s21  }
0x3d1: {  	s8 =	sshrl.u32 s8, $0x3  }
0x3d2: {  	s22 =	simm.s32 $0x1000;
	s8 =	sadd.s32 s26, s8  }
0x3d3: {  	[tilespmem:s22], [sflag:$0x2] =	stream.strided.gather [hbm4b:s8+s1], $0x1000, s2, s1, $0x38;
	[tilespmem:$0x1A000] =	vst v63  }
0x3d4: {  	_ =	swait.ge [sflag:s9], $0x1000  }
0x3d5: {  	p0 =	seq.s32 s7, $0x0;
	[sflag:s9] =	ssyncset.done $0x0  }
0x3d6: {  	s8 =	simm.s32 @!p0 $0x3;
	[sflag:s9] =	ssyncadd.s32 $0xFFFFF000  }
0x3d7: {  	_ =	swait.ge @!p0 [sflag:s8], $0x1000  }
0x3d8: {  	[sflag:s8] =	ssyncset.done @!p0 $0x0  }
0x3d9: {  	[sflag:s8] =	ssyncadd.s32 @!p0 $0xFFFFF000  }
0x3da: {  	_ =	swait.ge @!p0 [sflag:s8], $0x1000  }
0x3db: {  	[sflag:s8] =	ssyncset.done @!p0 $0x0  }
0x3dc: {  	[sflag:s8] =	ssyncadd.s32 @!p0 $0xFFFFF000  }
0x3dd: {  	_ =	swait.ge @!p0 [sflag:s8], $0x1000  }
0x3de: {  	[sflag:s8] =	ssyncset.done @!p0 $0x0  }
0x3df: {  	[sflag:s8] =	ssyncadd.s32 @!p0 $0xFFFFF000  }
0x3e0: {  	_ =	swait.ge @!p0 [sflag:s8], $0x1000  }
0x3e1: {  	[sflag:s8] =	ssyncset.done @!p0 $0x0  }
0x3e2: {  	s30 =	simm.s32 $0x80;
	[sflag:s8] =	ssyncadd.s32 @!p0 $0xFFFFF000  }
0x3e3: {  	v0 =	vld [tilespmem:s30+$0x70]  }
0x3e4: {  	v1 =	vld [tilespmem:s30+$0xFFFFFF90]  }
0x3e5: {  	v2 =	vld [tilespmem:s30+$0xFFFFFFA0]  }
0x3e6: {  	v3 =	vld [tilespmem:s30+$0xFFFFFFB0]  }
0x3e7: {  	v4 =	vld [tilespmem:s30+$0xFFFFFFC0]  }
0x3e8: {  	v5 =	vld [tilespmem:s30+$0xFFFFFFD0]  }
0x3e9: {  	v6 =	vld [tilespmem:s30+$0xFFFFFFE0]  }
0x3ea: {  	v7 =	vld [tilespmem:s30+$0xFFFFFFF0]  }
0x3eb: {  	v9 =	vld [tilespmem:s30+$0x0]  }
0x3ec: {  	v10 =	vld [tilespmem:s30+$0x10]  }
0x3ed: {  	v11 =	vld [tilespmem:s30+$0x20]  }
0x3ee: {  	v12 =	vld [tilespmem:s30+$0x30]  }
0x3ef: {  	v13 =	vld [tilespmem:s30+$0x40]  }
0x3f0: {  	v14 =	vld [tilespmem:s30+$0x50]  }
0x3f1: {  	v15 =	vld [tilespmem:s30+$0x60]  }
0x3f2: {  	v16 =	vld [tilespmem:s30+$0xFFFFFF80]  }
0x3f3: {  	v8 =	vld.idx.msk [tilespmem:v0+s3+$0x0], $0xffff  }
0x3f4: {  	v17 =	vld.idx.msk [tilespmem:v1+s3+$0x0], $0xffff  }
0x3f5: {  	v18 =	vld.idx.msk [tilespmem:v2+s3+$0x0], $0xffff  }
0x3f6: {  	v19 =	vld.idx.msk [tilespmem:v3+s3+$0x0], $0xffff  }
0x3f7: {  	v20 =	vld.idx.msk [tilespmem:v4+s3+$0x0], $0xffff  }
0x3f8: {  	s20 =	simm.s32 $0x12080;
	v21 =	vld.idx.msk [tilespmem:v5+s3+$0x0], $0xffff  }
0x3f9: {  	v31 =	vld.idx.msk [tilespmem:v6+s3+$0x0], $0xffff;
	[tilespmem:s20+$0x70] =	vst v8  }
0x3fa: {  	v22 =	vld.idx.msk [tilespmem:v16+s3+$0x0], $0xffff;
	[tilespmem:s20+$0xFFFFFF90] =	vst v17  }
0x3fb: {  	v32 =	vld.idx.msk [tilespmem:v7+s3+$0x0], $0xffff;
	[tilespmem:s20+$0xFFFFFFA0] =	vst v18  }
0x3fc: {  	v33 =	vld.idx.msk [tilespmem:v9+s3+$0x0], $0xffff;
	[tilespmem:s20+$0xFFFFFFB0] =	vst v19  }
0x3fd: {  	v34 =	vld.idx.msk [tilespmem:v10+s3+$0x0], $0xffff;
	[tilespmem:s20+$0xFFFFFFC0] =	vst v20  }
0x3fe: {  	v35 =	vld.idx.msk [tilespmem:v11+s3+$0x0], $0xffff;
	[tilespmem:s20+$0xFFFFFFD0] =	vst v21  }
0x3ff: {  	[tilespmem:s20+$0xFFFFFFE0] =	vst v31;
	v8 =	vld.idx.msk [tilespmem:v0+s4+$0x0], $0xffff  }
0x400: {  	v36 =	vld.idx.msk [tilespmem:v12+s3+$0x0], $0xffff;
	[tilespmem:s20+$0xFFFFFF80] =	vst v22  }
0x401: {  	v37 =	vld.idx.msk [tilespmem:v13+s3+$0x0], $0xffff;
	[tilespmem:s20+$0xFFFFFFF0] =	vst v32  }
0x402: {  	v38 =	vld.idx.msk [tilespmem:v14+s3+$0x0], $0xffff;
	[tilespmem:s20+$0x0] =	vst v33  }
0x403: {  	s21 =	simm.s32 $0x13080;
	v39 =	vld.idx.msk [tilespmem:v15+s3+$0x0], $0xffff;
	[tilespmem:s20+$0x10] =	vst v34  }
0x404: {  	v40 =	vld.idx.msk [tilespmem:v16+s4+$0x0], $0xffff;
	[tilespmem:s21+$0x70] =	vst v8  }
0x405: {  	[tilespmem:s20+$0x20] =	vst v35;
	v8 =	vld.idx.msk [tilespmem:v0+s5+$0x0], $0xffff  }
0x406: {  	[tilespmem:s20+$0x30] =	vst v36;
	v41 =	vld.idx.msk [tilespmem:v2+s4+$0x0], $0xffff  }
0x407: {  	[tilespmem:s20+$0x40] =	vst v37;
	v42 =	vld.idx.msk [tilespmem:v3+s4+$0x0], $0xffff  }
0x408: {  	[tilespmem:s20+$0x50] =	vst v38;
	v43 =	vld.idx.msk [tilespmem:v4+s4+$0x0], $0xffff  }
0x409: {  	s22 =	simm.s32 $0x14080;
	[tilespmem:s20+$0x60] =	vst v39;
	v44 =	vld.idx.msk [tilespmem:v5+s4+$0x0], $0xffff  }
0x40a: {  	v45 =	vld.idx.msk [tilespmem:v6+s4+$0x0], $0xffff;
	[tilespmem:s22+$0x70] =	vst v8  }
0x40b: {  	[tilespmem:s21+$0xFFFFFF80] =	vst v40;
	v0 =	vld.idx.msk [tilespmem:v0+s6+$0x0], $0xffff  }
0x40c: {  	v46 =	vld.idx.msk [tilespmem:v9+s4+$0x0], $0xffff;
	[tilespmem:s21+$0xFFFFFFA0] =	vst v41  }
0x40d: {  	v47 =	vld.idx.msk [tilespmem:v10+s4+$0x0], $0xffff;
	[tilespmem:s21+$0xFFFFFFB0] =	vst v42  }
0x40e: {  	v48 =	vld.idx.msk [tilespmem:v11+s4+$0x0], $0xffff;
	[tilespmem:s21+$0xFFFFFFC0] =	vst v43  }
0x40f: {  	s28 =	simm.s32 $0x15080;
	v49 =	vld.idx.msk [tilespmem:v12+s4+$0x0], $0xffff;
	[tilespmem:s21+$0xFFFFFFD0] =	vst v44  }
0x410: {  	[tilespmem:s28+$0x70] =	vst v0;
	v0 =	vld.idx.msk [tilespmem:v1+s4+$0x0], $0xffff  }
0x411: {  	v50 =	vld.idx.msk [tilespmem:v13+s4+$0x0], $0xffff;
	[tilespmem:s21+$0xFFFFFFE0] =	vst v45  }
0x412: {  	v51 =	vld.idx.msk [tilespmem:v15+s4+$0x0], $0xffff;
	[tilespmem:s21+$0x0] =	vst v46  }
0x413: {  	[tilespmem:s21+$0x10] =	vst v47;
	v21 =	vld.idx.msk [tilespmem:v16+s5+$0x0], $0xffff  }
0x414: {  	[tilespmem:s21+$0x20] =	vst v48;
	v53 =	vld.idx.msk [tilespmem:v2+s5+$0x0], $0xffff  }
0x415: {  	[tilespmem:s21+$0xFFFFFF90] =	vst v0;
	v0 =	vld.idx.msk [tilespmem:v7+s4+$0x0], $0xffff  }
0x416: {  	[tilespmem:s21+$0x30] =	vst v49;
	v54 =	vld.idx.msk [tilespmem:v3+s5+$0x0], $0xffff  }
0x417: {  	[tilespmem:s21+$0x40] =	vst v50;
	v55 =	vld.idx.msk [tilespmem:v4+s5+$0x0], $0xffff  }
0x418: {  	[tilespmem:s21+$0x60] =	vst v51;
	v56 =	vld.idx.msk [tilespmem:v6+s5+$0x0], $0xffff  }
0x419: {  	v58 =	vld.idx.msk [tilespmem:v9+s5+$0x0], $0xffff;
	[tilespmem:s22+$0xFFFFFF80] =	vst v21  }
0x41a: {  	[tilespmem:s21+$0xFFFFFFF0] =	vst v0;
	v0 =	vld.idx.msk [tilespmem:v14+s4+$0x0], $0xffff  }
0x41b: {  	v59 =	vld.idx.msk [tilespmem:v10+s5+$0x0], $0xffff;
	[tilespmem:s22+$0xFFFFFFA0] =	vst v53  }
0x41c: {  	[tilespmem:s22+$0xFFFFFFB0] =	vst v54;
	v52 =	vld.idx.msk [tilespmem:v1+s5+$0x0], $0xffff  }
0x41d: {  	v60 =	vld.idx.msk [tilespmem:v11+s5+$0x0], $0xffff;
	[tilespmem:s22+$0xFFFFFFC0] =	vst v55  }
0x41e: {  	v61 =	vld.idx.msk [tilespmem:v13+s5+$0x0], $0xffff;
	[tilespmem:s22+$0xFFFFFFE0] =	vst v56  }
0x41f: {  	[tilespmem:s21+$0x50] =	vst v0;
	v0 =	vld.idx.msk [tilespmem:v5+s5+$0x0], $0xffff  }
0x420: {  	v63 =	vld.idx.msk [tilespmem:v15+s5+$0x0], $0xffff;
	[tilespmem:s22+$0x0] =	vst v58  }
0x421: {  	[tilespmem:s22+$0xFFFFFF90] =	vst v52;
	v57 =	vld.idx.msk [tilespmem:v7+s5+$0x0], $0xffff  }
0x422: {  	[tilespmem:s22+$0x10] =	vst v59;
	v1 =	vld.idx.msk [tilespmem:v1+s6+$0x0], $0xffff  }
0x423: {  	[tilespmem:s22+$0x20] =	vst v60;
	v16 =	vld.idx.msk [tilespmem:v16+s6+$0x0], $0xffff  }
0x424: {  	[tilespmem:s22+$0xFFFFFFD0] =	vst v0;
	v0 =	vld.idx.msk [tilespmem:v12+s5+$0x0], $0xffff  }
0x425: {  	[tilespmem:s22+$0x40] =	vst v61;
	v2 =	vld.idx.msk [tilespmem:v2+s6+$0x0], $0xffff  }
0x426: {  	[tilespmem:s22+$0xFFFFFFF0] =	vst v57;
	v62 =	vld.idx.msk [tilespmem:v14+s5+$0x0], $0xffff  }
0x427: {  	[tilespmem:s28+$0xFFFFFF90] =	vst v1;
	v1 =	vld.idx.msk [tilespmem:v7+s6+$0x0], $0xffff  }
0x428: {  	[tilespmem:s22+$0x60] =	vst v63;
	v6 =	vld.idx.msk [tilespmem:v6+s6+$0x0], $0xffff  }
0x429: {  	[tilespmem:s22+$0x30] =	vst v0;
	v0 =	vld.idx.msk [tilespmem:v3+s6+$0x0], $0xffff  }
0x42a: {  	[tilespmem:s28+$0xFFFFFF80] =	vst v16;
	v3 =	vld.idx.msk [tilespmem:v4+s6+$0x0], $0xffff  }
0x42b: {  	v7 =	vld.idx.msk [tilespmem:v9+s6+$0x0], $0xffff;
	[tilespmem:s22+$0x50] =	vst v62  }
0x42c: {  	[tilespmem:s28+$0xFFFFFFF0] =	vst v1;
	v1 =	vld.idx.msk [tilespmem:v14+s6+$0x0], $0xffff  }
0x42d: {  	[tilespmem:s28+$0xFFFFFFA0] =	vst v2;
	v4 =	vld.idx.msk [tilespmem:v5+s6+$0x0], $0xffff  }
0x42e: {  	[tilespmem:s28+$0xFFFFFFE0] =	vst v6;
	v5 =	vld.idx.msk [tilespmem:v10+s6+$0x0], $0xffff  }
0x42f: {  	[tilespmem:s28+$0xFFFFFFC0] =	vst v3;
	v3 =	vld.idx.msk [tilespmem:v11+s6+$0x0], $0xffff  }
0x430: {  	[tilespmem:s28+$0x0] =	vst v7;
	v2 =	vld.idx.msk [tilespmem:v12+s6+$0x0], $0xffff  }
0x431: {  	[tilespmem:s28+$0xFFFFFFB0] =	vst v0;
	v0 =	vld.idx.msk [tilespmem:v13+s6+$0x0], $0xffff  }
0x432: {  	s18 =	simm.s32 $0x0;
	s17 =	sshll.u32 s7, $0x1;
	s8 =	simm.s32 $0x180;
	[tilespmem:s28+$0xFFFFFFD0] =	vst v4;
	v4 =	vld.idx.msk [tilespmem:v15+s6+$0x0], $0xffff  }
.LBB2_23:
0x433: {  	v15 =	vld [tilespmem:s8+$0x70];
	s18 =	sadd.s32 $0x10, s18;
	[tilespmem:s28+$0x10] =	vst v5  }
0x434: {  	v7 =	vld [tilespmem:s8+$0xFFFFFF90];
	p1 =	slt.u32 s18, $0xF0;
	[tilespmem:s28+$0x20] =	vst v3  }
0x435: {  	v10 =	vld [tilespmem:s8+$0xFFFFFFA0];
	[tilespmem:s28+$0x30] =	vst v2  }
0x436: {  	v11 =	vld [tilespmem:s8+$0xFFFFFFB0];
	[tilespmem:s28+$0x40] =	vst v0  }
0x437: {  	v12 =	vld [tilespmem:s8+$0xFFFFFFC0];
	[tilespmem:s28+$0x50] =	vst v1  }
0x438: {  	v13 =	vld [tilespmem:s8+$0xFFFFFFD0];
	[tilespmem:s28+$0x60] =	vst v4  }
0x439: {  	v8 =	vld [tilespmem:s8+$0xFFFFFFE0]  }
0x43a: {  	v5 =	vld [tilespmem:s8+$0xFFFFFFF0]  }
0x43b: {  	v4 =	vld.idx.msk [tilespmem:v15+s3+$0x0], $0xffff  }
0x43c: {  	v9 =	vld [tilespmem:s8+$0x0]  }
0x43d: {  	v6 =	vld [tilespmem:s8+$0x10]  }
0x43e: {  	v3 =	vld [tilespmem:s8+$0x20]  }
0x43f: {  	v2 =	vld [tilespmem:s8+$0x30]  }
0x440: {  	s20 =	sadd.s32 $0x100, s20;
	v0 =	vld [tilespmem:s8+$0x40]  }
0x441: {  	v1 =	vld [tilespmem:s8+$0x50];
	[tilespmem:s20+$0x70] =	vst v4  }
0x442: {  	v16 =	vld.idx.msk [tilespmem:v15+s4+$0x0], $0xffff  }
0x443: {  	v4 =	vld [tilespmem:s8+$0x60]  }
0x444: {  	v14 =	vld [tilespmem:s8+$0xFFFFFF80]  }
0x445: {  	v17 =	vld.idx.msk [tilespmem:v7+s3+$0x0], $0xffff  }
0x446: {  	v18 =	vld.idx.msk [tilespmem:v10+s3+$0x0], $0xffff  }
0x447: {  	s21 =	sadd.s32 $0x100, s21;
	v19 =	vld.idx.msk [tilespmem:v11+s3+$0x0], $0xffff  }
0x448: {  	v20 =	vld.idx.msk [tilespmem:v12+s3+$0x0], $0xffff;
	[tilespmem:s21+$0x70] =	vst v16  }
0x449: {  	v16 =	vld.idx.msk [tilespmem:v15+s5+$0x0], $0xffff  }
0x44a: {  	v21 =	vld.idx.msk [tilespmem:v13+s3+$0x0], $0xffff  }
0x44b: {  	[tilespmem:s20+$0xFFFFFF90] =	vst v17;
	v17 =	vld.idx.msk [tilespmem:v8+s3+$0x0], $0xffff  }
0x44c: {  	v22 =	vld.idx.msk [tilespmem:v14+s3+$0x0], $0xffff;
	[tilespmem:s20+$0xFFFFFFA0] =	vst v18  }
0x44d: {  	[tilespmem:s20+$0xFFFFFFB0] =	vst v19;
	v18 =	vld.idx.msk [tilespmem:v5+s3+$0x0], $0xffff  }
0x44e: {  	s22 =	sadd.s32 $0x100, s22;
	[tilespmem:s20+$0xFFFFFFC0] =	vst v20;
	v19 =	vld.idx.msk [tilespmem:v9+s3+$0x0], $0xffff  }
0x44f: {  	v20 =	vld.idx.msk [tilespmem:v6+s3+$0x0], $0xffff;
	[tilespmem:s22+$0x70] =	vst v16  }
0x450: {  	[tilespmem:s20+$0xFFFFFFD0] =	vst v21;
	v15 =	vld.idx.msk [tilespmem:v15+s6+$0x0], $0xffff  }
0x451: {  	[tilespmem:s20+$0xFFFFFFE0] =	vst v17;
	v16 =	vld.idx.msk [tilespmem:v3+s3+$0x0], $0xffff  }
0x452: {  	[tilespmem:s20+$0xFFFFFF80] =	vst v22;
	v17 =	vld.idx.msk [tilespmem:v2+s3+$0x0], $0xffff  }
0x453: {  	[tilespmem:s20+$0xFFFFFFF0] =	vst v18;
	v18 =	vld.idx.msk [tilespmem:v0+s3+$0x0], $0xffff  }
0x454: {  	[tilespmem:s20+$0x0] =	vst v19;
	v19 =	vld.idx.msk [tilespmem:v1+s3+$0x0], $0xffff  }
0x455: {  	s28 =	sadd.s32 $0x100, s28;
	[tilespmem:s20+$0x10] =	vst v20;
	v20 =	vld.idx.msk [tilespmem:v4+s3+$0x0], $0xffff  }
0x456: {  	v21 =	vld.idx.msk [tilespmem:v14+s4+$0x0], $0xffff;
	[tilespmem:s28+$0x70] =	vst v15  }
0x457: {  	v15 =	vld.idx.msk [tilespmem:v7+s4+$0x0], $0xffff;
	[tilespmem:s20+$0x20] =	vst v16  }
0x458: {  	v16 =	vld.idx.msk [tilespmem:v10+s4+$0x0], $0xffff;
	[tilespmem:s20+$0x30] =	vst v17  }
0x459: {  	v17 =	vld.idx.msk [tilespmem:v11+s4+$0x0], $0xffff;
	[tilespmem:s20+$0x40] =	vst v18  }
0x45a: {  	v18 =	vld.idx.msk [tilespmem:v12+s4+$0x0], $0xffff;
	[tilespmem:s20+$0x50] =	vst v19  }
0x45b: {  	v19 =	vld.idx.msk [tilespmem:v13+s4+$0x0], $0xffff;
	[tilespmem:s20+$0x60] =	vst v20  }
0x45c: {  	[tilespmem:s21+$0xFFFFFF80] =	vst v21;
	v20 =	vld.idx.msk [tilespmem:v8+s4+$0x0], $0xffff  }
0x45d: {  	[tilespmem:s21+$0xFFFFFF90] =	vst v15;
	v15 =	vld.idx.msk [tilespmem:v5+s4+$0x0], $0xffff  }
0x45e: {  	[tilespmem:s21+$0xFFFFFFA0] =	vst v16;
	v16 =	vld.idx.msk [tilespmem:v9+s4+$0x0], $0xffff  }
0x45f: {  	[tilespmem:s21+$0xFFFFFFB0] =	vst v17;
	v17 =	vld.idx.msk [tilespmem:v6+s4+$0x0], $0xffff  }
0x460: {  	[tilespmem:s21+$0xFFFFFFC0] =	vst v18;
	v18 =	vld.idx.msk [tilespmem:v3+s4+$0x0], $0xffff  }
0x461: {  	[tilespmem:s21+$0xFFFFFFD0] =	vst v19;
	v19 =	vld.idx.msk [tilespmem:v2+s4+$0x0], $0xffff  }
0x462: {  	[tilespmem:s21+$0xFFFFFFE0] =	vst v20;
	v20 =	vld.idx.msk [tilespmem:v0+s4+$0x0], $0xffff  }
0x463: {  	[tilespmem:s21+$0xFFFFFFF0] =	vst v15;
	v15 =	vld.idx.msk [tilespmem:v1+s4+$0x0], $0xffff  }
0x464: {  	[tilespmem:s21+$0x0] =	vst v16;
	v16 =	vld.idx.msk [tilespmem:v4+s4+$0x0], $0xffff  }
0x465: {  	v21 =	vld.idx.msk [tilespmem:v14+s5+$0x0], $0xffff;
	[tilespmem:s21+$0x10] =	vst v17  }
0x466: {  	v17 =	vld.idx.msk [tilespmem:v7+s5+$0x0], $0xffff;
	[tilespmem:s21+$0x20] =	vst v18  }
0x467: {  	v18 =	vld.idx.msk [tilespmem:v10+s5+$0x0], $0xffff;
	[tilespmem:s21+$0x30] =	vst v19  }
0x468: {  	v19 =	vld.idx.msk [tilespmem:v11+s5+$0x0], $0xffff;
	[tilespmem:s21+$0x40] =	vst v20  }
0x469: {  	v20 =	vld.idx.msk [tilespmem:v12+s5+$0x0], $0xffff;
	[tilespmem:s21+$0x50] =	vst v15  }
0x46a: {  	v15 =	vld.idx.msk [tilespmem:v13+s5+$0x0], $0xffff;
	[tilespmem:s21+$0x60] =	vst v16  }
0x46b: {  	[tilespmem:s22+$0xFFFFFF80] =	vst v21;
	v16 =	vld.idx.msk [tilespmem:v8+s5+$0x0], $0xffff  }
0x46c: {  	[tilespmem:s22+$0xFFFFFF90] =	vst v17;
	v17 =	vld.idx.msk [tilespmem:v5+s5+$0x0], $0xffff  }
0x46d: {  	[tilespmem:s22+$0xFFFFFFA0] =	vst v18;
	v18 =	vld.idx.msk [tilespmem:v9+s5+$0x0], $0xffff  }
0x46e: {  	[tilespmem:s22+$0xFFFFFFB0] =	vst v19;
	v19 =	vld.idx.msk [tilespmem:v6+s5+$0x0], $0xffff  }
0x46f: {  	[tilespmem:s22+$0xFFFFFFC0] =	vst v20;
	v20 =	vld.idx.msk [tilespmem:v3+s5+$0x0], $0xffff  }
0x470: {  	[tilespmem:s22+$0xFFFFFFD0] =	vst v15;
	v15 =	vld.idx.msk [tilespmem:v2+s5+$0x0], $0xffff  }
0x471: {  	[tilespmem:s22+$0xFFFFFFE0] =	vst v16;
	v16 =	vld.idx.msk [tilespmem:v0+s5+$0x0], $0xffff  }
0x472: {  	[tilespmem:s22+$0xFFFFFFF0] =	vst v17;
	v17 =	vld.idx.msk [tilespmem:v1+s5+$0x0], $0xffff  }
0x473: {  	[tilespmem:s22+$0x0] =	vst v18;
	v18 =	vld.idx.msk [tilespmem:v4+s5+$0x0], $0xffff  }
0x474: {  	v14 =	vld.idx.msk [tilespmem:v14+s6+$0x0], $0xffff;
	[tilespmem:s22+$0x10] =	vst v19  }
0x475: {  	v7 =	vld.idx.msk [tilespmem:v7+s6+$0x0], $0xffff;
	[tilespmem:s22+$0x20] =	vst v20  }
0x476: {  	v10 =	vld.idx.msk [tilespmem:v10+s6+$0x0], $0xffff;
	[tilespmem:s22+$0x30] =	vst v15  }
0x477: {  	v11 =	vld.idx.msk [tilespmem:v11+s6+$0x0], $0xffff;
	[tilespmem:s22+$0x40] =	vst v16  }
0x478: {  	v12 =	vld.idx.msk [tilespmem:v12+s6+$0x0], $0xffff;
	[tilespmem:s22+$0x50] =	vst v17  }
0x479: {  	v13 =	vld.idx.msk [tilespmem:v13+s6+$0x0], $0xffff;
	[tilespmem:s22+$0x60] =	vst v18  }
0x47a: {  	[tilespmem:s28+$0xFFFFFF80] =	vst v14;
	v8 =	vld.idx.msk [tilespmem:v8+s6+$0x0], $0xffff  }
0x47b: {  	[tilespmem:s28+$0xFFFFFF90] =	vst v7;
	v7 =	vld.idx.msk [tilespmem:v5+s6+$0x0], $0xffff  }
0x47c: {  	[tilespmem:s28+$0xFFFFFFA0] =	vst v10;
	v9 =	vld.idx.msk [tilespmem:v9+s6+$0x0], $0xffff  }
0x47d: {  	[tilespmem:s28+$0xFFFFFFB0] =	vst v11;
	v5 =	vld.idx.msk [tilespmem:v6+s6+$0x0], $0xffff  }
.Ltmp12:
0x47e: {  	[tilespmem:s28+$0xFFFFFFC0] =	vst v12;
	v3 =	vld.idx.msk [tilespmem:v3+s6+$0x0], $0xffff;
	(pc) =	sbr.rel @p1 .LBB2_23-.Ltmp12, $4  }
0x47f: {  	[tilespmem:s28+$0xFFFFFFD0] =	vst v13;
	v2 =	vld.idx.msk [tilespmem:v2+s6+$0x0], $0xffff  }
0x480: {  	[tilespmem:s28+$0xFFFFFFE0] =	vst v8;
	v0 =	vld.idx.msk [tilespmem:v0+s6+$0x0], $0xffff  }
0x481: {  	[tilespmem:s28+$0xFFFFFFF0] =	vst v7;
	v1 =	vld.idx.msk [tilespmem:v1+s6+$0x0], $0xffff  }
0x482: {  	s8 =	sadd.s32 $0x100, s8;
	[tilespmem:s28+$0x0] =	vst v9;
	v4 =	vld.idx.msk [tilespmem:v4+s6+$0x0], $0xffff  }
0x483: {  	[tilespmem:s28+$0x10] =	vst v5  }
0x484: {  	[tilespmem:s28+$0x20] =	vst v3  }
0x485: {  	[tilespmem:s28+$0x30] =	vst v2  }
0x486: {  	s8 =	rddreg [dreg:$0x15];
	[tilespmem:s28+$0x40] =	vst v0  }
0x487: {  	s20 =	sor.u32 s8, s23;
	[tilespmem:s28+$0x50] =	vst v1  }
0x488: {  	s8 =	sor.u32 s24, s20;
	[tilespmem:s28+$0x60] =	vst v4  }
0x489: {  	s8 =	sshrl.u32 s8, $0x3;
	s22 =	rddreg [dreg:$0x16]  }
0x48a: {  	s8 =	sadd.s32 s29, s8;
	s21 =	sor.u32 s22, s23  }
0x48b: {  	[hbm4b:s8+s1] =	stream.strided.scatter [tilespmem:s10], [sflag:$0x3], $0x1000, s2, s1, $0x38;
	[tilespmem:$0x1A000] =	vst v63  }
0x48c: {  	s8 =	sor.u32 s24, s21  }
0x48d: {  	s28 =	rddreg [dreg:$0x17];
	s8 =	sshrl.u32 s8, $0x3  }
0x48e: {  	s22 =	sor.u32 s28, s23;
	s8 =	sadd.s32 s29, s8  }
0x48f: {  	[hbm4b:s8+s1] =	stream.strided.scatter [tilespmem:s11], [sflag:$0x3], $0x1000, s2, s1, $0x38;
	[tilespmem:$0x1A000] =	vst v63  }
0x490: {  	s8 =	sor.u32 s24, s22  }
0x491: {  	s8 =	sshrl.u32 s8, $0x3  }
0x492: {  	p1 =	sne.s32 s7, $0xF;
	s30 =	rddreg [dreg:$0x18];
	s8 =	sadd.s32 s29, s8  }
0x493: {  	[hbm4b:s8+s1] =	stream.strided.scatter [tilespmem:s12], [sflag:$0x3], $0x1000, s2, s1, $0x38;
	[tilespmem:$0x1A000] =	vst v63  }
.Ltmp13:
0x494: {  	s23 =	sor.u32 s30, s23;
	(pc) =	sbr.rel @p1 .LBB2_26-.Ltmp13, $4  }
0x495: {  	s8 =	sor.u32 s24, s23  }
0x496: {  	s8 =	sshrl.u32 s8, $0x3  }
0x497: {  	s8 =	sadd.s32 s29, s8  }
0x498: {  	[hbm4b:s8+s1] =	stream.strided.scatter [tilespmem:s13], [sflag:$0x3], $0x1000, s2, s1, $0x38;
	[tilespmem:$0x1A000] =	vst v63  }
.Ltmp14:
0x499: {  	(pc) =	sbr.rel .LBB2_27-.Ltmp14, $4  }
0x49a: {  	_ = 	snop  }
0x49b: {  	_ =	swait.ge [sflag:s9], $0x1000  }
0x49c: {  	[sflag:s9] =	ssyncset.done $0x0  }
0x49d: {  	[sflag:s9] =	ssyncadd.s32 $0xFFFFF000  }
.LBB2_26:
0x49e: {  	s8 =	sadd.s32 $0x2, s17  }
0x49f: {  	s17 =	sshll.u32 s8, $0xC  }
0x4a0: {  	s8 =	sshll.u32 s8, $0x7;
	s17 =	sand.u32 $0x38000, s17  }
0x4a1: {  	s8 =	sand.u32 $0x300, s8;
	s17 =	sadd.s32 s31, s17  }
0x4a2: {  	s8 =	sor.u32 s8, s17  }
0x4a3: {  	s8 =	sshrl.u32 s8, $0x3  }
.Ltmp15:
0x4a4: {  	s30 =	simm.s32 $0x0;
	s8 =	sadd.s32 s26, s8;
	(pc) =	sbr.rel @p0 .LBB2_28-.Ltmp15, $4  }
0x4a5: {  	[tilespmem:s30], [sflag:$0x2] =	stream.strided.gather [hbm4b:s8+s1], $0x1000, s2, s1, $0x38;
	[tilespmem:$0x1A000] =	vst v63  }
0x4a6: {  	_ =	swait.ge [sflag:s9], $0x1000  }
0x4a7: {  	[sflag:s9] =	ssyncset.done $0x0  }
0x4a8: {  	[sflag:s9] =	ssyncadd.s32 $0xFFFFF000  }
.LBB2_27:
0x4a9: {  	_ =	swait.ge [sflag:s14], $0x1000  }
0x4aa: {  	[sflag:s14] =	ssyncset.done $0x0  }
0x4ab: {  	[sflag:s14] =	ssyncadd.s32 $0xFFFFF000  }
0x4ac: {  	_ =	swait.ge [sflag:s14], $0x1000  }
0x4ad: {  	[sflag:s14] =	ssyncset.done $0x0  }
0x4ae: {  	[sflag:s14] =	ssyncadd.s32 $0xFFFFF000  }
0x4af: {  	_ =	swait.ge [sflag:s14], $0x1000  }
0x4b0: {  	[sflag:s14] =	ssyncset.done $0x0  }
0x4b1: {  	[sflag:s14] =	ssyncadd.s32 $0xFFFFF000  }
0x4b2: {  	_ =	swait.ge [sflag:s14], $0x1000  }
0x4b3: {  	[sflag:s14] =	ssyncset.done $0x0  }
0x4b4: {  	[sflag:s14] =	ssyncadd.s32 $0xFFFFF000  }
.LBB2_28:
0x4b5: {  	s8 =	simm.s32 $0x1080  }
0x4b6: {  	v0 =	vld [tilespmem:s8+$0x70]  }
0x4b7: {  	v1 =	vld [tilespmem:s8+$0xFFFFFF90]  }
0x4b8: {  	v2 =	vld [tilespmem:s8+$0xFFFFFFA0]  }
0x4b9: {  	v3 =	vld [tilespmem:s8+$0xFFFFFFB0]  }
0x4ba: {  	v4 =	vld [tilespmem:s8+$0xFFFFFFC0]  }
0x4bb: {  	v5 =	vld [tilespmem:s8+$0xFFFFFFD0]  }
0x4bc: {  	v6 =	vld [tilespmem:s8+$0xFFFFFFE0]  }
0x4bd: {  	v7 =	vld [tilespmem:s8+$0xFFFFFFF0]  }
0x4be: {  	v9 =	vld [tilespmem:s8+$0x0]  }
0x4bf: {  	v10 =	vld [tilespmem:s8+$0x10]  }
0x4c0: {  	v11 =	vld [tilespmem:s8+$0x20]  }
0x4c1: {  	v12 =	vld [tilespmem:s8+$0x30]  }
0x4c2: {  	v13 =	vld [tilespmem:s8+$0x40]  }
0x4c3: {  	v14 =	vld [tilespmem:s8+$0x50]  }
0x4c4: {  	v15 =	vld [tilespmem:s8+$0x60]  }
0x4c5: {  	v16 =	vld [tilespmem:s8+$0xFFFFFF80]  }
0x4c6: {  	v8 =	vld.idx.msk [tilespmem:v0+s3+$0x0], $0xffff  }
0x4c7: {  	v17 =	vld.idx.msk [tilespmem:v1+s3+$0x0], $0xffff  }
0x4c8: {  	v18 =	vld.idx.msk [tilespmem:v2+s3+$0x0], $0xffff  }
0x4c9: {  	v19 =	vld.idx.msk [tilespmem:v3+s3+$0x0], $0xffff  }
0x4ca: {  	v20 =	vld.idx.msk [tilespmem:v4+s3+$0x0], $0xffff  }
0x4cb: {  	s24 =	simm.s32 $0x16080;
	v21 =	vld.idx.msk [tilespmem:v5+s3+$0x0], $0xffff  }
0x4cc: {  	v31 =	vld.idx.msk [tilespmem:v6+s3+$0x0], $0xffff;
	[tilespmem:s24+$0x70] =	vst v8  }
0x4cd: {  	v22 =	vld.idx.msk [tilespmem:v16+s3+$0x0], $0xffff;
	[tilespmem:s24+$0xFFFFFF90] =	vst v17  }
0x4ce: {  	v32 =	vld.idx.msk [tilespmem:v7+s3+$0x0], $0xffff;
	[tilespmem:s24+$0xFFFFFFA0] =	vst v18  }
0x4cf: {  	v33 =	vld.idx.msk [tilespmem:v9+s3+$0x0], $0xffff;
	[tilespmem:s24+$0xFFFFFFB0] =	vst v19  }
0x4d0: {  	v34 =	vld.idx.msk [tilespmem:v10+s3+$0x0], $0xffff;
	[tilespmem:s24+$0xFFFFFFC0] =	vst v20  }
0x4d1: {  	v35 =	vld.idx.msk [tilespmem:v11+s3+$0x0], $0xffff;
	[tilespmem:s24+$0xFFFFFFD0] =	vst v21  }
0x4d2: {  	[tilespmem:s24+$0xFFFFFFE0] =	vst v31;
	v8 =	vld.idx.msk [tilespmem:v0+s4+$0x0], $0xffff  }
0x4d3: {  	v36 =	vld.idx.msk [tilespmem:v12+s3+$0x0], $0xffff;
	[tilespmem:s24+$0xFFFFFF80] =	vst v22  }
0x4d4: {  	v37 =	vld.idx.msk [tilespmem:v13+s3+$0x0], $0xffff;
	[tilespmem:s24+$0xFFFFFFF0] =	vst v32  }
0x4d5: {  	v38 =	vld.idx.msk [tilespmem:v14+s3+$0x0], $0xffff;
	[tilespmem:s24+$0x0] =	vst v33  }
0x4d6: {  	s28 =	simm.s32 $0x17080;
	v39 =	vld.idx.msk [tilespmem:v15+s3+$0x0], $0xffff;
	[tilespmem:s24+$0x10] =	vst v34  }
0x4d7: {  	v40 =	vld.idx.msk [tilespmem:v16+s4+$0x0], $0xffff;
	[tilespmem:s28+$0x70] =	vst v8  }
0x4d8: {  	[tilespmem:s24+$0x20] =	vst v35;
	v8 =	vld.idx.msk [tilespmem:v0+s5+$0x0], $0xffff  }
0x4d9: {  	[tilespmem:s24+$0x30] =	vst v36;
	v41 =	vld.idx.msk [tilespmem:v2+s4+$0x0], $0xffff  }
0x4da: {  	[tilespmem:s24+$0x40] =	vst v37;
	v42 =	vld.idx.msk [tilespmem:v3+s4+$0x0], $0xffff  }
0x4db: {  	[tilespmem:s24+$0x50] =	vst v38;
	v43 =	vld.idx.msk [tilespmem:v4+s4+$0x0], $0xffff  }
0x4dc: {  	s30 =	simm.s32 $0x18080;
	[tilespmem:s24+$0x60] =	vst v39;
	v44 =	vld.idx.msk [tilespmem:v5+s4+$0x0], $0xffff  }
0x4dd: {  	v45 =	vld.idx.msk [tilespmem:v6+s4+$0x0], $0xffff;
	[tilespmem:s30+$0x70] =	vst v8  }
0x4de: {  	[tilespmem:s28+$0xFFFFFF80] =	vst v40;
	v0 =	vld.idx.msk [tilespmem:v0+s6+$0x0], $0xffff  }
0x4df: {  	v46 =	vld.idx.msk [tilespmem:v9+s4+$0x0], $0xffff;
	[tilespmem:s28+$0xFFFFFFA0] =	vst v41  }
0x4e0: {  	v47 =	vld.idx.msk [tilespmem:v10+s4+$0x0], $0xffff;
	[tilespmem:s28+$0xFFFFFFB0] =	vst v42  }
0x4e1: {  	v48 =	vld.idx.msk [tilespmem:v11+s4+$0x0], $0xffff;
	[tilespmem:s28+$0xFFFFFFC0] =	vst v43  }
0x4e2: {  	s17 =	simm.s32 $0x19080;
	v49 =	vld.idx.msk [tilespmem:v12+s4+$0x0], $0xffff;
	[tilespmem:s28+$0xFFFFFFD0] =	vst v44  }
0x4e3: {  	[tilespmem:s17+$0x70] =	vst v0;
	v0 =	vld.idx.msk [tilespmem:v1+s4+$0x0], $0xffff  }
0x4e4: {  	v50 =	vld.idx.msk [tilespmem:v13+s4+$0x0], $0xffff;
	[tilespmem:s28+$0xFFFFFFE0] =	vst v45  }
0x4e5: {  	v51 =	vld.idx.msk [tilespmem:v15+s4+$0x0], $0xffff;
	[tilespmem:s28+$0x0] =	vst v46  }
0x4e6: {  	[tilespmem:s28+$0x10] =	vst v47;
	v21 =	vld.idx.msk [tilespmem:v16+s5+$0x0], $0xffff  }
0x4e7: {  	[tilespmem:s28+$0x20] =	vst v48;
	v53 =	vld.idx.msk [tilespmem:v2+s5+$0x0], $0xffff  }
0x4e8: {  	[tilespmem:s28+$0xFFFFFF90] =	vst v0;
	v0 =	vld.idx.msk [tilespmem:v7+s4+$0x0], $0xffff  }
0x4e9: {  	[tilespmem:s28+$0x30] =	vst v49;
	v54 =	vld.idx.msk [tilespmem:v3+s5+$0x0], $0xffff  }
0x4ea: {  	[tilespmem:s28+$0x40] =	vst v50;
	v55 =	vld.idx.msk [tilespmem:v4+s5+$0x0], $0xffff  }
0x4eb: {  	[tilespmem:s28+$0x60] =	vst v51;
	v56 =	vld.idx.msk [tilespmem:v6+s5+$0x0], $0xffff  }
0x4ec: {  	v58 =	vld.idx.msk [tilespmem:v9+s5+$0x0], $0xffff;
	[tilespmem:s30+$0xFFFFFF80] =	vst v21  }
0x4ed: {  	[tilespmem:s28+$0xFFFFFFF0] =	vst v0;
	v0 =	vld.idx.msk [tilespmem:v14+s4+$0x0], $0xffff  }
0x4ee: {  	v59 =	vld.idx.msk [tilespmem:v10+s5+$0x0], $0xffff;
	[tilespmem:s30+$0xFFFFFFA0] =	vst v53  }
0x4ef: {  	[tilespmem:s30+$0xFFFFFFB0] =	vst v54;
	v52 =	vld.idx.msk [tilespmem:v1+s5+$0x0], $0xffff  }
0x4f0: {  	v60 =	vld.idx.msk [tilespmem:v11+s5+$0x0], $0xffff;
	[tilespmem:s30+$0xFFFFFFC0] =	vst v55  }
0x4f1: {  	v61 =	vld.idx.msk [tilespmem:v13+s5+$0x0], $0xffff;
	[tilespmem:s30+$0xFFFFFFE0] =	vst v56  }
0x4f2: {  	[tilespmem:s28+$0x50] =	vst v0;
	v0 =	vld.idx.msk [tilespmem:v5+s5+$0x0], $0xffff  }
0x4f3: {  	v63 =	vld.idx.msk [tilespmem:v15+s5+$0x0], $0xffff;
	[tilespmem:s30+$0x0] =	vst v58  }
0x4f4: {  	[tilespmem:s30+$0xFFFFFF90] =	vst v52;
	v57 =	vld.idx.msk [tilespmem:v7+s5+$0x0], $0xffff  }
0x4f5: {  	[tilespmem:s30+$0x10] =	vst v59;
	v1 =	vld.idx.msk [tilespmem:v1+s6+$0x0], $0xffff  }
0x4f6: {  	[tilespmem:s30+$0x20] =	vst v60;
	v16 =	vld.idx.msk [tilespmem:v16+s6+$0x0], $0xffff  }
0x4f7: {  	[tilespmem:s30+$0xFFFFFFD0] =	vst v0;
	v0 =	vld.idx.msk [tilespmem:v12+s5+$0x0], $0xffff  }
0x4f8: {  	[tilespmem:s30+$0x40] =	vst v61;
	v2 =	vld.idx.msk [tilespmem:v2+s6+$0x0], $0xffff  }
0x4f9: {  	[tilespmem:s30+$0xFFFFFFF0] =	vst v57;
	v62 =	vld.idx.msk [tilespmem:v14+s5+$0x0], $0xffff  }
0x4fa: {  	[tilespmem:s17+$0xFFFFFF90] =	vst v1;
	v1 =	vld.idx.msk [tilespmem:v7+s6+$0x0], $0xffff  }
0x4fb: {  	[tilespmem:s30+$0x60] =	vst v63;
	v6 =	vld.idx.msk [tilespmem:v6+s6+$0x0], $0xffff  }
0x4fc: {  	[tilespmem:s30+$0x30] =	vst v0;
	v0 =	vld.idx.msk [tilespmem:v3+s6+$0x0], $0xffff  }
0x4fd: {  	[tilespmem:s17+$0xFFFFFF80] =	vst v16;
	v3 =	vld.idx.msk [tilespmem:v4+s6+$0x0], $0xffff  }
0x4fe: {  	v7 =	vld.idx.msk [tilespmem:v9+s6+$0x0], $0xffff;
	[tilespmem:s30+$0x50] =	vst v62  }
0x4ff: {  	[tilespmem:s17+$0xFFFFFFF0] =	vst v1;
	v1 =	vld.idx.msk [tilespmem:v14+s6+$0x0], $0xffff  }
0x500: {  	[tilespmem:s17+$0xFFFFFFA0] =	vst v2;
	v4 =	vld.idx.msk [tilespmem:v5+s6+$0x0], $0xffff  }
0x501: {  	[tilespmem:s17+$0xFFFFFFE0] =	vst v6;
	v5 =	vld.idx.msk [tilespmem:v10+s6+$0x0], $0xffff  }
0x502: {  	[tilespmem:s17+$0xFFFFFFC0] =	vst v3;
	v3 =	vld.idx.msk [tilespmem:v11+s6+$0x0], $0xffff  }
0x503: {  	[tilespmem:s17+$0x0] =	vst v7;
	v2 =	vld.idx.msk [tilespmem:v12+s6+$0x0], $0xffff  }
0x504: {  	[tilespmem:s17+$0xFFFFFFB0] =	vst v0;
	v0 =	vld.idx.msk [tilespmem:v13+s6+$0x0], $0xffff  }
0x505: {  	s18 =	simm.s32 $0x0;
	s8 =	simm.s32 $0x1180;
	[tilespmem:s17+$0xFFFFFFD0] =	vst v4;
	v4 =	vld.idx.msk [tilespmem:v15+s6+$0x0], $0xffff  }
.LBB2_29:
0x506: {  	v15 =	vld [tilespmem:s8+$0x70];
	s18 =	sadd.s32 $0x10, s18;
	[tilespmem:s17+$0x10] =	vst v5  }
0x507: {  	v7 =	vld [tilespmem:s8+$0xFFFFFF90];
	p0 =	slt.u32 s18, $0xF0;
	[tilespmem:s17+$0x20] =	vst v3  }
0x508: {  	v10 =	vld [tilespmem:s8+$0xFFFFFFA0];
	[tilespmem:s17+$0x30] =	vst v2  }
0x509: {  	v11 =	vld [tilespmem:s8+$0xFFFFFFB0];
	[tilespmem:s17+$0x40] =	vst v0  }
0x50a: {  	v12 =	vld [tilespmem:s8+$0xFFFFFFC0];
	[tilespmem:s17+$0x50] =	vst v1  }
0x50b: {  	v13 =	vld [tilespmem:s8+$0xFFFFFFD0];
	[tilespmem:s17+$0x60] =	vst v4  }
0x50c: {  	v8 =	vld [tilespmem:s8+$0xFFFFFFE0]  }
0x50d: {  	v5 =	vld [tilespmem:s8+$0xFFFFFFF0]  }
0x50e: {  	v4 =	vld.idx.msk [tilespmem:v15+s3+$0x0], $0xffff  }
0x50f: {  	v9 =	vld [tilespmem:s8+$0x0]  }
0x510: {  	v6 =	vld [tilespmem:s8+$0x10]  }
0x511: {  	v3 =	vld [tilespmem:s8+$0x20]  }
0x512: {  	v2 =	vld [tilespmem:s8+$0x30]  }
0x513: {  	s24 =	sadd.s32 $0x100, s24;
	v0 =	vld [tilespmem:s8+$0x40]  }
0x514: {  	v1 =	vld [tilespmem:s8+$0x50];
	[tilespmem:s24+$0x70] =	vst v4  }
0x515: {  	v16 =	vld.idx.msk [tilespmem:v15+s4+$0x0], $0xffff  }
0x516: {  	v4 =	vld [tilespmem:s8+$0x60]  }
0x517: {  	v14 =	vld [tilespmem:s8+$0xFFFFFF80]  }
0x518: {  	v17 =	vld.idx.msk [tilespmem:v7+s3+$0x0], $0xffff  }
0x519: {  	v18 =	vld.idx.msk [tilespmem:v10+s3+$0x0], $0xffff  }
0x51a: {  	s28 =	sadd.s32 $0x100, s28;
	v19 =	vld.idx.msk [tilespmem:v11+s3+$0x0], $0xffff  }
0x51b: {  	v20 =	vld.idx.msk [tilespmem:v12+s3+$0x0], $0xffff;
	[tilespmem:s28+$0x70] =	vst v16  }
0x51c: {  	v16 =	vld.idx.msk [tilespmem:v15+s5+$0x0], $0xffff  }
0x51d: {  	v21 =	vld.idx.msk [tilespmem:v13+s3+$0x0], $0xffff  }
0x51e: {  	[tilespmem:s24+$0xFFFFFF90] =	vst v17;
	v17 =	vld.idx.msk [tilespmem:v8+s3+$0x0], $0xffff  }
0x51f: {  	v22 =	vld.idx.msk [tilespmem:v14+s3+$0x0], $0xffff;
	[tilespmem:s24+$0xFFFFFFA0] =	vst v18  }
0x520: {  	[tilespmem:s24+$0xFFFFFFB0] =	vst v19;
	v18 =	vld.idx.msk [tilespmem:v5+s3+$0x0], $0xffff  }
0x521: {  	s30 =	sadd.s32 $0x100, s30;
	[tilespmem:s24+$0xFFFFFFC0] =	vst v20;
	v19 =	vld.idx.msk [tilespmem:v9+s3+$0x0], $0xffff  }
0x522: {  	v20 =	vld.idx.msk [tilespmem:v6+s3+$0x0], $0xffff;
	[tilespmem:s30+$0x70] =	vst v16  }
0x523: {  	[tilespmem:s24+$0xFFFFFFD0] =	vst v21;
	v15 =	vld.idx.msk [tilespmem:v15+s6+$0x0], $0xffff  }
0x524: {  	[tilespmem:s24+$0xFFFFFFE0] =	vst v17;
	v16 =	vld.idx.msk [tilespmem:v3+s3+$0x0], $0xffff  }
0x525: {  	[tilespmem:s24+$0xFFFFFF80] =	vst v22;
	v17 =	vld.idx.msk [tilespmem:v2+s3+$0x0], $0xffff  }
0x526: {  	[tilespmem:s24+$0xFFFFFFF0] =	vst v18;
	v18 =	vld.idx.msk [tilespmem:v0+s3+$0x0], $0xffff  }
0x527: {  	[tilespmem:s24+$0x0] =	vst v19;
	v19 =	vld.idx.msk [tilespmem:v1+s3+$0x0], $0xffff  }
0x528: {  	s17 =	sadd.s32 $0x100, s17;
	[tilespmem:s24+$0x10] =	vst v20;
	v20 =	vld.idx.msk [tilespmem:v4+s3+$0x0], $0xffff  }
0x529: {  	v21 =	vld.idx.msk [tilespmem:v14+s4+$0x0], $0xffff;
	[tilespmem:s17+$0x70] =	vst v15  }
0x52a: {  	v15 =	vld.idx.msk [tilespmem:v7+s4+$0x0], $0xffff;
	[tilespmem:s24+$0x20] =	vst v16  }
0x52b: {  	v16 =	vld.idx.msk [tilespmem:v10+s4+$0x0], $0xffff;
	[tilespmem:s24+$0x30] =	vst v17  }
0x52c: {  	v17 =	vld.idx.msk [tilespmem:v11+s4+$0x0], $0xffff;
	[tilespmem:s24+$0x40] =	vst v18  }
0x52d: {  	v18 =	vld.idx.msk [tilespmem:v12+s4+$0x0], $0xffff;
	[tilespmem:s24+$0x50] =	vst v19  }
0x52e: {  	v19 =	vld.idx.msk [tilespmem:v13+s4+$0x0], $0xffff;
	[tilespmem:s24+$0x60] =	vst v20  }
0x52f: {  	[tilespmem:s28+$0xFFFFFF80] =	vst v21;
	v20 =	vld.idx.msk [tilespmem:v8+s4+$0x0], $0xffff  }
0x530: {  	[tilespmem:s28+$0xFFFFFF90] =	vst v15;
	v15 =	vld.idx.msk [tilespmem:v5+s4+$0x0], $0xffff  }
0x531: {  	[tilespmem:s28+$0xFFFFFFA0] =	vst v16;
	v16 =	vld.idx.msk [tilespmem:v9+s4+$0x0], $0xffff  }
0x532: {  	[tilespmem:s28+$0xFFFFFFB0] =	vst v17;
	v17 =	vld.idx.msk [tilespmem:v6+s4+$0x0], $0xffff  }
0x533: {  	[tilespmem:s28+$0xFFFFFFC0] =	vst v18;
	v18 =	vld.idx.msk [tilespmem:v3+s4+$0x0], $0xffff  }
0x534: {  	[tilespmem:s28+$0xFFFFFFD0] =	vst v19;
	v19 =	vld.idx.msk [tilespmem:v2+s4+$0x0], $0xffff  }
0x535: {  	[tilespmem:s28+$0xFFFFFFE0] =	vst v20;
	v20 =	vld.idx.msk [tilespmem:v0+s4+$0x0], $0xffff  }
0x536: {  	[tilespmem:s28+$0xFFFFFFF0] =	vst v15;
	v15 =	vld.idx.msk [tilespmem:v1+s4+$0x0], $0xffff  }
0x537: {  	[tilespmem:s28+$0x0] =	vst v16;
	v16 =	vld.idx.msk [tilespmem:v4+s4+$0x0], $0xffff  }
0x538: {  	v21 =	vld.idx.msk [tilespmem:v14+s5+$0x0], $0xffff;
	[tilespmem:s28+$0x10] =	vst v17  }
0x539: {  	v17 =	vld.idx.msk [tilespmem:v7+s5+$0x0], $0xffff;
	[tilespmem:s28+$0x20] =	vst v18  }
0x53a: {  	v18 =	vld.idx.msk [tilespmem:v10+s5+$0x0], $0xffff;
	[tilespmem:s28+$0x30] =	vst v19  }
0x53b: {  	v19 =	vld.idx.msk [tilespmem:v11+s5+$0x0], $0xffff;
	[tilespmem:s28+$0x40] =	vst v20  }
0x53c: {  	v20 =	vld.idx.msk [tilespmem:v12+s5+$0x0], $0xffff;
	[tilespmem:s28+$0x50] =	vst v15  }
0x53d: {  	v15 =	vld.idx.msk [tilespmem:v13+s5+$0x0], $0xffff;
	[tilespmem:s28+$0x60] =	vst v16  }
0x53e: {  	[tilespmem:s30+$0xFFFFFF80] =	vst v21;
	v16 =	vld.idx.msk [tilespmem:v8+s5+$0x0], $0xffff  }
0x53f: {  	[tilespmem:s30+$0xFFFFFF90] =	vst v17;
	v17 =	vld.idx.msk [tilespmem:v5+s5+$0x0], $0xffff  }
0x540: {  	[tilespmem:s30+$0xFFFFFFA0] =	vst v18;
	v18 =	vld.idx.msk [tilespmem:v9+s5+$0x0], $0xffff  }
0x541: {  	[tilespmem:s30+$0xFFFFFFB0] =	vst v19;
	v19 =	vld.idx.msk [tilespmem:v6+s5+$0x0], $0xffff  }
0x542: {  	[tilespmem:s30+$0xFFFFFFC0] =	vst v20;
	v20 =	vld.idx.msk [tilespmem:v3+s5+$0x0], $0xffff  }
0x543: {  	[tilespmem:s30+$0xFFFFFFD0] =	vst v15;
	v15 =	vld.idx.msk [tilespmem:v2+s5+$0x0], $0xffff  }
0x544: {  	[tilespmem:s30+$0xFFFFFFE0] =	vst v16;
	v16 =	vld.idx.msk [tilespmem:v0+s5+$0x0], $0xffff  }
0x545: {  	[tilespmem:s30+$0xFFFFFFF0] =	vst v17;
	v17 =	vld.idx.msk [tilespmem:v1+s5+$0x0], $0xffff  }
0x546: {  	[tilespmem:s30+$0x0] =	vst v18;
	v18 =	vld.idx.msk [tilespmem:v4+s5+$0x0], $0xffff  }
0x547: {  	v14 =	vld.idx.msk [tilespmem:v14+s6+$0x0], $0xffff;
	[tilespmem:s30+$0x10] =	vst v19  }
0x548: {  	v7 =	vld.idx.msk [tilespmem:v7+s6+$0x0], $0xffff;
	[tilespmem:s30+$0x20] =	vst v20  }
0x549: {  	v10 =	vld.idx.msk [tilespmem:v10+s6+$0x0], $0xffff;
	[tilespmem:s30+$0x30] =	vst v15  }
0x54a: {  	v11 =	vld.idx.msk [tilespmem:v11+s6+$0x0], $0xffff;
	[tilespmem:s30+$0x40] =	vst v16  }
0x54b: {  	v12 =	vld.idx.msk [tilespmem:v12+s6+$0x0], $0xffff;
	[tilespmem:s30+$0x50] =	vst v17  }
0x54c: {  	v13 =	vld.idx.msk [tilespmem:v13+s6+$0x0], $0xffff;
	[tilespmem:s30+$0x60] =	vst v18  }
0x54d: {  	[tilespmem:s17+$0xFFFFFF80] =	vst v14;
	v8 =	vld.idx.msk [tilespmem:v8+s6+$0x0], $0xffff  }
0x54e: {  	[tilespmem:s17+$0xFFFFFF90] =	vst v7;
	v7 =	vld.idx.msk [tilespmem:v5+s6+$0x0], $0xffff  }
0x54f: {  	[tilespmem:s17+$0xFFFFFFA0] =	vst v10;
	v9 =	vld.idx.msk [tilespmem:v9+s6+$0x0], $0xffff  }
0x550: {  	[tilespmem:s17+$0xFFFFFFB0] =	vst v11;
	v5 =	vld.idx.msk [tilespmem:v6+s6+$0x0], $0xffff  }
.Ltmp16:
0x551: {  	[tilespmem:s17+$0xFFFFFFC0] =	vst v12;
	v3 =	vld.idx.msk [tilespmem:v3+s6+$0x0], $0xffff;
	(pc) =	sbr.rel @p0 .LBB2_29-.Ltmp16, $4  }
0x552: {  	[tilespmem:s17+$0xFFFFFFD0] =	vst v13;
	v2 =	vld.idx.msk [tilespmem:v2+s6+$0x0], $0xffff  }
0x553: {  	[tilespmem:s17+$0xFFFFFFE0] =	vst v8;
	v0 =	vld.idx.msk [tilespmem:v0+s6+$0x0], $0xffff  }
0x554: {  	[tilespmem:s17+$0xFFFFFFF0] =	vst v7;
	v1 =	vld.idx.msk [tilespmem:v1+s6+$0x0], $0xffff  }
0x555: {  	s8 =	sadd.s32 $0x100, s8;
	[tilespmem:s17+$0x0] =	vst v9;
	v4 =	vld.idx.msk [tilespmem:v4+s6+$0x0], $0xffff  }
0x556: {  	[tilespmem:s17+$0x10] =	vst v5  }
0x557: {  	[tilespmem:s17+$0x20] =	vst v3  }
0x558: {  	[tilespmem:s17+$0x30] =	vst v2  }
0x559: {  	s8 =	sor.u32 s19, s20;
	[tilespmem:s17+$0x40] =	vst v0  }
0x55a: {  	s8 =	sshrl.u32 s8, $0x3;
	[tilespmem:s17+$0x50] =	vst v1  }
0x55b: {  	s24 =	sor.u32 s19, s21;
	s8 =	sadd.s32 s29, s8;
	[tilespmem:s17+$0x60] =	vst v4  }
0x55c: {  	[hbm4b:s8+s1] =	stream.strided.scatter [tilespmem:s15], [sflag:$0x4], $0x1000, s2, s1, $0x38;
	[tilespmem:$0x1A000] =	vst v63  }
0x55d: {  	s8 =	sshrl.u32 s24, $0x3  }
0x55e: {  	s28 =	sor.u32 s19, s22;
	s7 =	sadd.s32 $0x1, s7;
	s8 =	sadd.s32 s29, s8  }
0x55f: {  	[hbm4b:s8+s1] =	stream.strided.scatter [tilespmem:s16], [sflag:$0x4], $0x1000, s2, s1, $0x38;
	[tilespmem:$0x1A000] =	vst v63  }
0x560: {  	p0 =	sne.s32 s7, $0x10;
	s8 =	sshrl.u32 s28, $0x3  }
.Ltmp17:
0x561: {  	s30 =	sor.u32 s19, s23;
	s8 =	sadd.s32 s29, s8;
	(pc) =	sbr.rel @p0 .LBB2_22-.Ltmp17, $4  }
0x562: {  	[hbm4b:s8+s1] =	stream.strided.scatter [tilespmem:s0], [sflag:$0x4], $0x1000, s2, s1, $0x38;
	[tilespmem:$0x1A000] =	vst v63  }
0x563: {  	s8 =	sshrl.u32 s30, $0x3  }
0x564: {  	s8 =	sadd.s32 s29, s8  }
0x565: {  	[hbm4b:s8+s1] =	stream.strided.scatter [tilespmem:s25], [sflag:$0x4], $0x1000, s2, s1, $0x38;
	[tilespmem:$0x1A000] =	vst v63  }
0x566: {  	s7 =	rddreg [dreg:$0xa]  }
0x567: {  	[tilespmem:s3], [sflag:$0x1] =	stream.strided.gather [hbm4b:s7+s1], $0x4000, s2, s1, $0x38;
	[tilespmem:$0x1A000] =	vst v63  }
0x568: {  	s22 =	rddreg [dreg:$0xc]  }
0x569: {  	[tilespmem:s4], [sflag:$0x1] =	stream.strided.gather [hbm4b:s22+s1], $0x4000, s2, s1, $0x38;
	[tilespmem:$0x1A000] =	vst v63  }
0x56a: {  	s23 =	rddreg [dreg:$0xe]  }
0x56b: {  	[tilespmem:s5], [sflag:$0x1] =	stream.strided.gather [hbm4b:s23+s1], $0x4000, s2, s1, $0x38;
	[tilespmem:$0x1A000] =	vst v63  }
0x56c: {  	s24 =	rddreg [dreg:$0x13];
	s28 =	simm.s32 $0x3  }
0x56d: {  	[tilespmem:s6], [sflag:$0x1] =	stream.strided.gather [hbm4b:s24+s1], $0x4000, s2, s1, $0x38;
	[tilespmem:$0x1A000] =	vst v63  }
0x56e: {  	_ =	swait.ge [sflag:s28], $0x1000  }
0x56f: {  	[sflag:s28] =	ssyncset.done $0x0  }
0x570: {  	[sflag:s28] =	ssyncadd.s32 $0xFFFFF000  }
0x571: {  	_ =	swait.ge [sflag:s28], $0x1000  }
0x572: {  	[sflag:s28] =	ssyncset.done $0x0  }
0x573: {  	[sflag:s28] =	ssyncadd.s32 $0xFFFFF000  }
0x574: {  	_ =	swait.ge [sflag:s28], $0x1000  }
0x575: {  	[sflag:s28] =	ssyncset.done $0x0  }
0x576: {  	[sflag:s28] =	ssyncadd.s32 $0xFFFFF000  }
0x577: {  	_ =	swait.ge [sflag:s28], $0x1000  }
0x578: {  	[sflag:s28] =	ssyncset.done $0x0  }
0x579: {  	[sflag:s28] =	ssyncadd.s32 $0xFFFFF000  }
0x57a: {  	_ =	swait.ge [sflag:s14], $0x1000  }
0x57b: {  	[sflag:s14] =	ssyncset.done $0x0  }
0x57c: {  	[sflag:s14] =	ssyncadd.s32 $0xFFFFF000  }
0x57d: {  	_ =	swait.ge [sflag:s14], $0x1000  }
0x57e: {  	[sflag:s14] =	ssyncset.done $0x0  }
0x57f: {  	[sflag:s14] =	ssyncadd.s32 $0xFFFFF000  }
0x580: {  	_ =	swait.ge [sflag:s14], $0x1000  }
0x581: {  	[sflag:s14] =	ssyncset.done $0x0  }
0x582: {  	[sflag:s14] =	ssyncadd.s32 $0xFFFFF000  }
0x583: {  	_ =	swait.ge [sflag:s14], $0x1000  }
0x584: {  	[sflag:s14] =	ssyncset.done $0x0  }
0x585: {  	s30 =	simm.s32 $0x1;
	[sflag:s14] =	ssyncadd.s32 $0xFFFFF000  }
0x586: {  	_ =	swait.ge [sflag:s30], $0x4000  }
0x587: {  	[sflag:s30] =	ssyncset.done $0x0  }
0x588: {  	[sflag:s30] =	ssyncadd.s32 $0xFFFFC000  }
0x589: {  	_ =	swait.ge [sflag:s30], $0x4000  }
0x58a: {  	[sflag:s30] =	ssyncset.done $0x0  }
0x58b: {  	[sflag:s30] =	ssyncadd.s32 $0xFFFFC000  }
0x58c: {  	_ =	swait.ge [sflag:s30], $0x4000  }
0x58d: {  	[sflag:s30] =	ssyncset.done $0x0  }
0x58e: {  	[sflag:s30] =	ssyncadd.s32 $0xFFFFC000  }
0x58f: {  	_ =	swait.ge [sflag:s30], $0x4000  }
0x590: {  	[sflag:s30] =	ssyncset.done $0x0  }
0x591: {  	s7 =	simm.s32 $0x0;
	s8 =	rddreg [dreg:$0x1d];
	[sflag:s30] =	ssyncadd.s32 $0xFFFFC000  }
0x592: {  	[tilespmem:s7], [sflag:$0x2] =	stream.strided.gather [hbm4b:s8+s1], $0x1000, s2, s1, $0x38;
	[tilespmem:$0x1A000] =	vst v63  }
.LBB2_32:
0x593: {  	s8 =	sshll.u32 s7, $0x8;
	s17 =	sshll.u32 s7, $0xD  }
0x594: {  	s24 =	sand.u32 $0x300, s8;
	s23 =	sand.u32 $0x18000, s17  }
0x595: {  	s19 =	sor.u32 $0x80, s24;
	s21 =	sor.u32 s31, s23  }
0x596: {  	s8 =	sor.u32 s19, s21  }
0x597: {  	s8 =	sshrl.u32 s8, $0x3  }
0x598: {  	s22 =	simm.s32 $0x1000;
	s8 =	sadd.s32 s26, s8  }
0x599: {  	[tilespmem:s22], [sflag:$0x2] =	stream.strided.gather [hbm4b:s8+s1], $0x1000, s2, s1, $0x38;
	[tilespmem:$0x1A000] =	vst v63  }
0x59a: {  	_ =	swait.ge [sflag:s9], $0x1000  }
0x59b: {  	p0 =	seq.s32 s7, $0x0;
	[sflag:s9] =	ssyncset.done $0x0  }
0x59c: {  	s8 =	simm.s32 @!p0 $0x3;
	[sflag:s9] =	ssyncadd.s32 $0xFFFFF000  }
0x59d: {  	_ =	swait.ge @!p0 [sflag:s8], $0x1000  }
0x59e: {  	[sflag:s8] =	ssyncset.done @!p0 $0x0  }
0x59f: {  	[sflag:s8] =	ssyncadd.s32 @!p0 $0xFFFFF000  }
0x5a0: {  	_ =	swait.ge @!p0 [sflag:s8], $0x1000  }
0x5a1: {  	[sflag:s8] =	ssyncset.done @!p0 $0x0  }
0x5a2: {  	[sflag:s8] =	ssyncadd.s32 @!p0 $0xFFFFF000  }
0x5a3: {  	_ =	swait.ge @!p0 [sflag:s8], $0x1000  }
0x5a4: {  	[sflag:s8] =	ssyncset.done @!p0 $0x0  }
0x5a5: {  	[sflag:s8] =	ssyncadd.s32 @!p0 $0xFFFFF000  }
0x5a6: {  	_ =	swait.ge @!p0 [sflag:s8], $0x1000  }
0x5a7: {  	[sflag:s8] =	ssyncset.done @!p0 $0x0  }
0x5a8: {  	s30 =	simm.s32 $0x80;
	[sflag:s8] =	ssyncadd.s32 @!p0 $0xFFFFF000  }
0x5a9: {  	v0 =	vld [tilespmem:s30+$0x70]  }
0x5aa: {  	v1 =	vld [tilespmem:s30+$0xFFFFFF90]  }
0x5ab: {  	v2 =	vld [tilespmem:s30+$0xFFFFFFA0]  }
0x5ac: {  	v3 =	vld [tilespmem:s30+$0xFFFFFFB0]  }
0x5ad: {  	v4 =	vld [tilespmem:s30+$0xFFFFFFC0]  }
0x5ae: {  	v5 =	vld [tilespmem:s30+$0xFFFFFFD0]  }
0x5af: {  	v6 =	vld [tilespmem:s30+$0xFFFFFFE0]  }
0x5b0: {  	v7 =	vld [tilespmem:s30+$0xFFFFFFF0]  }
0x5b1: {  	v9 =	vld [tilespmem:s30+$0x0]  }
0x5b2: {  	v10 =	vld [tilespmem:s30+$0x10]  }
0x5b3: {  	v11 =	vld [tilespmem:s30+$0x20]  }
0x5b4: {  	v12 =	vld [tilespmem:s30+$0x30]  }
0x5b5: {  	v13 =	vld [tilespmem:s30+$0x40]  }
0x5b6: {  	v14 =	vld [tilespmem:s30+$0x50]  }
0x5b7: {  	v15 =	vld [tilespmem:s30+$0x60]  }
0x5b8: {  	v16 =	vld [tilespmem:s30+$0xFFFFFF80]  }
0x5b9: {  	v8 =	vld.idx.msk [tilespmem:v0+s3+$0x0], $0xffff  }
0x5ba: {  	v17 =	vld.idx.msk [tilespmem:v1+s3+$0x0], $0xffff  }
0x5bb: {  	v18 =	vld.idx.msk [tilespmem:v2+s3+$0x0], $0xffff  }
0x5bc: {  	v19 =	vld.idx.msk [tilespmem:v3+s3+$0x0], $0xffff  }
0x5bd: {  	v20 =	vld.idx.msk [tilespmem:v4+s3+$0x0], $0xffff  }
0x5be: {  	s20 =	simm.s32 $0x12080;
	v21 =	vld.idx.msk [tilespmem:v5+s3+$0x0], $0xffff  }
0x5bf: {  	v31 =	vld.idx.msk [tilespmem:v6+s3+$0x0], $0xffff;
	[tilespmem:s20+$0x70] =	vst v8  }
0x5c0: {  	v22 =	vld.idx.msk [tilespmem:v16+s3+$0x0], $0xffff;
	[tilespmem:s20+$0xFFFFFF90] =	vst v17  }
0x5c1: {  	v32 =	vld.idx.msk [tilespmem:v7+s3+$0x0], $0xffff;
	[tilespmem:s20+$0xFFFFFFA0] =	vst v18  }
0x5c2: {  	v33 =	vld.idx.msk [tilespmem:v9+s3+$0x0], $0xffff;
	[tilespmem:s20+$0xFFFFFFB0] =	vst v19  }
0x5c3: {  	v34 =	vld.idx.msk [tilespmem:v10+s3+$0x0], $0xffff;
	[tilespmem:s20+$0xFFFFFFC0] =	vst v20  }
0x5c4: {  	v35 =	vld.idx.msk [tilespmem:v11+s3+$0x0], $0xffff;
	[tilespmem:s20+$0xFFFFFFD0] =	vst v21  }
0x5c5: {  	[tilespmem:s20+$0xFFFFFFE0] =	vst v31;
	v8 =	vld.idx.msk [tilespmem:v0+s4+$0x0], $0xffff  }
0x5c6: {  	v36 =	vld.idx.msk [tilespmem:v12+s3+$0x0], $0xffff;
	[tilespmem:s20+$0xFFFFFF80] =	vst v22  }
0x5c7: {  	v37 =	vld.idx.msk [tilespmem:v13+s3+$0x0], $0xffff;
	[tilespmem:s20+$0xFFFFFFF0] =	vst v32  }
0x5c8: {  	v38 =	vld.idx.msk [tilespmem:v14+s3+$0x0], $0xffff;
	[tilespmem:s20+$0x0] =	vst v33  }
0x5c9: {  	s21 =	simm.s32 $0x13080;
	v39 =	vld.idx.msk [tilespmem:v15+s3+$0x0], $0xffff;
	[tilespmem:s20+$0x10] =	vst v34  }
0x5ca: {  	v40 =	vld.idx.msk [tilespmem:v16+s4+$0x0], $0xffff;
	[tilespmem:s21+$0x70] =	vst v8  }
0x5cb: {  	[tilespmem:s20+$0x20] =	vst v35;
	v8 =	vld.idx.msk [tilespmem:v0+s5+$0x0], $0xffff  }
0x5cc: {  	[tilespmem:s20+$0x30] =	vst v36;
	v41 =	vld.idx.msk [tilespmem:v2+s4+$0x0], $0xffff  }
0x5cd: {  	[tilespmem:s20+$0x40] =	vst v37;
	v42 =	vld.idx.msk [tilespmem:v3+s4+$0x0], $0xffff  }
0x5ce: {  	[tilespmem:s20+$0x50] =	vst v38;
	v43 =	vld.idx.msk [tilespmem:v4+s4+$0x0], $0xffff  }
0x5cf: {  	s22 =	simm.s32 $0x14080;
	[tilespmem:s20+$0x60] =	vst v39;
	v44 =	vld.idx.msk [tilespmem:v5+s4+$0x0], $0xffff  }
0x5d0: {  	v45 =	vld.idx.msk [tilespmem:v6+s4+$0x0], $0xffff;
	[tilespmem:s22+$0x70] =	vst v8  }
0x5d1: {  	[tilespmem:s21+$0xFFFFFF80] =	vst v40;
	v0 =	vld.idx.msk [tilespmem:v0+s6+$0x0], $0xffff  }
0x5d2: {  	v46 =	vld.idx.msk [tilespmem:v9+s4+$0x0], $0xffff;
	[tilespmem:s21+$0xFFFFFFA0] =	vst v41  }
0x5d3: {  	v47 =	vld.idx.msk [tilespmem:v10+s4+$0x0], $0xffff;
	[tilespmem:s21+$0xFFFFFFB0] =	vst v42  }
0x5d4: {  	v48 =	vld.idx.msk [tilespmem:v11+s4+$0x0], $0xffff;
	[tilespmem:s21+$0xFFFFFFC0] =	vst v43  }
0x5d5: {  	s28 =	simm.s32 $0x15080;
	v49 =	vld.idx.msk [tilespmem:v12+s4+$0x0], $0xffff;
	[tilespmem:s21+$0xFFFFFFD0] =	vst v44  }
0x5d6: {  	[tilespmem:s28+$0x70] =	vst v0;
	v0 =	vld.idx.msk [tilespmem:v1+s4+$0x0], $0xffff  }
0x5d7: {  	v50 =	vld.idx.msk [tilespmem:v13+s4+$0x0], $0xffff;
	[tilespmem:s21+$0xFFFFFFE0] =	vst v45  }
0x5d8: {  	v51 =	vld.idx.msk [tilespmem:v15+s4+$0x0], $0xffff;
	[tilespmem:s21+$0x0] =	vst v46  }
0x5d9: {  	[tilespmem:s21+$0x10] =	vst v47;
	v21 =	vld.idx.msk [tilespmem:v16+s5+$0x0], $0xffff  }
0x5da: {  	[tilespmem:s21+$0x20] =	vst v48;
	v53 =	vld.idx.msk [tilespmem:v2+s5+$0x0], $0xffff  }
0x5db: {  	[tilespmem:s21+$0xFFFFFF90] =	vst v0;
	v0 =	vld.idx.msk [tilespmem:v7+s4+$0x0], $0xffff  }
0x5dc: {  	[tilespmem:s21+$0x30] =	vst v49;
	v54 =	vld.idx.msk [tilespmem:v3+s5+$0x0], $0xffff  }
0x5dd: {  	[tilespmem:s21+$0x40] =	vst v50;
	v55 =	vld.idx.msk [tilespmem:v4+s5+$0x0], $0xffff  }
0x5de: {  	[tilespmem:s21+$0x60] =	vst v51;
	v56 =	vld.idx.msk [tilespmem:v6+s5+$0x0], $0xffff  }
0x5df: {  	v58 =	vld.idx.msk [tilespmem:v9+s5+$0x0], $0xffff;
	[tilespmem:s22+$0xFFFFFF80] =	vst v21  }
0x5e0: {  	[tilespmem:s21+$0xFFFFFFF0] =	vst v0;
	v0 =	vld.idx.msk [tilespmem:v14+s4+$0x0], $0xffff  }
0x5e1: {  	v59 =	vld.idx.msk [tilespmem:v10+s5+$0x0], $0xffff;
	[tilespmem:s22+$0xFFFFFFA0] =	vst v53  }
0x5e2: {  	[tilespmem:s22+$0xFFFFFFB0] =	vst v54;
	v52 =	vld.idx.msk [tilespmem:v1+s5+$0x0], $0xffff  }
0x5e3: {  	v60 =	vld.idx.msk [tilespmem:v11+s5+$0x0], $0xffff;
	[tilespmem:s22+$0xFFFFFFC0] =	vst v55  }
0x5e4: {  	v61 =	vld.idx.msk [tilespmem:v13+s5+$0x0], $0xffff;
	[tilespmem:s22+$0xFFFFFFE0] =	vst v56  }
0x5e5: {  	[tilespmem:s21+$0x50] =	vst v0;
	v0 =	vld.idx.msk [tilespmem:v5+s5+$0x0], $0xffff  }
0x5e6: {  	v63 =	vld.idx.msk [tilespmem:v15+s5+$0x0], $0xffff;
	[tilespmem:s22+$0x0] =	vst v58  }
0x5e7: {  	[tilespmem:s22+$0xFFFFFF90] =	vst v52;
	v57 =	vld.idx.msk [tilespmem:v7+s5+$0x0], $0xffff  }
0x5e8: {  	[tilespmem:s22+$0x10] =	vst v59;
	v1 =	vld.idx.msk [tilespmem:v1+s6+$0x0], $0xffff  }
0x5e9: {  	[tilespmem:s22+$0x20] =	vst v60;
	v16 =	vld.idx.msk [tilespmem:v16+s6+$0x0], $0xffff  }
0x5ea: {  	[tilespmem:s22+$0xFFFFFFD0] =	vst v0;
	v0 =	vld.idx.msk [tilespmem:v12+s5+$0x0], $0xffff  }
0x5eb: {  	[tilespmem:s22+$0x40] =	vst v61;
	v2 =	vld.idx.msk [tilespmem:v2+s6+$0x0], $0xffff  }
0x5ec: {  	[tilespmem:s22+$0xFFFFFFF0] =	vst v57;
	v62 =	vld.idx.msk [tilespmem:v14+s5+$0x0], $0xffff  }
0x5ed: {  	[tilespmem:s28+$0xFFFFFF90] =	vst v1;
	v1 =	vld.idx.msk [tilespmem:v7+s6+$0x0], $0xffff  }
0x5ee: {  	[tilespmem:s22+$0x60] =	vst v63;
	v6 =	vld.idx.msk [tilespmem:v6+s6+$0x0], $0xffff  }
0x5ef: {  	[tilespmem:s22+$0x30] =	vst v0;
	v0 =	vld.idx.msk [tilespmem:v3+s6+$0x0], $0xffff  }
0x5f0: {  	[tilespmem:s28+$0xFFFFFF80] =	vst v16;
	v3 =	vld.idx.msk [tilespmem:v4+s6+$0x0], $0xffff  }
0x5f1: {  	v7 =	vld.idx.msk [tilespmem:v9+s6+$0x0], $0xffff;
	[tilespmem:s22+$0x50] =	vst v62  }
0x5f2: {  	[tilespmem:s28+$0xFFFFFFF0] =	vst v1;
	v1 =	vld.idx.msk [tilespmem:v14+s6+$0x0], $0xffff  }
0x5f3: {  	[tilespmem:s28+$0xFFFFFFA0] =	vst v2;
	v4 =	vld.idx.msk [tilespmem:v5+s6+$0x0], $0xffff  }
0x5f4: {  	[tilespmem:s28+$0xFFFFFFE0] =	vst v6;
	v5 =	vld.idx.msk [tilespmem:v10+s6+$0x0], $0xffff  }
0x5f5: {  	[tilespmem:s28+$0xFFFFFFC0] =	vst v3;
	v3 =	vld.idx.msk [tilespmem:v11+s6+$0x0], $0xffff  }
0x5f6: {  	[tilespmem:s28+$0x0] =	vst v7;
	v2 =	vld.idx.msk [tilespmem:v12+s6+$0x0], $0xffff  }
0x5f7: {  	[tilespmem:s28+$0xFFFFFFB0] =	vst v0;
	v0 =	vld.idx.msk [tilespmem:v13+s6+$0x0], $0xffff  }
0x5f8: {  	s18 =	simm.s32 $0x0;
	s17 =	sshll.u32 s7, $0x1;
	s8 =	simm.s32 $0x180;
	[tilespmem:s28+$0xFFFFFFD0] =	vst v4;
	v4 =	vld.idx.msk [tilespmem:v15+s6+$0x0], $0xffff  }
.LBB2_33:
0x5f9: {  	v15 =	vld [tilespmem:s8+$0x70];
	s18 =	sadd.s32 $0x10, s18;
	[tilespmem:s28+$0x10] =	vst v5  }
0x5fa: {  	v7 =	vld [tilespmem:s8+$0xFFFFFF90];
	p1 =	slt.u32 s18, $0xF0;
	[tilespmem:s28+$0x20] =	vst v3  }
0x5fb: {  	v10 =	vld [tilespmem:s8+$0xFFFFFFA0];
	[tilespmem:s28+$0x30] =	vst v2  }
0x5fc: {  	v11 =	vld [tilespmem:s8+$0xFFFFFFB0];
	[tilespmem:s28+$0x40] =	vst v0  }
0x5fd: {  	v12 =	vld [tilespmem:s8+$0xFFFFFFC0];
	[tilespmem:s28+$0x50] =	vst v1  }
0x5fe: {  	v13 =	vld [tilespmem:s8+$0xFFFFFFD0];
	[tilespmem:s28+$0x60] =	vst v4  }
0x5ff: {  	v8 =	vld [tilespmem:s8+$0xFFFFFFE0]  }
0x600: {  	v5 =	vld [tilespmem:s8+$0xFFFFFFF0]  }
0x601: {  	v4 =	vld.idx.msk [tilespmem:v15+s3+$0x0], $0xffff  }
0x602: {  	v9 =	vld [tilespmem:s8+$0x0]  }
0x603: {  	v6 =	vld [tilespmem:s8+$0x10]  }
0x604: {  	v3 =	vld [tilespmem:s8+$0x20]  }
0x605: {  	v2 =	vld [tilespmem:s8+$0x30]  }
0x606: {  	s20 =	sadd.s32 $0x100, s20;
	v0 =	vld [tilespmem:s8+$0x40]  }
0x607: {  	v1 =	vld [tilespmem:s8+$0x50];
	[tilespmem:s20+$0x70] =	vst v4  }
0x608: {  	v16 =	vld.idx.msk [tilespmem:v15+s4+$0x0], $0xffff  }
0x609: {  	v4 =	vld [tilespmem:s8+$0x60]  }
0x60a: {  	v14 =	vld [tilespmem:s8+$0xFFFFFF80]  }
0x60b: {  	v17 =	vld.idx.msk [tilespmem:v7+s3+$0x0], $0xffff  }
0x60c: {  	v18 =	vld.idx.msk [tilespmem:v10+s3+$0x0], $0xffff  }
0x60d: {  	s21 =	sadd.s32 $0x100, s21;
	v19 =	vld.idx.msk [tilespmem:v11+s3+$0x0], $0xffff  }
0x60e: {  	v20 =	vld.idx.msk [tilespmem:v12+s3+$0x0], $0xffff;
	[tilespmem:s21+$0x70] =	vst v16  }
0x60f: {  	v16 =	vld.idx.msk [tilespmem:v15+s5+$0x0], $0xffff  }
0x610: {  	v21 =	vld.idx.msk [tilespmem:v13+s3+$0x0], $0xffff  }
0x611: {  	[tilespmem:s20+$0xFFFFFF90] =	vst v17;
	v17 =	vld.idx.msk [tilespmem:v8+s3+$0x0], $0xffff  }
0x612: {  	v22 =	vld.idx.msk [tilespmem:v14+s3+$0x0], $0xffff;
	[tilespmem:s20+$0xFFFFFFA0] =	vst v18  }
0x613: {  	[tilespmem:s20+$0xFFFFFFB0] =	vst v19;
	v18 =	vld.idx.msk [tilespmem:v5+s3+$0x0], $0xffff  }
0x614: {  	s22 =	sadd.s32 $0x100, s22;
	[tilespmem:s20+$0xFFFFFFC0] =	vst v20;
	v19 =	vld.idx.msk [tilespmem:v9+s3+$0x0], $0xffff  }
0x615: {  	v20 =	vld.idx.msk [tilespmem:v6+s3+$0x0], $0xffff;
	[tilespmem:s22+$0x70] =	vst v16  }
0x616: {  	[tilespmem:s20+$0xFFFFFFD0] =	vst v21;
	v15 =	vld.idx.msk [tilespmem:v15+s6+$0x0], $0xffff  }
0x617: {  	[tilespmem:s20+$0xFFFFFFE0] =	vst v17;
	v16 =	vld.idx.msk [tilespmem:v3+s3+$0x0], $0xffff  }
0x618: {  	[tilespmem:s20+$0xFFFFFF80] =	vst v22;
	v17 =	vld.idx.msk [tilespmem:v2+s3+$0x0], $0xffff  }
0x619: {  	[tilespmem:s20+$0xFFFFFFF0] =	vst v18;
	v18 =	vld.idx.msk [tilespmem:v0+s3+$0x0], $0xffff  }
0x61a: {  	[tilespmem:s20+$0x0] =	vst v19;
	v19 =	vld.idx.msk [tilespmem:v1+s3+$0x0], $0xffff  }
0x61b: {  	s28 =	sadd.s32 $0x100, s28;
	[tilespmem:s20+$0x10] =	vst v20;
	v20 =	vld.idx.msk [tilespmem:v4+s3+$0x0], $0xffff  }
0x61c: {  	v21 =	vld.idx.msk [tilespmem:v14+s4+$0x0], $0xffff;
	[tilespmem:s28+$0x70] =	vst v15  }
0x61d: {  	v15 =	vld.idx.msk [tilespmem:v7+s4+$0x0], $0xffff;
	[tilespmem:s20+$0x20] =	vst v16  }
0x61e: {  	v16 =	vld.idx.msk [tilespmem:v10+s4+$0x0], $0xffff;
	[tilespmem:s20+$0x30] =	vst v17  }
0x61f: {  	v17 =	vld.idx.msk [tilespmem:v11+s4+$0x0], $0xffff;
	[tilespmem:s20+$0x40] =	vst v18  }
0x620: {  	v18 =	vld.idx.msk [tilespmem:v12+s4+$0x0], $0xffff;
	[tilespmem:s20+$0x50] =	vst v19  }
0x621: {  	v19 =	vld.idx.msk [tilespmem:v13+s4+$0x0], $0xffff;
	[tilespmem:s20+$0x60] =	vst v20  }
0x622: {  	[tilespmem:s21+$0xFFFFFF80] =	vst v21;
	v20 =	vld.idx.msk [tilespmem:v8+s4+$0x0], $0xffff  }
0x623: {  	[tilespmem:s21+$0xFFFFFF90] =	vst v15;
	v15 =	vld.idx.msk [tilespmem:v5+s4+$0x0], $0xffff  }
0x624: {  	[tilespmem:s21+$0xFFFFFFA0] =	vst v16;
	v16 =	vld.idx.msk [tilespmem:v9+s4+$0x0], $0xffff  }
0x625: {  	[tilespmem:s21+$0xFFFFFFB0] =	vst v17;
	v17 =	vld.idx.msk [tilespmem:v6+s4+$0x0], $0xffff  }
0x626: {  	[tilespmem:s21+$0xFFFFFFC0] =	vst v18;
	v18 =	vld.idx.msk [tilespmem:v3+s4+$0x0], $0xffff  }
0x627: {  	[tilespmem:s21+$0xFFFFFFD0] =	vst v19;
	v19 =	vld.idx.msk [tilespmem:v2+s4+$0x0], $0xffff  }
0x628: {  	[tilespmem:s21+$0xFFFFFFE0] =	vst v20;
	v20 =	vld.idx.msk [tilespmem:v0+s4+$0x0], $0xffff  }
0x629: {  	[tilespmem:s21+$0xFFFFFFF0] =	vst v15;
	v15 =	vld.idx.msk [tilespmem:v1+s4+$0x0], $0xffff  }
0x62a: {  	[tilespmem:s21+$0x0] =	vst v16;
	v16 =	vld.idx.msk [tilespmem:v4+s4+$0x0], $0xffff  }
0x62b: {  	v21 =	vld.idx.msk [tilespmem:v14+s5+$0x0], $0xffff;
	[tilespmem:s21+$0x10] =	vst v17  }
0x62c: {  	v17 =	vld.idx.msk [tilespmem:v7+s5+$0x0], $0xffff;
	[tilespmem:s21+$0x20] =	vst v18  }
0x62d: {  	v18 =	vld.idx.msk [tilespmem:v10+s5+$0x0], $0xffff;
	[tilespmem:s21+$0x30] =	vst v19  }
0x62e: {  	v19 =	vld.idx.msk [tilespmem:v11+s5+$0x0], $0xffff;
	[tilespmem:s21+$0x40] =	vst v20  }
0x62f: {  	v20 =	vld.idx.msk [tilespmem:v12+s5+$0x0], $0xffff;
	[tilespmem:s21+$0x50] =	vst v15  }
0x630: {  	v15 =	vld.idx.msk [tilespmem:v13+s5+$0x0], $0xffff;
	[tilespmem:s21+$0x60] =	vst v16  }
0x631: {  	[tilespmem:s22+$0xFFFFFF80] =	vst v21;
	v16 =	vld.idx.msk [tilespmem:v8+s5+$0x0], $0xffff  }
0x632: {  	[tilespmem:s22+$0xFFFFFF90] =	vst v17;
	v17 =	vld.idx.msk [tilespmem:v5+s5+$0x0], $0xffff  }
0x633: {  	[tilespmem:s22+$0xFFFFFFA0] =	vst v18;
	v18 =	vld.idx.msk [tilespmem:v9+s5+$0x0], $0xffff  }
0x634: {  	[tilespmem:s22+$0xFFFFFFB0] =	vst v19;
	v19 =	vld.idx.msk [tilespmem:v6+s5+$0x0], $0xffff  }
0x635: {  	[tilespmem:s22+$0xFFFFFFC0] =	vst v20;
	v20 =	vld.idx.msk [tilespmem:v3+s5+$0x0], $0xffff  }
0x636: {  	[tilespmem:s22+$0xFFFFFFD0] =	vst v15;
	v15 =	vld.idx.msk [tilespmem:v2+s5+$0x0], $0xffff  }
0x637: {  	[tilespmem:s22+$0xFFFFFFE0] =	vst v16;
	v16 =	vld.idx.msk [tilespmem:v0+s5+$0x0], $0xffff  }
0x638: {  	[tilespmem:s22+$0xFFFFFFF0] =	vst v17;
	v17 =	vld.idx.msk [tilespmem:v1+s5+$0x0], $0xffff  }
0x639: {  	[tilespmem:s22+$0x0] =	vst v18;
	v18 =	vld.idx.msk [tilespmem:v4+s5+$0x0], $0xffff  }
0x63a: {  	v14 =	vld.idx.msk [tilespmem:v14+s6+$0x0], $0xffff;
	[tilespmem:s22+$0x10] =	vst v19  }
0x63b: {  	v7 =	vld.idx.msk [tilespmem:v7+s6+$0x0], $0xffff;
	[tilespmem:s22+$0x20] =	vst v20  }
0x63c: {  	v10 =	vld.idx.msk [tilespmem:v10+s6+$0x0], $0xffff;
	[tilespmem:s22+$0x30] =	vst v15  }
0x63d: {  	v11 =	vld.idx.msk [tilespmem:v11+s6+$0x0], $0xffff;
	[tilespmem:s22+$0x40] =	vst v16  }
0x63e: {  	v12 =	vld.idx.msk [tilespmem:v12+s6+$0x0], $0xffff;
	[tilespmem:s22+$0x50] =	vst v17  }
0x63f: {  	v13 =	vld.idx.msk [tilespmem:v13+s6+$0x0], $0xffff;
	[tilespmem:s22+$0x60] =	vst v18  }
0x640: {  	[tilespmem:s28+$0xFFFFFF80] =	vst v14;
	v8 =	vld.idx.msk [tilespmem:v8+s6+$0x0], $0xffff  }
0x641: {  	[tilespmem:s28+$0xFFFFFF90] =	vst v7;
	v7 =	vld.idx.msk [tilespmem:v5+s6+$0x0], $0xffff  }
0x642: {  	[tilespmem:s28+$0xFFFFFFA0] =	vst v10;
	v9 =	vld.idx.msk [tilespmem:v9+s6+$0x0], $0xffff  }
0x643: {  	[tilespmem:s28+$0xFFFFFFB0] =	vst v11;
	v5 =	vld.idx.msk [tilespmem:v6+s6+$0x0], $0xffff  }
.Ltmp18:
0x644: {  	[tilespmem:s28+$0xFFFFFFC0] =	vst v12;
	v3 =	vld.idx.msk [tilespmem:v3+s6+$0x0], $0xffff;
	(pc) =	sbr.rel @p1 .LBB2_33-.Ltmp18, $4  }
0x645: {  	[tilespmem:s28+$0xFFFFFFD0] =	vst v13;
	v2 =	vld.idx.msk [tilespmem:v2+s6+$0x0], $0xffff  }
0x646: {  	[tilespmem:s28+$0xFFFFFFE0] =	vst v8;
	v0 =	vld.idx.msk [tilespmem:v0+s6+$0x0], $0xffff  }
0x647: {  	[tilespmem:s28+$0xFFFFFFF0] =	vst v7;
	v1 =	vld.idx.msk [tilespmem:v1+s6+$0x0], $0xffff  }
0x648: {  	s8 =	sadd.s32 $0x100, s8;
	[tilespmem:s28+$0x0] =	vst v9;
	v4 =	vld.idx.msk [tilespmem:v4+s6+$0x0], $0xffff  }
0x649: {  	[tilespmem:s28+$0x10] =	vst v5  }
0x64a: {  	[tilespmem:s28+$0x20] =	vst v3  }
0x64b: {  	[tilespmem:s28+$0x30] =	vst v2  }
0x64c: {  	s8 =	rddreg [dreg:$0x19];
	[tilespmem:s28+$0x40] =	vst v0  }
0x64d: {  	s20 =	sor.u32 s8, s23;
	[tilespmem:s28+$0x50] =	vst v1  }
0x64e: {  	s8 =	sor.u32 s24, s20;
	[tilespmem:s28+$0x60] =	vst v4  }
0x64f: {  	s8 =	sshrl.u32 s8, $0x3;
	s22 =	rddreg [dreg:$0x1a]  }
0x650: {  	s8 =	sadd.s32 s29, s8;
	s21 =	sor.u32 s22, s23  }
0x651: {  	[hbm4b:s8+s1] =	stream.strided.scatter [tilespmem:s10], [sflag:$0x3], $0x1000, s2, s1, $0x38;
	[tilespmem:$0x1A000] =	vst v63  }
0x652: {  	s8 =	sor.u32 s24, s21  }
0x653: {  	s28 =	rddreg [dreg:$0x1b];
	s8 =	sshrl.u32 s8, $0x3  }
0x654: {  	s22 =	sor.u32 s28, s23;
	s8 =	sadd.s32 s29, s8  }
0x655: {  	[hbm4b:s8+s1] =	stream.strided.scatter [tilespmem:s11], [sflag:$0x3], $0x1000, s2, s1, $0x38;
	[tilespmem:$0x1A000] =	vst v63  }
0x656: {  	s8 =	sor.u32 s24, s22  }
0x657: {  	s8 =	sshrl.u32 s8, $0x3  }
0x658: {  	p1 =	sne.s32 s7, $0xF;
	s30 =	rddreg [dreg:$0x1c];
	s8 =	sadd.s32 s29, s8  }
0x659: {  	[hbm4b:s8+s1] =	stream.strided.scatter [tilespmem:s12], [sflag:$0x3], $0x1000, s2, s1, $0x38;
	[tilespmem:$0x1A000] =	vst v63  }
.Ltmp19:
0x65a: {  	s23 =	sor.u32 s30, s23;
	(pc) =	sbr.rel @p1 .LBB2_36-.Ltmp19, $4  }
0x65b: {  	s8 =	sor.u32 s24, s23  }
0x65c: {  	s8 =	sshrl.u32 s8, $0x3  }
0x65d: {  	s8 =	sadd.s32 s29, s8  }
0x65e: {  	[hbm4b:s8+s1] =	stream.strided.scatter [tilespmem:s13], [sflag:$0x3], $0x1000, s2, s1, $0x38;
	[tilespmem:$0x1A000] =	vst v63  }
.Ltmp20:
0x65f: {  	(pc) =	sbr.rel .LBB2_37-.Ltmp20, $4  }
0x660: {  	_ = 	snop  }
0x661: {  	_ =	swait.ge [sflag:s9], $0x1000  }
0x662: {  	[sflag:s9] =	ssyncset.done $0x0  }
0x663: {  	[sflag:s9] =	ssyncadd.s32 $0xFFFFF000  }
.LBB2_36:
0x664: {  	s8 =	sadd.s32 $0x2, s17  }
0x665: {  	s17 =	sshll.u32 s8, $0xC  }
0x666: {  	s8 =	sshll.u32 s8, $0x7;
	s17 =	sand.u32 $0x38000, s17  }
0x667: {  	s8 =	sand.u32 $0x300, s8;
	s17 =	sadd.s32 s31, s17  }
0x668: {  	s8 =	sor.u32 s8, s17  }
0x669: {  	s8 =	sshrl.u32 s8, $0x3  }
.Ltmp21:
0x66a: {  	s30 =	simm.s32 $0x0;
	s8 =	sadd.s32 s26, s8;
	(pc) =	sbr.rel @p0 .LBB2_38-.Ltmp21, $4  }
0x66b: {  	[tilespmem:s30], [sflag:$0x2] =	stream.strided.gather [hbm4b:s8+s1], $0x1000, s2, s1, $0x38;
	[tilespmem:$0x1A000] =	vst v63  }
0x66c: {  	_ =	swait.ge [sflag:s9], $0x1000  }
0x66d: {  	[sflag:s9] =	ssyncset.done $0x0  }
0x66e: {  	[sflag:s9] =	ssyncadd.s32 $0xFFFFF000  }
.LBB2_37:
0x66f: {  	_ =	swait.ge [sflag:s14], $0x1000  }
0x670: {  	[sflag:s14] =	ssyncset.done $0x0  }
0x671: {  	[sflag:s14] =	ssyncadd.s32 $0xFFFFF000  }
0x672: {  	_ =	swait.ge [sflag:s14], $0x1000  }
0x673: {  	[sflag:s14] =	ssyncset.done $0x0  }
0x674: {  	[sflag:s14] =	ssyncadd.s32 $0xFFFFF000  }
0x675: {  	_ =	swait.ge [sflag:s14], $0x1000  }
0x676: {  	[sflag:s14] =	ssyncset.done $0x0  }
0x677: {  	[sflag:s14] =	ssyncadd.s32 $0xFFFFF000  }
0x678: {  	_ =	swait.ge [sflag:s14], $0x1000  }
0x679: {  	[sflag:s14] =	ssyncset.done $0x0  }
0x67a: {  	[sflag:s14] =	ssyncadd.s32 $0xFFFFF000  }
.LBB2_38:
0x67b: {  	s8 =	simm.s32 $0x1080  }
0x67c: {  	v0 =	vld [tilespmem:s8+$0x70]  }
0x67d: {  	v1 =	vld [tilespmem:s8+$0xFFFFFF90]  }
0x67e: {  	v2 =	vld [tilespmem:s8+$0xFFFFFFA0]  }
0x67f: {  	v3 =	vld [tilespmem:s8+$0xFFFFFFB0]  }
0x680: {  	v4 =	vld [tilespmem:s8+$0xFFFFFFC0]  }
0x681: {  	v5 =	vld [tilespmem:s8+$0xFFFFFFD0]  }
0x682: {  	v6 =	vld [tilespmem:s8+$0xFFFFFFE0]  }
0x683: {  	v7 =	vld [tilespmem:s8+$0xFFFFFFF0]  }
0x684: {  	v9 =	vld [tilespmem:s8+$0x0]  }
0x685: {  	v10 =	vld [tilespmem:s8+$0x10]  }
0x686: {  	v11 =	vld [tilespmem:s8+$0x20]  }
0x687: {  	v12 =	vld [tilespmem:s8+$0x30]  }
0x688: {  	v13 =	vld [tilespmem:s8+$0x40]  }
0x689: {  	v14 =	vld [tilespmem:s8+$0x50]  }
0x68a: {  	v15 =	vld [tilespmem:s8+$0x60]  }
0x68b: {  	v16 =	vld [tilespmem:s8+$0xFFFFFF80]  }
0x68c: {  	v8 =	vld.idx.msk [tilespmem:v0+s3+$0x0], $0xffff  }
0x68d: {  	v17 =	vld.idx.msk [tilespmem:v1+s3+$0x0], $0xffff  }
0x68e: {  	v18 =	vld.idx.msk [tilespmem:v2+s3+$0x0], $0xffff  }
0x68f: {  	v19 =	vld.idx.msk [tilespmem:v3+s3+$0x0], $0xffff  }
0x690: {  	v20 =	vld.idx.msk [tilespmem:v4+s3+$0x0], $0xffff  }
0x691: {  	s24 =	simm.s32 $0x16080;
	v21 =	vld.idx.msk [tilespmem:v5+s3+$0x0], $0xffff  }
0x692: {  	v31 =	vld.idx.msk [tilespmem:v6+s3+$0x0], $0xffff;
	[tilespmem:s24+$0x70] =	vst v8  }
0x693: {  	v22 =	vld.idx.msk [tilespmem:v16+s3+$0x0], $0xffff;
	[tilespmem:s24+$0xFFFFFF90] =	vst v17  }
0x694: {  	v32 =	vld.idx.msk [tilespmem:v7+s3+$0x0], $0xffff;
	[tilespmem:s24+$0xFFFFFFA0] =	vst v18  }
0x695: {  	v33 =	vld.idx.msk [tilespmem:v9+s3+$0x0], $0xffff;
	[tilespmem:s24+$0xFFFFFFB0] =	vst v19  }
0x696: {  	v34 =	vld.idx.msk [tilespmem:v10+s3+$0x0], $0xffff;
	[tilespmem:s24+$0xFFFFFFC0] =	vst v20  }
0x697: {  	v35 =	vld.idx.msk [tilespmem:v11+s3+$0x0], $0xffff;
	[tilespmem:s24+$0xFFFFFFD0] =	vst v21  }
0x698: {  	[tilespmem:s24+$0xFFFFFFE0] =	vst v31;
	v8 =	vld.idx.msk [tilespmem:v0+s4+$0x0], $0xffff  }
0x699: {  	v36 =	vld.idx.msk [tilespmem:v12+s3+$0x0], $0xffff;
	[tilespmem:s24+$0xFFFFFF80] =	vst v22  }
0x69a: {  	v37 =	vld.idx.msk [tilespmem:v13+s3+$0x0], $0xffff;
	[tilespmem:s24+$0xFFFFFFF0] =	vst v32  }
0x69b: {  	v38 =	vld.idx.msk [tilespmem:v14+s3+$0x0], $0xffff;
	[tilespmem:s24+$0x0] =	vst v33  }
0x69c: {  	s28 =	simm.s32 $0x17080;
	v39 =	vld.idx.msk [tilespmem:v15+s3+$0x0], $0xffff;
	[tilespmem:s24+$0x10] =	vst v34  }
0x69d: {  	v40 =	vld.idx.msk [tilespmem:v16+s4+$0x0], $0xffff;
	[tilespmem:s28+$0x70] =	vst v8  }
0x69e: {  	[tilespmem:s24+$0x20] =	vst v35;
	v8 =	vld.idx.msk [tilespmem:v0+s5+$0x0], $0xffff  }
0x69f: {  	[tilespmem:s24+$0x30] =	vst v36;
	v41 =	vld.idx.msk [tilespmem:v2+s4+$0x0], $0xffff  }
0x6a0: {  	[tilespmem:s24+$0x40] =	vst v37;
	v42 =	vld.idx.msk [tilespmem:v3+s4+$0x0], $0xffff  }
0x6a1: {  	[tilespmem:s24+$0x50] =	vst v38;
	v43 =	vld.idx.msk [tilespmem:v4+s4+$0x0], $0xffff  }
0x6a2: {  	s30 =	simm.s32 $0x18080;
	[tilespmem:s24+$0x60] =	vst v39;
	v44 =	vld.idx.msk [tilespmem:v5+s4+$0x0], $0xffff  }
0x6a3: {  	v45 =	vld.idx.msk [tilespmem:v6+s4+$0x0], $0xffff;
	[tilespmem:s30+$0x70] =	vst v8  }
0x6a4: {  	[tilespmem:s28+$0xFFFFFF80] =	vst v40;
	v0 =	vld.idx.msk [tilespmem:v0+s6+$0x0], $0xffff  }
0x6a5: {  	v46 =	vld.idx.msk [tilespmem:v9+s4+$0x0], $0xffff;
	[tilespmem:s28+$0xFFFFFFA0] =	vst v41  }
0x6a6: {  	v47 =	vld.idx.msk [tilespmem:v10+s4+$0x0], $0xffff;
	[tilespmem:s28+$0xFFFFFFB0] =	vst v42  }
0x6a7: {  	v48 =	vld.idx.msk [tilespmem:v11+s4+$0x0], $0xffff;
	[tilespmem:s28+$0xFFFFFFC0] =	vst v43  }
0x6a8: {  	s17 =	simm.s32 $0x19080;
	v49 =	vld.idx.msk [tilespmem:v12+s4+$0x0], $0xffff;
	[tilespmem:s28+$0xFFFFFFD0] =	vst v44  }
0x6a9: {  	[tilespmem:s17+$0x70] =	vst v0;
	v0 =	vld.idx.msk [tilespmem:v1+s4+$0x0], $0xffff  }
0x6aa: {  	v50 =	vld.idx.msk [tilespmem:v13+s4+$0x0], $0xffff;
	[tilespmem:s28+$0xFFFFFFE0] =	vst v45  }
0x6ab: {  	v51 =	vld.idx.msk [tilespmem:v15+s4+$0x0], $0xffff;
	[tilespmem:s28+$0x0] =	vst v46  }
0x6ac: {  	[tilespmem:s28+$0x10] =	vst v47;
	v21 =	vld.idx.msk [tilespmem:v16+s5+$0x0], $0xffff  }
0x6ad: {  	[tilespmem:s28+$0x20] =	vst v48;
	v53 =	vld.idx.msk [tilespmem:v2+s5+$0x0], $0xffff  }
0x6ae: {  	[tilespmem:s28+$0xFFFFFF90] =	vst v0;
	v0 =	vld.idx.msk [tilespmem:v7+s4+$0x0], $0xffff  }
0x6af: {  	[tilespmem:s28+$0x30] =	vst v49;
	v54 =	vld.idx.msk [tilespmem:v3+s5+$0x0], $0xffff  }
0x6b0: {  	[tilespmem:s28+$0x40] =	vst v50;
	v55 =	vld.idx.msk [tilespmem:v4+s5+$0x0], $0xffff  }
0x6b1: {  	[tilespmem:s28+$0x60] =	vst v51;
	v56 =	vld.idx.msk [tilespmem:v6+s5+$0x0], $0xffff  }
0x6b2: {  	v58 =	vld.idx.msk [tilespmem:v9+s5+$0x0], $0xffff;
	[tilespmem:s30+$0xFFFFFF80] =	vst v21  }
0x6b3: {  	[tilespmem:s28+$0xFFFFFFF0] =	vst v0;
	v0 =	vld.idx.msk [tilespmem:v14+s4+$0x0], $0xffff  }
0x6b4: {  	v59 =	vld.idx.msk [tilespmem:v10+s5+$0x0], $0xffff;
	[tilespmem:s30+$0xFFFFFFA0] =	vst v53  }
0x6b5: {  	[tilespmem:s30+$0xFFFFFFB0] =	vst v54;
	v52 =	vld.idx.msk [tilespmem:v1+s5+$0x0], $0xffff  }
0x6b6: {  	v60 =	vld.idx.msk [tilespmem:v11+s5+$0x0], $0xffff;
	[tilespmem:s30+$0xFFFFFFC0] =	vst v55  }
0x6b7: {  	v61 =	vld.idx.msk [tilespmem:v13+s5+$0x0], $0xffff;
	[tilespmem:s30+$0xFFFFFFE0] =	vst v56  }
0x6b8: {  	[tilespmem:s28+$0x50] =	vst v0;
	v0 =	vld.idx.msk [tilespmem:v5+s5+$0x0], $0xffff  }
0x6b9: {  	v63 =	vld.idx.msk [tilespmem:v15+s5+$0x0], $0xffff;
	[tilespmem:s30+$0x0] =	vst v58  }
0x6ba: {  	[tilespmem:s30+$0xFFFFFF90] =	vst v52;
	v57 =	vld.idx.msk [tilespmem:v7+s5+$0x0], $0xffff  }
0x6bb: {  	[tilespmem:s30+$0x10] =	vst v59;
	v1 =	vld.idx.msk [tilespmem:v1+s6+$0x0], $0xffff  }
0x6bc: {  	[tilespmem:s30+$0x20] =	vst v60;
	v16 =	vld.idx.msk [tilespmem:v16+s6+$0x0], $0xffff  }
0x6bd: {  	[tilespmem:s30+$0xFFFFFFD0] =	vst v0;
	v0 =	vld.idx.msk [tilespmem:v12+s5+$0x0], $0xffff  }
0x6be: {  	[tilespmem:s30+$0x40] =	vst v61;
	v2 =	vld.idx.msk [tilespmem:v2+s6+$0x0], $0xffff  }
0x6bf: {  	[tilespmem:s30+$0xFFFFFFF0] =	vst v57;
	v62 =	vld.idx.msk [tilespmem:v14+s5+$0x0], $0xffff  }
0x6c0: {  	[tilespmem:s17+$0xFFFFFF90] =	vst v1;
	v1 =	vld.idx.msk [tilespmem:v7+s6+$0x0], $0xffff  }
0x6c1: {  	[tilespmem:s30+$0x60] =	vst v63;
	v6 =	vld.idx.msk [tilespmem:v6+s6+$0x0], $0xffff  }
0x6c2: {  	[tilespmem:s30+$0x30] =	vst v0;
	v0 =	vld.idx.msk [tilespmem:v3+s6+$0x0], $0xffff  }
0x6c3: {  	[tilespmem:s17+$0xFFFFFF80] =	vst v16;
	v3 =	vld.idx.msk [tilespmem:v4+s6+$0x0], $0xffff  }
0x6c4: {  	v7 =	vld.idx.msk [tilespmem:v9+s6+$0x0], $0xffff;
	[tilespmem:s30+$0x50] =	vst v62  }
0x6c5: {  	[tilespmem:s17+$0xFFFFFFF0] =	vst v1;
	v1 =	vld.idx.msk [tilespmem:v14+s6+$0x0], $0xffff  }
0x6c6: {  	[tilespmem:s17+$0xFFFFFFA0] =	vst v2;
	v4 =	vld.idx.msk [tilespmem:v5+s6+$0x0], $0xffff  }
0x6c7: {  	[tilespmem:s17+$0xFFFFFFE0] =	vst v6;
	v5 =	vld.idx.msk [tilespmem:v10+s6+$0x0], $0xffff  }
0x6c8: {  	[tilespmem:s17+$0xFFFFFFC0] =	vst v3;
	v3 =	vld.idx.msk [tilespmem:v11+s6+$0x0], $0xffff  }
0x6c9: {  	[tilespmem:s17+$0x0] =	vst v7;
	v2 =	vld.idx.msk [tilespmem:v12+s6+$0x0], $0xffff  }
0x6ca: {  	[tilespmem:s17+$0xFFFFFFB0] =	vst v0;
	v0 =	vld.idx.msk [tilespmem:v13+s6+$0x0], $0xffff  }
0x6cb: {  	s18 =	simm.s32 $0x0;
	s8 =	simm.s32 $0x1180;
	[tilespmem:s17+$0xFFFFFFD0] =	vst v4;
	v4 =	vld.idx.msk [tilespmem:v15+s6+$0x0], $0xffff  }
.LBB2_39:
0x6cc: {  	v15 =	vld [tilespmem:s8+$0x70];
	s18 =	sadd.s32 $0x10, s18;
	[tilespmem:s17+$0x10] =	vst v5  }
0x6cd: {  	v7 =	vld [tilespmem:s8+$0xFFFFFF90];
	p0 =	slt.u32 s18, $0xF0;
	[tilespmem:s17+$0x20] =	vst v3  }
0x6ce: {  	v10 =	vld [tilespmem:s8+$0xFFFFFFA0];
	[tilespmem:s17+$0x30] =	vst v2  }
0x6cf: {  	v11 =	vld [tilespmem:s8+$0xFFFFFFB0];
	[tilespmem:s17+$0x40] =	vst v0  }
0x6d0: {  	v12 =	vld [tilespmem:s8+$0xFFFFFFC0];
	[tilespmem:s17+$0x50] =	vst v1  }
0x6d1: {  	v13 =	vld [tilespmem:s8+$0xFFFFFFD0];
	[tilespmem:s17+$0x60] =	vst v4  }
0x6d2: {  	v8 =	vld [tilespmem:s8+$0xFFFFFFE0]  }
0x6d3: {  	v5 =	vld [tilespmem:s8+$0xFFFFFFF0]  }
0x6d4: {  	v4 =	vld.idx.msk [tilespmem:v15+s3+$0x0], $0xffff  }
0x6d5: {  	v9 =	vld [tilespmem:s8+$0x0]  }
0x6d6: {  	v6 =	vld [tilespmem:s8+$0x10]  }
0x6d7: {  	v3 =	vld [tilespmem:s8+$0x20]  }
0x6d8: {  	v2 =	vld [tilespmem:s8+$0x30]  }
0x6d9: {  	s24 =	sadd.s32 $0x100, s24;
	v0 =	vld [tilespmem:s8+$0x40]  }
0x6da: {  	v1 =	vld [tilespmem:s8+$0x50];
	[tilespmem:s24+$0x70] =	vst v4  }
0x6db: {  	v16 =	vld.idx.msk [tilespmem:v15+s4+$0x0], $0xffff  }
0x6dc: {  	v4 =	vld [tilespmem:s8+$0x60]  }
0x6dd: {  	v14 =	vld [tilespmem:s8+$0xFFFFFF80]  }
0x6de: {  	v17 =	vld.idx.msk [tilespmem:v7+s3+$0x0], $0xffff  }
0x6df: {  	v18 =	vld.idx.msk [tilespmem:v10+s3+$0x0], $0xffff  }
0x6e0: {  	s28 =	sadd.s32 $0x100, s28;
	v19 =	vld.idx.msk [tilespmem:v11+s3+$0x0], $0xffff  }
0x6e1: {  	v20 =	vld.idx.msk [tilespmem:v12+s3+$0x0], $0xffff;
	[tilespmem:s28+$0x70] =	vst v16  }
0x6e2: {  	v16 =	vld.idx.msk [tilespmem:v15+s5+$0x0], $0xffff  }
0x6e3: {  	v21 =	vld.idx.msk [tilespmem:v13+s3+$0x0], $0xffff  }
0x6e4: {  	[tilespmem:s24+$0xFFFFFF90] =	vst v17;
	v17 =	vld.idx.msk [tilespmem:v8+s3+$0x0], $0xffff  }
0x6e5: {  	v22 =	vld.idx.msk [tilespmem:v14+s3+$0x0], $0xffff;
	[tilespmem:s24+$0xFFFFFFA0] =	vst v18  }
0x6e6: {  	[tilespmem:s24+$0xFFFFFFB0] =	vst v19;
	v18 =	vld.idx.msk [tilespmem:v5+s3+$0x0], $0xffff  }
0x6e7: {  	s30 =	sadd.s32 $0x100, s30;
	[tilespmem:s24+$0xFFFFFFC0] =	vst v20;
	v19 =	vld.idx.msk [tilespmem:v9+s3+$0x0], $0xffff  }
0x6e8: {  	v20 =	vld.idx.msk [tilespmem:v6+s3+$0x0], $0xffff;
	[tilespmem:s30+$0x70] =	vst v16  }
0x6e9: {  	[tilespmem:s24+$0xFFFFFFD0] =	vst v21;
	v15 =	vld.idx.msk [tilespmem:v15+s6+$0x0], $0xffff  }
0x6ea: {  	[tilespmem:s24+$0xFFFFFFE0] =	vst v17;
	v16 =	vld.idx.msk [tilespmem:v3+s3+$0x0], $0xffff  }
0x6eb: {  	[tilespmem:s24+$0xFFFFFF80] =	vst v22;
	v17 =	vld.idx.msk [tilespmem:v2+s3+$0x0], $0xffff  }
0x6ec: {  	[tilespmem:s24+$0xFFFFFFF0] =	vst v18;
	v18 =	vld.idx.msk [tilespmem:v0+s3+$0x0], $0xffff  }
0x6ed: {  	[tilespmem:s24+$0x0] =	vst v19;
	v19 =	vld.idx.msk [tilespmem:v1+s3+$0x0], $0xffff  }
0x6ee: {  	s17 =	sadd.s32 $0x100, s17;
	[tilespmem:s24+$0x10] =	vst v20;
	v20 =	vld.idx.msk [tilespmem:v4+s3+$0x0], $0xffff  }
0x6ef: {  	v21 =	vld.idx.msk [tilespmem:v14+s4+$0x0], $0xffff;
	[tilespmem:s17+$0x70] =	vst v15  }
0x6f0: {  	v15 =	vld.idx.msk [tilespmem:v7+s4+$0x0], $0xffff;
	[tilespmem:s24+$0x20] =	vst v16  }
0x6f1: {  	v16 =	vld.idx.msk [tilespmem:v10+s4+$0x0], $0xffff;
	[tilespmem:s24+$0x30] =	vst v17  }
0x6f2: {  	v17 =	vld.idx.msk [tilespmem:v11+s4+$0x0], $0xffff;
	[tilespmem:s24+$0x40] =	vst v18  }
0x6f3: {  	v18 =	vld.idx.msk [tilespmem:v12+s4+$0x0], $0xffff;
	[tilespmem:s24+$0x50] =	vst v19  }
0x6f4: {  	v19 =	vld.idx.msk [tilespmem:v13+s4+$0x0], $0xffff;
	[tilespmem:s24+$0x60] =	vst v20  }
0x6f5: {  	[tilespmem:s28+$0xFFFFFF80] =	vst v21;
	v20 =	vld.idx.msk [tilespmem:v8+s4+$0x0], $0xffff  }
0x6f6: {  	[tilespmem:s28+$0xFFFFFF90] =	vst v15;
	v15 =	vld.idx.msk [tilespmem:v5+s4+$0x0], $0xffff  }
0x6f7: {  	[tilespmem:s28+$0xFFFFFFA0] =	vst v16;
	v16 =	vld.idx.msk [tilespmem:v9+s4+$0x0], $0xffff  }
0x6f8: {  	[tilespmem:s28+$0xFFFFFFB0] =	vst v17;
	v17 =	vld.idx.msk [tilespmem:v6+s4+$0x0], $0xffff  }
0x6f9: {  	[tilespmem:s28+$0xFFFFFFC0] =	vst v18;
	v18 =	vld.idx.msk [tilespmem:v3+s4+$0x0], $0xffff  }
0x6fa: {  	[tilespmem:s28+$0xFFFFFFD0] =	vst v19;
	v19 =	vld.idx.msk [tilespmem:v2+s4+$0x0], $0xffff  }
0x6fb: {  	[tilespmem:s28+$0xFFFFFFE0] =	vst v20;
	v20 =	vld.idx.msk [tilespmem:v0+s4+$0x0], $0xffff  }
0x6fc: {  	[tilespmem:s28+$0xFFFFFFF0] =	vst v15;
	v15 =	vld.idx.msk [tilespmem:v1+s4+$0x0], $0xffff  }
0x6fd: {  	[tilespmem:s28+$0x0] =	vst v16;
	v16 =	vld.idx.msk [tilespmem:v4+s4+$0x0], $0xffff  }
0x6fe: {  	v21 =	vld.idx.msk [tilespmem:v14+s5+$0x0], $0xffff;
	[tilespmem:s28+$0x10] =	vst v17  }
0x6ff: {  	v17 =	vld.idx.msk [tilespmem:v7+s5+$0x0], $0xffff;
	[tilespmem:s28+$0x20] =	vst v18  }
0x700: {  	v18 =	vld.idx.msk [tilespmem:v10+s5+$0x0], $0xffff;
	[tilespmem:s28+$0x30] =	vst v19  }
0x701: {  	v19 =	vld.idx.msk [tilespmem:v11+s5+$0x0], $0xffff;
	[tilespmem:s28+$0x40] =	vst v20  }
0x702: {  	v20 =	vld.idx.msk [tilespmem:v12+s5+$0x0], $0xffff;
	[tilespmem:s28+$0x50] =	vst v15  }
0x703: {  	v15 =	vld.idx.msk [tilespmem:v13+s5+$0x0], $0xffff;
	[tilespmem:s28+$0x60] =	vst v16  }
0x704: {  	[tilespmem:s30+$0xFFFFFF80] =	vst v21;
	v16 =	vld.idx.msk [tilespmem:v8+s5+$0x0], $0xffff  }
0x705: {  	[tilespmem:s30+$0xFFFFFF90] =	vst v17;
	v17 =	vld.idx.msk [tilespmem:v5+s5+$0x0], $0xffff  }
0x706: {  	[tilespmem:s30+$0xFFFFFFA0] =	vst v18;
	v18 =	vld.idx.msk [tilespmem:v9+s5+$0x0], $0xffff  }
0x707: {  	[tilespmem:s30+$0xFFFFFFB0] =	vst v19;
	v19 =	vld.idx.msk [tilespmem:v6+s5+$0x0], $0xffff  }
0x708: {  	[tilespmem:s30+$0xFFFFFFC0] =	vst v20;
	v20 =	vld.idx.msk [tilespmem:v3+s5+$0x0], $0xffff  }
0x709: {  	[tilespmem:s30+$0xFFFFFFD0] =	vst v15;
	v15 =	vld.idx.msk [tilespmem:v2+s5+$0x0], $0xffff  }
0x70a: {  	[tilespmem:s30+$0xFFFFFFE0] =	vst v16;
	v16 =	vld.idx.msk [tilespmem:v0+s5+$0x0], $0xffff  }
0x70b: {  	[tilespmem:s30+$0xFFFFFFF0] =	vst v17;
	v17 =	vld.idx.msk [tilespmem:v1+s5+$0x0], $0xffff  }
0x70c: {  	[tilespmem:s30+$0x0] =	vst v18;
	v18 =	vld.idx.msk [tilespmem:v4+s5+$0x0], $0xffff  }
0x70d: {  	v14 =	vld.idx.msk [tilespmem:v14+s6+$0x0], $0xffff;
	[tilespmem:s30+$0x10] =	vst v19  }
0x70e: {  	v7 =	vld.idx.msk [tilespmem:v7+s6+$0x0], $0xffff;
	[tilespmem:s30+$0x20] =	vst v20  }
0x70f: {  	v10 =	vld.idx.msk [tilespmem:v10+s6+$0x0], $0xffff;
	[tilespmem:s30+$0x30] =	vst v15  }
0x710: {  	v11 =	vld.idx.msk [tilespmem:v11+s6+$0x0], $0xffff;
	[tilespmem:s30+$0x40] =	vst v16  }
0x711: {  	v12 =	vld.idx.msk [tilespmem:v12+s6+$0x0], $0xffff;
	[tilespmem:s30+$0x50] =	vst v17  }
0x712: {  	v13 =	vld.idx.msk [tilespmem:v13+s6+$0x0], $0xffff;
	[tilespmem:s30+$0x60] =	vst v18  }
0x713: {  	[tilespmem:s17+$0xFFFFFF80] =	vst v14;
	v8 =	vld.idx.msk [tilespmem:v8+s6+$0x0], $0xffff  }
0x714: {  	[tilespmem:s17+$0xFFFFFF90] =	vst v7;
	v7 =	vld.idx.msk [tilespmem:v5+s6+$0x0], $0xffff  }
0x715: {  	[tilespmem:s17+$0xFFFFFFA0] =	vst v10;
	v9 =	vld.idx.msk [tilespmem:v9+s6+$0x0], $0xffff  }
0x716: {  	[tilespmem:s17+$0xFFFFFFB0] =	vst v11;
	v5 =	vld.idx.msk [tilespmem:v6+s6+$0x0], $0xffff  }
.Ltmp22:
0x717: {  	[tilespmem:s17+$0xFFFFFFC0] =	vst v12;
	v3 =	vld.idx.msk [tilespmem:v3+s6+$0x0], $0xffff;
	(pc) =	sbr.rel @p0 .LBB2_39-.Ltmp22, $4  }
0x718: {  	[tilespmem:s17+$0xFFFFFFD0] =	vst v13;
	v2 =	vld.idx.msk [tilespmem:v2+s6+$0x0], $0xffff  }
0x719: {  	[tilespmem:s17+$0xFFFFFFE0] =	vst v8;
	v0 =	vld.idx.msk [tilespmem:v0+s6+$0x0], $0xffff  }
0x71a: {  	[tilespmem:s17+$0xFFFFFFF0] =	vst v7;
	v1 =	vld.idx.msk [tilespmem:v1+s6+$0x0], $0xffff  }
0x71b: {  	s8 =	sadd.s32 $0x100, s8;
	[tilespmem:s17+$0x0] =	vst v9;
	v4 =	vld.idx.msk [tilespmem:v4+s6+$0x0], $0xffff  }
0x71c: {  	[tilespmem:s17+$0x10] =	vst v5  }
0x71d: {  	[tilespmem:s17+$0x20] =	vst v3  }
0x71e: {  	[tilespmem:s17+$0x30] =	vst v2  }
0x71f: {  	s8 =	sor.u32 s19, s20;
	[tilespmem:s17+$0x40] =	vst v0  }
0x720: {  	s8 =	sshrl.u32 s8, $0x3;
	[tilespmem:s17+$0x50] =	vst v1  }
0x721: {  	s24 =	sor.u32 s19, s21;
	s8 =	sadd.s32 s29, s8;
	[tilespmem:s17+$0x60] =	vst v4  }
0x722: {  	[hbm4b:s8+s1] =	stream.strided.scatter [tilespmem:s15], [sflag:$0x4], $0x1000, s2, s1, $0x38;
	[tilespmem:$0x1A000] =	vst v63  }
0x723: {  	s8 =	sshrl.u32 s24, $0x3  }
0x724: {  	s28 =	sor.u32 s19, s22;
	s7 =	sadd.s32 $0x1, s7;
	s8 =	sadd.s32 s29, s8  }
0x725: {  	[hbm4b:s8+s1] =	stream.strided.scatter [tilespmem:s16], [sflag:$0x4], $0x1000, s2, s1, $0x38;
	[tilespmem:$0x1A000] =	vst v63  }
0x726: {  	p0 =	sne.s32 s7, $0x10;
	s8 =	sshrl.u32 s28, $0x3  }
.Ltmp23:
0x727: {  	s30 =	sor.u32 s19, s23;
	s8 =	sadd.s32 s29, s8;
	(pc) =	sbr.rel @p0 .LBB2_32-.Ltmp23, $4  }
0x728: {  	[hbm4b:s8+s1] =	stream.strided.scatter [tilespmem:s0], [sflag:$0x4], $0x1000, s2, s1, $0x38;
	[tilespmem:$0x1A000] =	vst v63  }
0x729: {  	s8 =	sshrl.u32 s30, $0x3  }
0x72a: {  	s8 =	sadd.s32 s29, s8  }
0x72b: {  	[hbm4b:s8+s1] =	stream.strided.scatter [tilespmem:s25], [sflag:$0x4], $0x1000, s2, s1, $0x38;
	[tilespmem:$0x1A000] =	vst v63  }
0x72c: {  	s7 =	simm.s32 $0x3  }
0x72d: {  	_ =	swait.ge [sflag:s7], $0x1000  }
0x72e: {  	[sflag:s7] =	ssyncset.done $0x0  }
0x72f: {  	[sflag:s7] =	ssyncadd.s32 $0xFFFFF000  }
0x730: {  	_ =	swait.ge [sflag:s7], $0x1000  }
0x731: {  	[sflag:s7] =	ssyncset.done $0x0  }
0x732: {  	[sflag:s7] =	ssyncadd.s32 $0xFFFFF000  }
0x733: {  	_ =	swait.ge [sflag:s7], $0x1000  }
0x734: {  	[sflag:s7] =	ssyncset.done $0x0  }
0x735: {  	[sflag:s7] =	ssyncadd.s32 $0xFFFFF000  }
0x736: {  	_ =	swait.ge [sflag:s7], $0x1000  }
0x737: {  	[sflag:s7] =	ssyncset.done $0x0  }
0x738: {  	[sflag:s7] =	ssyncadd.s32 $0xFFFFF000  }
0x739: {  	_ =	swait.ge [sflag:s14], $0x1000  }
0x73a: {  	[sflag:s14] =	ssyncset.done $0x0  }
0x73b: {  	[sflag:s14] =	ssyncadd.s32 $0xFFFFF000  }
0x73c: {  	_ =	swait.ge [sflag:s14], $0x1000  }
0x73d: {  	[sflag:s14] =	ssyncset.done $0x0  }
0x73e: {  	[sflag:s14] =	ssyncadd.s32 $0xFFFFF000  }
0x73f: {  	_ =	swait.ge [sflag:s14], $0x1000  }
0x740: {  	[sflag:s14] =	ssyncset.done $0x0  }
0x741: {  	[sflag:s14] =	ssyncadd.s32 $0xFFFFF000  }
0x742: {  	_ =	swait.ge [sflag:s14], $0x1000  }
0x743: {  	s8 =	rddreg [dreg:$0x1f]  }
0x744: {  	s30 =	rddreg [dreg:$0x1e];
	s8 =	sadd.s32 $0x1, s8  }
0x745: {  	p0 =	sne.s32 s8, s30  }
.Ltmp24:
0x746: {  	_ = 	snop;
	(pc) =	sbr.rel @p0 .LBB2_1-.Ltmp24, $3  }
0x747: {  	_ =	sdelay $0x1  }
0x748: {  	[sflag:s14] =	ssyncset.done $0x0  }
0x749: {  	[sflag:s14] =	ssyncadd.s32 $0xFFFFF000  }
0x74a: {  	_ =	sfence.sel $0x180000  }
0x74b: {  	[bflag:$0x0] =	sbarrier.arrive $0xFFFF  }
0x74c: {  	_ =	strace $0x90000047  }
0x74d: {  	s0 =	stileid.u32;
	[bflag:$0x2] =	sbarrier.arrive $0xFFFF  }
0x74e: {  	p0 =	sne.s32 s0, $0x0;
	s0 =	rddreg [dreg:$0x3]  }
0x74f: {  	s0 =	sadd.s32 @!p0 $0x100000, s0  }
0x750: {  	[sflag:s0] =	ssyncadd.tile.s32 @!p0 $0x1;
	_ =	shalt  }
.Lfunc_end2:
_tile_overlayer_lowered:
.L_overlay_start_2:
0x751: {  	(tag) =	ssettag $0x2  }
0x752: {  	s0 =	rddreg [dreg:$0x0];
	s2 =	stileid.u32  }
0x753: {  	s1 =	rddreg [dreg:$0x1];
	p0 =	sne.s32 s2, $0x0  }
0x754: {  	s3 =	rddreg [dreg:$0x2];
	[bflag:$0x3] =	sbarrier.arrive $0xFFFF;
	s2 =	simm.s32 @!p0 $0x1C05  }
0x755: {  	[timem:s3], [sflag:s2] =	dma.local @!p0 [hbm:s0], s1  }
0x756: {  	s0 =	simm.s32 @!p0 $0x5  }
0x757: {  	_ =	swait.ge @!p0 [sflag:s0], s1  }
0x758: {  	s1 =	ssub.s32 @!p0 $0x0, s1;
	[sflag:s0] =	ssyncset.done @!p0 $0x0  }
0x759: {  	[sflag:s0] =	ssyncadd.s32 @!p0 s1  }
0x75a: {  	[bflag:$0x3] =	sbarrier.arrive $0xFFFF  }
0x75b: {  	_ =	shalt  }

</sc_bundles>
